<compile_context>
chip_gen: v7x
topology: tpu7x:2x2x1
jax: 0.10.2.dev20260603
libtpu: 0.0.44.dev20260713+nightly
codegen_flags: <defaults>
</compile_context>

<pallas_src>
import functools

import jax
import jax.numpy as jnp
from jax import lax
from jax.experimental import pallas as pl
from jax.experimental.pallas import tpu as pltpu
from jax.experimental.pallas import tpu_sc as plsc

NC = 2
NS = 16
NW = NC * NS

BATCH = 4096
MAX_LEN = 200
DIM = 64
B = BATCH * MAX_LEN
RPW = BATCH // NW
BPW = B // NW
S = 8
NCK = MAX_LEN // S
PADDING_ID = 1000001


def _body(ids_hbm, pads_hbm, table_hbm, out_hbm,
          idx_v, pads_v, padidx_v, padfill_v, rows_v,
          gsem, osem, psem):
    wid = lax.axis_index("s") * NC + lax.axis_index("c")
    base = wid * BPW
    pltpu.sync_copy(ids_hbm.at[pl.ds(wid * (RPW // 8), RPW // 8)], idx_v)
    pltpu.sync_copy(pads_hbm.at[pl.ds(wid * RPW, RPW)], pads_v)

    pid = jnp.full((16,), PADDING_ID, dtype=jnp.int32)
    for off in range(0, 48, 16):
        padidx_v[pl.ds(off, 16)] = pid
    pltpu.async_copy(
        table_hbm.at[padidx_v.at[pl.ds(0, S)]], padfill_v, psem).wait()

    lanes = lax.iota(jnp.int32, 16)

    def trip_count(r):
        pvec = pads_v[pl.ds(16 * (r // 16), 16)]
        tvec = (MAX_LEN + S - 1 - pvec) // S
        return jnp.max(jnp.where(lanes == (r % 16), tvec, 0))

    def drain_write(vo):
        pltpu.make_async_copy(
            rows_v.at[pl.ds(vo, S)],
            out_hbm.at[wid * RPW, 0, :, pl.ds(0, DIM)], osem).wait()

    def fire_row(r):
        t = trip_count(r)
        vo = (r % 2) * MAX_LEN
        rb = r // 8
        sl = r % 8

        def fire(k, carry):
            pltpu.async_copy(
                table_hbm.at[idx_v.at[rb, k * S // 128, sl,
                                      pl.ds((k * S) % 128, S)]],
                rows_v.at[pl.ds(vo + k * S, S)], gsem)
            return carry

        lax.fori_loop(0, t, fire, 0)

    def complete_row(r):
        t = trip_count(r)
        vo = (r % 2) * MAX_LEN
        rb = r // 8
        sl = r % 8
        bb = wid * RPW + r

        def wait_and_write(k, carry):
            pltpu.make_async_copy(
                table_hbm.at[idx_v.at[rb, k * S // 128, sl,
                                      pl.ds((k * S) % 128, S)]],
                rows_v.at[pl.ds(vo + k * S, S)], gsem).wait()
            pltpu.async_copy(
                rows_v.at[pl.ds(vo + k * S, S)],
                out_hbm.at[bb, k, :, pl.ds(0, DIM)], osem)
            return carry

        lax.fori_loop(0, t, wait_and_write, 0)

        def fill(k, carry):
            pltpu.async_copy(
                padfill_v, out_hbm.at[bb, k, :, pl.ds(0, DIM)], osem)
            return carry

        lax.fori_loop(t, NCK, fill, 0)

    fire_row(0)
    fire_row(1)
    complete_row(0)

    def row_loop(r, carry):
        for _ in range(NCK):
            drain_write((r % 2) * MAX_LEN)
        fire_row(r)
        complete_row(r - 1)
        return carry

    lax.fori_loop(2, RPW, row_loop, 0)

    complete_row(RPW - 1)
    for r in (RPW - 2, RPW - 1):
        for _ in range(NCK):
            drain_write((r % 2) * MAX_LEN)


@jax.jit
def _gather(ids_flat, pads, table):
    mesh = plsc.VectorSubcoreMesh(
        core_axis_name="c", subcore_axis_name="s",
        num_cores=NC, num_subcores=NS)
    run = functools.partial(
        pl.kernel, mesh=mesh,
        compiler_params=pltpu.CompilerParams(use_tc_tiling_on_sc=False, needs_layout_passes=False),
        out_type=jax.ShapeDtypeStruct((BATCH, NCK, S, 128), jnp.float32),
        scratch_types=(
            [pltpu.VMEM((RPW // 8, 2, 8, 128), jnp.int32),
             pltpu.VMEM((RPW,), jnp.int32),
             pltpu.VMEM((48,), jnp.int32),
             pltpu.VMEM((S, DIM), jnp.float32),
             pltpu.VMEM((2 * MAX_LEN, DIM), jnp.float32),
             pltpu.SemaphoreType.DMA,
             pltpu.SemaphoreType.DMA,
             pltpu.SemaphoreType.DMA]
        ))(_body)
    return run(ids_flat, pads, table)


def kernel(torch_ids, pads, table):
    ids_t = jnp.pad(torch_ids, ((0, 0), (0, 256 - MAX_LEN)))
    ids_t = ids_t.reshape(BATCH // 8, 8, 2, 128).transpose(0, 2, 1, 3)
    out = _gather(ids_t, pads, table)
    out = out.reshape(BATCH, MAX_LEN, 128)[:, :, :DIM]
    return out, pads

# --- scband reference (transcript-rebuilt; emitter-appended) ---
"""Pipeline reference for scband-embedding-model-5325759447636 (READ-ONLY COPY).

The authoritative reference and input builder live on the scoring server;
editing this copy changes nothing except your own understanding.
"""

import jax, jax.numpy as jnp
import numpy as np

VOCAB = 1000000
N_EMBS = VOCAB + 2  # + unk + padding rows, as in EmbeddingModel.__init__
DIM = 64
BATCH = 4096
MAX_LEN = 200
PADDING_ID = VOCAB + 1

def setup_inputs(seed: int = 0) -> dict:
    key = jax.random.key(seed)
    k_tab, k_ids, k_pads = jax.random.split(key, 3)
    # Embedding table: concat of pretrained vectors V, unk row, padding row.
    # Padding row drawn from N(-0.15, 0.15) since zero_padding=False.
    table = jax.random.normal(k_tab, (N_EMBS, DIM), dtype=jnp.float32) * 0.1
    pad_row = (-0.15 + 0.15 * jax.random.normal(jax.random.fold_in(k_tab, 1), (1, DIM), dtype=jnp.float32))
    table = table.at[PADDING_ID].set(pad_row[0])
    # Pre-padded token id matrix (the forward builds this from ragged lists;
    # here positions beyond the true length hold PADDING_ID).
    ids = jax.random.randint(k_ids, (BATCH, MAX_LEN), 0, VOCAB, dtype=jnp.int64 if jax.config.jax_enable_x64 else jnp.int32).astype(jnp.int32)
    pads = jax.random.randint(k_pads, (BATCH,), 0, MAX_LEN, dtype=jnp.int32)
    # Overwrite trailing `pads[i]` positions with PADDING_ID, matching forward's padding logic.
    pos = jnp.arange(MAX_LEN)[None, :]
    keep = pos < (MAX_LEN - pads)[:, None]
    ids = jnp.where(keep, ids, PADDING_ID)
    return {"torch_ids": ids, "pads": pads, "table": table}

def reference(torch_ids, pads, table):
    # self.embeddings(torch_ids) -> gather rows of the table
    embs = jnp.take(table, torch_ids, axis=0)
    return (embs, pads)

if __name__ == "__main__":
    import jax
    _d = setup_inputs()
    print(jax.jit(kernel)(*tuple(_d.values())))

</pallas_src>

<mosaic_0001>
#map = affine_map<(d0, d1) -> (0, 0, 0, 0)>
#map1 = affine_map<(d0, d1) -> (0)>
#map2 = affine_map<(d0, d1) -> (0, 0)>
module attributes {stable_mosaic.version = 14 : i64} {
  func.func @_body(%arg0: i32, %arg1: i32, %arg2: memref<512x2x8x128xi32, #tpu.memory_space<hbm>>, %arg3: memref<4096xi32, #tpu.memory_space<hbm>>, %arg4: memref<1000002x64xf32, #tpu.memory_space<hbm>>, %arg5: memref<4096x25x8x128xf32, #tpu.memory_space<hbm>>, %arg6: memref<16x2x8x128xi32, #tpu.memory_space<vmem>>, %arg7: memref<128xi32, #tpu.memory_space<vmem>>, %arg8: memref<48xi32, #tpu.memory_space<vmem>>, %arg9: memref<8x64xf32, #tpu.memory_space<vmem>>, %arg10: memref<400x64xf32, #tpu.memory_space<vmem>>, %arg11: memref<!tpu.dma_semaphore, #tpu.memory_space<semaphore_mem>>, %arg12: memref<!tpu.dma_semaphore, #tpu.memory_space<semaphore_mem>>, %arg13: memref<!tpu.dma_semaphore, #tpu.memory_space<semaphore_mem>>) attributes {dimension_semantics = [#tpu.dimension_semantics<core_parallel>, #tpu.dimension_semantics<subcore_parallel>], iteration_bounds = array<i64: 2, 16>, scalar_prefetch = 0 : i64, scratch_operands = 8 : i64, tpu.core_type = #tpu.core_type<sc_vector_subcore>, window_params = [{transform_indices = #map}, {transform_indices = #map1}, {transform_indices = #map2}, {transform_indices = #map}]} {
    %mul3A = arith.constant 2 : i32
    %mul3A_0 = arith.muli %arg1, %mul3A : i32
    %add3A = arith.addi %mul3A_0, %arg0 : i32
    %mul3A_1 = arith.constant 25600 : i32
    %mul3A_2 = arith.muli %add3A, %mul3A_1 : i32
    %mul3A_3 = arith.constant 16 : i32
    %mul3A_4 = arith.muli %add3A, %mul3A_3 : i32
    "tpu.region"() ({
      %run_scoped3A = tpu.sem_alloc : memref<!tpu.dma_semaphore, #tpu.memory_space<semaphore_mem>>
      %dma_start3A_1132 = arith.constant 0 : i32
      %dma_start3A_1133 = arith.constant 0 : i32
      %dma_start3A_1134 = arith.constant 0 : i32
      %dma_start3A_1135 = tpu.memref_slice %arg2[%mul3A_4, %dma_start3A_1132, %dma_start3A_1133, %dma_start3A_1134] : memref<512x2x8x128xi32, #tpu.memory_space<hbm>> -> memref<16x2x8x128xi32, #tpu.memory_space<hbm>>
      %dma_start3A_1136 = arith.constant 0 : i32
      %dma_start3A_1137 = arith.constant 0 : i32
      %dma_start3A_1138 = arith.constant 0 : i32
      %dma_start3A_1139 = tpu.memref_slice %arg2[%mul3A_4, %dma_start3A_1136, %dma_start3A_1137, %dma_start3A_1138] : memref<512x2x8x128xi32, #tpu.memory_space<hbm>> -> memref<16x2x8x128xi32, #tpu.memory_space<hbm>>
      tpu.enqueue_dma source(%dma_start3A_1139 : memref<16x2x8x128xi32, #tpu.memory_space<hbm>>) target(%arg6 : memref<16x2x8x128xi32, #tpu.memory_space<vmem>>) target_semaphore(%run_scoped3A : memref<!tpu.dma_semaphore, #tpu.memory_space<semaphore_mem>>)
      %dma_wait3A_1140 = arith.constant 0 : i32
      %dma_wait3A_1141 = arith.constant 0 : i32
      %dma_wait3A_1142 = arith.constant 0 : i32
      %dma_wait3A_1143 = tpu.memref_slice %arg2[%mul3A_4, %dma_wait3A_1140, %dma_wait3A_1141, %dma_wait3A_1142] : memref<512x2x8x128xi32, #tpu.memory_space<hbm>> -> memref<16x2x8x128xi32, #tpu.memory_space<hbm>>
      %dma_wait3A_1144 = arith.constant 0 : i32
      %dma_wait3A_1145 = arith.constant 0 : i32
      %dma_wait3A_1146 = arith.constant 0 : i32
      %dma_wait3A_1147 = tpu.memref_slice %arg2[%mul3A_4, %dma_wait3A_1144, %dma_wait3A_1145, %dma_wait3A_1146] : memref<512x2x8x128xi32, #tpu.memory_space<hbm>> -> memref<16x2x8x128xi32, #tpu.memory_space<hbm>>
      tpu.wait_dma2 semaphore(%run_scoped3A : memref<!tpu.dma_semaphore, #tpu.memory_space<semaphore_mem>>) src(%dma_wait3A_1147 : memref<16x2x8x128xi32, #tpu.memory_space<hbm>>) dst(%arg6 : memref<16x2x8x128xi32, #tpu.memory_space<vmem>>)
      tpu.yield
    }) : () -> ()
    %mul3A_5 = arith.constant 128 : i32
    %mul3A_6 = arith.muli %add3A, %mul3A_5 : i32
    "tpu.region"() ({
      %run_scoped3A = tpu.sem_alloc : memref<!tpu.dma_semaphore, #tpu.memory_space<semaphore_mem>>
      %dma_start3A_1132 = tpu.memref_slice %arg3[%mul3A_6] : memref<4096xi32, #tpu.memory_space<hbm>> -> memref<128xi32, #tpu.memory_space<hbm>>
      %dma_start3A_1133 = tpu.memref_slice %arg3[%mul3A_6] : memref<4096xi32, #tpu.memory_space<hbm>> -> memref<128xi32, #tpu.memory_space<hbm>>
      tpu.enqueue_dma source(%dma_start3A_1133 : memref<128xi32, #tpu.memory_space<hbm>>) target(%arg7 : memref<128xi32, #tpu.memory_space<vmem>>) target_semaphore(%run_scoped3A : memref<!tpu.dma_semaphore, #tpu.memory_space<semaphore_mem>>)
      %dma_wait3A_1134 = tpu.memref_slice %arg3[%mul3A_6] : memref<4096xi32, #tpu.memory_space<hbm>> -> memref<128xi32, #tpu.memory_space<hbm>>
      %dma_wait3A_1135 = tpu.memref_slice %arg3[%mul3A_6] : memref<4096xi32, #tpu.memory_space<hbm>> -> memref<128xi32, #tpu.memory_space<hbm>>
      tpu.wait_dma2 semaphore(%run_scoped3A : memref<!tpu.dma_semaphore, #tpu.memory_space<semaphore_mem>>) src(%dma_wait3A_1135 : memref<128xi32, #tpu.memory_space<hbm>>) dst(%arg7 : memref<128xi32, #tpu.memory_space<vmem>>)
      tpu.yield
    }) : () -> ()
    %broadcast_in_dim3A = arith.constant 1000001 : i32
    %broadcast_in_dim3A_7 = vector.broadcast %broadcast_in_dim3A : i32 to vector<16xi32>
    %swap3A = arith.constant 0 : index
    %swap3A_8 = tpu.vector_load %arg8[%swap3A] {strides = array<i32>} : memref<48xi32, #tpu.memory_space<vmem>>, vector<16xi32>,
    tpu.vector_store %arg8[%swap3A], %broadcast_in_dim3A_7 {strides = array<i32>} : memref<48xi32, #tpu.memory_space<vmem>>, vector<16xi32>,
    %swap3A_9 = arith.constant 16 : index
    %swap3A_10 = tpu.vector_load %arg8[%swap3A_9] {strides = array<i32>} : memref<48xi32, #tpu.memory_space<vmem>>, vector<16xi32>,
    tpu.vector_store %arg8[%swap3A_9], %broadcast_in_dim3A_7 {strides = array<i32>} : memref<48xi32, #tpu.memory_space<vmem>>, vector<16xi32>,
    %swap3A_11 = arith.constant 32 : index
    %swap3A_12 = tpu.vector_load %arg8[%swap3A_11] {strides = array<i32>} : memref<48xi32, #tpu.memory_space<vmem>>, vector<16xi32>,
    tpu.vector_store %arg8[%swap3A_11], %broadcast_in_dim3A_7 {strides = array<i32>} : memref<48xi32, #tpu.memory_space<vmem>>, vector<16xi32>,
    %dma_start3A = arith.constant 0 : i32
    %dma_start3A_13 = tpu.memref_slice %arg8[%dma_start3A] : memref<48xi32, #tpu.memory_space<vmem>> -> memref<8xi32, #tpu.memory_space<vmem>>
    %dma_start3A_14 = arith.constant 0 : i32
    %dma_start3A_15 = arith.constant 0 : i32
    %dma_start3A_16 = tpu.memref_slice %arg4[%dma_start3A_14, %dma_start3A_15] : memref<1000002x64xf32, #tpu.memory_space<hbm>> -> memref<1000002x64xf32, #tpu.memory_space<hbm>>
    tpu.enqueue_indirect_dma source(%dma_start3A_16 : memref<1000002x64xf32, #tpu.memory_space<hbm>>) target(%arg9 : memref<8x64xf32, #tpu.memory_space<vmem>>) offsets(%dma_start3A_13 : memref<8xi32, #tpu.memory_space<vmem>>) semaphore(%arg13 : memref<!tpu.dma_semaphore, #tpu.memory_space<semaphore_mem>>)
    %dma_wait3A = arith.constant 0 : i32
    %dma_wait3A_17 = tpu.memref_slice %arg8[%dma_wait3A] : memref<48xi32, #tpu.memory_space<vmem>> -> memref<8xi32, #tpu.memory_space<vmem>>
    %dma_wait3A_18 = arith.constant 0 : i32
    %dma_wait3A_19 = arith.constant 0 : i32
    %dma_wait3A_20 = tpu.memref_slice %arg4[%dma_wait3A_18, %dma_wait3A_19] : memref<1000002x64xf32, #tpu.memory_space<hbm>> -> memref<1000002x64xf32, #tpu.memory_space<hbm>>
    tpu.wait_indirect_dma semaphore(%arg13 : memref<!tpu.dma_semaphore, #tpu.memory_space<semaphore_mem>>) src(%dma_wait3A_20 : memref<1000002x64xf32, #tpu.memory_space<hbm>>) dst(%arg9 : memref<8x64xf32, #tpu.memory_space<vmem>>)
    %iota3A = tpu.iota {dimensions = array<i32: 0>} : vector<16xi32>
    %get3A = arith.constant 0 : index
    %get3A_21 = tpu.vector_load %arg7[%get3A] {strides = array<i32>} : memref<128xi32, #tpu.memory_space<vmem>>, vector<16xi32>,
    %sub3A = arith.constant 207 : i32
    %sub3A_22 = vector.broadcast %sub3A : i32 to vector<16xi32>
    %sub3A_23 = arith.subi %sub3A_22, %get3A_21 : vector<16xi32>
    %jit3A = arith.constant 8 : i32
    %div3A = vector.broadcast %jit3A : i32 to vector<16xi32>
    %div3A_24 = arith.divsi %sub3A_23, %div3A : vector<16xi32>
    %sign3A = arith.constant 0 : i32
    %sign3A_25 = vector.broadcast %sign3A : i32 to vector<16xi32>
    %sign3A_26 = arith.cmpi sgt, %sub3A_23, %sign3A_25 : vector<16xi32>
    %sign3A_27 = arith.extui %sign3A_26 : vector<16xi1> to vector<16xi32>
    %sign3A_28 = arith.constant 0 : i32
    %sign3A_29 = vector.broadcast %sign3A_28 : i32 to vector<16xi32>
    %sign3A_30 = arith.cmpi slt, %sub3A_23, %sign3A_29 : vector<16xi32>
    %sign3A_31 = arith.extui %sign3A_30 : vector<16xi1> to vector<16xi32>
    %sign3A_32 = arith.subi %sign3A_27, %sign3A_31 : vector<16xi32>
    %sign3A_33 = arith.constant 0 : i32
    %sign3A_34 = arith.cmpi sgt, %jit3A, %sign3A_33 : i32
    %sign3A_35 = arith.extui %sign3A_34 : i1 to i32
    %sign3A_36 = arith.constant 0 : i32
    %sign3A_37 = arith.cmpi slt, %jit3A, %sign3A_36 : i32
    %sign3A_38 = arith.extui %sign3A_37 : i1 to i32
    %sign3A_39 = arith.subi %sign3A_35, %sign3A_38 : i32
    %ne3A = vector.broadcast %sign3A_39 : i32 to vector<16xi32>
    %ne3A_40 = arith.cmpi ne, %sign3A_32, %ne3A : vector<16xi32>
    %rem3A = vector.broadcast %jit3A : i32 to vector<16xi32>
    %rem3A_41 = arith.remsi %sub3A_23, %rem3A : vector<16xi32>
    %ne3A_42 = arith.constant 0 : i32
    %ne3A_43 = vector.broadcast %ne3A_42 : i32 to vector<16xi32>
    %ne3A_44 = arith.cmpi ne, %rem3A_41, %ne3A_43 : vector<16xi32>
    %and3A = arith.andi %ne3A_40, %ne3A_44 : vector<16xi1>
    %sub3A_45 = arith.constant 1 : i32
    %sub3A_46 = vector.broadcast %sub3A_45 : i32 to vector<16xi32>
    %sub3A_47 = arith.subi %div3A_24, %sub3A_46 : vector<16xi32>
    %select_n3A = arith.select %and3A, %sub3A_47, %div3A_24 : vector<16xi1>, vector<16xi32>
    %eq3A = arith.constant 0 : i32
    %eq3A_48 = vector.broadcast %eq3A : i32 to vector<16xi32>
    %eq3A_49 = arith.cmpi eq, %iota3A, %eq3A_48 : vector<16xi32>
    %jit3A_50 = arith.constant 0 : i32
    %broadcast_in_dim3A_51 = vector.broadcast %jit3A_50 : i32 to vector<16xi32>
    %select_n3A_52 = arith.select %eq3A_49, %select_n3A, %broadcast_in_dim3A_51 : vector<16xi1>, vector<16xi32>
    %reduce_max3A = arith.constant true
    %reduce_max3A_53 = vector.broadcast %reduce_max3A : i1 to vector<16xi1>
    %reduce_max3A_54 = arith.constant -2147483648 : i32
    %reduce_max3A_55 = vector.broadcast %reduce_max3A_54 : i32 to vector<16xi32>
    %reduce_max3A_56 = arith.xori %select_n3A_52, %reduce_max3A_55 : vector<16xi32>
    %reduce_max3A_57 = tpu.scan <max>, %reduce_max3A_56 masked %reduce_max3A_53 : vector<16xi32>, vector<16xi1> -> vector<16xi32>
    %reduce_max3A_58 = arith.xori %reduce_max3A_57, %reduce_max3A_55 : vector<16xi32>
    %reduce_max3A_59 = vector.extract %reduce_max3A_58[15] : i32 from vector<16xi32>
    %while3A = arith.constant 0 : i32
    %while3A_60 = arith.constant 0 : i32
    %while3A_61 = arith.subi %reduce_max3A_59, %while3A_60 : i32
    %while3A_62 = arith.addi %while3A_60, %while3A_61 : i32
    %while3A_63 = arith.constant 1 : i32
    %while3A_64 = arith.divsi %while3A_61, %while3A_63 : i32
    %while3A_65 = arith.muli %while3A_64, %while3A_63 : i32
    %while3A_66 = arith.addi %while3A_60, %while3A_65 : i32
    %while3A_67 = arith.constant 1 : i32
    scf.for %while3A_1132 = %while3A_60 to %while3A_66 step %while3A_67  : i32 {
      %mul3A_1133 = arith.constant 8 : i32
      %mul3A_1134 = arith.muli %while3A_1132, %mul3A_1133 : i32
      %jit3A_1135 = arith.constant 128 : i32
      %div3A_1136 = arith.divsi %mul3A_1134, %jit3A_1135 : i32
      %sign3A_1137 = arith.constant 0 : i32
      %sign3A_1138 = arith.cmpi sgt, %mul3A_1134, %sign3A_1137 : i32
      %sign3A_1139 = arith.extui %sign3A_1138 : i1 to i32
      %sign3A_1140 = arith.constant 0 : i32
      %sign3A_1141 = arith.cmpi slt, %mul3A_1134, %sign3A_1140 : i32
      %sign3A_1142 = arith.extui %sign3A_1141 : i1 to i32
      %sign3A_1143 = arith.subi %sign3A_1139, %sign3A_1142 : i32
      %sign3A_1144 = arith.constant 0 : i32
      %sign3A_1145 = arith.cmpi sgt, %jit3A_1135, %sign3A_1144 : i32
      %sign3A_1146 = arith.extui %sign3A_1145 : i1 to i32
      %sign3A_1147 = arith.constant 0 : i32
      %sign3A_1148 = arith.cmpi slt, %jit3A_1135, %sign3A_1147 : i32
      %sign3A_1149 = arith.extui %sign3A_1148 : i1 to i32
      %sign3A_1150 = arith.subi %sign3A_1146, %sign3A_1149 : i32
      %ne3A_1151 = arith.cmpi ne, %sign3A_1143, %sign3A_1150 : i32
      %rem3A_1152 = arith.remsi %mul3A_1134, %jit3A_1135 : i32
      %ne3A_1153 = arith.constant 0 : i32
      %ne3A_1154 = arith.cmpi ne, %rem3A_1152, %ne3A_1153 : i32
      %and3A_1155 = arith.andi %ne3A_1151, %ne3A_1154 : i1
      %sub3A_1156 = arith.constant 1 : i32
      %sub3A_1157 = arith.subi %div3A_1136, %sub3A_1156 : i32
      %select_n3A_1158 = arith.select %and3A_1155, %sub3A_1157, %div3A_1136 : i32
      %mul3A_1159 = arith.constant 8 : i32
      %mul3A_1160 = arith.muli %while3A_1132, %mul3A_1159 : i32
      %jit3A_1161 = arith.constant 128 : i32
      %eq3A_1162 = arith.constant 0 : i32
      %eq3A_1163 = arith.cmpi eq, %jit3A_1161, %eq3A_1162 : i32
      %jit3A_1164 = arith.constant 1 : i32
      %select_n3A_1165 = arith.select %eq3A_1163, %jit3A_1164, %jit3A_1161 : i32
      %rem3A_1166 = arith.remsi %mul3A_1160, %select_n3A_1165 : i32
      %ne3A_1167 = arith.constant 0 : i32
      %ne3A_1168 = arith.cmpi ne, %rem3A_1166, %ne3A_1167 : i32
      %lt3A = arith.constant 0 : i32
      %lt3A_1169 = arith.cmpi slt, %rem3A_1166, %lt3A : i32
      %lt3A_1170 = arith.constant 0 : i32
      %lt3A_1171 = arith.cmpi slt, %select_n3A_1165, %lt3A_1170 : i32
      %ne3A_1172 = arith.xori %lt3A_1169, %lt3A_1171 : i1
      %and3A_1173 = arith.andi %ne3A_1172, %ne3A_1168 : i1
      %add3A_1174 = arith.addi %rem3A_1166, %select_n3A_1165 : i32
      %select_n3A_1175 = arith.select %and3A_1173, %add3A_1174, %rem3A_1166 : i32
      %mul3A_1176 = arith.constant 8 : i32
      %mul3A_1177 = arith.muli %while3A_1132, %mul3A_1176 : i32
      %add3A_1178 = arith.constant 0 : i32
      %add3A_1179 = arith.addi %add3A_1178, %mul3A_1177 : i32
      %dma_start3A_1180 = arith.constant 0 : i32
      %dma_start3A_1181 = arith.constant 0 : i32
      %dma_start3A_1182 = arith.constant 0 : i32
      %dma_start3A_1183 = tpu.memref_slice %arg10[%add3A_1179, %dma_start3A_1182] : memref<400x64xf32, #tpu.memory_space<vmem>> -> memref<8x64xf32, #tpu.memory_space<vmem>>
      %dma_start3A_1184 = tpu.memref_slice %arg6[%dma_start3A_1180, %select_n3A_1158, %dma_start3A_1181, %select_n3A_1175] : memref<16x2x8x128xi32, #tpu.memory_space<vmem>> -> memref<1x1x1x8xi32, #tpu.memory_space<vmem>>
      %dma_start3A_1185 = tpu.memref_squeeze %dma_start3A_1184 : memref<1x1x1x8xi32, #tpu.memory_space<vmem>> -> memref<8xi32, #tpu.memory_space<vmem>>
      %dma_start3A_1186 = arith.constant 0 : i32
      %dma_start3A_1187 = arith.constant 0 : i32
      %dma_start3A_1188 = tpu.memref_slice %arg4[%dma_start3A_1186, %dma_start3A_1187] : memref<1000002x64xf32, #tpu.memory_space<hbm>> -> memref<1000002x64xf32, #tpu.memory_space<hbm>>
      tpu.enqueue_indirect_dma source(%dma_start3A_1188 : memref<1000002x64xf32, #tpu.memory_space<hbm>>) target(%dma_start3A_1183 : memref<8x64xf32, #tpu.memory_space<vmem>>) offsets(%dma_start3A_1185 : memref<8xi32, #tpu.memory_space<vmem>>) semaphore(%arg11 : memref<!tpu.dma_semaphore, #tpu.memory_space<semaphore_mem>>)
    }
    %while3A_68 = arith.constant 1 : i32
    scf.for %while3A_1132 = %while3A_66 to %while3A_62 step %while3A_68  : i32 {
      %mul3A_1133 = arith.constant 8 : i32
      %mul3A_1134 = arith.muli %while3A_1132, %mul3A_1133 : i32
      %jit3A_1135 = arith.constant 128 : i32
      %div3A_1136 = arith.divsi %mul3A_1134, %jit3A_1135 : i32
      %sign3A_1137 = arith.constant 0 : i32
      %sign3A_1138 = arith.cmpi sgt, %mul3A_1134, %sign3A_1137 : i32
      %sign3A_1139 = arith.extui %sign3A_1138 : i1 to i32
      %sign3A_1140 = arith.constant 0 : i32
      %sign3A_1141 = arith.cmpi slt, %mul3A_1134, %sign3A_1140 : i32
      %sign3A_1142 = arith.extui %sign3A_1141 : i1 to i32
      %sign3A_1143 = arith.subi %sign3A_1139, %sign3A_1142 : i32
      %sign3A_1144 = arith.constant 0 : i32
      %sign3A_1145 = arith.cmpi sgt, %jit3A_1135, %sign3A_1144 : i32
      %sign3A_1146 = arith.extui %sign3A_1145 : i1 to i32
      %sign3A_1147 = arith.constant 0 : i32
      %sign3A_1148 = arith.cmpi slt, %jit3A_1135, %sign3A_1147 : i32
      %sign3A_1149 = arith.extui %sign3A_1148 : i1 to i32
      %sign3A_1150 = arith.subi %sign3A_1146, %sign3A_1149 : i32
      %ne3A_1151 = arith.cmpi ne, %sign3A_1143, %sign3A_1150 : i32
      %rem3A_1152 = arith.remsi %mul3A_1134, %jit3A_1135 : i32
      %ne3A_1153 = arith.constant 0 : i32
      %ne3A_1154 = arith.cmpi ne, %rem3A_1152, %ne3A_1153 : i32
      %and3A_1155 = arith.andi %ne3A_1151, %ne3A_1154 : i1
      %sub3A_1156 = arith.constant 1 : i32
      %sub3A_1157 = arith.subi %div3A_1136, %sub3A_1156 : i32
      %select_n3A_1158 = arith.select %and3A_1155, %sub3A_1157, %div3A_1136 : i32
      %mul3A_1159 = arith.constant 8 : i32
      %mul3A_1160 = arith.muli %while3A_1132, %mul3A_1159 : i32
      %jit3A_1161 = arith.constant 128 : i32
      %eq3A_1162 = arith.constant 0 : i32
      %eq3A_1163 = arith.cmpi eq, %jit3A_1161, %eq3A_1162 : i32
      %jit3A_1164 = arith.constant 1 : i32
      %select_n3A_1165 = arith.select %eq3A_1163, %jit3A_1164, %jit3A_1161 : i32
      %rem3A_1166 = arith.remsi %mul3A_1160, %select_n3A_1165 : i32
      %ne3A_1167 = arith.constant 0 : i32
      %ne3A_1168 = arith.cmpi ne, %rem3A_1166, %ne3A_1167 : i32
      %lt3A = arith.constant 0 : i32
      %lt3A_1169 = arith.cmpi slt, %rem3A_1166, %lt3A : i32
      %lt3A_1170 = arith.constant 0 : i32
      %lt3A_1171 = arith.cmpi slt, %select_n3A_1165, %lt3A_1170 : i32
      %ne3A_1172 = arith.xori %lt3A_1169, %lt3A_1171 : i1
      %and3A_1173 = arith.andi %ne3A_1172, %ne3A_1168 : i1
      %add3A_1174 = arith.addi %rem3A_1166, %select_n3A_1165 : i32
      %select_n3A_1175 = arith.select %and3A_1173, %add3A_1174, %rem3A_1166 : i32
      %mul3A_1176 = arith.constant 8 : i32
      %mul3A_1177 = arith.muli %while3A_1132, %mul3A_1176 : i32
      %add3A_1178 = arith.constant 0 : i32
      %add3A_1179 = arith.addi %add3A_1178, %mul3A_1177 : i32
      %dma_start3A_1180 = arith.constant 0 : i32
      %dma_start3A_1181 = arith.constant 0 : i32
      %dma_start3A_1182 = arith.constant 0 : i32
      %dma_start3A_1183 = tpu.memref_slice %arg10[%add3A_1179, %dma_start3A_1182] : memref<400x64xf32, #tpu.memory_space<vmem>> -> memref<8x64xf32, #tpu.memory_space<vmem>>
      %dma_start3A_1184 = tpu.memref_slice %arg6[%dma_start3A_1180, %select_n3A_1158, %dma_start3A_1181, %select_n3A_1175] : memref<16x2x8x128xi32, #tpu.memory_space<vmem>> -> memref<1x1x1x8xi32, #tpu.memory_space<vmem>>
      %dma_start3A_1185 = tpu.memref_squeeze %dma_start3A_1184 : memref<1x1x1x8xi32, #tpu.memory_space<vmem>> -> memref<8xi32, #tpu.memory_space<vmem>>
      %dma_start3A_1186 = arith.constant 0 : i32
      %dma_start3A_1187 = arith.constant 0 : i32
      %dma_start3A_1188 = tpu.memref_slice %arg4[%dma_start3A_1186, %dma_start3A_1187] : memref<1000002x64xf32, #tpu.memory_space<hbm>> -> memref<1000002x64xf32, #tpu.memory_space<hbm>>
      tpu.enqueue_indirect_dma source(%dma_start3A_1188 : memref<1000002x64xf32, #tpu.memory_space<hbm>>) target(%dma_start3A_1183 : memref<8x64xf32, #tpu.memory_space<vmem>>) offsets(%dma_start3A_1185 : memref<8xi32, #tpu.memory_space<vmem>>) semaphore(%arg11 : memref<!tpu.dma_semaphore, #tpu.memory_space<semaphore_mem>>)
    }
    %get3A_69 = arith.constant 0 : index
    %get3A_70 = tpu.vector_load %arg7[%get3A_69] {strides = array<i32>} : memref<128xi32, #tpu.memory_space<vmem>>, vector<16xi32>,
    %sub3A_71 = arith.constant 207 : i32
    %sub3A_72 = vector.broadcast %sub3A_71 : i32 to vector<16xi32>
    %sub3A_73 = arith.subi %sub3A_72, %get3A_70 : vector<16xi32>
    %jit3A_74 = arith.constant 8 : i32
    %div3A_75 = vector.broadcast %jit3A_74 : i32 to vector<16xi32>
    %div3A_76 = arith.divsi %sub3A_73, %div3A_75 : vector<16xi32>
    %sign3A_77 = arith.constant 0 : i32
    %sign3A_78 = vector.broadcast %sign3A_77 : i32 to vector<16xi32>
    %sign3A_79 = arith.cmpi sgt, %sub3A_73, %sign3A_78 : vector<16xi32>
    %sign3A_80 = arith.extui %sign3A_79 : vector<16xi1> to vector<16xi32>
    %sign3A_81 = arith.constant 0 : i32
    %sign3A_82 = vector.broadcast %sign3A_81 : i32 to vector<16xi32>
    %sign3A_83 = arith.cmpi slt, %sub3A_73, %sign3A_82 : vector<16xi32>
    %sign3A_84 = arith.extui %sign3A_83 : vector<16xi1> to vector<16xi32>
    %sign3A_85 = arith.subi %sign3A_80, %sign3A_84 : vector<16xi32>
    %sign3A_86 = arith.constant 0 : i32
    %sign3A_87 = arith.cmpi sgt, %jit3A_74, %sign3A_86 : i32
    %sign3A_88 = arith.extui %sign3A_87 : i1 to i32
    %sign3A_89 = arith.constant 0 : i32
    %sign3A_90 = arith.cmpi slt, %jit3A_74, %sign3A_89 : i32
    %sign3A_91 = arith.extui %sign3A_90 : i1 to i32
    %sign3A_92 = arith.subi %sign3A_88, %sign3A_91 : i32
    %ne3A_93 = vector.broadcast %sign3A_92 : i32 to vector<16xi32>
    %ne3A_94 = arith.cmpi ne, %sign3A_85, %ne3A_93 : vector<16xi32>
    %rem3A_95 = vector.broadcast %jit3A_74 : i32 to vector<16xi32>
    %rem3A_96 = arith.remsi %sub3A_73, %rem3A_95 : vector<16xi32>
    %ne3A_97 = arith.constant 0 : i32
    %ne3A_98 = vector.broadcast %ne3A_97 : i32 to vector<16xi32>
    %ne3A_99 = arith.cmpi ne, %rem3A_96, %ne3A_98 : vector<16xi32>
    %and3A_100 = arith.andi %ne3A_94, %ne3A_99 : vector<16xi1>
    %sub3A_101 = arith.constant 1 : i32
    %sub3A_102 = vector.broadcast %sub3A_101 : i32 to vector<16xi32>
    %sub3A_103 = arith.subi %div3A_76, %sub3A_102 : vector<16xi32>
    %select_n3A_104 = arith.select %and3A_100, %sub3A_103, %div3A_76 : vector<16xi1>, vector<16xi32>
    %eq3A_105 = arith.constant 1 : i32
    %eq3A_106 = vector.broadcast %eq3A_105 : i32 to vector<16xi32>
    %eq3A_107 = arith.cmpi eq, %iota3A, %eq3A_106 : vector<16xi32>
    %jit3A_108 = arith.constant 0 : i32
    %broadcast_in_dim3A_109 = vector.broadcast %jit3A_108 : i32 to vector<16xi32>
    %select_n3A_110 = arith.select %eq3A_107, %select_n3A_104, %broadcast_in_dim3A_109 : vector<16xi1>, vector<16xi32>
    %reduce_max3A_111 = arith.constant true
    %reduce_max3A_112 = vector.broadcast %reduce_max3A_111 : i1 to vector<16xi1>
    %reduce_max3A_113 = arith.constant -2147483648 : i32
    %reduce_max3A_114 = vector.broadcast %reduce_max3A_113 : i32 to vector<16xi32>
    %reduce_max3A_115 = arith.xori %select_n3A_110, %reduce_max3A_114 : vector<16xi32>
    %reduce_max3A_116 = tpu.scan <max>, %reduce_max3A_115 masked %reduce_max3A_112 : vector<16xi32>, vector<16xi1> -> vector<16xi32>
    %reduce_max3A_117 = arith.xori %reduce_max3A_116, %reduce_max3A_114 : vector<16xi32>
    %reduce_max3A_118 = vector.extract %reduce_max3A_117[15] : i32 from vector<16xi32>
    %while3A_119 = arith.constant 0 : i32
    %while3A_120 = arith.constant 0 : i32
    %while3A_121 = arith.subi %reduce_max3A_118, %while3A_120 : i32
    %while3A_122 = arith.addi %while3A_120, %while3A_121 : i32
    %while3A_123 = arith.constant 1 : i32
    %while3A_124 = arith.divsi %while3A_121, %while3A_123 : i32
    %while3A_125 = arith.muli %while3A_124, %while3A_123 : i32
    %while3A_126 = arith.addi %while3A_120, %while3A_125 : i32
    %while3A_127 = arith.constant 1 : i32
    scf.for %while3A_1132 = %while3A_120 to %while3A_126 step %while3A_127  : i32 {
      %mul3A_1133 = arith.constant 8 : i32
      %mul3A_1134 = arith.muli %while3A_1132, %mul3A_1133 : i32
      %jit3A_1135 = arith.constant 128 : i32
      %div3A_1136 = arith.divsi %mul3A_1134, %jit3A_1135 : i32
      %sign3A_1137 = arith.constant 0 : i32
      %sign3A_1138 = arith.cmpi sgt, %mul3A_1134, %sign3A_1137 : i32
      %sign3A_1139 = arith.extui %sign3A_1138 : i1 to i32
      %sign3A_1140 = arith.constant 0 : i32
      %sign3A_1141 = arith.cmpi slt, %mul3A_1134, %sign3A_1140 : i32
      %sign3A_1142 = arith.extui %sign3A_1141 : i1 to i32
      %sign3A_1143 = arith.subi %sign3A_1139, %sign3A_1142 : i32
      %sign3A_1144 = arith.constant 0 : i32
      %sign3A_1145 = arith.cmpi sgt, %jit3A_1135, %sign3A_1144 : i32
      %sign3A_1146 = arith.extui %sign3A_1145 : i1 to i32
      %sign3A_1147 = arith.constant 0 : i32
      %sign3A_1148 = arith.cmpi slt, %jit3A_1135, %sign3A_1147 : i32
      %sign3A_1149 = arith.extui %sign3A_1148 : i1 to i32
      %sign3A_1150 = arith.subi %sign3A_1146, %sign3A_1149 : i32
      %ne3A_1151 = arith.cmpi ne, %sign3A_1143, %sign3A_1150 : i32
      %rem3A_1152 = arith.remsi %mul3A_1134, %jit3A_1135 : i32
      %ne3A_1153 = arith.constant 0 : i32
      %ne3A_1154 = arith.cmpi ne, %rem3A_1152, %ne3A_1153 : i32
      %and3A_1155 = arith.andi %ne3A_1151, %ne3A_1154 : i1
      %sub3A_1156 = arith.constant 1 : i32
      %sub3A_1157 = arith.subi %div3A_1136, %sub3A_1156 : i32
      %select_n3A_1158 = arith.select %and3A_1155, %sub3A_1157, %div3A_1136 : i32
      %mul3A_1159 = arith.constant 8 : i32
      %mul3A_1160 = arith.muli %while3A_1132, %mul3A_1159 : i32
      %jit3A_1161 = arith.constant 128 : i32
      %eq3A_1162 = arith.constant 0 : i32
      %eq3A_1163 = arith.cmpi eq, %jit3A_1161, %eq3A_1162 : i32
      %jit3A_1164 = arith.constant 1 : i32
      %select_n3A_1165 = arith.select %eq3A_1163, %jit3A_1164, %jit3A_1161 : i32
      %rem3A_1166 = arith.remsi %mul3A_1160, %select_n3A_1165 : i32
      %ne3A_1167 = arith.constant 0 : i32
      %ne3A_1168 = arith.cmpi ne, %rem3A_1166, %ne3A_1167 : i32
      %lt3A = arith.constant 0 : i32
      %lt3A_1169 = arith.cmpi slt, %rem3A_1166, %lt3A : i32
      %lt3A_1170 = arith.constant 0 : i32
      %lt3A_1171 = arith.cmpi slt, %select_n3A_1165, %lt3A_1170 : i32
      %ne3A_1172 = arith.xori %lt3A_1169, %lt3A_1171 : i1
      %and3A_1173 = arith.andi %ne3A_1172, %ne3A_1168 : i1
      %add3A_1174 = arith.addi %rem3A_1166, %select_n3A_1165 : i32
      %select_n3A_1175 = arith.select %and3A_1173, %add3A_1174, %rem3A_1166 : i32
      %mul3A_1176 = arith.constant 8 : i32
      %mul3A_1177 = arith.muli %while3A_1132, %mul3A_1176 : i32
      %add3A_1178 = arith.constant 200 : i32
      %add3A_1179 = arith.addi %add3A_1178, %mul3A_1177 : i32
      %dma_start3A_1180 = arith.constant 0 : i32
      %dma_start3A_1181 = arith.constant 1 : i32
      %dma_start3A_1182 = arith.constant 0 : i32
      %dma_start3A_1183 = tpu.memref_slice %arg10[%add3A_1179, %dma_start3A_1182] : memref<400x64xf32, #tpu.memory_space<vmem>> -> memref<8x64xf32, #tpu.memory_space<vmem>>
      %dma_start3A_1184 = tpu.memref_slice %arg6[%dma_start3A_1180, %select_n3A_1158, %dma_start3A_1181, %select_n3A_1175] : memref<16x2x8x128xi32, #tpu.memory_space<vmem>> -> memref<1x1x1x8xi32, #tpu.memory_space<vmem>>
      %dma_start3A_1185 = tpu.memref_squeeze %dma_start3A_1184 : memref<1x1x1x8xi32, #tpu.memory_space<vmem>> -> memref<8xi32, #tpu.memory_space<vmem>>
      %dma_start3A_1186 = arith.constant 0 : i32
      %dma_start3A_1187 = arith.constant 0 : i32
      %dma_start3A_1188 = tpu.memref_slice %arg4[%dma_start3A_1186, %dma_start3A_1187] : memref<1000002x64xf32, #tpu.memory_space<hbm>> -> memref<1000002x64xf32, #tpu.memory_space<hbm>>
      tpu.enqueue_indirect_dma source(%dma_start3A_1188 : memref<1000002x64xf32, #tpu.memory_space<hbm>>) target(%dma_start3A_1183 : memref<8x64xf32, #tpu.memory_space<vmem>>) offsets(%dma_start3A_1185 : memref<8xi32, #tpu.memory_space<vmem>>) semaphore(%arg11 : memref<!tpu.dma_semaphore, #tpu.memory_space<semaphore_mem>>)
    }
    %while3A_128 = arith.constant 1 : i32
    scf.for %while3A_1132 = %while3A_126 to %while3A_122 step %while3A_128  : i32 {
      %mul3A_1133 = arith.constant 8 : i32
      %mul3A_1134 = arith.muli %while3A_1132, %mul3A_1133 : i32
      %jit3A_1135 = arith.constant 128 : i32
      %div3A_1136 = arith.divsi %mul3A_1134, %jit3A_1135 : i32
      %sign3A_1137 = arith.constant 0 : i32
      %sign3A_1138 = arith.cmpi sgt, %mul3A_1134, %sign3A_1137 : i32
      %sign3A_1139 = arith.extui %sign3A_1138 : i1 to i32
      %sign3A_1140 = arith.constant 0 : i32
      %sign3A_1141 = arith.cmpi slt, %mul3A_1134, %sign3A_1140 : i32
      %sign3A_1142 = arith.extui %sign3A_1141 : i1 to i32
      %sign3A_1143 = arith.subi %sign3A_1139, %sign3A_1142 : i32
      %sign3A_1144 = arith.constant 0 : i32
      %sign3A_1145 = arith.cmpi sgt, %jit3A_1135, %sign3A_1144 : i32
      %sign3A_1146 = arith.extui %sign3A_1145 : i1 to i32
      %sign3A_1147 = arith.constant 0 : i32
      %sign3A_1148 = arith.cmpi slt, %jit3A_1135, %sign3A_1147 : i32
      %sign3A_1149 = arith.extui %sign3A_1148 : i1 to i32
      %sign3A_1150 = arith.subi %sign3A_1146, %sign3A_1149 : i32
      %ne3A_1151 = arith.cmpi ne, %sign3A_1143, %sign3A_1150 : i32
      %rem3A_1152 = arith.remsi %mul3A_1134, %jit3A_1135 : i32
      %ne3A_1153 = arith.constant 0 : i32
      %ne3A_1154 = arith.cmpi ne, %rem3A_1152, %ne3A_1153 : i32
      %and3A_1155 = arith.andi %ne3A_1151, %ne3A_1154 : i1
      %sub3A_1156 = arith.constant 1 : i32
      %sub3A_1157 = arith.subi %div3A_1136, %sub3A_1156 : i32
      %select_n3A_1158 = arith.select %and3A_1155, %sub3A_1157, %div3A_1136 : i32
      %mul3A_1159 = arith.constant 8 : i32
      %mul3A_1160 = arith.muli %while3A_1132, %mul3A_1159 : i32
      %jit3A_1161 = arith.constant 128 : i32
      %eq3A_1162 = arith.constant 0 : i32
      %eq3A_1163 = arith.cmpi eq, %jit3A_1161, %eq3A_1162 : i32
      %jit3A_1164 = arith.constant 1 : i32
      %select_n3A_1165 = arith.select %eq3A_1163, %jit3A_1164, %jit3A_1161 : i32
      %rem3A_1166 = arith.remsi %mul3A_1160, %select_n3A_1165 : i32
      %ne3A_1167 = arith.constant 0 : i32
      %ne3A_1168 = arith.cmpi ne, %rem3A_1166, %ne3A_1167 : i32
      %lt3A = arith.constant 0 : i32
      %lt3A_1169 = arith.cmpi slt, %rem3A_1166, %lt3A : i32
      %lt3A_1170 = arith.constant 0 : i32
      %lt3A_1171 = arith.cmpi slt, %select_n3A_1165, %lt3A_1170 : i32
      %ne3A_1172 = arith.xori %lt3A_1169, %lt3A_1171 : i1
      %and3A_1173 = arith.andi %ne3A_1172, %ne3A_1168 : i1
      %add3A_1174 = arith.addi %rem3A_1166, %select_n3A_1165 : i32
      %select_n3A_1175 = arith.select %and3A_1173, %add3A_1174, %rem3A_1166 : i32
      %mul3A_1176 = arith.constant 8 : i32
      %mul3A_1177 = arith.muli %while3A_1132, %mul3A_1176 : i32
      %add3A_1178 = arith.constant 200 : i32
      %add3A_1179 = arith.addi %add3A_1178, %mul3A_1177 : i32
      %dma_start3A_1180 = arith.constant 0 : i32
      %dma_start3A_1181 = arith.constant 1 : i32
      %dma_start3A_1182 = arith.constant 0 : i32
      %dma_start3A_1183 = tpu.memref_slice %arg10[%add3A_1179, %dma_start3A_1182] : memref<400x64xf32, #tpu.memory_space<vmem>> -> memref<8x64xf32, #tpu.memory_space<vmem>>
      %dma_start3A_1184 = tpu.memref_slice %arg6[%dma_start3A_1180, %select_n3A_1158, %dma_start3A_1181, %select_n3A_1175] : memref<16x2x8x128xi32, #tpu.memory_space<vmem>> -> memref<1x1x1x8xi32, #tpu.memory_space<vmem>>
      %dma_start3A_1185 = tpu.memref_squeeze %dma_start3A_1184 : memref<1x1x1x8xi32, #tpu.memory_space<vmem>> -> memref<8xi32, #tpu.memory_space<vmem>>
      %dma_start3A_1186 = arith.constant 0 : i32
      %dma_start3A_1187 = arith.constant 0 : i32
      %dma_start3A_1188 = tpu.memref_slice %arg4[%dma_start3A_1186, %dma_start3A_1187] : memref<1000002x64xf32, #tpu.memory_space<hbm>> -> memref<1000002x64xf32, #tpu.memory_space<hbm>>
      tpu.enqueue_indirect_dma source(%dma_start3A_1188 : memref<1000002x64xf32, #tpu.memory_space<hbm>>) target(%dma_start3A_1183 : memref<8x64xf32, #tpu.memory_space<vmem>>) offsets(%dma_start3A_1185 : memref<8xi32, #tpu.memory_space<vmem>>) semaphore(%arg11 : memref<!tpu.dma_semaphore, #tpu.memory_space<semaphore_mem>>)
    }
    %get3A_129 = arith.constant 0 : index
    %get3A_130 = tpu.vector_load %arg7[%get3A_129] {strides = array<i32>} : memref<128xi32, #tpu.memory_space<vmem>>, vector<16xi32>,
    %sub3A_131 = arith.constant 207 : i32
    %sub3A_132 = vector.broadcast %sub3A_131 : i32 to vector<16xi32>
    %sub3A_133 = arith.subi %sub3A_132, %get3A_130 : vector<16xi32>
    %jit3A_134 = arith.constant 8 : i32
    %div3A_135 = vector.broadcast %jit3A_134 : i32 to vector<16xi32>
    %div3A_136 = arith.divsi %sub3A_133, %div3A_135 : vector<16xi32>
    %sign3A_137 = arith.constant 0 : i32
    %sign3A_138 = vector.broadcast %sign3A_137 : i32 to vector<16xi32>
    %sign3A_139 = arith.cmpi sgt, %sub3A_133, %sign3A_138 : vector<16xi32>
    %sign3A_140 = arith.extui %sign3A_139 : vector<16xi1> to vector<16xi32>
    %sign3A_141 = arith.constant 0 : i32
    %sign3A_142 = vector.broadcast %sign3A_141 : i32 to vector<16xi32>
    %sign3A_143 = arith.cmpi slt, %sub3A_133, %sign3A_142 : vector<16xi32>
    %sign3A_144 = arith.extui %sign3A_143 : vector<16xi1> to vector<16xi32>
    %sign3A_145 = arith.subi %sign3A_140, %sign3A_144 : vector<16xi32>
    %sign3A_146 = arith.constant 0 : i32
    %sign3A_147 = arith.cmpi sgt, %jit3A_134, %sign3A_146 : i32
    %sign3A_148 = arith.extui %sign3A_147 : i1 to i32
    %sign3A_149 = arith.constant 0 : i32
    %sign3A_150 = arith.cmpi slt, %jit3A_134, %sign3A_149 : i32
    %sign3A_151 = arith.extui %sign3A_150 : i1 to i32
    %sign3A_152 = arith.subi %sign3A_148, %sign3A_151 : i32
    %ne3A_153 = vector.broadcast %sign3A_152 : i32 to vector<16xi32>
    %ne3A_154 = arith.cmpi ne, %sign3A_145, %ne3A_153 : vector<16xi32>
    %rem3A_155 = vector.broadcast %jit3A_134 : i32 to vector<16xi32>
    %rem3A_156 = arith.remsi %sub3A_133, %rem3A_155 : vector<16xi32>
    %ne3A_157 = arith.constant 0 : i32
    %ne3A_158 = vector.broadcast %ne3A_157 : i32 to vector<16xi32>
    %ne3A_159 = arith.cmpi ne, %rem3A_156, %ne3A_158 : vector<16xi32>
    %and3A_160 = arith.andi %ne3A_154, %ne3A_159 : vector<16xi1>
    %sub3A_161 = arith.constant 1 : i32
    %sub3A_162 = vector.broadcast %sub3A_161 : i32 to vector<16xi32>
    %sub3A_163 = arith.subi %div3A_136, %sub3A_162 : vector<16xi32>
    %select_n3A_164 = arith.select %and3A_160, %sub3A_163, %div3A_136 : vector<16xi1>, vector<16xi32>
    %eq3A_165 = arith.constant 0 : i32
    %eq3A_166 = vector.broadcast %eq3A_165 : i32 to vector<16xi32>
    %eq3A_167 = arith.cmpi eq, %iota3A, %eq3A_166 : vector<16xi32>
    %jit3A_168 = arith.constant 0 : i32
    %broadcast_in_dim3A_169 = vector.broadcast %jit3A_168 : i32 to vector<16xi32>
    %select_n3A_170 = arith.select %eq3A_167, %select_n3A_164, %broadcast_in_dim3A_169 : vector<16xi1>, vector<16xi32>
    %reduce_max3A_171 = arith.constant true
    %reduce_max3A_172 = vector.broadcast %reduce_max3A_171 : i1 to vector<16xi1>
    %reduce_max3A_173 = arith.constant -2147483648 : i32
    %reduce_max3A_174 = vector.broadcast %reduce_max3A_173 : i32 to vector<16xi32>
    %reduce_max3A_175 = arith.xori %select_n3A_170, %reduce_max3A_174 : vector<16xi32>
    %reduce_max3A_176 = tpu.scan <max>, %reduce_max3A_175 masked %reduce_max3A_172 : vector<16xi32>, vector<16xi1> -> vector<16xi32>
    %reduce_max3A_177 = arith.xori %reduce_max3A_176, %reduce_max3A_174 : vector<16xi32>
    %reduce_max3A_178 = vector.extract %reduce_max3A_177[15] : i32 from vector<16xi32>
    %mul3A_179 = arith.constant 128 : i32
    %mul3A_180 = arith.muli %add3A, %mul3A_179 : i32
    %add3A_181 = arith.constant 0 : i32
    %add3A_182 = arith.addi %mul3A_180, %add3A_181 : i32
    %while3A_183 = arith.constant 0 : i32
    %while3A_184 = arith.constant 0 : i32
    %while3A_185 = arith.subi %reduce_max3A_178, %while3A_184 : i32
    %while3A_186 = arith.addi %while3A_184, %while3A_185 : i32
    %while3A_187 = arith.constant 1 : i32
    %while3A_188 = arith.divsi %while3A_185, %while3A_187 : i32
    %while3A_189 = arith.muli %while3A_188, %while3A_187 : i32
    %while3A_190 = arith.addi %while3A_184, %while3A_189 : i32
    %while3A_191 = arith.constant 1 : i32
    scf.for %while3A_1132 = %while3A_184 to %while3A_190 step %while3A_191  : i32 {
      %mul3A_1133 = arith.constant 8 : i32
      %mul3A_1134 = arith.muli %while3A_1132, %mul3A_1133 : i32
      %jit3A_1135 = arith.constant 128 : i32
      %div3A_1136 = arith.divsi %mul3A_1134, %jit3A_1135 : i32
      %sign3A_1137 = arith.constant 0 : i32
      %sign3A_1138 = arith.cmpi sgt, %mul3A_1134, %sign3A_1137 : i32
      %sign3A_1139 = arith.extui %sign3A_1138 : i1 to i32
      %sign3A_1140 = arith.constant 0 : i32
      %sign3A_1141 = arith.cmpi slt, %mul3A_1134, %sign3A_1140 : i32
      %sign3A_1142 = arith.extui %sign3A_1141 : i1 to i32
      %sign3A_1143 = arith.subi %sign3A_1139, %sign3A_1142 : i32
      %sign3A_1144 = arith.constant 0 : i32
      %sign3A_1145 = arith.cmpi sgt, %jit3A_1135, %sign3A_1144 : i32
      %sign3A_1146 = arith.extui %sign3A_1145 : i1 to i32
      %sign3A_1147 = arith.constant 0 : i32
      %sign3A_1148 = arith.cmpi slt, %jit3A_1135, %sign3A_1147 : i32
      %sign3A_1149 = arith.extui %sign3A_1148 : i1 to i32
      %sign3A_1150 = arith.subi %sign3A_1146, %sign3A_1149 : i32
      %ne3A_1151 = arith.cmpi ne, %sign3A_1143, %sign3A_1150 : i32
      %rem3A_1152 = arith.remsi %mul3A_1134, %jit3A_1135 : i32
      %ne3A_1153 = arith.constant 0 : i32
      %ne3A_1154 = arith.cmpi ne, %rem3A_1152, %ne3A_1153 : i32
      %and3A_1155 = arith.andi %ne3A_1151, %ne3A_1154 : i1
      %sub3A_1156 = arith.constant 1 : i32
      %sub3A_1157 = arith.subi %div3A_1136, %sub3A_1156 : i32
      %select_n3A_1158 = arith.select %and3A_1155, %sub3A_1157, %div3A_1136 : i32
      %mul3A_1159 = arith.constant 8 : i32
      %mul3A_1160 = arith.muli %while3A_1132, %mul3A_1159 : i32
      %jit3A_1161 = arith.constant 128 : i32
      %eq3A_1162 = arith.constant 0 : i32
      %eq3A_1163 = arith.cmpi eq, %jit3A_1161, %eq3A_1162 : i32
      %jit3A_1164 = arith.constant 1 : i32
      %select_n3A_1165 = arith.select %eq3A_1163, %jit3A_1164, %jit3A_1161 : i32
      %rem3A_1166 = arith.remsi %mul3A_1160, %select_n3A_1165 : i32
      %ne3A_1167 = arith.constant 0 : i32
      %ne3A_1168 = arith.cmpi ne, %rem3A_1166, %ne3A_1167 : i32
      %lt3A = arith.constant 0 : i32
      %lt3A_1169 = arith.cmpi slt, %rem3A_1166, %lt3A : i32
      %lt3A_1170 = arith.constant 0 : i32
      %lt3A_1171 = arith.cmpi slt, %select_n3A_1165, %lt3A_1170 : i32
      %ne3A_1172 = arith.xori %lt3A_1169, %lt3A_1171 : i1
      %and3A_1173 = arith.andi %ne3A_1172, %ne3A_1168 : i1
      %add3A_1174 = arith.addi %rem3A_1166, %select_n3A_1165 : i32
      %select_n3A_1175 = arith.select %and3A_1173, %add3A_1174, %rem3A_1166 : i32
      %mul3A_1176 = arith.constant 8 : i32
      %mul3A_1177 = arith.muli %while3A_1132, %mul3A_1176 : i32
      %add3A_1178 = arith.constant 0 : i32
      %add3A_1179 = arith.addi %add3A_1178, %mul3A_1177 : i32
      %dma_wait3A_1180 = arith.constant 0 : i32
      %dma_wait3A_1181 = arith.constant 0 : i32
      %dma_wait3A_1182 = arith.constant 0 : i32
      %dma_wait3A_1183 = tpu.memref_slice %arg10[%add3A_1179, %dma_wait3A_1182] : memref<400x64xf32, #tpu.memory_space<vmem>> -> memref<8x64xf32, #tpu.memory_space<vmem>>
      %dma_wait3A_1184 = tpu.memref_slice %arg6[%dma_wait3A_1180, %select_n3A_1158, %dma_wait3A_1181, %select_n3A_1175] : memref<16x2x8x128xi32, #tpu.memory_space<vmem>> -> memref<1x1x1x8xi32, #tpu.memory_space<vmem>>
      %dma_wait3A_1185 = tpu.memref_squeeze %dma_wait3A_1184 : memref<1x1x1x8xi32, #tpu.memory_space<vmem>> -> memref<8xi32, #tpu.memory_space<vmem>>
      %dma_wait3A_1186 = arith.constant 0 : i32
      %dma_wait3A_1187 = arith.constant 0 : i32
      %dma_wait3A_1188 = tpu.memref_slice %arg4[%dma_wait3A_1186, %dma_wait3A_1187] : memref<1000002x64xf32, #tpu.memory_space<hbm>> -> memref<1000002x64xf32, #tpu.memory_space<hbm>>
      tpu.wait_indirect_dma semaphore(%arg11 : memref<!tpu.dma_semaphore, #tpu.memory_space<semaphore_mem>>) src(%dma_wait3A_1188 : memref<1000002x64xf32, #tpu.memory_space<hbm>>) dst(%dma_wait3A_1183 : memref<8x64xf32, #tpu.memory_space<vmem>>)
      %mul3A_1189 = arith.constant 8 : i32
      %mul3A_1190 = arith.muli %while3A_1132, %mul3A_1189 : i32
      %add3A_1191 = arith.constant 0 : i32
      %add3A_1192 = arith.addi %add3A_1191, %mul3A_1190 : i32
      %dma_start3A_1193 = arith.constant 0 : i32
      %dma_start3A_1194 = tpu.memref_slice %arg10[%add3A_1192, %dma_start3A_1193] : memref<400x64xf32, #tpu.memory_space<vmem>> -> memref<8x64xf32, #tpu.memory_space<vmem>>
      %dma_start3A_1195 = arith.constant 0 : i32
      %dma_start3A_1196 = arith.constant 0 : i32
      %dma_start3A_1197 = tpu.memref_slice %arg5[%add3A_182, %while3A_1132, %dma_start3A_1195, %dma_start3A_1196] : memref<4096x25x8x128xf32, #tpu.memory_space<hbm>> -> memref<1x1x8x64xf32, #tpu.memory_space<hbm>>
      %dma_start3A_1198 = tpu.memref_squeeze %dma_start3A_1197 : memref<1x1x8x64xf32, #tpu.memory_space<hbm>> -> memref<8x64xf32, #tpu.memory_space<hbm>>
      %dma_start3A_1199 = arith.constant 0 : i32
      %dma_start3A_1200 = arith.constant 0 : i32
      %dma_start3A_1201 = tpu.memref_slice %arg5[%add3A_182, %while3A_1132, %dma_start3A_1199, %dma_start3A_1200] : memref<4096x25x8x128xf32, #tpu.memory_space<hbm>> -> memref<1x1x8x64xf32, #tpu.memory_space<hbm>>
      %dma_start3A_1202 = tpu.memref_squeeze %dma_start3A_1201 : memref<1x1x8x64xf32, #tpu.memory_space<hbm>> -> memref<8x64xf32, #tpu.memory_space<hbm>>
      %dma_start3A_1203 = arith.constant 0 : i32
      %dma_start3A_1204 = tpu.memref_slice %arg10[%add3A_1192, %dma_start3A_1203] : memref<400x64xf32, #tpu.memory_space<vmem>> -> memref<8x64xf32, #tpu.memory_space<vmem>>
      tpu.enqueue_dma source(%dma_start3A_1204 : memref<8x64xf32, #tpu.memory_space<vmem>>) target(%dma_start3A_1202 : memref<8x64xf32, #tpu.memory_space<hbm>>) target_semaphore(%arg12 : memref<!tpu.dma_semaphore, #tpu.memory_space<semaphore_mem>>)
    }
    %while3A_192 = arith.constant 1 : i32
    scf.for %while3A_1132 = %while3A_190 to %while3A_186 step %while3A_192  : i32 {
      %mul3A_1133 = arith.constant 8 : i32
      %mul3A_1134 = arith.muli %while3A_1132, %mul3A_1133 : i32
      %jit3A_1135 = arith.constant 128 : i32
      %div3A_1136 = arith.divsi %mul3A_1134, %jit3A_1135 : i32
      %sign3A_1137 = arith.constant 0 : i32
      %sign3A_1138 = arith.cmpi sgt, %mul3A_1134, %sign3A_1137 : i32
      %sign3A_1139 = arith.extui %sign3A_1138 : i1 to i32
      %sign3A_1140 = arith.constant 0 : i32
      %sign3A_1141 = arith.cmpi slt, %mul3A_1134, %sign3A_1140 : i32
      %sign3A_1142 = arith.extui %sign3A_1141 : i1 to i32
      %sign3A_1143 = arith.subi %sign3A_1139, %sign3A_1142 : i32
      %sign3A_1144 = arith.constant 0 : i32
      %sign3A_1145 = arith.cmpi sgt, %jit3A_1135, %sign3A_1144 : i32
      %sign3A_1146 = arith.extui %sign3A_1145 : i1 to i32
      %sign3A_1147 = arith.constant 0 : i32
      %sign3A_1148 = arith.cmpi slt, %jit3A_1135, %sign3A_1147 : i32
      %sign3A_1149 = arith.extui %sign3A_1148 : i1 to i32
      %sign3A_1150 = arith.subi %sign3A_1146, %sign3A_1149 : i32
      %ne3A_1151 = arith.cmpi ne, %sign3A_1143, %sign3A_1150 : i32
      %rem3A_1152 = arith.remsi %mul3A_1134, %jit3A_1135 : i32
      %ne3A_1153 = arith.constant 0 : i32
      %ne3A_1154 = arith.cmpi ne, %rem3A_1152, %ne3A_1153 : i32
      %and3A_1155 = arith.andi %ne3A_1151, %ne3A_1154 : i1
      %sub3A_1156 = arith.constant 1 : i32
      %sub3A_1157 = arith.subi %div3A_1136, %sub3A_1156 : i32
      %select_n3A_1158 = arith.select %and3A_1155, %sub3A_1157, %div3A_1136 : i32
      %mul3A_1159 = arith.constant 8 : i32
      %mul3A_1160 = arith.muli %while3A_1132, %mul3A_1159 : i32
      %jit3A_1161 = arith.constant 128 : i32
      %eq3A_1162 = arith.constant 0 : i32
      %eq3A_1163 = arith.cmpi eq, %jit3A_1161, %eq3A_1162 : i32
      %jit3A_1164 = arith.constant 1 : i32
      %select_n3A_1165 = arith.select %eq3A_1163, %jit3A_1164, %jit3A_1161 : i32
      %rem3A_1166 = arith.remsi %mul3A_1160, %select_n3A_1165 : i32
      %ne3A_1167 = arith.constant 0 : i32
      %ne3A_1168 = arith.cmpi ne, %rem3A_1166, %ne3A_1167 : i32
      %lt3A = arith.constant 0 : i32
      %lt3A_1169 = arith.cmpi slt, %rem3A_1166, %lt3A : i32
      %lt3A_1170 = arith.constant 0 : i32
      %lt3A_1171 = arith.cmpi slt, %select_n3A_1165, %lt3A_1170 : i32
      %ne3A_1172 = arith.xori %lt3A_1169, %lt3A_1171 : i1
      %and3A_1173 = arith.andi %ne3A_1172, %ne3A_1168 : i1
      %add3A_1174 = arith.addi %rem3A_1166, %select_n3A_1165 : i32
      %select_n3A_1175 = arith.select %and3A_1173, %add3A_1174, %rem3A_1166 : i32
      %mul3A_1176 = arith.constant 8 : i32
      %mul3A_1177 = arith.muli %while3A_1132, %mul3A_1176 : i32
      %add3A_1178 = arith.constant 0 : i32
      %add3A_1179 = arith.addi %add3A_1178, %mul3A_1177 : i32
      %dma_wait3A_1180 = arith.constant 0 : i32
      %dma_wait3A_1181 = arith.constant 0 : i32
      %dma_wait3A_1182 = arith.constant 0 : i32
      %dma_wait3A_1183 = tpu.memref_slice %arg10[%add3A_1179, %dma_wait3A_1182] : memref<400x64xf32, #tpu.memory_space<vmem>> -> memref<8x64xf32, #tpu.memory_space<vmem>>
      %dma_wait3A_1184 = tpu.memref_slice %arg6[%dma_wait3A_1180, %select_n3A_1158, %dma_wait3A_1181, %select_n3A_1175] : memref<16x2x8x128xi32, #tpu.memory_space<vmem>> -> memref<1x1x1x8xi32, #tpu.memory_space<vmem>>
      %dma_wait3A_1185 = tpu.memref_squeeze %dma_wait3A_1184 : memref<1x1x1x8xi32, #tpu.memory_space<vmem>> -> memref<8xi32, #tpu.memory_space<vmem>>
      %dma_wait3A_1186 = arith.constant 0 : i32
      %dma_wait3A_1187 = arith.constant 0 : i32
      %dma_wait3A_1188 = tpu.memref_slice %arg4[%dma_wait3A_1186, %dma_wait3A_1187] : memref<1000002x64xf32, #tpu.memory_space<hbm>> -> memref<1000002x64xf32, #tpu.memory_space<hbm>>
      tpu.wait_indirect_dma semaphore(%arg11 : memref<!tpu.dma_semaphore, #tpu.memory_space<semaphore_mem>>) src(%dma_wait3A_1188 : memref<1000002x64xf32, #tpu.memory_space<hbm>>) dst(%dma_wait3A_1183 : memref<8x64xf32, #tpu.memory_space<vmem>>)
      %mul3A_1189 = arith.constant 8 : i32
      %mul3A_1190 = arith.muli %while3A_1132, %mul3A_1189 : i32
      %add3A_1191 = arith.constant 0 : i32
      %add3A_1192 = arith.addi %add3A_1191, %mul3A_1190 : i32
      %dma_start3A_1193 = arith.constant 0 : i32
      %dma_start3A_1194 = tpu.memref_slice %arg10[%add3A_1192, %dma_start3A_1193] : memref<400x64xf32, #tpu.memory_space<vmem>> -> memref<8x64xf32, #tpu.memory_space<vmem>>
      %dma_start3A_1195 = arith.constant 0 : i32
      %dma_start3A_1196 = arith.constant 0 : i32
      %dma_start3A_1197 = tpu.memref_slice %arg5[%add3A_182, %while3A_1132, %dma_start3A_1195, %dma_start3A_1196] : memref<4096x25x8x128xf32, #tpu.memory_space<hbm>> -> memref<1x1x8x64xf32, #tpu.memory_space<hbm>>
      %dma_start3A_1198 = tpu.memref_squeeze %dma_start3A_1197 : memref<1x1x8x64xf32, #tpu.memory_space<hbm>> -> memref<8x64xf32, #tpu.memory_space<hbm>>
      %dma_start3A_1199 = arith.constant 0 : i32
      %dma_start3A_1200 = arith.constant 0 : i32
      %dma_start3A_1201 = tpu.memref_slice %arg5[%add3A_182, %while3A_1132, %dma_start3A_1199, %dma_start3A_1200] : memref<4096x25x8x128xf32, #tpu.memory_space<hbm>> -> memref<1x1x8x64xf32, #tpu.memory_space<hbm>>
      %dma_start3A_1202 = tpu.memref_squeeze %dma_start3A_1201 : memref<1x1x8x64xf32, #tpu.memory_space<hbm>> -> memref<8x64xf32, #tpu.memory_space<hbm>>
      %dma_start3A_1203 = arith.constant 0 : i32
      %dma_start3A_1204 = tpu.memref_slice %arg10[%add3A_1192, %dma_start3A_1203] : memref<400x64xf32, #tpu.memory_space<vmem>> -> memref<8x64xf32, #tpu.memory_space<vmem>>
      tpu.enqueue_dma source(%dma_start3A_1204 : memref<8x64xf32, #tpu.memory_space<vmem>>) target(%dma_start3A_1202 : memref<8x64xf32, #tpu.memory_space<hbm>>) target_semaphore(%arg12 : memref<!tpu.dma_semaphore, #tpu.memory_space<semaphore_mem>>)
    }
    %while3A_193 = arith.constant 0 : i32
    %while3A_194 = arith.constant 25 : i32
    %while3A_195 = arith.subi %while3A_194, %reduce_max3A_178 : i32
    %while3A_196 = arith.addi %reduce_max3A_178, %while3A_195 : i32
    %while3A_197 = arith.constant 1 : i32
    %while3A_198 = arith.divsi %while3A_195, %while3A_197 : i32
    %while3A_199 = arith.muli %while3A_198, %while3A_197 : i32
    %while3A_200 = arith.addi %reduce_max3A_178, %while3A_199 : i32
    %while3A_201 = arith.constant 1 : i32
    scf.for %while3A_1132 = %reduce_max3A_178 to %while3A_200 step %while3A_201  : i32 {
      %dma_start3A_1133 = arith.constant 0 : i32
      %dma_start3A_1134 = arith.constant 0 : i32
      %dma_start3A_1135 = tpu.memref_slice %arg5[%add3A_182, %while3A_1132, %dma_start3A_1133, %dma_start3A_1134] : memref<4096x25x8x128xf32, #tpu.memory_space<hbm>> -> memref<1x1x8x64xf32, #tpu.memory_space<hbm>>
      %dma_start3A_1136 = tpu.memref_squeeze %dma_start3A_1135 : memref<1x1x8x64xf32, #tpu.memory_space<hbm>> -> memref<8x64xf32, #tpu.memory_space<hbm>>
      %dma_start3A_1137 = arith.constant 0 : i32
      %dma_start3A_1138 = arith.constant 0 : i32
      %dma_start3A_1139 = tpu.memref_slice %arg5[%add3A_182, %while3A_1132, %dma_start3A_1137, %dma_start3A_1138] : memref<4096x25x8x128xf32, #tpu.memory_space<hbm>> -> memref<1x1x8x64xf32, #tpu.memory_space<hbm>>
      %dma_start3A_1140 = tpu.memref_squeeze %dma_start3A_1139 : memref<1x1x8x64xf32, #tpu.memory_space<hbm>> -> memref<8x64xf32, #tpu.memory_space<hbm>>
      tpu.enqueue_dma source(%arg9 : memref<8x64xf32, #tpu.memory_space<vmem>>) target(%dma_start3A_1140 : memref<8x64xf32, #tpu.memory_space<hbm>>) target_semaphore(%arg12 : memref<!tpu.dma_semaphore, #tpu.memory_space<semaphore_mem>>)
    }
    %while3A_202 = arith.constant 1 : i32
    scf.for %while3A_1132 = %while3A_200 to %while3A_196 step %while3A_202  : i32 {
      %dma_start3A_1133 = arith.constant 0 : i32
      %dma_start3A_1134 = arith.constant 0 : i32
      %dma_start3A_1135 = tpu.memref_slice %arg5[%add3A_182, %while3A_1132, %dma_start3A_1133, %dma_start3A_1134] : memref<4096x25x8x128xf32, #tpu.memory_space<hbm>> -> memref<1x1x8x64xf32, #tpu.memory_space<hbm>>
      %dma_start3A_1136 = tpu.memref_squeeze %dma_start3A_1135 : memref<1x1x8x64xf32, #tpu.memory_space<hbm>> -> memref<8x64xf32, #tpu.memory_space<hbm>>
      %dma_start3A_1137 = arith.constant 0 : i32
      %dma_start3A_1138 = arith.constant 0 : i32
      %dma_start3A_1139 = tpu.memref_slice %arg5[%add3A_182, %while3A_1132, %dma_start3A_1137, %dma_start3A_1138] : memref<4096x25x8x128xf32, #tpu.memory_space<hbm>> -> memref<1x1x8x64xf32, #tpu.memory_space<hbm>>
      %dma_start3A_1140 = tpu.memref_squeeze %dma_start3A_1139 : memref<1x1x8x64xf32, #tpu.memory_space<hbm>> -> memref<8x64xf32, #tpu.memory_space<hbm>>
      tpu.enqueue_dma source(%arg9 : memref<8x64xf32, #tpu.memory_space<vmem>>) target(%dma_start3A_1140 : memref<8x64xf32, #tpu.memory_space<hbm>>) target_semaphore(%arg12 : memref<!tpu.dma_semaphore, #tpu.memory_space<semaphore_mem>>)
    }
    %scan3A = arith.constant 0 : i32
    %scan3A_203 = arith.constant 2 : i32
    %scan3A_204 = arith.constant 126 : i32
    %scan3A_205 = arith.addi %scan3A_203, %scan3A_204 : i32
    %scan3A_206 = arith.constant 1 : i32
    scf.for %scan3A_1132 = %scan3A_203 to %scan3A_205 step %scan3A_206  : i32 {
      %jit3A_1133 = arith.constant 2 : i32
      %eq3A_1134 = arith.constant 0 : i32
      %eq3A_1135 = arith.cmpi eq, %jit3A_1133, %eq3A_1134 : i32
      %jit3A_1136 = arith.constant 1 : i32
      %select_n3A_1137 = arith.select %eq3A_1135, %jit3A_1136, %jit3A_1133 : i32
      %rem3A_1138 = arith.remsi %scan3A_1132, %select_n3A_1137 : i32
      %ne3A_1139 = arith.constant 0 : i32
      %ne3A_1140 = arith.cmpi ne, %rem3A_1138, %ne3A_1139 : i32
      %lt3A = arith.constant 0 : i32
      %lt3A_1141 = arith.cmpi slt, %rem3A_1138, %lt3A : i32
      %lt3A_1142 = arith.constant 0 : i32
      %lt3A_1143 = arith.cmpi slt, %select_n3A_1137, %lt3A_1142 : i32
      %ne3A_1144 = arith.xori %lt3A_1141, %lt3A_1143 : i1
      %and3A_1145 = arith.andi %ne3A_1144, %ne3A_1140 : i1
      %add3A_1146 = arith.addi %rem3A_1138, %select_n3A_1137 : i32
      %select_n3A_1147 = arith.select %and3A_1145, %add3A_1146, %rem3A_1138 : i32
      %mul3A_1148 = arith.constant 200 : i32
      %mul3A_1149 = arith.muli %select_n3A_1147, %mul3A_1148 : i32
      %mul3A_1150 = arith.constant 128 : i32
      %mul3A_1151 = arith.muli %add3A, %mul3A_1150 : i32
      %dma_wait3A_1152 = arith.constant 0 : i32
      %dma_wait3A_1153 = arith.constant 0 : i32
      %dma_wait3A_1154 = tpu.memref_slice %arg10[%mul3A_1149, %dma_wait3A_1153] : memref<400x64xf32, #tpu.memory_space<vmem>> -> memref<8x64xf32, #tpu.memory_space<vmem>>
      %dma_wait3A_1155 = arith.constant 0 : i32
      %dma_wait3A_1156 = arith.constant 0 : i32
      %dma_wait3A_1157 = tpu.memref_slice %arg5[%mul3A_1151, %dma_wait3A_1152, %dma_wait3A_1155, %dma_wait3A_1156] : memref<4096x25x8x128xf32, #tpu.memory_space<hbm>> -> memref<1x1x8x64xf32, #tpu.memory_space<hbm>>
      %dma_wait3A_1158 = tpu.memref_squeeze %dma_wait3A_1157 : memref<1x1x8x64xf32, #tpu.memory_space<hbm>> -> memref<8x64xf32, #tpu.memory_space<hbm>>
      %dma_wait3A_1159 = arith.constant 0 : i32
      %dma_wait3A_1160 = arith.constant 0 : i32
      %dma_wait3A_1161 = tpu.memref_slice %arg5[%mul3A_1151, %dma_wait3A_1152, %dma_wait3A_1159, %dma_wait3A_1160] : memref<4096x25x8x128xf32, #tpu.memory_space<hbm>> -> memref<1x1x8x64xf32, #tpu.memory_space<hbm>>
      %dma_wait3A_1162 = tpu.memref_squeeze %dma_wait3A_1161 : memref<1x1x8x64xf32, #tpu.memory_space<hbm>> -> memref<8x64xf32, #tpu.memory_space<hbm>>
      %dma_wait3A_1163 = arith.constant 0 : i32
      %dma_wait3A_1164 = tpu.memref_slice %arg10[%mul3A_1149, %dma_wait3A_1163] : memref<400x64xf32, #tpu.memory_space<vmem>> -> memref<8x64xf32, #tpu.memory_space<vmem>>
      tpu.wait_dma2 semaphore(%arg12 : memref<!tpu.dma_semaphore, #tpu.memory_space<semaphore_mem>>) src(%dma_wait3A_1164 : memref<8x64xf32, #tpu.memory_space<vmem>>) dst(%dma_wait3A_1162 : memref<8x64xf32, #tpu.memory_space<hbm>>)
      %jit3A_1165 = arith.constant 2 : i32
      %eq3A_1166 = arith.constant 0 : i32
      %eq3A_1167 = arith.cmpi eq, %jit3A_1165, %eq3A_1166 : i32
      %jit3A_1168 = arith.constant 1 : i32
      %select_n3A_1169 = arith.select %eq3A_1167, %jit3A_1168, %jit3A_1165 : i32
      %rem3A_1170 = arith.remsi %scan3A_1132, %select_n3A_1169 : i32
      %ne3A_1171 = arith.constant 0 : i32
      %ne3A_1172 = arith.cmpi ne, %rem3A_1170, %ne3A_1171 : i32
      %lt3A_1173 = arith.constant 0 : i32
      %lt3A_1174 = arith.cmpi slt, %rem3A_1170, %lt3A_1173 : i32
      %lt3A_1175 = arith.constant 0 : i32
      %lt3A_1176 = arith.cmpi slt, %select_n3A_1169, %lt3A_1175 : i32
      %ne3A_1177 = arith.xori %lt3A_1174, %lt3A_1176 : i1
      %and3A_1178 = arith.andi %ne3A_1177, %ne3A_1172 : i1
      %add3A_1179 = arith.addi %rem3A_1170, %select_n3A_1169 : i32
      %select_n3A_1180 = arith.select %and3A_1178, %add3A_1179, %rem3A_1170 : i32
      %mul3A_1181 = arith.constant 200 : i32
      %mul3A_1182 = arith.muli %select_n3A_1180, %mul3A_1181 : i32
      %mul3A_1183 = arith.constant 128 : i32
      %mul3A_1184 = arith.muli %add3A, %mul3A_1183 : i32
      %dma_wait3A_1185 = arith.constant 0 : i32
      %dma_wait3A_1186 = arith.constant 0 : i32
      %dma_wait3A_1187 = tpu.memref_slice %arg10[%mul3A_1182, %dma_wait3A_1186] : memref<400x64xf32, #tpu.memory_space<vmem>> -> memref<8x64xf32, #tpu.memory_space<vmem>>
      %dma_wait3A_1188 = arith.constant 0 : i32
      %dma_wait3A_1189 = arith.constant 0 : i32
      %dma_wait3A_1190 = tpu.memref_slice %arg5[%mul3A_1184, %dma_wait3A_1185, %dma_wait3A_1188, %dma_wait3A_1189] : memref<4096x25x8x128xf32, #tpu.memory_space<hbm>> -> memref<1x1x8x64xf32, #tpu.memory_space<hbm>>
      %dma_wait3A_1191 = tpu.memref_squeeze %dma_wait3A_1190 : memref<1x1x8x64xf32, #tpu.memory_space<hbm>> -> memref<8x64xf32, #tpu.memory_space<hbm>>
      %dma_wait3A_1192 = arith.constant 0 : i32
      %dma_wait3A_1193 = arith.constant 0 : i32
      %dma_wait3A_1194 = tpu.memref_slice %arg5[%mul3A_1184, %dma_wait3A_1185, %dma_wait3A_1192, %dma_wait3A_1193] : memref<4096x25x8x128xf32, #tpu.memory_space<hbm>> -> memref<1x1x8x64xf32, #tpu.memory_space<hbm>>
      %dma_wait3A_1195 = tpu.memref_squeeze %dma_wait3A_1194 : memref<1x1x8x64xf32, #tpu.memory_space<hbm>> -> memref<8x64xf32, #tpu.memory_space<hbm>>
      %dma_wait3A_1196 = arith.constant 0 : i32
      %dma_wait3A_1197 = tpu.memref_slice %arg10[%mul3A_1182, %dma_wait3A_1196] : memref<400x64xf32, #tpu.memory_space<vmem>> -> memref<8x64xf32, #tpu.memory_space<vmem>>
      tpu.wait_dma2 semaphore(%arg12 : memref<!tpu.dma_semaphore, #tpu.memory_space<semaphore_mem>>) src(%dma_wait3A_1197 : memref<8x64xf32, #tpu.memory_space<vmem>>) dst(%dma_wait3A_1195 : memref<8x64xf32, #tpu.memory_space<hbm>>)
      %jit3A_1198 = arith.constant 2 : i32
      %eq3A_1199 = arith.constant 0 : i32
      %eq3A_1200 = arith.cmpi eq, %jit3A_1198, %eq3A_1199 : i32
      %jit3A_1201 = arith.constant 1 : i32
      %select_n3A_1202 = arith.select %eq3A_1200, %jit3A_1201, %jit3A_1198 : i32
      %rem3A_1203 = arith.remsi %scan3A_1132, %select_n3A_1202 : i32
      %ne3A_1204 = arith.constant 0 : i32
      %ne3A_1205 = arith.cmpi ne, %rem3A_1203, %ne3A_1204 : i32
      %lt3A_1206 = arith.constant 0 : i32
      %lt3A_1207 = arith.cmpi slt, %rem3A_1203, %lt3A_1206 : i32
      %lt3A_1208 = arith.constant 0 : i32
      %lt3A_1209 = arith.cmpi slt, %select_n3A_1202, %lt3A_1208 : i32
      %ne3A_1210 = arith.xori %lt3A_1207, %lt3A_1209 : i1
      %and3A_1211 = arith.andi %ne3A_1210, %ne3A_1205 : i1
      %add3A_1212 = arith.addi %rem3A_1203, %select_n3A_1202 : i32
      %select_n3A_1213 = arith.select %and3A_1211, %add3A_1212, %rem3A_1203 : i32
      %mul3A_1214 = arith.constant 200 : i32
      %mul3A_1215 = arith.muli %select_n3A_1213, %mul3A_1214 : i32
      %mul3A_1216 = arith.constant 128 : i32
      %mul3A_1217 = arith.muli %add3A, %mul3A_1216 : i32
      %dma_wait3A_1218 = arith.constant 0 : i32
      %dma_wait3A_1219 = arith.constant 0 : i32
      %dma_wait3A_1220 = tpu.memref_slice %arg10[%mul3A_1215, %dma_wait3A_1219] : memref<400x64xf32, #tpu.memory_space<vmem>> -> memref<8x64xf32, #tpu.memory_space<vmem>>
      %dma_wait3A_1221 = arith.constant 0 : i32
      %dma_wait3A_1222 = arith.constant 0 : i32
      %dma_wait3A_1223 = tpu.memref_slice %arg5[%mul3A_1217, %dma_wait3A_1218, %dma_wait3A_1221, %dma_wait3A_1222] : memref<4096x25x8x128xf32, #tpu.memory_space<hbm>> -> memref<1x1x8x64xf32, #tpu.memory_space<hbm>>
      %dma_wait3A_1224 = tpu.memref_squeeze %dma_wait3A_1223 : memref<1x1x8x64xf32, #tpu.memory_space<hbm>> -> memref<8x64xf32, #tpu.memory_space<hbm>>
      %dma_wait3A_1225 = arith.constant 0 : i32
      %dma_wait3A_1226 = arith.constant 0 : i32
      %dma_wait3A_1227 = tpu.memref_slice %arg5[%mul3A_1217, %dma_wait3A_1218, %dma_wait3A_1225, %dma_wait3A_1226] : memref<4096x25x8x128xf32, #tpu.memory_space<hbm>> -> memref<1x1x8x64xf32, #tpu.memory_space<hbm>>
      %dma_wait3A_1228 = tpu.memref_squeeze %dma_wait3A_1227 : memref<1x1x8x64xf32, #tpu.memory_space<hbm>> -> memref<8x64xf32, #tpu.memory_space<hbm>>
      %dma_wait3A_1229 = arith.constant 0 : i32
      %dma_wait3A_1230 = tpu.memref_slice %arg10[%mul3A_1215, %dma_wait3A_1229] : memref<400x64xf32, #tpu.memory_space<vmem>> -> memref<8x64xf32, #tpu.memory_space<vmem>>
      tpu.wait_dma2 semaphore(%arg12 : memref<!tpu.dma_semaphore, #tpu.memory_space<semaphore_mem>>) src(%dma_wait3A_1230 : memref<8x64xf32, #tpu.memory_space<vmem>>) dst(%dma_wait3A_1228 : memref<8x64xf32, #tpu.memory_space<hbm>>)
      %jit3A_1231 = arith.constant 2 : i32
      %eq3A_1232 = arith.constant 0 : i32
      %eq3A_1233 = arith.cmpi eq, %jit3A_1231, %eq3A_1232 : i32
      %jit3A_1234 = arith.constant 1 : i32
      %select_n3A_1235 = arith.select %eq3A_1233, %jit3A_1234, %jit3A_1231 : i32
      %rem3A_1236 = arith.remsi %scan3A_1132, %select_n3A_1235 : i32
      %ne3A_1237 = arith.constant 0 : i32
      %ne3A_1238 = arith.cmpi ne, %rem3A_1236, %ne3A_1237 : i32
      %lt3A_1239 = arith.constant 0 : i32
      %lt3A_1240 = arith.cmpi slt, %rem3A_1236, %lt3A_1239 : i32
      %lt3A_1241 = arith.constant 0 : i32
      %lt3A_1242 = arith.cmpi slt, %select_n3A_1235, %lt3A_1241 : i32
      %ne3A_1243 = arith.xori %lt3A_1240, %lt3A_1242 : i1
      %and3A_1244 = arith.andi %ne3A_1243, %ne3A_1238 : i1
      %add3A_1245 = arith.addi %rem3A_1236, %select_n3A_1235 : i32
      %select_n3A_1246 = arith.select %and3A_1244, %add3A_1245, %rem3A_1236 : i32
      %mul3A_1247 = arith.constant 200 : i32
      %mul3A_1248 = arith.muli %select_n3A_1246, %mul3A_1247 : i32
      %mul3A_1249 = arith.constant 128 : i32
      %mul3A_1250 = arith.muli %add3A, %mul3A_1249 : i32
      %dma_wait3A_1251 = arith.constant 0 : i32
      %dma_wait3A_1252 = arith.constant 0 : i32
      %dma_wait3A_1253 = tpu.memref_slice %arg10[%mul3A_1248, %dma_wait3A_1252] : memref<400x64xf32, #tpu.memory_space<vmem>> -> memref<8x64xf32, #tpu.memory_space<vmem>>
      %dma_wait3A_1254 = arith.constant 0 : i32
      %dma_wait3A_1255 = arith.constant 0 : i32
      %dma_wait3A_1256 = tpu.memref_slice %arg5[%mul3A_1250, %dma_wait3A_1251, %dma_wait3A_1254, %dma_wait3A_1255] : memref<4096x25x8x128xf32, #tpu.memory_space<hbm>> -> memref<1x1x8x64xf32, #tpu.memory_space<hbm>>
      %dma_wait3A_1257 = tpu.memref_squeeze %dma_wait3A_1256 : memref<1x1x8x64xf32, #tpu.memory_space<hbm>> -> memref<8x64xf32, #tpu.memory_space<hbm>>
      %dma_wait3A_1258 = arith.constant 0 : i32
      %dma_wait3A_1259 = arith.constant 0 : i32
      %dma_wait3A_1260 = tpu.memref_slice %arg5[%mul3A_1250, %dma_wait3A_1251, %dma_wait3A_1258, %dma_wait3A_1259] : memref<4096x25x8x128xf32, #tpu.memory_space<hbm>> -> memref<1x1x8x64xf32, #tpu.memory_space<hbm>>
      %dma_wait3A_1261 = tpu.memref_squeeze %dma_wait3A_1260 : memref<1x1x8x64xf32, #tpu.memory_space<hbm>> -> memref<8x64xf32, #tpu.memory_space<hbm>>
      %dma_wait3A_1262 = arith.constant 0 : i32
      %dma_wait3A_1263 = tpu.memref_slice %arg10[%mul3A_1248, %dma_wait3A_1262] : memref<400x64xf32, #tpu.memory_space<vmem>> -> memref<8x64xf32, #tpu.memory_space<vmem>>
      tpu.wait_dma2 semaphore(%arg12 : memref<!tpu.dma_semaphore, #tpu.memory_space<semaphore_mem>>) src(%dma_wait3A_1263 : memref<8x64xf32, #tpu.memory_space<vmem>>) dst(%dma_wait3A_1261 : memref<8x64xf32, #tpu.memory_space<hbm>>)
      %jit3A_1264 = arith.constant 2 : i32
      %eq3A_1265 = arith.constant 0 : i32
      %eq3A_1266 = arith.cmpi eq, %jit3A_1264, %eq3A_1265 : i32
      %jit3A_1267 = arith.constant 1 : i32
      %select_n3A_1268 = arith.select %eq3A_1266, %jit3A_1267, %jit3A_1264 : i32
      %rem3A_1269 = arith.remsi %scan3A_1132, %select_n3A_1268 : i32
      %ne3A_1270 = arith.constant 0 : i32
      %ne3A_1271 = arith.cmpi ne, %rem3A_1269, %ne3A_1270 : i32
      %lt3A_1272 = arith.constant 0 : i32
      %lt3A_1273 = arith.cmpi slt, %rem3A_1269, %lt3A_1272 : i32
      %lt3A_1274 = arith.constant 0 : i32
      %lt3A_1275 = arith.cmpi slt, %select_n3A_1268, %lt3A_1274 : i32
      %ne3A_1276 = arith.xori %lt3A_1273, %lt3A_1275 : i1
      %and3A_1277 = arith.andi %ne3A_1276, %ne3A_1271 : i1
      %add3A_1278 = arith.addi %rem3A_1269, %select_n3A_1268 : i32
      %select_n3A_1279 = arith.select %and3A_1277, %add3A_1278, %rem3A_1269 : i32
      %mul3A_1280 = arith.constant 200 : i32
      %mul3A_1281 = arith.muli %select_n3A_1279, %mul3A_1280 : i32
      %mul3A_1282 = arith.constant 128 : i32
      %mul3A_1283 = arith.muli %add3A, %mul3A_1282 : i32
      %dma_wait3A_1284 = arith.constant 0 : i32
      %dma_wait3A_1285 = arith.constant 0 : i32
      %dma_wait3A_1286 = tpu.memref_slice %arg10[%mul3A_1281, %dma_wait3A_1285] : memref<400x64xf32, #tpu.memory_space<vmem>> -> memref<8x64xf32, #tpu.memory_space<vmem>>
      %dma_wait3A_1287 = arith.constant 0 : i32
      %dma_wait3A_1288 = arith.constant 0 : i32
      %dma_wait3A_1289 = tpu.memref_slice %arg5[%mul3A_1283, %dma_wait3A_1284, %dma_wait3A_1287, %dma_wait3A_1288] : memref<4096x25x8x128xf32, #tpu.memory_space<hbm>> -> memref<1x1x8x64xf32, #tpu.memory_space<hbm>>
      %dma_wait3A_1290 = tpu.memref_squeeze %dma_wait3A_1289 : memref<1x1x8x64xf32, #tpu.memory_space<hbm>> -> memref<8x64xf32, #tpu.memory_space<hbm>>
      %dma_wait3A_1291 = arith.constant 0 : i32
      %dma_wait3A_1292 = arith.constant 0 : i32
      %dma_wait3A_1293 = tpu.memref_slice %arg5[%mul3A_1283, %dma_wait3A_1284, %dma_wait3A_1291, %dma_wait3A_1292] : memref<4096x25x8x128xf32, #tpu.memory_space<hbm>> -> memref<1x1x8x64xf32, #tpu.memory_space<hbm>>
      %dma_wait3A_1294 = tpu.memref_squeeze %dma_wait3A_1293 : memref<1x1x8x64xf32, #tpu.memory_space<hbm>> -> memref<8x64xf32, #tpu.memory_space<hbm>>
      %dma_wait3A_1295 = arith.constant 0 : i32
      %dma_wait3A_1296 = tpu.memref_slice %arg10[%mul3A_1281, %dma_wait3A_1295] : memref<400x64xf32, #tpu.memory_space<vmem>> -> memref<8x64xf32, #tpu.memory_space<vmem>>
      tpu.wait_dma2 semaphore(%arg12 : memref<!tpu.dma_semaphore, #tpu.memory_space<semaphore_mem>>) src(%dma_wait3A_1296 : memref<8x64xf32, #tpu.memory_space<vmem>>) dst(%dma_wait3A_1294 : memref<8x64xf32, #tpu.memory_space<hbm>>)
      %jit3A_1297 = arith.constant 2 : i32
      %eq3A_1298 = arith.constant 0 : i32
      %eq3A_1299 = arith.cmpi eq, %jit3A_1297, %eq3A_1298 : i32
      %jit3A_1300 = arith.constant 1 : i32
      %select_n3A_1301 = arith.select %eq3A_1299, %jit3A_1300, %jit3A_1297 : i32
      %rem3A_1302 = arith.remsi %scan3A_1132, %select_n3A_1301 : i32
      %ne3A_1303 = arith.constant 0 : i32
      %ne3A_1304 = arith.cmpi ne, %rem3A_1302, %ne3A_1303 : i32
      %lt3A_1305 = arith.constant 0 : i32
      %lt3A_1306 = arith.cmpi slt, %rem3A_1302, %lt3A_1305 : i32
      %lt3A_1307 = arith.constant 0 : i32
      %lt3A_1308 = arith.cmpi slt, %select_n3A_1301, %lt3A_1307 : i32
      %ne3A_1309 = arith.xori %lt3A_1306, %lt3A_1308 : i1
      %and3A_1310 = arith.andi %ne3A_1309, %ne3A_1304 : i1
      %add3A_1311 = arith.addi %rem3A_1302, %select_n3A_1301 : i32
      %select_n3A_1312 = arith.select %and3A_1310, %add3A_1311, %rem3A_1302 : i32
      %mul3A_1313 = arith.constant 200 : i32
      %mul3A_1314 = arith.muli %select_n3A_1312, %mul3A_1313 : i32
      %mul3A_1315 = arith.constant 128 : i32
      %mul3A_1316 = arith.muli %add3A, %mul3A_1315 : i32
      %dma_wait3A_1317 = arith.constant 0 : i32
      %dma_wait3A_1318 = arith.constant 0 : i32
      %dma_wait3A_1319 = tpu.memref_slice %arg10[%mul3A_1314, %dma_wait3A_1318] : memref<400x64xf32, #tpu.memory_space<vmem>> -> memref<8x64xf32, #tpu.memory_space<vmem>>
      %dma_wait3A_1320 = arith.constant 0 : i32
      %dma_wait3A_1321 = arith.constant 0 : i32
      %dma_wait3A_1322 = tpu.memref_slice %arg5[%mul3A_1316, %dma_wait3A_1317, %dma_wait3A_1320, %dma_wait3A_1321] : memref<4096x25x8x128xf32, #tpu.memory_space<hbm>> -> memref<1x1x8x64xf32, #tpu.memory_space<hbm>>
      %dma_wait3A_1323 = tpu.memref_squeeze %dma_wait3A_1322 : memref<1x1x8x64xf32, #tpu.memory_space<hbm>> -> memref<8x64xf32, #tpu.memory_space<hbm>>
      %dma_wait3A_1324 = arith.constant 0 : i32
      %dma_wait3A_1325 = arith.constant 0 : i32
      %dma_wait3A_1326 = tpu.memref_slice %arg5[%mul3A_1316, %dma_wait3A_1317, %dma_wait3A_1324, %dma_wait3A_1325] : memref<4096x25x8x128xf32, #tpu.memory_space<hbm>> -> memref<1x1x8x64xf32, #tpu.memory_space<hbm>>
      %dma_wait3A_1327 = tpu.memref_squeeze %dma_wait3A_1326 : memref<1x1x8x64xf32, #tpu.memory_space<hbm>> -> memref<8x64xf32, #tpu.memory_space<hbm>>
      %dma_wait3A_1328 = arith.constant 0 : i32
      %dma_wait3A_1329 = tpu.memref_slice %arg10[%mul3A_1314, %dma_wait3A_1328] : memref<400x64xf32, #tpu.memory_space<vmem>> -> memref<8x64xf32, #tpu.memory_space<vmem>>
      tpu.wait_dma2 semaphore(%arg12 : memref<!tpu.dma_semaphore, #tpu.memory_space<semaphore_mem>>) src(%dma_wait3A_1329 : memref<8x64xf32, #tpu.memory_space<vmem>>) dst(%dma_wait3A_1327 : memref<8x64xf32, #tpu.memory_space<hbm>>)
      %jit3A_1330 = arith.constant 2 : i32
      %eq3A_1331 = arith.constant 0 : i32
      %eq3A_1332 = arith.cmpi eq, %jit3A_1330, %eq3A_1331 : i32
      %jit3A_1333 = arith.constant 1 : i32
      %select_n3A_1334 = arith.select %eq3A_1332, %jit3A_1333, %jit3A_1330 : i32
      %rem3A_1335 = arith.remsi %scan3A_1132, %select_n3A_1334 : i32
      %ne3A_1336 = arith.constant 0 : i32
      %ne3A_1337 = arith.cmpi ne, %rem3A_1335, %ne3A_1336 : i32
      %lt3A_1338 = arith.constant 0 : i32
      %lt3A_1339 = arith.cmpi slt, %rem3A_1335, %lt3A_1338 : i32
      %lt3A_1340 = arith.constant 0 : i32
      %lt3A_1341 = arith.cmpi slt, %select_n3A_1334, %lt3A_1340 : i32
      %ne3A_1342 = arith.xori %lt3A_1339, %lt3A_1341 : i1
      %and3A_1343 = arith.andi %ne3A_1342, %ne3A_1337 : i1
      %add3A_1344 = arith.addi %rem3A_1335, %select_n3A_1334 : i32
      %select_n3A_1345 = arith.select %and3A_1343, %add3A_1344, %rem3A_1335 : i32
      %mul3A_1346 = arith.constant 200 : i32
      %mul3A_1347 = arith.muli %select_n3A_1345, %mul3A_1346 : i32
      %mul3A_1348 = arith.constant 128 : i32
      %mul3A_1349 = arith.muli %add3A, %mul3A_1348 : i32
      %dma_wait3A_1350 = arith.constant 0 : i32
      %dma_wait3A_1351 = arith.constant 0 : i32
      %dma_wait3A_1352 = tpu.memref_slice %arg10[%mul3A_1347, %dma_wait3A_1351] : memref<400x64xf32, #tpu.memory_space<vmem>> -> memref<8x64xf32, #tpu.memory_space<vmem>>
      %dma_wait3A_1353 = arith.constant 0 : i32
      %dma_wait3A_1354 = arith.constant 0 : i32
      %dma_wait3A_1355 = tpu.memref_slice %arg5[%mul3A_1349, %dma_wait3A_1350, %dma_wait3A_1353, %dma_wait3A_1354] : memref<4096x25x8x128xf32, #tpu.memory_space<hbm>> -> memref<1x1x8x64xf32, #tpu.memory_space<hbm>>
      %dma_wait3A_1356 = tpu.memref_squeeze %dma_wait3A_1355 : memref<1x1x8x64xf32, #tpu.memory_space<hbm>> -> memref<8x64xf32, #tpu.memory_space<hbm>>
      %dma_wait3A_1357 = arith.constant 0 : i32
      %dma_wait3A_1358 = arith.constant 0 : i32
      %dma_wait3A_1359 = tpu.memref_slice %arg5[%mul3A_1349, %dma_wait3A_1350, %dma_wait3A_1357, %dma_wait3A_1358] : memref<4096x25x8x128xf32, #tpu.memory_space<hbm>> -> memref<1x1x8x64xf32, #tpu.memory_space<hbm>>
      %dma_wait3A_1360 = tpu.memref_squeeze %dma_wait3A_1359 : memref<1x1x8x64xf32, #tpu.memory_space<hbm>> -> memref<8x64xf32, #tpu.memory_space<hbm>>
      %dma_wait3A_1361 = arith.constant 0 : i32
      %dma_wait3A_1362 = tpu.memref_slice %arg10[%mul3A_1347, %dma_wait3A_1361] : memref<400x64xf32, #tpu.memory_space<vmem>> -> memref<8x64xf32, #tpu.memory_space<vmem>>
      tpu.wait_dma2 semaphore(%arg12 : memref<!tpu.dma_semaphore, #tpu.memory_space<semaphore_mem>>) src(%dma_wait3A_1362 : memref<8x64xf32, #tpu.memory_space<vmem>>) dst(%dma_wait3A_1360 : memref<8x64xf32, #tpu.memory_space<hbm>>)
      %jit3A_1363 = arith.constant 2 : i32
      %eq3A_1364 = arith.constant 0 : i32
      %eq3A_1365 = arith.cmpi eq, %jit3A_1363, %eq3A_1364 : i32
      %jit3A_1366 = arith.constant 1 : i32
      %select_n3A_1367 = arith.select %eq3A_1365, %jit3A_1366, %jit3A_1363 : i32
      %rem3A_1368 = arith.remsi %scan3A_1132, %select_n3A_1367 : i32
      %ne3A_1369 = arith.constant 0 : i32
      %ne3A_1370 = arith.cmpi ne, %rem3A_1368, %ne3A_1369 : i32
      %lt3A_1371 = arith.constant 0 : i32
      %lt3A_1372 = arith.cmpi slt, %rem3A_1368, %lt3A_1371 : i32
      %lt3A_1373 = arith.constant 0 : i32
      %lt3A_1374 = arith.cmpi slt, %select_n3A_1367, %lt3A_1373 : i32
      %ne3A_1375 = arith.xori %lt3A_1372, %lt3A_1374 : i1
      %and3A_1376 = arith.andi %ne3A_1375, %ne3A_1370 : i1
      %add3A_1377 = arith.addi %rem3A_1368, %select_n3A_1367 : i32
      %select_n3A_1378 = arith.select %and3A_1376, %add3A_1377, %rem3A_1368 : i32
      %mul3A_1379 = arith.constant 200 : i32
      %mul3A_1380 = arith.muli %select_n3A_1378, %mul3A_1379 : i32
      %mul3A_1381 = arith.constant 128 : i32
      %mul3A_1382 = arith.muli %add3A, %mul3A_1381 : i32
      %dma_wait3A_1383 = arith.constant 0 : i32
      %dma_wait3A_1384 = arith.constant 0 : i32
      %dma_wait3A_1385 = tpu.memref_slice %arg10[%mul3A_1380, %dma_wait3A_1384] : memref<400x64xf32, #tpu.memory_space<vmem>> -> memref<8x64xf32, #tpu.memory_space<vmem>>
      %dma_wait3A_1386 = arith.constant 0 : i32
      %dma_wait3A_1387 = arith.constant 0 : i32
      %dma_wait3A_1388 = tpu.memref_slice %arg5[%mul3A_1382, %dma_wait3A_1383, %dma_wait3A_1386, %dma_wait3A_1387] : memref<4096x25x8x128xf32, #tpu.memory_space<hbm>> -> memref<1x1x8x64xf32, #tpu.memory_space<hbm>>
      %dma_wait3A_1389 = tpu.memref_squeeze %dma_wait3A_1388 : memref<1x1x8x64xf32, #tpu.memory_space<hbm>> -> memref<8x64xf32, #tpu.memory_space<hbm>>
      %dma_wait3A_1390 = arith.constant 0 : i32
      %dma_wait3A_1391 = arith.constant 0 : i32
      %dma_wait3A_1392 = tpu.memref_slice %arg5[%mul3A_1382, %dma_wait3A_1383, %dma_wait3A_1390, %dma_wait3A_1391] : memref<4096x25x8x128xf32, #tpu.memory_space<hbm>> -> memref<1x1x8x64xf32, #tpu.memory_space<hbm>>
      %dma_wait3A_1393 = tpu.memref_squeeze %dma_wait3A_1392 : memref<1x1x8x64xf32, #tpu.memory_space<hbm>> -> memref<8x64xf32, #tpu.memory_space<hbm>>
      %dma_wait3A_1394 = arith.constant 0 : i32
      %dma_wait3A_1395 = tpu.memref_slice %arg10[%mul3A_1380, %dma_wait3A_1394] : memref<400x64xf32, #tpu.memory_space<vmem>> -> memref<8x64xf32, #tpu.memory_space<vmem>>
      tpu.wait_dma2 semaphore(%arg12 : memref<!tpu.dma_semaphore, #tpu.memory_space<semaphore_mem>>) src(%dma_wait3A_1395 : memref<8x64xf32, #tpu.memory_space<vmem>>) dst(%dma_wait3A_1393 : memref<8x64xf32, #tpu.memory_space<hbm>>)
      %jit3A_1396 = arith.constant 2 : i32
      %eq3A_1397 = arith.constant 0 : i32
      %eq3A_1398 = arith.cmpi eq, %jit3A_1396, %eq3A_1397 : i32
      %jit3A_1399 = arith.constant 1 : i32
      %select_n3A_1400 = arith.select %eq3A_1398, %jit3A_1399, %jit3A_1396 : i32
      %rem3A_1401 = arith.remsi %scan3A_1132, %select_n3A_1400 : i32
      %ne3A_1402 = arith.constant 0 : i32
      %ne3A_1403 = arith.cmpi ne, %rem3A_1401, %ne3A_1402 : i32
      %lt3A_1404 = arith.constant 0 : i32
      %lt3A_1405 = arith.cmpi slt, %rem3A_1401, %lt3A_1404 : i32
      %lt3A_1406 = arith.constant 0 : i32
      %lt3A_1407 = arith.cmpi slt, %select_n3A_1400, %lt3A_1406 : i32
      %ne3A_1408 = arith.xori %lt3A_1405, %lt3A_1407 : i1
      %and3A_1409 = arith.andi %ne3A_1408, %ne3A_1403 : i1
      %add3A_1410 = arith.addi %rem3A_1401, %select_n3A_1400 : i32
      %select_n3A_1411 = arith.select %and3A_1409, %add3A_1410, %rem3A_1401 : i32
      %mul3A_1412 = arith.constant 200 : i32
      %mul3A_1413 = arith.muli %select_n3A_1411, %mul3A_1412 : i32
      %mul3A_1414 = arith.constant 128 : i32
      %mul3A_1415 = arith.muli %add3A, %mul3A_1414 : i32
      %dma_wait3A_1416 = arith.constant 0 : i32
      %dma_wait3A_1417 = arith.constant 0 : i32
      %dma_wait3A_1418 = tpu.memref_slice %arg10[%mul3A_1413, %dma_wait3A_1417] : memref<400x64xf32, #tpu.memory_space<vmem>> -> memref<8x64xf32, #tpu.memory_space<vmem>>
      %dma_wait3A_1419 = arith.constant 0 : i32
      %dma_wait3A_1420 = arith.constant 0 : i32
      %dma_wait3A_1421 = tpu.memref_slice %arg5[%mul3A_1415, %dma_wait3A_1416, %dma_wait3A_1419, %dma_wait3A_1420] : memref<4096x25x8x128xf32, #tpu.memory_space<hbm>> -> memref<1x1x8x64xf32, #tpu.memory_space<hbm>>
      %dma_wait3A_1422 = tpu.memref_squeeze %dma_wait3A_1421 : memref<1x1x8x64xf32, #tpu.memory_space<hbm>> -> memref<8x64xf32, #tpu.memory_space<hbm>>
      %dma_wait3A_1423 = arith.constant 0 : i32
      %dma_wait3A_1424 = arith.constant 0 : i32
      %dma_wait3A_1425 = tpu.memref_slice %arg5[%mul3A_1415, %dma_wait3A_1416, %dma_wait3A_1423, %dma_wait3A_1424] : memref<4096x25x8x128xf32, #tpu.memory_space<hbm>> -> memref<1x1x8x64xf32, #tpu.memory_space<hbm>>
      %dma_wait3A_1426 = tpu.memref_squeeze %dma_wait3A_1425 : memref<1x1x8x64xf32, #tpu.memory_space<hbm>> -> memref<8x64xf32, #tpu.memory_space<hbm>>
      %dma_wait3A_1427 = arith.constant 0 : i32
      %dma_wait3A_1428 = tpu.memref_slice %arg10[%mul3A_1413, %dma_wait3A_1427] : memref<400x64xf32, #tpu.memory_space<vmem>> -> memref<8x64xf32, #tpu.memory_space<vmem>>
      tpu.wait_dma2 semaphore(%arg12 : memref<!tpu.dma_semaphore, #tpu.memory_space<semaphore_mem>>) src(%dma_wait3A_1428 : memref<8x64xf32, #tpu.memory_space<vmem>>) dst(%dma_wait3A_1426 : memref<8x64xf32, #tpu.memory_space<hbm>>)
      %jit3A_1429 = arith.constant 2 : i32
      %eq3A_1430 = arith.constant 0 : i32
      %eq3A_1431 = arith.cmpi eq, %jit3A_1429, %eq3A_1430 : i32
      %jit3A_1432 = arith.constant 1 : i32
      %select_n3A_1433 = arith.select %eq3A_1431, %jit3A_1432, %jit3A_1429 : i32
      %rem3A_1434 = arith.remsi %scan3A_1132, %select_n3A_1433 : i32
      %ne3A_1435 = arith.constant 0 : i32
      %ne3A_1436 = arith.cmpi ne, %rem3A_1434, %ne3A_1435 : i32
      %lt3A_1437 = arith.constant 0 : i32
      %lt3A_1438 = arith.cmpi slt, %rem3A_1434, %lt3A_1437 : i32
      %lt3A_1439 = arith.constant 0 : i32
      %lt3A_1440 = arith.cmpi slt, %select_n3A_1433, %lt3A_1439 : i32
      %ne3A_1441 = arith.xori %lt3A_1438, %lt3A_1440 : i1
      %and3A_1442 = arith.andi %ne3A_1441, %ne3A_1436 : i1
      %add3A_1443 = arith.addi %rem3A_1434, %select_n3A_1433 : i32
      %select_n3A_1444 = arith.select %and3A_1442, %add3A_1443, %rem3A_1434 : i32
      %mul3A_1445 = arith.constant 200 : i32
      %mul3A_1446 = arith.muli %select_n3A_1444, %mul3A_1445 : i32
      %mul3A_1447 = arith.constant 128 : i32
      %mul3A_1448 = arith.muli %add3A, %mul3A_1447 : i32
      %dma_wait3A_1449 = arith.constant 0 : i32
      %dma_wait3A_1450 = arith.constant 0 : i32
      %dma_wait3A_1451 = tpu.memref_slice %arg10[%mul3A_1446, %dma_wait3A_1450] : memref<400x64xf32, #tpu.memory_space<vmem>> -> memref<8x64xf32, #tpu.memory_space<vmem>>
      %dma_wait3A_1452 = arith.constant 0 : i32
      %dma_wait3A_1453 = arith.constant 0 : i32
      %dma_wait3A_1454 = tpu.memref_slice %arg5[%mul3A_1448, %dma_wait3A_1449, %dma_wait3A_1452, %dma_wait3A_1453] : memref<4096x25x8x128xf32, #tpu.memory_space<hbm>> -> memref<1x1x8x64xf32, #tpu.memory_space<hbm>>
      %dma_wait3A_1455 = tpu.memref_squeeze %dma_wait3A_1454 : memref<1x1x8x64xf32, #tpu.memory_space<hbm>> -> memref<8x64xf32, #tpu.memory_space<hbm>>
      %dma_wait3A_1456 = arith.constant 0 : i32
      %dma_wait3A_1457 = arith.constant 0 : i32
      %dma_wait3A_1458 = tpu.memref_slice %arg5[%mul3A_1448, %dma_wait3A_1449, %dma_wait3A_1456, %dma_wait3A_1457] : memref<4096x25x8x128xf32, #tpu.memory_space<hbm>> -> memref<1x1x8x64xf32, #tpu.memory_space<hbm>>
      %dma_wait3A_1459 = tpu.memref_squeeze %dma_wait3A_1458 : memref<1x1x8x64xf32, #tpu.memory_space<hbm>> -> memref<8x64xf32, #tpu.memory_space<hbm>>
      %dma_wait3A_1460 = arith.constant 0 : i32
      %dma_wait3A_1461 = tpu.memref_slice %arg10[%mul3A_1446, %dma_wait3A_1460] : memref<400x64xf32, #tpu.memory_space<vmem>> -> memref<8x64xf32, #tpu.memory_space<vmem>>
      tpu.wait_dma2 semaphore(%arg12 : memref<!tpu.dma_semaphore, #tpu.memory_space<semaphore_mem>>) src(%dma_wait3A_1461 : memref<8x64xf32, #tpu.memory_space<vmem>>) dst(%dma_wait3A_1459 : memref<8x64xf32, #tpu.memory_space<hbm>>)
      %jit3A_1462 = arith.constant 2 : i32
      %eq3A_1463 = arith.constant 0 : i32
      %eq3A_1464 = arith.cmpi eq, %jit3A_1462, %eq3A_1463 : i32
      %jit3A_1465 = arith.constant 1 : i32
      %select_n3A_1466 = arith.select %eq3A_1464, %jit3A_1465, %jit3A_1462 : i32
      %rem3A_1467 = arith.remsi %scan3A_1132, %select_n3A_1466 : i32
      %ne3A_1468 = arith.constant 0 : i32
      %ne3A_1469 = arith.cmpi ne, %rem3A_1467, %ne3A_1468 : i32
      %lt3A_1470 = arith.constant 0 : i32
      %lt3A_1471 = arith.cmpi slt, %rem3A_1467, %lt3A_1470 : i32
      %lt3A_1472 = arith.constant 0 : i32
      %lt3A_1473 = arith.cmpi slt, %select_n3A_1466, %lt3A_1472 : i32
      %ne3A_1474 = arith.xori %lt3A_1471, %lt3A_1473 : i1
      %and3A_1475 = arith.andi %ne3A_1474, %ne3A_1469 : i1
      %add3A_1476 = arith.addi %rem3A_1467, %select_n3A_1466 : i32
      %select_n3A_1477 = arith.select %and3A_1475, %add3A_1476, %rem3A_1467 : i32
      %mul3A_1478 = arith.constant 200 : i32
      %mul3A_1479 = arith.muli %select_n3A_1477, %mul3A_1478 : i32
      %mul3A_1480 = arith.constant 128 : i32
      %mul3A_1481 = arith.muli %add3A, %mul3A_1480 : i32
      %dma_wait3A_1482 = arith.constant 0 : i32
      %dma_wait3A_1483 = arith.constant 0 : i32
      %dma_wait3A_1484 = tpu.memref_slice %arg10[%mul3A_1479, %dma_wait3A_1483] : memref<400x64xf32, #tpu.memory_space<vmem>> -> memref<8x64xf32, #tpu.memory_space<vmem>>
      %dma_wait3A_1485 = arith.constant 0 : i32
      %dma_wait3A_1486 = arith.constant 0 : i32
      %dma_wait3A_1487 = tpu.memref_slice %arg5[%mul3A_1481, %dma_wait3A_1482, %dma_wait3A_1485, %dma_wait3A_1486] : memref<4096x25x8x128xf32, #tpu.memory_space<hbm>> -> memref<1x1x8x64xf32, #tpu.memory_space<hbm>>
      %dma_wait3A_1488 = tpu.memref_squeeze %dma_wait3A_1487 : memref<1x1x8x64xf32, #tpu.memory_space<hbm>> -> memref<8x64xf32, #tpu.memory_space<hbm>>
      %dma_wait3A_1489 = arith.constant 0 : i32
      %dma_wait3A_1490 = arith.constant 0 : i32
      %dma_wait3A_1491 = tpu.memref_slice %arg5[%mul3A_1481, %dma_wait3A_1482, %dma_wait3A_1489, %dma_wait3A_1490] : memref<4096x25x8x128xf32, #tpu.memory_space<hbm>> -> memref<1x1x8x64xf32, #tpu.memory_space<hbm>>
      %dma_wait3A_1492 = tpu.memref_squeeze %dma_wait3A_1491 : memref<1x1x8x64xf32, #tpu.memory_space<hbm>> -> memref<8x64xf32, #tpu.memory_space<hbm>>
      %dma_wait3A_1493 = arith.constant 0 : i32
      %dma_wait3A_1494 = tpu.memref_slice %arg10[%mul3A_1479, %dma_wait3A_1493] : memref<400x64xf32, #tpu.memory_space<vmem>> -> memref<8x64xf32, #tpu.memory_space<vmem>>
      tpu.wait_dma2 semaphore(%arg12 : memref<!tpu.dma_semaphore, #tpu.memory_space<semaphore_mem>>) src(%dma_wait3A_1494 : memref<8x64xf32, #tpu.memory_space<vmem>>) dst(%dma_wait3A_1492 : memref<8x64xf32, #tpu.memory_space<hbm>>)
      %jit3A_1495 = arith.constant 2 : i32
      %eq3A_1496 = arith.constant 0 : i32
      %eq3A_1497 = arith.cmpi eq, %jit3A_1495, %eq3A_1496 : i32
      %jit3A_1498 = arith.constant 1 : i32
      %select_n3A_1499 = arith.select %eq3A_1497, %jit3A_1498, %jit3A_1495 : i32
      %rem3A_1500 = arith.remsi %scan3A_1132, %select_n3A_1499 : i32
      %ne3A_1501 = arith.constant 0 : i32
      %ne3A_1502 = arith.cmpi ne, %rem3A_1500, %ne3A_1501 : i32
      %lt3A_1503 = arith.constant 0 : i32
      %lt3A_1504 = arith.cmpi slt, %rem3A_1500, %lt3A_1503 : i32
      %lt3A_1505 = arith.constant 0 : i32
      %lt3A_1506 = arith.cmpi slt, %select_n3A_1499, %lt3A_1505 : i32
      %ne3A_1507 = arith.xori %lt3A_1504, %lt3A_1506 : i1
      %and3A_1508 = arith.andi %ne3A_1507, %ne3A_1502 : i1
      %add3A_1509 = arith.addi %rem3A_1500, %select_n3A_1499 : i32
      %select_n3A_1510 = arith.select %and3A_1508, %add3A_1509, %rem3A_1500 : i32
      %mul3A_1511 = arith.constant 200 : i32
      %mul3A_1512 = arith.muli %select_n3A_1510, %mul3A_1511 : i32
      %mul3A_1513 = arith.constant 128 : i32
      %mul3A_1514 = arith.muli %add3A, %mul3A_1513 : i32
      %dma_wait3A_1515 = arith.constant 0 : i32
      %dma_wait3A_1516 = arith.constant 0 : i32
      %dma_wait3A_1517 = tpu.memref_slice %arg10[%mul3A_1512, %dma_wait3A_1516] : memref<400x64xf32, #tpu.memory_space<vmem>> -> memref<8x64xf32, #tpu.memory_space<vmem>>
      %dma_wait3A_1518 = arith.constant 0 : i32
      %dma_wait3A_1519 = arith.constant 0 : i32
      %dma_wait3A_1520 = tpu.memref_slice %arg5[%mul3A_1514, %dma_wait3A_1515, %dma_wait3A_1518, %dma_wait3A_1519] : memref<4096x25x8x128xf32, #tpu.memory_space<hbm>> -> memref<1x1x8x64xf32, #tpu.memory_space<hbm>>
      %dma_wait3A_1521 = tpu.memref_squeeze %dma_wait3A_1520 : memref<1x1x8x64xf32, #tpu.memory_space<hbm>> -> memref<8x64xf32, #tpu.memory_space<hbm>>
      %dma_wait3A_1522 = arith.constant 0 : i32
      %dma_wait3A_1523 = arith.constant 0 : i32
      %dma_wait3A_1524 = tpu.memref_slice %arg5[%mul3A_1514, %dma_wait3A_1515, %dma_wait3A_1522, %dma_wait3A_1523] : memref<4096x25x8x128xf32, #tpu.memory_space<hbm>> -> memref<1x1x8x64xf32, #tpu.memory_space<hbm>>
      %dma_wait3A_1525 = tpu.memref_squeeze %dma_wait3A_1524 : memref<1x1x8x64xf32, #tpu.memory_space<hbm>> -> memref<8x64xf32, #tpu.memory_space<hbm>>
      %dma_wait3A_1526 = arith.constant 0 : i32
      %dma_wait3A_1527 = tpu.memref_slice %arg10[%mul3A_1512, %dma_wait3A_1526] : memref<400x64xf32, #tpu.memory_space<vmem>> -> memref<8x64xf32, #tpu.memory_space<vmem>>
      tpu.wait_dma2 semaphore(%arg12 : memref<!tpu.dma_semaphore, #tpu.memory_space<semaphore_mem>>) src(%dma_wait3A_1527 : memref<8x64xf32, #tpu.memory_space<vmem>>) dst(%dma_wait3A_1525 : memref<8x64xf32, #tpu.memory_space<hbm>>)
      %jit3A_1528 = arith.constant 2 : i32
      %eq3A_1529 = arith.constant 0 : i32
      %eq3A_1530 = arith.cmpi eq, %jit3A_1528, %eq3A_1529 : i32
      %jit3A_1531 = arith.constant 1 : i32
      %select_n3A_1532 = arith.select %eq3A_1530, %jit3A_1531, %jit3A_1528 : i32
      %rem3A_1533 = arith.remsi %scan3A_1132, %select_n3A_1532 : i32
      %ne3A_1534 = arith.constant 0 : i32
      %ne3A_1535 = arith.cmpi ne, %rem3A_1533, %ne3A_1534 : i32
      %lt3A_1536 = arith.constant 0 : i32
      %lt3A_1537 = arith.cmpi slt, %rem3A_1533, %lt3A_1536 : i32
      %lt3A_1538 = arith.constant 0 : i32
      %lt3A_1539 = arith.cmpi slt, %select_n3A_1532, %lt3A_1538 : i32
      %ne3A_1540 = arith.xori %lt3A_1537, %lt3A_1539 : i1
      %and3A_1541 = arith.andi %ne3A_1540, %ne3A_1535 : i1
      %add3A_1542 = arith.addi %rem3A_1533, %select_n3A_1532 : i32
      %select_n3A_1543 = arith.select %and3A_1541, %add3A_1542, %rem3A_1533 : i32
      %mul3A_1544 = arith.constant 200 : i32
      %mul3A_1545 = arith.muli %select_n3A_1543, %mul3A_1544 : i32
      %mul3A_1546 = arith.constant 128 : i32
      %mul3A_1547 = arith.muli %add3A, %mul3A_1546 : i32
      %dma_wait3A_1548 = arith.constant 0 : i32
      %dma_wait3A_1549 = arith.constant 0 : i32
      %dma_wait3A_1550 = tpu.memref_slice %arg10[%mul3A_1545, %dma_wait3A_1549] : memref<400x64xf32, #tpu.memory_space<vmem>> -> memref<8x64xf32, #tpu.memory_space<vmem>>
      %dma_wait3A_1551 = arith.constant 0 : i32
      %dma_wait3A_1552 = arith.constant 0 : i32
      %dma_wait3A_1553 = tpu.memref_slice %arg5[%mul3A_1547, %dma_wait3A_1548, %dma_wait3A_1551, %dma_wait3A_1552] : memref<4096x25x8x128xf32, #tpu.memory_space<hbm>> -> memref<1x1x8x64xf32, #tpu.memory_space<hbm>>
      %dma_wait3A_1554 = tpu.memref_squeeze %dma_wait3A_1553 : memref<1x1x8x64xf32, #tpu.memory_space<hbm>> -> memref<8x64xf32, #tpu.memory_space<hbm>>
      %dma_wait3A_1555 = arith.constant 0 : i32
      %dma_wait3A_1556 = arith.constant 0 : i32
      %dma_wait3A_1557 = tpu.memref_slice %arg5[%mul3A_1547, %dma_wait3A_1548, %dma_wait3A_1555, %dma_wait3A_1556] : memref<4096x25x8x128xf32, #tpu.memory_space<hbm>> -> memref<1x1x8x64xf32, #tpu.memory_space<hbm>>
      %dma_wait3A_1558 = tpu.memref_squeeze %dma_wait3A_1557 : memref<1x1x8x64xf32, #tpu.memory_space<hbm>> -> memref<8x64xf32, #tpu.memory_space<hbm>>
      %dma_wait3A_1559 = arith.constant 0 : i32
      %dma_wait3A_1560 = tpu.memref_slice %arg10[%mul3A_1545, %dma_wait3A_1559] : memref<400x64xf32, #tpu.memory_space<vmem>> -> memref<8x64xf32, #tpu.memory_space<vmem>>
      tpu.wait_dma2 semaphore(%arg12 : memref<!tpu.dma_semaphore, #tpu.memory_space<semaphore_mem>>) src(%dma_wait3A_1560 : memref<8x64xf32, #tpu.memory_space<vmem>>) dst(%dma_wait3A_1558 : memref<8x64xf32, #tpu.memory_space<hbm>>)
      %jit3A_1561 = arith.constant 2 : i32
      %eq3A_1562 = arith.constant 0 : i32
      %eq3A_1563 = arith.cmpi eq, %jit3A_1561, %eq3A_1562 : i32
      %jit3A_1564 = arith.constant 1 : i32
      %select_n3A_1565 = arith.select %eq3A_1563, %jit3A_1564, %jit3A_1561 : i32
      %rem3A_1566 = arith.remsi %scan3A_1132, %select_n3A_1565 : i32
      %ne3A_1567 = arith.constant 0 : i32
      %ne3A_1568 = arith.cmpi ne, %rem3A_1566, %ne3A_1567 : i32
      %lt3A_1569 = arith.constant 0 : i32
      %lt3A_1570 = arith.cmpi slt, %rem3A_1566, %lt3A_1569 : i32
      %lt3A_1571 = arith.constant 0 : i32
      %lt3A_1572 = arith.cmpi slt, %select_n3A_1565, %lt3A_1571 : i32
      %ne3A_1573 = arith.xori %lt3A_1570, %lt3A_1572 : i1
      %and3A_1574 = arith.andi %ne3A_1573, %ne3A_1568 : i1
      %add3A_1575 = arith.addi %rem3A_1566, %select_n3A_1565 : i32
      %select_n3A_1576 = arith.select %and3A_1574, %add3A_1575, %rem3A_1566 : i32
      %mul3A_1577 = arith.constant 200 : i32
      %mul3A_1578 = arith.muli %select_n3A_1576, %mul3A_1577 : i32
      %mul3A_1579 = arith.constant 128 : i32
      %mul3A_1580 = arith.muli %add3A, %mul3A_1579 : i32
      %dma_wait3A_1581 = arith.constant 0 : i32
      %dma_wait3A_1582 = arith.constant 0 : i32
      %dma_wait3A_1583 = tpu.memref_slice %arg10[%mul3A_1578, %dma_wait3A_1582] : memref<400x64xf32, #tpu.memory_space<vmem>> -> memref<8x64xf32, #tpu.memory_space<vmem>>
      %dma_wait3A_1584 = arith.constant 0 : i32
      %dma_wait3A_1585 = arith.constant 0 : i32
      %dma_wait3A_1586 = tpu.memref_slice %arg5[%mul3A_1580, %dma_wait3A_1581, %dma_wait3A_1584, %dma_wait3A_1585] : memref<4096x25x8x128xf32, #tpu.memory_space<hbm>> -> memref<1x1x8x64xf32, #tpu.memory_space<hbm>>
      %dma_wait3A_1587 = tpu.memref_squeeze %dma_wait3A_1586 : memref<1x1x8x64xf32, #tpu.memory_space<hbm>> -> memref<8x64xf32, #tpu.memory_space<hbm>>
      %dma_wait3A_1588 = arith.constant 0 : i32
      %dma_wait3A_1589 = arith.constant 0 : i32
      %dma_wait3A_1590 = tpu.memref_slice %arg5[%mul3A_1580, %dma_wait3A_1581, %dma_wait3A_1588, %dma_wait3A_1589] : memref<4096x25x8x128xf32, #tpu.memory_space<hbm>> -> memref<1x1x8x64xf32, #tpu.memory_space<hbm>>
      %dma_wait3A_1591 = tpu.memref_squeeze %dma_wait3A_1590 : memref<1x1x8x64xf32, #tpu.memory_space<hbm>> -> memref<8x64xf32, #tpu.memory_space<hbm>>
      %dma_wait3A_1592 = arith.constant 0 : i32
      %dma_wait3A_1593 = tpu.memref_slice %arg10[%mul3A_1578, %dma_wait3A_1592] : memref<400x64xf32, #tpu.memory_space<vmem>> -> memref<8x64xf32, #tpu.memory_space<vmem>>
      tpu.wait_dma2 semaphore(%arg12 : memref<!tpu.dma_semaphore, #tpu.memory_space<semaphore_mem>>) src(%dma_wait3A_1593 : memref<8x64xf32, #tpu.memory_space<vmem>>) dst(%dma_wait3A_1591 : memref<8x64xf32, #tpu.memory_space<hbm>>)
      %jit3A_1594 = arith.constant 2 : i32
      %eq3A_1595 = arith.constant 0 : i32
      %eq3A_1596 = arith.cmpi eq, %jit3A_1594, %eq3A_1595 : i32
      %jit3A_1597 = arith.constant 1 : i32
      %select_n3A_1598 = arith.select %eq3A_1596, %jit3A_1597, %jit3A_1594 : i32
      %rem3A_1599 = arith.remsi %scan3A_1132, %select_n3A_1598 : i32
      %ne3A_1600 = arith.constant 0 : i32
      %ne3A_1601 = arith.cmpi ne, %rem3A_1599, %ne3A_1600 : i32
      %lt3A_1602 = arith.constant 0 : i32
      %lt3A_1603 = arith.cmpi slt, %rem3A_1599, %lt3A_1602 : i32
      %lt3A_1604 = arith.constant 0 : i32
      %lt3A_1605 = arith.cmpi slt, %select_n3A_1598, %lt3A_1604 : i32
      %ne3A_1606 = arith.xori %lt3A_1603, %lt3A_1605 : i1
      %and3A_1607 = arith.andi %ne3A_1606, %ne3A_1601 : i1
      %add3A_1608 = arith.addi %rem3A_1599, %select_n3A_1598 : i32
      %select_n3A_1609 = arith.select %and3A_1607, %add3A_1608, %rem3A_1599 : i32
      %mul3A_1610 = arith.constant 200 : i32
      %mul3A_1611 = arith.muli %select_n3A_1609, %mul3A_1610 : i32
      %mul3A_1612 = arith.constant 128 : i32
      %mul3A_1613 = arith.muli %add3A, %mul3A_1612 : i32
      %dma_wait3A_1614 = arith.constant 0 : i32
      %dma_wait3A_1615 = arith.constant 0 : i32
      %dma_wait3A_1616 = tpu.memref_slice %arg10[%mul3A_1611, %dma_wait3A_1615] : memref<400x64xf32, #tpu.memory_space<vmem>> -> memref<8x64xf32, #tpu.memory_space<vmem>>
      %dma_wait3A_1617 = arith.constant 0 : i32
      %dma_wait3A_1618 = arith.constant 0 : i32
      %dma_wait3A_1619 = tpu.memref_slice %arg5[%mul3A_1613, %dma_wait3A_1614, %dma_wait3A_1617, %dma_wait3A_1618] : memref<4096x25x8x128xf32, #tpu.memory_space<hbm>> -> memref<1x1x8x64xf32, #tpu.memory_space<hbm>>
      %dma_wait3A_1620 = tpu.memref_squeeze %dma_wait3A_1619 : memref<1x1x8x64xf32, #tpu.memory_space<hbm>> -> memref<8x64xf32, #tpu.memory_space<hbm>>
      %dma_wait3A_1621 = arith.constant 0 : i32
      %dma_wait3A_1622 = arith.constant 0 : i32
      %dma_wait3A_1623 = tpu.memref_slice %arg5[%mul3A_1613, %dma_wait3A_1614, %dma_wait3A_1621, %dma_wait3A_1622] : memref<4096x25x8x128xf32, #tpu.memory_space<hbm>> -> memref<1x1x8x64xf32, #tpu.memory_space<hbm>>
      %dma_wait3A_1624 = tpu.memref_squeeze %dma_wait3A_1623 : memref<1x1x8x64xf32, #tpu.memory_space<hbm>> -> memref<8x64xf32, #tpu.memory_space<hbm>>
      %dma_wait3A_1625 = arith.constant 0 : i32
      %dma_wait3A_1626 = tpu.memref_slice %arg10[%mul3A_1611, %dma_wait3A_1625] : memref<400x64xf32, #tpu.memory_space<vmem>> -> memref<8x64xf32, #tpu.memory_space<vmem>>
      tpu.wait_dma2 semaphore(%arg12 : memref<!tpu.dma_semaphore, #tpu.memory_space<semaphore_mem>>) src(%dma_wait3A_1626 : memref<8x64xf32, #tpu.memory_space<vmem>>) dst(%dma_wait3A_1624 : memref<8x64xf32, #tpu.memory_space<hbm>>)
      %jit3A_1627 = arith.constant 2 : i32
      %eq3A_1628 = arith.constant 0 : i32
      %eq3A_1629 = arith.cmpi eq, %jit3A_1627, %eq3A_1628 : i32
      %jit3A_1630 = arith.constant 1 : i32
      %select_n3A_1631 = arith.select %eq3A_1629, %jit3A_1630, %jit3A_1627 : i32
      %rem3A_1632 = arith.remsi %scan3A_1132, %select_n3A_1631 : i32
      %ne3A_1633 = arith.constant 0 : i32
      %ne3A_1634 = arith.cmpi ne, %rem3A_1632, %ne3A_1633 : i32
      %lt3A_1635 = arith.constant 0 : i32
      %lt3A_1636 = arith.cmpi slt, %rem3A_1632, %lt3A_1635 : i32
      %lt3A_1637 = arith.constant 0 : i32
      %lt3A_1638 = arith.cmpi slt, %select_n3A_1631, %lt3A_1637 : i32
      %ne3A_1639 = arith.xori %lt3A_1636, %lt3A_1638 : i1
      %and3A_1640 = arith.andi %ne3A_1639, %ne3A_1634 : i1
      %add3A_1641 = arith.addi %rem3A_1632, %select_n3A_1631 : i32
      %select_n3A_1642 = arith.select %and3A_1640, %add3A_1641, %rem3A_1632 : i32
      %mul3A_1643 = arith.constant 200 : i32
      %mul3A_1644 = arith.muli %select_n3A_1642, %mul3A_1643 : i32
      %mul3A_1645 = arith.constant 128 : i32
      %mul3A_1646 = arith.muli %add3A, %mul3A_1645 : i32
      %dma_wait3A_1647 = arith.constant 0 : i32
      %dma_wait3A_1648 = arith.constant 0 : i32
      %dma_wait3A_1649 = tpu.memref_slice %arg10[%mul3A_1644, %dma_wait3A_1648] : memref<400x64xf32, #tpu.memory_space<vmem>> -> memref<8x64xf32, #tpu.memory_space<vmem>>
      %dma_wait3A_1650 = arith.constant 0 : i32
      %dma_wait3A_1651 = arith.constant 0 : i32
      %dma_wait3A_1652 = tpu.memref_slice %arg5[%mul3A_1646, %dma_wait3A_1647, %dma_wait3A_1650, %dma_wait3A_1651] : memref<4096x25x8x128xf32, #tpu.memory_space<hbm>> -> memref<1x1x8x64xf32, #tpu.memory_space<hbm>>
      %dma_wait3A_1653 = tpu.memref_squeeze %dma_wait3A_1652 : memref<1x1x8x64xf32, #tpu.memory_space<hbm>> -> memref<8x64xf32, #tpu.memory_space<hbm>>
      %dma_wait3A_1654 = arith.constant 0 : i32
      %dma_wait3A_1655 = arith.constant 0 : i32
      %dma_wait3A_1656 = tpu.memref_slice %arg5[%mul3A_1646, %dma_wait3A_1647, %dma_wait3A_1654, %dma_wait3A_1655] : memref<4096x25x8x128xf32, #tpu.memory_space<hbm>> -> memref<1x1x8x64xf32, #tpu.memory_space<hbm>>
      %dma_wait3A_1657 = tpu.memref_squeeze %dma_wait3A_1656 : memref<1x1x8x64xf32, #tpu.memory_space<hbm>> -> memref<8x64xf32, #tpu.memory_space<hbm>>
      %dma_wait3A_1658 = arith.constant 0 : i32
      %dma_wait3A_1659 = tpu.memref_slice %arg10[%mul3A_1644, %dma_wait3A_1658] : memref<400x64xf32, #tpu.memory_space<vmem>> -> memref<8x64xf32, #tpu.memory_space<vmem>>
      tpu.wait_dma2 semaphore(%arg12 : memref<!tpu.dma_semaphore, #tpu.memory_space<semaphore_mem>>) src(%dma_wait3A_1659 : memref<8x64xf32, #tpu.memory_space<vmem>>) dst(%dma_wait3A_1657 : memref<8x64xf32, #tpu.memory_space<hbm>>)
      %jit3A_1660 = arith.constant 2 : i32
      %eq3A_1661 = arith.constant 0 : i32
      %eq3A_1662 = arith.cmpi eq, %jit3A_1660, %eq3A_1661 : i32
      %jit3A_1663 = arith.constant 1 : i32
      %select_n3A_1664 = arith.select %eq3A_1662, %jit3A_1663, %jit3A_1660 : i32
      %rem3A_1665 = arith.remsi %scan3A_1132, %select_n3A_1664 : i32
      %ne3A_1666 = arith.constant 0 : i32
      %ne3A_1667 = arith.cmpi ne, %rem3A_1665, %ne3A_1666 : i32
      %lt3A_1668 = arith.constant 0 : i32
      %lt3A_1669 = arith.cmpi slt, %rem3A_1665, %lt3A_1668 : i32
      %lt3A_1670 = arith.constant 0 : i32
      %lt3A_1671 = arith.cmpi slt, %select_n3A_1664, %lt3A_1670 : i32
      %ne3A_1672 = arith.xori %lt3A_1669, %lt3A_1671 : i1
      %and3A_1673 = arith.andi %ne3A_1672, %ne3A_1667 : i1
      %add3A_1674 = arith.addi %rem3A_1665, %select_n3A_1664 : i32
      %select_n3A_1675 = arith.select %and3A_1673, %add3A_1674, %rem3A_1665 : i32
      %mul3A_1676 = arith.constant 200 : i32
      %mul3A_1677 = arith.muli %select_n3A_1675, %mul3A_1676 : i32
      %mul3A_1678 = arith.constant 128 : i32
      %mul3A_1679 = arith.muli %add3A, %mul3A_1678 : i32
      %dma_wait3A_1680 = arith.constant 0 : i32
      %dma_wait3A_1681 = arith.constant 0 : i32
      %dma_wait3A_1682 = tpu.memref_slice %arg10[%mul3A_1677, %dma_wait3A_1681] : memref<400x64xf32, #tpu.memory_space<vmem>> -> memref<8x64xf32, #tpu.memory_space<vmem>>
      %dma_wait3A_1683 = arith.constant 0 : i32
      %dma_wait3A_1684 = arith.constant 0 : i32
      %dma_wait3A_1685 = tpu.memref_slice %arg5[%mul3A_1679, %dma_wait3A_1680, %dma_wait3A_1683, %dma_wait3A_1684] : memref<4096x25x8x128xf32, #tpu.memory_space<hbm>> -> memref<1x1x8x64xf32, #tpu.memory_space<hbm>>
      %dma_wait3A_1686 = tpu.memref_squeeze %dma_wait3A_1685 : memref<1x1x8x64xf32, #tpu.memory_space<hbm>> -> memref<8x64xf32, #tpu.memory_space<hbm>>
      %dma_wait3A_1687 = arith.constant 0 : i32
      %dma_wait3A_1688 = arith.constant 0 : i32
      %dma_wait3A_1689 = tpu.memref_slice %arg5[%mul3A_1679, %dma_wait3A_1680, %dma_wait3A_1687, %dma_wait3A_1688] : memref<4096x25x8x128xf32, #tpu.memory_space<hbm>> -> memref<1x1x8x64xf32, #tpu.memory_space<hbm>>
      %dma_wait3A_1690 = tpu.memref_squeeze %dma_wait3A_1689 : memref<1x1x8x64xf32, #tpu.memory_space<hbm>> -> memref<8x64xf32, #tpu.memory_space<hbm>>
      %dma_wait3A_1691 = arith.constant 0 : i32
      %dma_wait3A_1692 = tpu.memref_slice %arg10[%mul3A_1677, %dma_wait3A_1691] : memref<400x64xf32, #tpu.memory_space<vmem>> -> memref<8x64xf32, #tpu.memory_space<vmem>>
      tpu.wait_dma2 semaphore(%arg12 : memref<!tpu.dma_semaphore, #tpu.memory_space<semaphore_mem>>) src(%dma_wait3A_1692 : memref<8x64xf32, #tpu.memory_space<vmem>>) dst(%dma_wait3A_1690 : memref<8x64xf32, #tpu.memory_space<hbm>>)
      %jit3A_1693 = arith.constant 2 : i32
      %eq3A_1694 = arith.constant 0 : i32
      %eq3A_1695 = arith.cmpi eq, %jit3A_1693, %eq3A_1694 : i32
      %jit3A_1696 = arith.constant 1 : i32
      %select_n3A_1697 = arith.select %eq3A_1695, %jit3A_1696, %jit3A_1693 : i32
      %rem3A_1698 = arith.remsi %scan3A_1132, %select_n3A_1697 : i32
      %ne3A_1699 = arith.constant 0 : i32
      %ne3A_1700 = arith.cmpi ne, %rem3A_1698, %ne3A_1699 : i32
      %lt3A_1701 = arith.constant 0 : i32
      %lt3A_1702 = arith.cmpi slt, %rem3A_1698, %lt3A_1701 : i32
      %lt3A_1703 = arith.constant 0 : i32
      %lt3A_1704 = arith.cmpi slt, %select_n3A_1697, %lt3A_1703 : i32
      %ne3A_1705 = arith.xori %lt3A_1702, %lt3A_1704 : i1
      %and3A_1706 = arith.andi %ne3A_1705, %ne3A_1700 : i1
      %add3A_1707 = arith.addi %rem3A_1698, %select_n3A_1697 : i32
      %select_n3A_1708 = arith.select %and3A_1706, %add3A_1707, %rem3A_1698 : i32
      %mul3A_1709 = arith.constant 200 : i32
      %mul3A_1710 = arith.muli %select_n3A_1708, %mul3A_1709 : i32
      %mul3A_1711 = arith.constant 128 : i32
      %mul3A_1712 = arith.muli %add3A, %mul3A_1711 : i32
      %dma_wait3A_1713 = arith.constant 0 : i32
      %dma_wait3A_1714 = arith.constant 0 : i32
      %dma_wait3A_1715 = tpu.memref_slice %arg10[%mul3A_1710, %dma_wait3A_1714] : memref<400x64xf32, #tpu.memory_space<vmem>> -> memref<8x64xf32, #tpu.memory_space<vmem>>
      %dma_wait3A_1716 = arith.constant 0 : i32
      %dma_wait3A_1717 = arith.constant 0 : i32
      %dma_wait3A_1718 = tpu.memref_slice %arg5[%mul3A_1712, %dma_wait3A_1713, %dma_wait3A_1716, %dma_wait3A_1717] : memref<4096x25x8x128xf32, #tpu.memory_space<hbm>> -> memref<1x1x8x64xf32, #tpu.memory_space<hbm>>
      %dma_wait3A_1719 = tpu.memref_squeeze %dma_wait3A_1718 : memref<1x1x8x64xf32, #tpu.memory_space<hbm>> -> memref<8x64xf32, #tpu.memory_space<hbm>>
      %dma_wait3A_1720 = arith.constant 0 : i32
      %dma_wait3A_1721 = arith.constant 0 : i32
      %dma_wait3A_1722 = tpu.memref_slice %arg5[%mul3A_1712, %dma_wait3A_1713, %dma_wait3A_1720, %dma_wait3A_1721] : memref<4096x25x8x128xf32, #tpu.memory_space<hbm>> -> memref<1x1x8x64xf32, #tpu.memory_space<hbm>>
      %dma_wait3A_1723 = tpu.memref_squeeze %dma_wait3A_1722 : memref<1x1x8x64xf32, #tpu.memory_space<hbm>> -> memref<8x64xf32, #tpu.memory_space<hbm>>
      %dma_wait3A_1724 = arith.constant 0 : i32
      %dma_wait3A_1725 = tpu.memref_slice %arg10[%mul3A_1710, %dma_wait3A_1724] : memref<400x64xf32, #tpu.memory_space<vmem>> -> memref<8x64xf32, #tpu.memory_space<vmem>>
      tpu.wait_dma2 semaphore(%arg12 : memref<!tpu.dma_semaphore, #tpu.memory_space<semaphore_mem>>) src(%dma_wait3A_1725 : memref<8x64xf32, #tpu.memory_space<vmem>>) dst(%dma_wait3A_1723 : memref<8x64xf32, #tpu.memory_space<hbm>>)
      %jit3A_1726 = arith.constant 2 : i32
      %eq3A_1727 = arith.constant 0 : i32
      %eq3A_1728 = arith.cmpi eq, %jit3A_1726, %eq3A_1727 : i32
      %jit3A_1729 = arith.constant 1 : i32
      %select_n3A_1730 = arith.select %eq3A_1728, %jit3A_1729, %jit3A_1726 : i32
      %rem3A_1731 = arith.remsi %scan3A_1132, %select_n3A_1730 : i32
      %ne3A_1732 = arith.constant 0 : i32
      %ne3A_1733 = arith.cmpi ne, %rem3A_1731, %ne3A_1732 : i32
      %lt3A_1734 = arith.constant 0 : i32
      %lt3A_1735 = arith.cmpi slt, %rem3A_1731, %lt3A_1734 : i32
      %lt3A_1736 = arith.constant 0 : i32
      %lt3A_1737 = arith.cmpi slt, %select_n3A_1730, %lt3A_1736 : i32
      %ne3A_1738 = arith.xori %lt3A_1735, %lt3A_1737 : i1
      %and3A_1739 = arith.andi %ne3A_1738, %ne3A_1733 : i1
      %add3A_1740 = arith.addi %rem3A_1731, %select_n3A_1730 : i32
      %select_n3A_1741 = arith.select %and3A_1739, %add3A_1740, %rem3A_1731 : i32
      %mul3A_1742 = arith.constant 200 : i32
      %mul3A_1743 = arith.muli %select_n3A_1741, %mul3A_1742 : i32
      %mul3A_1744 = arith.constant 128 : i32
      %mul3A_1745 = arith.muli %add3A, %mul3A_1744 : i32
      %dma_wait3A_1746 = arith.constant 0 : i32
      %dma_wait3A_1747 = arith.constant 0 : i32
      %dma_wait3A_1748 = tpu.memref_slice %arg10[%mul3A_1743, %dma_wait3A_1747] : memref<400x64xf32, #tpu.memory_space<vmem>> -> memref<8x64xf32, #tpu.memory_space<vmem>>
      %dma_wait3A_1749 = arith.constant 0 : i32
      %dma_wait3A_1750 = arith.constant 0 : i32
      %dma_wait3A_1751 = tpu.memref_slice %arg5[%mul3A_1745, %dma_wait3A_1746, %dma_wait3A_1749, %dma_wait3A_1750] : memref<4096x25x8x128xf32, #tpu.memory_space<hbm>> -> memref<1x1x8x64xf32, #tpu.memory_space<hbm>>
      %dma_wait3A_1752 = tpu.memref_squeeze %dma_wait3A_1751 : memref<1x1x8x64xf32, #tpu.memory_space<hbm>> -> memref<8x64xf32, #tpu.memory_space<hbm>>
      %dma_wait3A_1753 = arith.constant 0 : i32
      %dma_wait3A_1754 = arith.constant 0 : i32
      %dma_wait3A_1755 = tpu.memref_slice %arg5[%mul3A_1745, %dma_wait3A_1746, %dma_wait3A_1753, %dma_wait3A_1754] : memref<4096x25x8x128xf32, #tpu.memory_space<hbm>> -> memref<1x1x8x64xf32, #tpu.memory_space<hbm>>
      %dma_wait3A_1756 = tpu.memref_squeeze %dma_wait3A_1755 : memref<1x1x8x64xf32, #tpu.memory_space<hbm>> -> memref<8x64xf32, #tpu.memory_space<hbm>>
      %dma_wait3A_1757 = arith.constant 0 : i32
      %dma_wait3A_1758 = tpu.memref_slice %arg10[%mul3A_1743, %dma_wait3A_1757] : memref<400x64xf32, #tpu.memory_space<vmem>> -> memref<8x64xf32, #tpu.memory_space<vmem>>
      tpu.wait_dma2 semaphore(%arg12 : memref<!tpu.dma_semaphore, #tpu.memory_space<semaphore_mem>>) src(%dma_wait3A_1758 : memref<8x64xf32, #tpu.memory_space<vmem>>) dst(%dma_wait3A_1756 : memref<8x64xf32, #tpu.memory_space<hbm>>)
      %jit3A_1759 = arith.constant 2 : i32
      %eq3A_1760 = arith.constant 0 : i32
      %eq3A_1761 = arith.cmpi eq, %jit3A_1759, %eq3A_1760 : i32
      %jit3A_1762 = arith.constant 1 : i32
      %select_n3A_1763 = arith.select %eq3A_1761, %jit3A_1762, %jit3A_1759 : i32
      %rem3A_1764 = arith.remsi %scan3A_1132, %select_n3A_1763 : i32
      %ne3A_1765 = arith.constant 0 : i32
      %ne3A_1766 = arith.cmpi ne, %rem3A_1764, %ne3A_1765 : i32
      %lt3A_1767 = arith.constant 0 : i32
      %lt3A_1768 = arith.cmpi slt, %rem3A_1764, %lt3A_1767 : i32
      %lt3A_1769 = arith.constant 0 : i32
      %lt3A_1770 = arith.cmpi slt, %select_n3A_1763, %lt3A_1769 : i32
      %ne3A_1771 = arith.xori %lt3A_1768, %lt3A_1770 : i1
      %and3A_1772 = arith.andi %ne3A_1771, %ne3A_1766 : i1
      %add3A_1773 = arith.addi %rem3A_1764, %select_n3A_1763 : i32
      %select_n3A_1774 = arith.select %and3A_1772, %add3A_1773, %rem3A_1764 : i32
      %mul3A_1775 = arith.constant 200 : i32
      %mul3A_1776 = arith.muli %select_n3A_1774, %mul3A_1775 : i32
      %mul3A_1777 = arith.constant 128 : i32
      %mul3A_1778 = arith.muli %add3A, %mul3A_1777 : i32
      %dma_wait3A_1779 = arith.constant 0 : i32
      %dma_wait3A_1780 = arith.constant 0 : i32
      %dma_wait3A_1781 = tpu.memref_slice %arg10[%mul3A_1776, %dma_wait3A_1780] : memref<400x64xf32, #tpu.memory_space<vmem>> -> memref<8x64xf32, #tpu.memory_space<vmem>>
      %dma_wait3A_1782 = arith.constant 0 : i32
      %dma_wait3A_1783 = arith.constant 0 : i32
      %dma_wait3A_1784 = tpu.memref_slice %arg5[%mul3A_1778, %dma_wait3A_1779, %dma_wait3A_1782, %dma_wait3A_1783] : memref<4096x25x8x128xf32, #tpu.memory_space<hbm>> -> memref<1x1x8x64xf32, #tpu.memory_space<hbm>>
      %dma_wait3A_1785 = tpu.memref_squeeze %dma_wait3A_1784 : memref<1x1x8x64xf32, #tpu.memory_space<hbm>> -> memref<8x64xf32, #tpu.memory_space<hbm>>
      %dma_wait3A_1786 = arith.constant 0 : i32
      %dma_wait3A_1787 = arith.constant 0 : i32
      %dma_wait3A_1788 = tpu.memref_slice %arg5[%mul3A_1778, %dma_wait3A_1779, %dma_wait3A_1786, %dma_wait3A_1787] : memref<4096x25x8x128xf32, #tpu.memory_space<hbm>> -> memref<1x1x8x64xf32, #tpu.memory_space<hbm>>
      %dma_wait3A_1789 = tpu.memref_squeeze %dma_wait3A_1788 : memref<1x1x8x64xf32, #tpu.memory_space<hbm>> -> memref<8x64xf32, #tpu.memory_space<hbm>>
      %dma_wait3A_1790 = arith.constant 0 : i32
      %dma_wait3A_1791 = tpu.memref_slice %arg10[%mul3A_1776, %dma_wait3A_1790] : memref<400x64xf32, #tpu.memory_space<vmem>> -> memref<8x64xf32, #tpu.memory_space<vmem>>
      tpu.wait_dma2 semaphore(%arg12 : memref<!tpu.dma_semaphore, #tpu.memory_space<semaphore_mem>>) src(%dma_wait3A_1791 : memref<8x64xf32, #tpu.memory_space<vmem>>) dst(%dma_wait3A_1789 : memref<8x64xf32, #tpu.memory_space<hbm>>)
      %jit3A_1792 = arith.constant 2 : i32
      %eq3A_1793 = arith.constant 0 : i32
      %eq3A_1794 = arith.cmpi eq, %jit3A_1792, %eq3A_1793 : i32
      %jit3A_1795 = arith.constant 1 : i32
      %select_n3A_1796 = arith.select %eq3A_1794, %jit3A_1795, %jit3A_1792 : i32
      %rem3A_1797 = arith.remsi %scan3A_1132, %select_n3A_1796 : i32
      %ne3A_1798 = arith.constant 0 : i32
      %ne3A_1799 = arith.cmpi ne, %rem3A_1797, %ne3A_1798 : i32
      %lt3A_1800 = arith.constant 0 : i32
      %lt3A_1801 = arith.cmpi slt, %rem3A_1797, %lt3A_1800 : i32
      %lt3A_1802 = arith.constant 0 : i32
      %lt3A_1803 = arith.cmpi slt, %select_n3A_1796, %lt3A_1802 : i32
      %ne3A_1804 = arith.xori %lt3A_1801, %lt3A_1803 : i1
      %and3A_1805 = arith.andi %ne3A_1804, %ne3A_1799 : i1
      %add3A_1806 = arith.addi %rem3A_1797, %select_n3A_1796 : i32
      %select_n3A_1807 = arith.select %and3A_1805, %add3A_1806, %rem3A_1797 : i32
      %mul3A_1808 = arith.constant 200 : i32
      %mul3A_1809 = arith.muli %select_n3A_1807, %mul3A_1808 : i32
      %mul3A_1810 = arith.constant 128 : i32
      %mul3A_1811 = arith.muli %add3A, %mul3A_1810 : i32
      %dma_wait3A_1812 = arith.constant 0 : i32
      %dma_wait3A_1813 = arith.constant 0 : i32
      %dma_wait3A_1814 = tpu.memref_slice %arg10[%mul3A_1809, %dma_wait3A_1813] : memref<400x64xf32, #tpu.memory_space<vmem>> -> memref<8x64xf32, #tpu.memory_space<vmem>>
      %dma_wait3A_1815 = arith.constant 0 : i32
      %dma_wait3A_1816 = arith.constant 0 : i32
      %dma_wait3A_1817 = tpu.memref_slice %arg5[%mul3A_1811, %dma_wait3A_1812, %dma_wait3A_1815, %dma_wait3A_1816] : memref<4096x25x8x128xf32, #tpu.memory_space<hbm>> -> memref<1x1x8x64xf32, #tpu.memory_space<hbm>>
      %dma_wait3A_1818 = tpu.memref_squeeze %dma_wait3A_1817 : memref<1x1x8x64xf32, #tpu.memory_space<hbm>> -> memref<8x64xf32, #tpu.memory_space<hbm>>
      %dma_wait3A_1819 = arith.constant 0 : i32
      %dma_wait3A_1820 = arith.constant 0 : i32
      %dma_wait3A_1821 = tpu.memref_slice %arg5[%mul3A_1811, %dma_wait3A_1812, %dma_wait3A_1819, %dma_wait3A_1820] : memref<4096x25x8x128xf32, #tpu.memory_space<hbm>> -> memref<1x1x8x64xf32, #tpu.memory_space<hbm>>
      %dma_wait3A_1822 = tpu.memref_squeeze %dma_wait3A_1821 : memref<1x1x8x64xf32, #tpu.memory_space<hbm>> -> memref<8x64xf32, #tpu.memory_space<hbm>>
      %dma_wait3A_1823 = arith.constant 0 : i32
      %dma_wait3A_1824 = tpu.memref_slice %arg10[%mul3A_1809, %dma_wait3A_1823] : memref<400x64xf32, #tpu.memory_space<vmem>> -> memref<8x64xf32, #tpu.memory_space<vmem>>
      tpu.wait_dma2 semaphore(%arg12 : memref<!tpu.dma_semaphore, #tpu.memory_space<semaphore_mem>>) src(%dma_wait3A_1824 : memref<8x64xf32, #tpu.memory_space<vmem>>) dst(%dma_wait3A_1822 : memref<8x64xf32, #tpu.memory_space<hbm>>)
      %jit3A_1825 = arith.constant 2 : i32
      %eq3A_1826 = arith.constant 0 : i32
      %eq3A_1827 = arith.cmpi eq, %jit3A_1825, %eq3A_1826 : i32
      %jit3A_1828 = arith.constant 1 : i32
      %select_n3A_1829 = arith.select %eq3A_1827, %jit3A_1828, %jit3A_1825 : i32
      %rem3A_1830 = arith.remsi %scan3A_1132, %select_n3A_1829 : i32
      %ne3A_1831 = arith.constant 0 : i32
      %ne3A_1832 = arith.cmpi ne, %rem3A_1830, %ne3A_1831 : i32
      %lt3A_1833 = arith.constant 0 : i32
      %lt3A_1834 = arith.cmpi slt, %rem3A_1830, %lt3A_1833 : i32
      %lt3A_1835 = arith.constant 0 : i32
      %lt3A_1836 = arith.cmpi slt, %select_n3A_1829, %lt3A_1835 : i32
      %ne3A_1837 = arith.xori %lt3A_1834, %lt3A_1836 : i1
      %and3A_1838 = arith.andi %ne3A_1837, %ne3A_1832 : i1
      %add3A_1839 = arith.addi %rem3A_1830, %select_n3A_1829 : i32
      %select_n3A_1840 = arith.select %and3A_1838, %add3A_1839, %rem3A_1830 : i32
      %mul3A_1841 = arith.constant 200 : i32
      %mul3A_1842 = arith.muli %select_n3A_1840, %mul3A_1841 : i32
      %mul3A_1843 = arith.constant 128 : i32
      %mul3A_1844 = arith.muli %add3A, %mul3A_1843 : i32
      %dma_wait3A_1845 = arith.constant 0 : i32
      %dma_wait3A_1846 = arith.constant 0 : i32
      %dma_wait3A_1847 = tpu.memref_slice %arg10[%mul3A_1842, %dma_wait3A_1846] : memref<400x64xf32, #tpu.memory_space<vmem>> -> memref<8x64xf32, #tpu.memory_space<vmem>>
      %dma_wait3A_1848 = arith.constant 0 : i32
      %dma_wait3A_1849 = arith.constant 0 : i32
      %dma_wait3A_1850 = tpu.memref_slice %arg5[%mul3A_1844, %dma_wait3A_1845, %dma_wait3A_1848, %dma_wait3A_1849] : memref<4096x25x8x128xf32, #tpu.memory_space<hbm>> -> memref<1x1x8x64xf32, #tpu.memory_space<hbm>>
      %dma_wait3A_1851 = tpu.memref_squeeze %dma_wait3A_1850 : memref<1x1x8x64xf32, #tpu.memory_space<hbm>> -> memref<8x64xf32, #tpu.memory_space<hbm>>
      %dma_wait3A_1852 = arith.constant 0 : i32
      %dma_wait3A_1853 = arith.constant 0 : i32
      %dma_wait3A_1854 = tpu.memref_slice %arg5[%mul3A_1844, %dma_wait3A_1845, %dma_wait3A_1852, %dma_wait3A_1853] : memref<4096x25x8x128xf32, #tpu.memory_space<hbm>> -> memref<1x1x8x64xf32, #tpu.memory_space<hbm>>
      %dma_wait3A_1855 = tpu.memref_squeeze %dma_wait3A_1854 : memref<1x1x8x64xf32, #tpu.memory_space<hbm>> -> memref<8x64xf32, #tpu.memory_space<hbm>>
      %dma_wait3A_1856 = arith.constant 0 : i32
      %dma_wait3A_1857 = tpu.memref_slice %arg10[%mul3A_1842, %dma_wait3A_1856] : memref<400x64xf32, #tpu.memory_space<vmem>> -> memref<8x64xf32, #tpu.memory_space<vmem>>
      tpu.wait_dma2 semaphore(%arg12 : memref<!tpu.dma_semaphore, #tpu.memory_space<semaphore_mem>>) src(%dma_wait3A_1857 : memref<8x64xf32, #tpu.memory_space<vmem>>) dst(%dma_wait3A_1855 : memref<8x64xf32, #tpu.memory_space<hbm>>)
      %jit3A_1858 = arith.constant 2 : i32
      %eq3A_1859 = arith.constant 0 : i32
      %eq3A_1860 = arith.cmpi eq, %jit3A_1858, %eq3A_1859 : i32
      %jit3A_1861 = arith.constant 1 : i32
      %select_n3A_1862 = arith.select %eq3A_1860, %jit3A_1861, %jit3A_1858 : i32
      %rem3A_1863 = arith.remsi %scan3A_1132, %select_n3A_1862 : i32
      %ne3A_1864 = arith.constant 0 : i32
      %ne3A_1865 = arith.cmpi ne, %rem3A_1863, %ne3A_1864 : i32
      %lt3A_1866 = arith.constant 0 : i32
      %lt3A_1867 = arith.cmpi slt, %rem3A_1863, %lt3A_1866 : i32
      %lt3A_1868 = arith.constant 0 : i32
      %lt3A_1869 = arith.cmpi slt, %select_n3A_1862, %lt3A_1868 : i32
      %ne3A_1870 = arith.xori %lt3A_1867, %lt3A_1869 : i1
      %and3A_1871 = arith.andi %ne3A_1870, %ne3A_1865 : i1
      %add3A_1872 = arith.addi %rem3A_1863, %select_n3A_1862 : i32
      %select_n3A_1873 = arith.select %and3A_1871, %add3A_1872, %rem3A_1863 : i32
      %mul3A_1874 = arith.constant 200 : i32
      %mul3A_1875 = arith.muli %select_n3A_1873, %mul3A_1874 : i32
      %mul3A_1876 = arith.constant 128 : i32
      %mul3A_1877 = arith.muli %add3A, %mul3A_1876 : i32
      %dma_wait3A_1878 = arith.constant 0 : i32
      %dma_wait3A_1879 = arith.constant 0 : i32
      %dma_wait3A_1880 = tpu.memref_slice %arg10[%mul3A_1875, %dma_wait3A_1879] : memref<400x64xf32, #tpu.memory_space<vmem>> -> memref<8x64xf32, #tpu.memory_space<vmem>>
      %dma_wait3A_1881 = arith.constant 0 : i32
      %dma_wait3A_1882 = arith.constant 0 : i32
      %dma_wait3A_1883 = tpu.memref_slice %arg5[%mul3A_1877, %dma_wait3A_1878, %dma_wait3A_1881, %dma_wait3A_1882] : memref<4096x25x8x128xf32, #tpu.memory_space<hbm>> -> memref<1x1x8x64xf32, #tpu.memory_space<hbm>>
      %dma_wait3A_1884 = tpu.memref_squeeze %dma_wait3A_1883 : memref<1x1x8x64xf32, #tpu.memory_space<hbm>> -> memref<8x64xf32, #tpu.memory_space<hbm>>
      %dma_wait3A_1885 = arith.constant 0 : i32
      %dma_wait3A_1886 = arith.constant 0 : i32
      %dma_wait3A_1887 = tpu.memref_slice %arg5[%mul3A_1877, %dma_wait3A_1878, %dma_wait3A_1885, %dma_wait3A_1886] : memref<4096x25x8x128xf32, #tpu.memory_space<hbm>> -> memref<1x1x8x64xf32, #tpu.memory_space<hbm>>
      %dma_wait3A_1888 = tpu.memref_squeeze %dma_wait3A_1887 : memref<1x1x8x64xf32, #tpu.memory_space<hbm>> -> memref<8x64xf32, #tpu.memory_space<hbm>>
      %dma_wait3A_1889 = arith.constant 0 : i32
      %dma_wait3A_1890 = tpu.memref_slice %arg10[%mul3A_1875, %dma_wait3A_1889] : memref<400x64xf32, #tpu.memory_space<vmem>> -> memref<8x64xf32, #tpu.memory_space<vmem>>
      tpu.wait_dma2 semaphore(%arg12 : memref<!tpu.dma_semaphore, #tpu.memory_space<semaphore_mem>>) src(%dma_wait3A_1890 : memref<8x64xf32, #tpu.memory_space<vmem>>) dst(%dma_wait3A_1888 : memref<8x64xf32, #tpu.memory_space<hbm>>)
      %jit3A_1891 = arith.constant 2 : i32
      %eq3A_1892 = arith.constant 0 : i32
      %eq3A_1893 = arith.cmpi eq, %jit3A_1891, %eq3A_1892 : i32
      %jit3A_1894 = arith.constant 1 : i32
      %select_n3A_1895 = arith.select %eq3A_1893, %jit3A_1894, %jit3A_1891 : i32
      %rem3A_1896 = arith.remsi %scan3A_1132, %select_n3A_1895 : i32
      %ne3A_1897 = arith.constant 0 : i32
      %ne3A_1898 = arith.cmpi ne, %rem3A_1896, %ne3A_1897 : i32
      %lt3A_1899 = arith.constant 0 : i32
      %lt3A_1900 = arith.cmpi slt, %rem3A_1896, %lt3A_1899 : i32
      %lt3A_1901 = arith.constant 0 : i32
      %lt3A_1902 = arith.cmpi slt, %select_n3A_1895, %lt3A_1901 : i32
      %ne3A_1903 = arith.xori %lt3A_1900, %lt3A_1902 : i1
      %and3A_1904 = arith.andi %ne3A_1903, %ne3A_1898 : i1
      %add3A_1905 = arith.addi %rem3A_1896, %select_n3A_1895 : i32
      %select_n3A_1906 = arith.select %and3A_1904, %add3A_1905, %rem3A_1896 : i32
      %mul3A_1907 = arith.constant 200 : i32
      %mul3A_1908 = arith.muli %select_n3A_1906, %mul3A_1907 : i32
      %mul3A_1909 = arith.constant 128 : i32
      %mul3A_1910 = arith.muli %add3A, %mul3A_1909 : i32
      %dma_wait3A_1911 = arith.constant 0 : i32
      %dma_wait3A_1912 = arith.constant 0 : i32
      %dma_wait3A_1913 = tpu.memref_slice %arg10[%mul3A_1908, %dma_wait3A_1912] : memref<400x64xf32, #tpu.memory_space<vmem>> -> memref<8x64xf32, #tpu.memory_space<vmem>>
      %dma_wait3A_1914 = arith.constant 0 : i32
      %dma_wait3A_1915 = arith.constant 0 : i32
      %dma_wait3A_1916 = tpu.memref_slice %arg5[%mul3A_1910, %dma_wait3A_1911, %dma_wait3A_1914, %dma_wait3A_1915] : memref<4096x25x8x128xf32, #tpu.memory_space<hbm>> -> memref<1x1x8x64xf32, #tpu.memory_space<hbm>>
      %dma_wait3A_1917 = tpu.memref_squeeze %dma_wait3A_1916 : memref<1x1x8x64xf32, #tpu.memory_space<hbm>> -> memref<8x64xf32, #tpu.memory_space<hbm>>
      %dma_wait3A_1918 = arith.constant 0 : i32
      %dma_wait3A_1919 = arith.constant 0 : i32
      %dma_wait3A_1920 = tpu.memref_slice %arg5[%mul3A_1910, %dma_wait3A_1911, %dma_wait3A_1918, %dma_wait3A_1919] : memref<4096x25x8x128xf32, #tpu.memory_space<hbm>> -> memref<1x1x8x64xf32, #tpu.memory_space<hbm>>
      %dma_wait3A_1921 = tpu.memref_squeeze %dma_wait3A_1920 : memref<1x1x8x64xf32, #tpu.memory_space<hbm>> -> memref<8x64xf32, #tpu.memory_space<hbm>>
      %dma_wait3A_1922 = arith.constant 0 : i32
      %dma_wait3A_1923 = tpu.memref_slice %arg10[%mul3A_1908, %dma_wait3A_1922] : memref<400x64xf32, #tpu.memory_space<vmem>> -> memref<8x64xf32, #tpu.memory_space<vmem>>
      tpu.wait_dma2 semaphore(%arg12 : memref<!tpu.dma_semaphore, #tpu.memory_space<semaphore_mem>>) src(%dma_wait3A_1923 : memref<8x64xf32, #tpu.memory_space<vmem>>) dst(%dma_wait3A_1921 : memref<8x64xf32, #tpu.memory_space<hbm>>)
      %jit3A_1924 = arith.constant 2 : i32
      %eq3A_1925 = arith.constant 0 : i32
      %eq3A_1926 = arith.cmpi eq, %jit3A_1924, %eq3A_1925 : i32
      %jit3A_1927 = arith.constant 1 : i32
      %select_n3A_1928 = arith.select %eq3A_1926, %jit3A_1927, %jit3A_1924 : i32
      %rem3A_1929 = arith.remsi %scan3A_1132, %select_n3A_1928 : i32
      %ne3A_1930 = arith.constant 0 : i32
      %ne3A_1931 = arith.cmpi ne, %rem3A_1929, %ne3A_1930 : i32
      %lt3A_1932 = arith.constant 0 : i32
      %lt3A_1933 = arith.cmpi slt, %rem3A_1929, %lt3A_1932 : i32
      %lt3A_1934 = arith.constant 0 : i32
      %lt3A_1935 = arith.cmpi slt, %select_n3A_1928, %lt3A_1934 : i32
      %ne3A_1936 = arith.xori %lt3A_1933, %lt3A_1935 : i1
      %and3A_1937 = arith.andi %ne3A_1936, %ne3A_1931 : i1
      %add3A_1938 = arith.addi %rem3A_1929, %select_n3A_1928 : i32
      %select_n3A_1939 = arith.select %and3A_1937, %add3A_1938, %rem3A_1929 : i32
      %mul3A_1940 = arith.constant 200 : i32
      %mul3A_1941 = arith.muli %select_n3A_1939, %mul3A_1940 : i32
      %mul3A_1942 = arith.constant 128 : i32
      %mul3A_1943 = arith.muli %add3A, %mul3A_1942 : i32
      %dma_wait3A_1944 = arith.constant 0 : i32
      %dma_wait3A_1945 = arith.constant 0 : i32
      %dma_wait3A_1946 = tpu.memref_slice %arg10[%mul3A_1941, %dma_wait3A_1945] : memref<400x64xf32, #tpu.memory_space<vmem>> -> memref<8x64xf32, #tpu.memory_space<vmem>>
      %dma_wait3A_1947 = arith.constant 0 : i32
      %dma_wait3A_1948 = arith.constant 0 : i32
      %dma_wait3A_1949 = tpu.memref_slice %arg5[%mul3A_1943, %dma_wait3A_1944, %dma_wait3A_1947, %dma_wait3A_1948] : memref<4096x25x8x128xf32, #tpu.memory_space<hbm>> -> memref<1x1x8x64xf32, #tpu.memory_space<hbm>>
      %dma_wait3A_1950 = tpu.memref_squeeze %dma_wait3A_1949 : memref<1x1x8x64xf32, #tpu.memory_space<hbm>> -> memref<8x64xf32, #tpu.memory_space<hbm>>
      %dma_wait3A_1951 = arith.constant 0 : i32
      %dma_wait3A_1952 = arith.constant 0 : i32
      %dma_wait3A_1953 = tpu.memref_slice %arg5[%mul3A_1943, %dma_wait3A_1944, %dma_wait3A_1951, %dma_wait3A_1952] : memref<4096x25x8x128xf32, #tpu.memory_space<hbm>> -> memref<1x1x8x64xf32, #tpu.memory_space<hbm>>
      %dma_wait3A_1954 = tpu.memref_squeeze %dma_wait3A_1953 : memref<1x1x8x64xf32, #tpu.memory_space<hbm>> -> memref<8x64xf32, #tpu.memory_space<hbm>>
      %dma_wait3A_1955 = arith.constant 0 : i32
      %dma_wait3A_1956 = tpu.memref_slice %arg10[%mul3A_1941, %dma_wait3A_1955] : memref<400x64xf32, #tpu.memory_space<vmem>> -> memref<8x64xf32, #tpu.memory_space<vmem>>
      tpu.wait_dma2 semaphore(%arg12 : memref<!tpu.dma_semaphore, #tpu.memory_space<semaphore_mem>>) src(%dma_wait3A_1956 : memref<8x64xf32, #tpu.memory_space<vmem>>) dst(%dma_wait3A_1954 : memref<8x64xf32, #tpu.memory_space<hbm>>)
      %jit3A_1957 = arith.constant 16 : i32
      %div3A_1958 = arith.divsi %scan3A_1132, %jit3A_1957 : i32
      %sign3A_1959 = arith.constant 0 : i32
      %sign3A_1960 = arith.cmpi sgt, %scan3A_1132, %sign3A_1959 : i32
      %sign3A_1961 = arith.extui %sign3A_1960 : i1 to i32
      %sign3A_1962 = arith.constant 0 : i32
      %sign3A_1963 = arith.cmpi slt, %scan3A_1132, %sign3A_1962 : i32
      %sign3A_1964 = arith.extui %sign3A_1963 : i1 to i32
      %sign3A_1965 = arith.subi %sign3A_1961, %sign3A_1964 : i32
      %sign3A_1966 = arith.constant 0 : i32
      %sign3A_1967 = arith.cmpi sgt, %jit3A_1957, %sign3A_1966 : i32
      %sign3A_1968 = arith.extui %sign3A_1967 : i1 to i32
      %sign3A_1969 = arith.constant 0 : i32
      %sign3A_1970 = arith.cmpi slt, %jit3A_1957, %sign3A_1969 : i32
      %sign3A_1971 = arith.extui %sign3A_1970 : i1 to i32
      %sign3A_1972 = arith.subi %sign3A_1968, %sign3A_1971 : i32
      %ne3A_1973 = arith.cmpi ne, %sign3A_1965, %sign3A_1972 : i32
      %rem3A_1974 = arith.remsi %scan3A_1132, %jit3A_1957 : i32
      %ne3A_1975 = arith.constant 0 : i32
      %ne3A_1976 = arith.cmpi ne, %rem3A_1974, %ne3A_1975 : i32
      %and3A_1977 = arith.andi %ne3A_1973, %ne3A_1976 : i1
      %sub3A_1978 = arith.constant 1 : i32
      %sub3A_1979 = arith.subi %div3A_1958, %sub3A_1978 : i32
      %select_n3A_1980 = arith.select %and3A_1977, %sub3A_1979, %div3A_1958 : i32
      %mul3A_1981 = arith.constant 16 : i32
      %mul3A_1982 = arith.muli %mul3A_1981, %select_n3A_1980 : i32
      %get3A_1983 = arith.index_cast %mul3A_1982 : i32 to index
      %get3A_1984 = tpu.vector_load %arg7[%get3A_1983] {strides = array<i32>} : memref<128xi32, #tpu.memory_space<vmem>>, vector<16xi32>,
      %sub3A_1985 = arith.constant 207 : i32
      %sub3A_1986 = vector.broadcast %sub3A_1985 : i32 to vector<16xi32>
      %sub3A_1987 = arith.subi %sub3A_1986, %get3A_1984 : vector<16xi32>
      %jit3A_1988 = arith.constant 8 : i32
      %div3A_1989 = vector.broadcast %jit3A_1988 : i32 to vector<16xi32>
      %div3A_1990 = arith.divsi %sub3A_1987, %div3A_1989 : vector<16xi32>
      %sign3A_1991 = arith.constant 0 : i32
      %sign3A_1992 = vector.broadcast %sign3A_1991 : i32 to vector<16xi32>
      %sign3A_1993 = arith.cmpi sgt, %sub3A_1987, %sign3A_1992 : vector<16xi32>
      %sign3A_1994 = arith.extui %sign3A_1993 : vector<16xi1> to vector<16xi32>
      %sign3A_1995 = arith.constant 0 : i32
      %sign3A_1996 = vector.broadcast %sign3A_1995 : i32 to vector<16xi32>
      %sign3A_1997 = arith.cmpi slt, %sub3A_1987, %sign3A_1996 : vector<16xi32>
      %sign3A_1998 = arith.extui %sign3A_1997 : vector<16xi1> to vector<16xi32>
      %sign3A_1999 = arith.subi %sign3A_1994, %sign3A_1998 : vector<16xi32>
      %sign3A_2000 = arith.constant 0 : i32
      %sign3A_2001 = arith.cmpi sgt, %jit3A_1988, %sign3A_2000 : i32
      %sign3A_2002 = arith.extui %sign3A_2001 : i1 to i32
      %sign3A_2003 = arith.constant 0 : i32
      %sign3A_2004 = arith.cmpi slt, %jit3A_1988, %sign3A_2003 : i32
      %sign3A_2005 = arith.extui %sign3A_2004 : i1 to i32
      %sign3A_2006 = arith.subi %sign3A_2002, %sign3A_2005 : i32
      %ne3A_2007 = vector.broadcast %sign3A_2006 : i32 to vector<16xi32>
      %ne3A_2008 = arith.cmpi ne, %sign3A_1999, %ne3A_2007 : vector<16xi32>
      %rem3A_2009 = vector.broadcast %jit3A_1988 : i32 to vector<16xi32>
      %rem3A_2010 = arith.remsi %sub3A_1987, %rem3A_2009 : vector<16xi32>
      %ne3A_2011 = arith.constant 0 : i32
      %ne3A_2012 = vector.broadcast %ne3A_2011 : i32 to vector<16xi32>
      %ne3A_2013 = arith.cmpi ne, %rem3A_2010, %ne3A_2012 : vector<16xi32>
      %and3A_2014 = arith.andi %ne3A_2008, %ne3A_2013 : vector<16xi1>
      %sub3A_2015 = arith.constant 1 : i32
      %sub3A_2016 = vector.broadcast %sub3A_2015 : i32 to vector<16xi32>
      %sub3A_2017 = arith.subi %div3A_1990, %sub3A_2016 : vector<16xi32>
      %select_n3A_2018 = arith.select %and3A_2014, %sub3A_2017, %div3A_1990 : vector<16xi1>, vector<16xi32>
      %jit3A_2019 = arith.constant 16 : i32
      %eq3A_2020 = arith.constant 0 : i32
      %eq3A_2021 = arith.cmpi eq, %jit3A_2019, %eq3A_2020 : i32
      %jit3A_2022 = arith.constant 1 : i32
      %select_n3A_2023 = arith.select %eq3A_2021, %jit3A_2022, %jit3A_2019 : i32
      %rem3A_2024 = arith.remsi %scan3A_1132, %select_n3A_2023 : i32
      %ne3A_2025 = arith.constant 0 : i32
      %ne3A_2026 = arith.cmpi ne, %rem3A_2024, %ne3A_2025 : i32
      %lt3A_2027 = arith.constant 0 : i32
      %lt3A_2028 = arith.cmpi slt, %rem3A_2024, %lt3A_2027 : i32
      %lt3A_2029 = arith.constant 0 : i32
      %lt3A_2030 = arith.cmpi slt, %select_n3A_2023, %lt3A_2029 : i32
      %ne3A_2031 = arith.xori %lt3A_2028, %lt3A_2030 : i1
      %and3A_2032 = arith.andi %ne3A_2031, %ne3A_2026 : i1
      %add3A_2033 = arith.addi %rem3A_2024, %select_n3A_2023 : i32
      %select_n3A_2034 = arith.select %and3A_2032, %add3A_2033, %rem3A_2024 : i32
      %eq3A_2035 = vector.broadcast %select_n3A_2034 : i32 to vector<16xi32>
      %eq3A_2036 = arith.cmpi eq, %iota3A, %eq3A_2035 : vector<16xi32>
      %jit3A_2037 = arith.constant 0 : i32
      %broadcast_in_dim3A_2038 = vector.broadcast %jit3A_2037 : i32 to vector<16xi32>
      %select_n3A_2039 = arith.select %eq3A_2036, %select_n3A_2018, %broadcast_in_dim3A_2038 : vector<16xi1>, vector<16xi32>
      %reduce_max3A_2040 = arith.constant true
      %reduce_max3A_2041 = vector.broadcast %reduce_max3A_2040 : i1 to vector<16xi1>
      %reduce_max3A_2042 = arith.constant -2147483648 : i32
      %reduce_max3A_2043 = vector.broadcast %reduce_max3A_2042 : i32 to vector<16xi32>
      %reduce_max3A_2044 = arith.xori %select_n3A_2039, %reduce_max3A_2043 : vector<16xi32>
      %reduce_max3A_2045 = tpu.scan <max>, %reduce_max3A_2044 masked %reduce_max3A_2041 : vector<16xi32>, vector<16xi1> -> vector<16xi32>
      %reduce_max3A_2046 = arith.xori %reduce_max3A_2045, %reduce_max3A_2043 : vector<16xi32>
      %reduce_max3A_2047 = vector.extract %reduce_max3A_2046[15] : i32 from vector<16xi32>
      %jit3A_2048 = arith.constant 2 : i32
      %eq3A_2049 = arith.constant 0 : i32
      %eq3A_2050 = arith.cmpi eq, %jit3A_2048, %eq3A_2049 : i32
      %jit3A_2051 = arith.constant 1 : i32
      %select_n3A_2052 = arith.select %eq3A_2050, %jit3A_2051, %jit3A_2048 : i32
      %rem3A_2053 = arith.remsi %scan3A_1132, %select_n3A_2052 : i32
      %ne3A_2054 = arith.constant 0 : i32
      %ne3A_2055 = arith.cmpi ne, %rem3A_2053, %ne3A_2054 : i32
      %lt3A_2056 = arith.constant 0 : i32
      %lt3A_2057 = arith.cmpi slt, %rem3A_2053, %lt3A_2056 : i32
      %lt3A_2058 = arith.constant 0 : i32
      %lt3A_2059 = arith.cmpi slt, %select_n3A_2052, %lt3A_2058 : i32
      %ne3A_2060 = arith.xori %lt3A_2057, %lt3A_2059 : i1
      %and3A_2061 = arith.andi %ne3A_2060, %ne3A_2055 : i1
      %add3A_2062 = arith.addi %rem3A_2053, %select_n3A_2052 : i32
      %select_n3A_2063 = arith.select %and3A_2061, %add3A_2062, %rem3A_2053 : i32
      %mul3A_2064 = arith.constant 200 : i32
      %mul3A_2065 = arith.muli %select_n3A_2063, %mul3A_2064 : i32
      %jit3A_2066 = arith.constant 8 : i32
      %div3A_2067 = arith.divsi %scan3A_1132, %jit3A_2066 : i32
      %sign3A_2068 = arith.constant 0 : i32
      %sign3A_2069 = arith.cmpi sgt, %scan3A_1132, %sign3A_2068 : i32
      %sign3A_2070 = arith.extui %sign3A_2069 : i1 to i32
      %sign3A_2071 = arith.constant 0 : i32
      %sign3A_2072 = arith.cmpi slt, %scan3A_1132, %sign3A_2071 : i32
      %sign3A_2073 = arith.extui %sign3A_2072 : i1 to i32
      %sign3A_2074 = arith.subi %sign3A_2070, %sign3A_2073 : i32
      %sign3A_2075 = arith.constant 0 : i32
      %sign3A_2076 = arith.cmpi sgt, %jit3A_2066, %sign3A_2075 : i32
      %sign3A_2077 = arith.extui %sign3A_2076 : i1 to i32
      %sign3A_2078 = arith.constant 0 : i32
      %sign3A_2079 = arith.cmpi slt, %jit3A_2066, %sign3A_2078 : i32
      %sign3A_2080 = arith.extui %sign3A_2079 : i1 to i32
      %sign3A_2081 = arith.subi %sign3A_2077, %sign3A_2080 : i32
      %ne3A_2082 = arith.cmpi ne, %sign3A_2074, %sign3A_2081 : i32
      %rem3A_2083 = arith.remsi %scan3A_1132, %jit3A_2066 : i32
      %ne3A_2084 = arith.constant 0 : i32
      %ne3A_2085 = arith.cmpi ne, %rem3A_2083, %ne3A_2084 : i32
      %and3A_2086 = arith.andi %ne3A_2082, %ne3A_2085 : i1
      %sub3A_2087 = arith.constant 1 : i32
      %sub3A_2088 = arith.subi %div3A_2067, %sub3A_2087 : i32
      %select_n3A_2089 = arith.select %and3A_2086, %sub3A_2088, %div3A_2067 : i32
      %jit3A_2090 = arith.constant 8 : i32
      %eq3A_2091 = arith.constant 0 : i32
      %eq3A_2092 = arith.cmpi eq, %jit3A_2090, %eq3A_2091 : i32
      %jit3A_2093 = arith.constant 1 : i32
      %select_n3A_2094 = arith.select %eq3A_2092, %jit3A_2093, %jit3A_2090 : i32
      %rem3A_2095 = arith.remsi %scan3A_1132, %select_n3A_2094 : i32
      %ne3A_2096 = arith.constant 0 : i32
      %ne3A_2097 = arith.cmpi ne, %rem3A_2095, %ne3A_2096 : i32
      %lt3A_2098 = arith.constant 0 : i32
      %lt3A_2099 = arith.cmpi slt, %rem3A_2095, %lt3A_2098 : i32
      %lt3A_2100 = arith.constant 0 : i32
      %lt3A_2101 = arith.cmpi slt, %select_n3A_2094, %lt3A_2100 : i32
      %ne3A_2102 = arith.xori %lt3A_2099, %lt3A_2101 : i1
      %and3A_2103 = arith.andi %ne3A_2102, %ne3A_2097 : i1
      %add3A_2104 = arith.addi %rem3A_2095, %select_n3A_2094 : i32
      %select_n3A_2105 = arith.select %and3A_2103, %add3A_2104, %rem3A_2095 : i32
      %while3A_2106 = arith.constant 0 : i32
      %while3A_2107 = arith.constant 0 : i32
      %while3A_2108 = arith.subi %reduce_max3A_2047, %while3A_2107 : i32
      %while3A_2109 = arith.addi %while3A_2107, %while3A_2108 : i32
      %while3A_2110 = arith.constant 1 : i32
      %while3A_2111 = arith.divsi %while3A_2108, %while3A_2110 : i32
      %while3A_2112 = arith.muli %while3A_2111, %while3A_2110 : i32
      %while3A_2113 = arith.addi %while3A_2107, %while3A_2112 : i32
      %while3A_2114 = arith.constant 1 : i32
      scf.for %while3A_2290 = %while3A_2107 to %while3A_2113 step %while3A_2114  : i32 {
        %mul3A_2291 = arith.constant 8 : i32
        %mul3A_2292 = arith.muli %while3A_2290, %mul3A_2291 : i32
        %jit3A_2293 = arith.constant 128 : i32
        %div3A_2294 = arith.divsi %mul3A_2292, %jit3A_2293 : i32
        %sign3A_2295 = arith.constant 0 : i32
        %sign3A_2296 = arith.cmpi sgt, %mul3A_2292, %sign3A_2295 : i32
        %sign3A_2297 = arith.extui %sign3A_2296 : i1 to i32
        %sign3A_2298 = arith.constant 0 : i32
        %sign3A_2299 = arith.cmpi slt, %mul3A_2292, %sign3A_2298 : i32
        %sign3A_2300 = arith.extui %sign3A_2299 : i1 to i32
        %sign3A_2301 = arith.subi %sign3A_2297, %sign3A_2300 : i32
        %sign3A_2302 = arith.constant 0 : i32
        %sign3A_2303 = arith.cmpi sgt, %jit3A_2293, %sign3A_2302 : i32
        %sign3A_2304 = arith.extui %sign3A_2303 : i1 to i32
        %sign3A_2305 = arith.constant 0 : i32
        %sign3A_2306 = arith.cmpi slt, %jit3A_2293, %sign3A_2305 : i32
        %sign3A_2307 = arith.extui %sign3A_2306 : i1 to i32
        %sign3A_2308 = arith.subi %sign3A_2304, %sign3A_2307 : i32
        %ne3A_2309 = arith.cmpi ne, %sign3A_2301, %sign3A_2308 : i32
        %rem3A_2310 = arith.remsi %mul3A_2292, %jit3A_2293 : i32
        %ne3A_2311 = arith.constant 0 : i32
        %ne3A_2312 = arith.cmpi ne, %rem3A_2310, %ne3A_2311 : i32
        %and3A_2313 = arith.andi %ne3A_2309, %ne3A_2312 : i1
        %sub3A_2314 = arith.constant 1 : i32
        %sub3A_2315 = arith.subi %div3A_2294, %sub3A_2314 : i32
        %select_n3A_2316 = arith.select %and3A_2313, %sub3A_2315, %div3A_2294 : i32
        %mul3A_2317 = arith.constant 8 : i32
        %mul3A_2318 = arith.muli %while3A_2290, %mul3A_2317 : i32
        %jit3A_2319 = arith.constant 128 : i32
        %eq3A_2320 = arith.constant 0 : i32
        %eq3A_2321 = arith.cmpi eq, %jit3A_2319, %eq3A_2320 : i32
        %jit3A_2322 = arith.constant 1 : i32
        %select_n3A_2323 = arith.select %eq3A_2321, %jit3A_2322, %jit3A_2319 : i32
        %rem3A_2324 = arith.remsi %mul3A_2318, %select_n3A_2323 : i32
        %ne3A_2325 = arith.constant 0 : i32
        %ne3A_2326 = arith.cmpi ne, %rem3A_2324, %ne3A_2325 : i32
        %lt3A_2327 = arith.constant 0 : i32
        %lt3A_2328 = arith.cmpi slt, %rem3A_2324, %lt3A_2327 : i32
        %lt3A_2329 = arith.constant 0 : i32
        %lt3A_2330 = arith.cmpi slt, %select_n3A_2323, %lt3A_2329 : i32
        %ne3A_2331 = arith.xori %lt3A_2328, %lt3A_2330 : i1
        %and3A_2332 = arith.andi %ne3A_2331, %ne3A_2326 : i1
        %add3A_2333 = arith.addi %rem3A_2324, %select_n3A_2323 : i32
        %select_n3A_2334 = arith.select %and3A_2332, %add3A_2333, %rem3A_2324 : i32
        %mul3A_2335 = arith.constant 8 : i32
        %mul3A_2336 = arith.muli %while3A_2290, %mul3A_2335 : i32
        %add3A_2337 = arith.addi %mul3A_2065, %mul3A_2336 : i32
        %dma_start3A_2338 = arith.constant 0 : i32
        %dma_start3A_2339 = tpu.memref_slice %arg10[%add3A_2337, %dma_start3A_2338] : memref<400x64xf32, #tpu.memory_space<vmem>> -> memref<8x64xf32, #tpu.memory_space<vmem>>
        %dma_start3A_2340 = tpu.memref_slice %arg6[%select_n3A_2089, %select_n3A_2316, %select_n3A_2105, %select_n3A_2334] : memref<16x2x8x128xi32, #tpu.memory_space<vmem>> -> memref<1x1x1x8xi32, #tpu.memory_space<vmem>>
        %dma_start3A_2341 = tpu.memref_squeeze %dma_start3A_2340 : memref<1x1x1x8xi32, #tpu.memory_space<vmem>> -> memref<8xi32, #tpu.memory_space<vmem>>
        %dma_start3A_2342 = arith.constant 0 : i32
        %dma_start3A_2343 = arith.constant 0 : i32
        %dma_start3A_2344 = tpu.memref_slice %arg4[%dma_start3A_2342, %dma_start3A_2343] : memref<1000002x64xf32, #tpu.memory_space<hbm>> -> memref<1000002x64xf32, #tpu.memory_space<hbm>>
        tpu.enqueue_indirect_dma source(%dma_start3A_2344 : memref<1000002x64xf32, #tpu.memory_space<hbm>>) target(%dma_start3A_2339 : memref<8x64xf32, #tpu.memory_space<vmem>>) offsets(%dma_start3A_2341 : memref<8xi32, #tpu.memory_space<vmem>>) semaphore(%arg11 : memref<!tpu.dma_semaphore, #tpu.memory_space<semaphore_mem>>)
      }
      %while3A_2115 = arith.constant 1 : i32
      scf.for %while3A_2290 = %while3A_2113 to %while3A_2109 step %while3A_2115  : i32 {
        %mul3A_2291 = arith.constant 8 : i32
        %mul3A_2292 = arith.muli %while3A_2290, %mul3A_2291 : i32
        %jit3A_2293 = arith.constant 128 : i32
        %div3A_2294 = arith.divsi %mul3A_2292, %jit3A_2293 : i32
        %sign3A_2295 = arith.constant 0 : i32
        %sign3A_2296 = arith.cmpi sgt, %mul3A_2292, %sign3A_2295 : i32
        %sign3A_2297 = arith.extui %sign3A_2296 : i1 to i32
        %sign3A_2298 = arith.constant 0 : i32
        %sign3A_2299 = arith.cmpi slt, %mul3A_2292, %sign3A_2298 : i32
        %sign3A_2300 = arith.extui %sign3A_2299 : i1 to i32
        %sign3A_2301 = arith.subi %sign3A_2297, %sign3A_2300 : i32
        %sign3A_2302 = arith.constant 0 : i32
        %sign3A_2303 = arith.cmpi sgt, %jit3A_2293, %sign3A_2302 : i32
        %sign3A_2304 = arith.extui %sign3A_2303 : i1 to i32
        %sign3A_2305 = arith.constant 0 : i32
        %sign3A_2306 = arith.cmpi slt, %jit3A_2293, %sign3A_2305 : i32
        %sign3A_2307 = arith.extui %sign3A_2306 : i1 to i32
        %sign3A_2308 = arith.subi %sign3A_2304, %sign3A_2307 : i32
        %ne3A_2309 = arith.cmpi ne, %sign3A_2301, %sign3A_2308 : i32
        %rem3A_2310 = arith.remsi %mul3A_2292, %jit3A_2293 : i32
        %ne3A_2311 = arith.constant 0 : i32
        %ne3A_2312 = arith.cmpi ne, %rem3A_2310, %ne3A_2311 : i32
        %and3A_2313 = arith.andi %ne3A_2309, %ne3A_2312 : i1
        %sub3A_2314 = arith.constant 1 : i32
        %sub3A_2315 = arith.subi %div3A_2294, %sub3A_2314 : i32
        %select_n3A_2316 = arith.select %and3A_2313, %sub3A_2315, %div3A_2294 : i32
        %mul3A_2317 = arith.constant 8 : i32
        %mul3A_2318 = arith.muli %while3A_2290, %mul3A_2317 : i32
        %jit3A_2319 = arith.constant 128 : i32
        %eq3A_2320 = arith.constant 0 : i32
        %eq3A_2321 = arith.cmpi eq, %jit3A_2319, %eq3A_2320 : i32
        %jit3A_2322 = arith.constant 1 : i32
        %select_n3A_2323 = arith.select %eq3A_2321, %jit3A_2322, %jit3A_2319 : i32
        %rem3A_2324 = arith.remsi %mul3A_2318, %select_n3A_2323 : i32
        %ne3A_2325 = arith.constant 0 : i32
        %ne3A_2326 = arith.cmpi ne, %rem3A_2324, %ne3A_2325 : i32
        %lt3A_2327 = arith.constant 0 : i32
        %lt3A_2328 = arith.cmpi slt, %rem3A_2324, %lt3A_2327 : i32
        %lt3A_2329 = arith.constant 0 : i32
        %lt3A_2330 = arith.cmpi slt, %select_n3A_2323, %lt3A_2329 : i32
        %ne3A_2331 = arith.xori %lt3A_2328, %lt3A_2330 : i1
        %and3A_2332 = arith.andi %ne3A_2331, %ne3A_2326 : i1
        %add3A_2333 = arith.addi %rem3A_2324, %select_n3A_2323 : i32
        %select_n3A_2334 = arith.select %and3A_2332, %add3A_2333, %rem3A_2324 : i32
        %mul3A_2335 = arith.constant 8 : i32
        %mul3A_2336 = arith.muli %while3A_2290, %mul3A_2335 : i32
        %add3A_2337 = arith.addi %mul3A_2065, %mul3A_2336 : i32
        %dma_start3A_2338 = arith.constant 0 : i32
        %dma_start3A_2339 = tpu.memref_slice %arg10[%add3A_2337, %dma_start3A_2338] : memref<400x64xf32, #tpu.memory_space<vmem>> -> memref<8x64xf32, #tpu.memory_space<vmem>>
        %dma_start3A_2340 = tpu.memref_slice %arg6[%select_n3A_2089, %select_n3A_2316, %select_n3A_2105, %select_n3A_2334] : memref<16x2x8x128xi32, #tpu.memory_space<vmem>> -> memref<1x1x1x8xi32, #tpu.memory_space<vmem>>
        %dma_start3A_2341 = tpu.memref_squeeze %dma_start3A_2340 : memref<1x1x1x8xi32, #tpu.memory_space<vmem>> -> memref<8xi32, #tpu.memory_space<vmem>>
        %dma_start3A_2342 = arith.constant 0 : i32
        %dma_start3A_2343 = arith.constant 0 : i32
        %dma_start3A_2344 = tpu.memref_slice %arg4[%dma_start3A_2342, %dma_start3A_2343] : memref<1000002x64xf32, #tpu.memory_space<hbm>> -> memref<1000002x64xf32, #tpu.memory_space<hbm>>
        tpu.enqueue_indirect_dma source(%dma_start3A_2344 : memref<1000002x64xf32, #tpu.memory_space<hbm>>) target(%dma_start3A_2339 : memref<8x64xf32, #tpu.memory_space<vmem>>) offsets(%dma_start3A_2341 : memref<8xi32, #tpu.memory_space<vmem>>) semaphore(%arg11 : memref<!tpu.dma_semaphore, #tpu.memory_space<semaphore_mem>>)
      }
      %sub3A_2116 = arith.constant 1 : i32
      %sub3A_2117 = arith.subi %scan3A_1132, %sub3A_2116 : i32
      %jit3A_2118 = arith.constant 16 : i32
      %div3A_2119 = arith.divsi %sub3A_2117, %jit3A_2118 : i32
      %sign3A_2120 = arith.constant 0 : i32
      %sign3A_2121 = arith.cmpi sgt, %sub3A_2117, %sign3A_2120 : i32
      %sign3A_2122 = arith.extui %sign3A_2121 : i1 to i32
      %sign3A_2123 = arith.constant 0 : i32
      %sign3A_2124 = arith.cmpi slt, %sub3A_2117, %sign3A_2123 : i32
      %sign3A_2125 = arith.extui %sign3A_2124 : i1 to i32
      %sign3A_2126 = arith.subi %sign3A_2122, %sign3A_2125 : i32
      %sign3A_2127 = arith.constant 0 : i32
      %sign3A_2128 = arith.cmpi sgt, %jit3A_2118, %sign3A_2127 : i32
      %sign3A_2129 = arith.extui %sign3A_2128 : i1 to i32
      %sign3A_2130 = arith.constant 0 : i32
      %sign3A_2131 = arith.cmpi slt, %jit3A_2118, %sign3A_2130 : i32
      %sign3A_2132 = arith.extui %sign3A_2131 : i1 to i32
      %sign3A_2133 = arith.subi %sign3A_2129, %sign3A_2132 : i32
      %ne3A_2134 = arith.cmpi ne, %sign3A_2126, %sign3A_2133 : i32
      %rem3A_2135 = arith.remsi %sub3A_2117, %jit3A_2118 : i32
      %ne3A_2136 = arith.constant 0 : i32
      %ne3A_2137 = arith.cmpi ne, %rem3A_2135, %ne3A_2136 : i32
      %and3A_2138 = arith.andi %ne3A_2134, %ne3A_2137 : i1
      %sub3A_2139 = arith.constant 1 : i32
      %sub3A_2140 = arith.subi %div3A_2119, %sub3A_2139 : i32
      %select_n3A_2141 = arith.select %and3A_2138, %sub3A_2140, %div3A_2119 : i32
      %mul3A_2142 = arith.constant 16 : i32
      %mul3A_2143 = arith.muli %mul3A_2142, %select_n3A_2141 : i32
      %get3A_2144 = arith.index_cast %mul3A_2143 : i32 to index
      %get3A_2145 = tpu.vector_load %arg7[%get3A_2144] {strides = array<i32>} : memref<128xi32, #tpu.memory_space<vmem>>, vector<16xi32>,
      %sub3A_2146 = arith.constant 207 : i32
      %sub3A_2147 = vector.broadcast %sub3A_2146 : i32 to vector<16xi32>
      %sub3A_2148 = arith.subi %sub3A_2147, %get3A_2145 : vector<16xi32>
      %jit3A_2149 = arith.constant 8 : i32
      %div3A_2150 = vector.broadcast %jit3A_2149 : i32 to vector<16xi32>
      %div3A_2151 = arith.divsi %sub3A_2148, %div3A_2150 : vector<16xi32>
      %sign3A_2152 = arith.constant 0 : i32
      %sign3A_2153 = vector.broadcast %sign3A_2152 : i32 to vector<16xi32>
      %sign3A_2154 = arith.cmpi sgt, %sub3A_2148, %sign3A_2153 : vector<16xi32>
      %sign3A_2155 = arith.extui %sign3A_2154 : vector<16xi1> to vector<16xi32>
      %sign3A_2156 = arith.constant 0 : i32
      %sign3A_2157 = vector.broadcast %sign3A_2156 : i32 to vector<16xi32>
      %sign3A_2158 = arith.cmpi slt, %sub3A_2148, %sign3A_2157 : vector<16xi32>
      %sign3A_2159 = arith.extui %sign3A_2158 : vector<16xi1> to vector<16xi32>
      %sign3A_2160 = arith.subi %sign3A_2155, %sign3A_2159 : vector<16xi32>
      %sign3A_2161 = arith.constant 0 : i32
      %sign3A_2162 = arith.cmpi sgt, %jit3A_2149, %sign3A_2161 : i32
      %sign3A_2163 = arith.extui %sign3A_2162 : i1 to i32
      %sign3A_2164 = arith.constant 0 : i32
      %sign3A_2165 = arith.cmpi slt, %jit3A_2149, %sign3A_2164 : i32
      %sign3A_2166 = arith.extui %sign3A_2165 : i1 to i32
      %sign3A_2167 = arith.subi %sign3A_2163, %sign3A_2166 : i32
      %ne3A_2168 = vector.broadcast %sign3A_2167 : i32 to vector<16xi32>
      %ne3A_2169 = arith.cmpi ne, %sign3A_2160, %ne3A_2168 : vector<16xi32>
      %rem3A_2170 = vector.broadcast %jit3A_2149 : i32 to vector<16xi32>
      %rem3A_2171 = arith.remsi %sub3A_2148, %rem3A_2170 : vector<16xi32>
      %ne3A_2172 = arith.constant 0 : i32
      %ne3A_2173 = vector.broadcast %ne3A_2172 : i32 to vector<16xi32>
      %ne3A_2174 = arith.cmpi ne, %rem3A_2171, %ne3A_2173 : vector<16xi32>
      %and3A_2175 = arith.andi %ne3A_2169, %ne3A_2174 : vector<16xi1>
      %sub3A_2176 = arith.constant 1 : i32
      %sub3A_2177 = vector.broadcast %sub3A_2176 : i32 to vector<16xi32>
      %sub3A_2178 = arith.subi %div3A_2151, %sub3A_2177 : vector<16xi32>
      %select_n3A_2179 = arith.select %and3A_2175, %sub3A_2178, %div3A_2151 : vector<16xi1>, vector<16xi32>
      %jit3A_2180 = arith.constant 16 : i32
      %eq3A_2181 = arith.constant 0 : i32
      %eq3A_2182 = arith.cmpi eq, %jit3A_2180, %eq3A_2181 : i32
      %jit3A_2183 = arith.constant 1 : i32
      %select_n3A_2184 = arith.select %eq3A_2182, %jit3A_2183, %jit3A_2180 : i32
      %rem3A_2185 = arith.remsi %sub3A_2117, %select_n3A_2184 : i32
      %ne3A_2186 = arith.constant 0 : i32
      %ne3A_2187 = arith.cmpi ne, %rem3A_2185, %ne3A_2186 : i32
      %lt3A_2188 = arith.constant 0 : i32
      %lt3A_2189 = arith.cmpi slt, %rem3A_2185, %lt3A_2188 : i32
      %lt3A_2190 = arith.constant 0 : i32
      %lt3A_2191 = arith.cmpi slt, %select_n3A_2184, %lt3A_2190 : i32
      %ne3A_2192 = arith.xori %lt3A_2189, %lt3A_2191 : i1
      %and3A_2193 = arith.andi %ne3A_2192, %ne3A_2187 : i1
      %add3A_2194 = arith.addi %rem3A_2185, %select_n3A_2184 : i32
      %select_n3A_2195 = arith.select %and3A_2193, %add3A_2194, %rem3A_2185 : i32
      %eq3A_2196 = vector.broadcast %select_n3A_2195 : i32 to vector<16xi32>
      %eq3A_2197 = arith.cmpi eq, %iota3A, %eq3A_2196 : vector<16xi32>
      %jit3A_2198 = arith.constant 0 : i32
      %broadcast_in_dim3A_2199 = vector.broadcast %jit3A_2198 : i32 to vector<16xi32>
      %select_n3A_2200 = arith.select %eq3A_2197, %select_n3A_2179, %broadcast_in_dim3A_2199 : vector<16xi1>, vector<16xi32>
      %reduce_max3A_2201 = arith.constant true
      %reduce_max3A_2202 = vector.broadcast %reduce_max3A_2201 : i1 to vector<16xi1>
      %reduce_max3A_2203 = arith.constant -2147483648 : i32
      %reduce_max3A_2204 = vector.broadcast %reduce_max3A_2203 : i32 to vector<16xi32>
      %reduce_max3A_2205 = arith.xori %select_n3A_2200, %reduce_max3A_2204 : vector<16xi32>
      %reduce_max3A_2206 = tpu.scan <max>, %reduce_max3A_2205 masked %reduce_max3A_2202 : vector<16xi32>, vector<16xi1> -> vector<16xi32>
      %reduce_max3A_2207 = arith.xori %reduce_max3A_2206, %reduce_max3A_2204 : vector<16xi32>
      %reduce_max3A_2208 = vector.extract %reduce_max3A_2207[15] : i32 from vector<16xi32>
      %jit3A_2209 = arith.constant 2 : i32
      %eq3A_2210 = arith.constant 0 : i32
      %eq3A_2211 = arith.cmpi eq, %jit3A_2209, %eq3A_2210 : i32
      %jit3A_2212 = arith.constant 1 : i32
      %select_n3A_2213 = arith.select %eq3A_2211, %jit3A_2212, %jit3A_2209 : i32
      %rem3A_2214 = arith.remsi %sub3A_2117, %select_n3A_2213 : i32
      %ne3A_2215 = arith.constant 0 : i32
      %ne3A_2216 = arith.cmpi ne, %rem3A_2214, %ne3A_2215 : i32
      %lt3A_2217 = arith.constant 0 : i32
      %lt3A_2218 = arith.cmpi slt, %rem3A_2214, %lt3A_2217 : i32
      %lt3A_2219 = arith.constant 0 : i32
      %lt3A_2220 = arith.cmpi slt, %select_n3A_2213, %lt3A_2219 : i32
      %ne3A_2221 = arith.xori %lt3A_2218, %lt3A_2220 : i1
      %and3A_2222 = arith.andi %ne3A_2221, %ne3A_2216 : i1
      %add3A_2223 = arith.addi %rem3A_2214, %select_n3A_2213 : i32
      %select_n3A_2224 = arith.select %and3A_2222, %add3A_2223, %rem3A_2214 : i32
      %mul3A_2225 = arith.constant 200 : i32
      %mul3A_2226 = arith.muli %select_n3A_2224, %mul3A_2225 : i32
      %jit3A_2227 = arith.constant 8 : i32
      %div3A_2228 = arith.divsi %sub3A_2117, %jit3A_2227 : i32
      %sign3A_2229 = arith.constant 0 : i32
      %sign3A_2230 = arith.cmpi sgt, %sub3A_2117, %sign3A_2229 : i32
      %sign3A_2231 = arith.extui %sign3A_2230 : i1 to i32
      %sign3A_2232 = arith.constant 0 : i32
      %sign3A_2233 = arith.cmpi slt, %sub3A_2117, %sign3A_2232 : i32
      %sign3A_2234 = arith.extui %sign3A_2233 : i1 to i32
      %sign3A_2235 = arith.subi %sign3A_2231, %sign3A_2234 : i32
      %sign3A_2236 = arith.constant 0 : i32
      %sign3A_2237 = arith.cmpi sgt, %jit3A_2227, %sign3A_2236 : i32
      %sign3A_2238 = arith.extui %sign3A_2237 : i1 to i32
      %sign3A_2239 = arith.constant 0 : i32
      %sign3A_2240 = arith.cmpi slt, %jit3A_2227, %sign3A_2239 : i32
      %sign3A_2241 = arith.extui %sign3A_2240 : i1 to i32
      %sign3A_2242 = arith.subi %sign3A_2238, %sign3A_2241 : i32
      %ne3A_2243 = arith.cmpi ne, %sign3A_2235, %sign3A_2242 : i32
      %rem3A_2244 = arith.remsi %sub3A_2117, %jit3A_2227 : i32
      %ne3A_2245 = arith.constant 0 : i32
      %ne3A_2246 = arith.cmpi ne, %rem3A_2244, %ne3A_2245 : i32
      %and3A_2247 = arith.andi %ne3A_2243, %ne3A_2246 : i1
      %sub3A_2248 = arith.constant 1 : i32
      %sub3A_2249 = arith.subi %div3A_2228, %sub3A_2248 : i32
      %select_n3A_2250 = arith.select %and3A_2247, %sub3A_2249, %div3A_2228 : i32
      %jit3A_2251 = arith.constant 8 : i32
      %eq3A_2252 = arith.constant 0 : i32
      %eq3A_2253 = arith.cmpi eq, %jit3A_2251, %eq3A_2252 : i32
      %jit3A_2254 = arith.constant 1 : i32
      %select_n3A_2255 = arith.select %eq3A_2253, %jit3A_2254, %jit3A_2251 : i32
      %rem3A_2256 = arith.remsi %sub3A_2117, %select_n3A_2255 : i32
      %ne3A_2257 = arith.constant 0 : i32
      %ne3A_2258 = arith.cmpi ne, %rem3A_2256, %ne3A_2257 : i32
      %lt3A_2259 = arith.constant 0 : i32
      %lt3A_2260 = arith.cmpi slt, %rem3A_2256, %lt3A_2259 : i32
      %lt3A_2261 = arith.constant 0 : i32
      %lt3A_2262 = arith.cmpi slt, %select_n3A_2255, %lt3A_2261 : i32
      %ne3A_2263 = arith.xori %lt3A_2260, %lt3A_2262 : i1
      %and3A_2264 = arith.andi %ne3A_2263, %ne3A_2258 : i1
      %add3A_2265 = arith.addi %rem3A_2256, %select_n3A_2255 : i32
      %select_n3A_2266 = arith.select %and3A_2264, %add3A_2265, %rem3A_2256 : i32
      %mul3A_2267 = arith.constant 128 : i32
      %mul3A_2268 = arith.muli %add3A, %mul3A_2267 : i32
      %add3A_2269 = arith.addi %mul3A_2268, %sub3A_2117 : i32
      %while3A_2270 = arith.constant 0 : i32
      %while3A_2271 = arith.constant 0 : i32
      %while3A_2272 = arith.subi %reduce_max3A_2208, %while3A_2271 : i32
      %while3A_2273 = arith.addi %while3A_2271, %while3A_2272 : i32
      %while3A_2274 = arith.constant 1 : i32
      %while3A_2275 = arith.divsi %while3A_2272, %while3A_2274 : i32
      %while3A_2276 = arith.muli %while3A_2275, %while3A_2274 : i32
      %while3A_2277 = arith.addi %while3A_2271, %while3A_2276 : i32
      %while3A_2278 = arith.constant 1 : i32
      scf.for %while3A_2290 = %while3A_2271 to %while3A_2277 step %while3A_2278  : i32 {
        %mul3A_2291 = arith.constant 8 : i32
        %mul3A_2292 = arith.muli %while3A_2290, %mul3A_2291 : i32
        %jit3A_2293 = arith.constant 128 : i32
        %div3A_2294 = arith.divsi %mul3A_2292, %jit3A_2293 : i32
        %sign3A_2295 = arith.constant 0 : i32
        %sign3A_2296 = arith.cmpi sgt, %mul3A_2292, %sign3A_2295 : i32
        %sign3A_2297 = arith.extui %sign3A_2296 : i1 to i32
        %sign3A_2298 = arith.constant 0 : i32
        %sign3A_2299 = arith.cmpi slt, %mul3A_2292, %sign3A_2298 : i32
        %sign3A_2300 = arith.extui %sign3A_2299 : i1 to i32
        %sign3A_2301 = arith.subi %sign3A_2297, %sign3A_2300 : i32
        %sign3A_2302 = arith.constant 0 : i32
        %sign3A_2303 = arith.cmpi sgt, %jit3A_2293, %sign3A_2302 : i32
        %sign3A_2304 = arith.extui %sign3A_2303 : i1 to i32
        %sign3A_2305 = arith.constant 0 : i32
        %sign3A_2306 = arith.cmpi slt, %jit3A_2293, %sign3A_2305 : i32
        %sign3A_2307 = arith.extui %sign3A_2306 : i1 to i32
        %sign3A_2308 = arith.subi %sign3A_2304, %sign3A_2307 : i32
        %ne3A_2309 = arith.cmpi ne, %sign3A_2301, %sign3A_2308 : i32
        %rem3A_2310 = arith.remsi %mul3A_2292, %jit3A_2293 : i32
        %ne3A_2311 = arith.constant 0 : i32
        %ne3A_2312 = arith.cmpi ne, %rem3A_2310, %ne3A_2311 : i32
        %and3A_2313 = arith.andi %ne3A_2309, %ne3A_2312 : i1
        %sub3A_2314 = arith.constant 1 : i32
        %sub3A_2315 = arith.subi %div3A_2294, %sub3A_2314 : i32
        %select_n3A_2316 = arith.select %and3A_2313, %sub3A_2315, %div3A_2294 : i32
        %mul3A_2317 = arith.constant 8 : i32
        %mul3A_2318 = arith.muli %while3A_2290, %mul3A_2317 : i32
        %jit3A_2319 = arith.constant 128 : i32
        %eq3A_2320 = arith.constant 0 : i32
        %eq3A_2321 = arith.cmpi eq, %jit3A_2319, %eq3A_2320 : i32
        %jit3A_2322 = arith.constant 1 : i32
        %select_n3A_2323 = arith.select %eq3A_2321, %jit3A_2322, %jit3A_2319 : i32
        %rem3A_2324 = arith.remsi %mul3A_2318, %select_n3A_2323 : i32
        %ne3A_2325 = arith.constant 0 : i32
        %ne3A_2326 = arith.cmpi ne, %rem3A_2324, %ne3A_2325 : i32
        %lt3A_2327 = arith.constant 0 : i32
        %lt3A_2328 = arith.cmpi slt, %rem3A_2324, %lt3A_2327 : i32
        %lt3A_2329 = arith.constant 0 : i32
        %lt3A_2330 = arith.cmpi slt, %select_n3A_2323, %lt3A_2329 : i32
        %ne3A_2331 = arith.xori %lt3A_2328, %lt3A_2330 : i1
        %and3A_2332 = arith.andi %ne3A_2331, %ne3A_2326 : i1
        %add3A_2333 = arith.addi %rem3A_2324, %select_n3A_2323 : i32
        %select_n3A_2334 = arith.select %and3A_2332, %add3A_2333, %rem3A_2324 : i32
        %mul3A_2335 = arith.constant 8 : i32
        %mul3A_2336 = arith.muli %while3A_2290, %mul3A_2335 : i32
        %add3A_2337 = arith.addi %mul3A_2226, %mul3A_2336 : i32
        %dma_wait3A_2338 = arith.constant 0 : i32
        %dma_wait3A_2339 = tpu.memref_slice %arg10[%add3A_2337, %dma_wait3A_2338] : memref<400x64xf32, #tpu.memory_space<vmem>> -> memref<8x64xf32, #tpu.memory_space<vmem>>
        %dma_wait3A_2340 = tpu.memref_slice %arg6[%select_n3A_2250, %select_n3A_2316, %select_n3A_2266, %select_n3A_2334] : memref<16x2x8x128xi32, #tpu.memory_space<vmem>> -> memref<1x1x1x8xi32, #tpu.memory_space<vmem>>
        %dma_wait3A_2341 = tpu.memref_squeeze %dma_wait3A_2340 : memref<1x1x1x8xi32, #tpu.memory_space<vmem>> -> memref<8xi32, #tpu.memory_space<vmem>>
        %dma_wait3A_2342 = arith.constant 0 : i32
        %dma_wait3A_2343 = arith.constant 0 : i32
        %dma_wait3A_2344 = tpu.memref_slice %arg4[%dma_wait3A_2342, %dma_wait3A_2343] : memref<1000002x64xf32, #tpu.memory_space<hbm>> -> memref<1000002x64xf32, #tpu.memory_space<hbm>>
        tpu.wait_indirect_dma semaphore(%arg11 : memref<!tpu.dma_semaphore, #tpu.memory_space<semaphore_mem>>) src(%dma_wait3A_2344 : memref<1000002x64xf32, #tpu.memory_space<hbm>>) dst(%dma_wait3A_2339 : memref<8x64xf32, #tpu.memory_space<vmem>>)
        %mul3A_2345 = arith.constant 8 : i32
        %mul3A_2346 = arith.muli %while3A_2290, %mul3A_2345 : i32
        %add3A_2347 = arith.addi %mul3A_2226, %mul3A_2346 : i32
        %dma_start3A_2348 = arith.constant 0 : i32
        %dma_start3A_2349 = tpu.memref_slice %arg10[%add3A_2347, %dma_start3A_2348] : memref<400x64xf32, #tpu.memory_space<vmem>> -> memref<8x64xf32, #tpu.memory_space<vmem>>
        %dma_start3A_2350 = arith.constant 0 : i32
        %dma_start3A_2351 = arith.constant 0 : i32
        %dma_start3A_2352 = tpu.memref_slice %arg5[%add3A_2269, %while3A_2290, %dma_start3A_2350, %dma_start3A_2351] : memref<4096x25x8x128xf32, #tpu.memory_space<hbm>> -> memref<1x1x8x64xf32, #tpu.memory_space<hbm>>
        %dma_start3A_2353 = tpu.memref_squeeze %dma_start3A_2352 : memref<1x1x8x64xf32, #tpu.memory_space<hbm>> -> memref<8x64xf32, #tpu.memory_space<hbm>>
        %dma_start3A_2354 = arith.constant 0 : i32
        %dma_start3A_2355 = arith.constant 0 : i32
        %dma_start3A_2356 = tpu.memref_slice %arg5[%add3A_2269, %while3A_2290, %dma_start3A_2354, %dma_start3A_2355] : memref<4096x25x8x128xf32, #tpu.memory_space<hbm>> -> memref<1x1x8x64xf32, #tpu.memory_space<hbm>>
        %dma_start3A_2357 = tpu.memref_squeeze %dma_start3A_2356 : memref<1x1x8x64xf32, #tpu.memory_space<hbm>> -> memref<8x64xf32, #tpu.memory_space<hbm>>
        %dma_start3A_2358 = arith.constant 0 : i32
        %dma_start3A_2359 = tpu.memref_slice %arg10[%add3A_2347, %dma_start3A_2358] : memref<400x64xf32, #tpu.memory_space<vmem>> -> memref<8x64xf32, #tpu.memory_space<vmem>>
        tpu.enqueue_dma source(%dma_start3A_2359 : memref<8x64xf32, #tpu.memory_space<vmem>>) target(%dma_start3A_2357 : memref<8x64xf32, #tpu.memory_space<hbm>>) target_semaphore(%arg12 : memref<!tpu.dma_semaphore, #tpu.memory_space<semaphore_mem>>)
      }
      %while3A_2279 = arith.constant 1 : i32
      scf.for %while3A_2290 = %while3A_2277 to %while3A_2273 step %while3A_2279  : i32 {
        %mul3A_2291 = arith.constant 8 : i32
        %mul3A_2292 = arith.muli %while3A_2290, %mul3A_2291 : i32
        %jit3A_2293 = arith.constant 128 : i32
        %div3A_2294 = arith.divsi %mul3A_2292, %jit3A_2293 : i32
        %sign3A_2295 = arith.constant 0 : i32
        %sign3A_2296 = arith.cmpi sgt, %mul3A_2292, %sign3A_2295 : i32
        %sign3A_2297 = arith.extui %sign3A_2296 : i1 to i32
        %sign3A_2298 = arith.constant 0 : i32
        %sign3A_2299 = arith.cmpi slt, %mul3A_2292, %sign3A_2298 : i32
        %sign3A_2300 = arith.extui %sign3A_2299 : i1 to i32
        %sign3A_2301 = arith.subi %sign3A_2297, %sign3A_2300 : i32
        %sign3A_2302 = arith.constant 0 : i32
        %sign3A_2303 = arith.cmpi sgt, %jit3A_2293, %sign3A_2302 : i32
        %sign3A_2304 = arith.extui %sign3A_2303 : i1 to i32
        %sign3A_2305 = arith.constant 0 : i32
        %sign3A_2306 = arith.cmpi slt, %jit3A_2293, %sign3A_2305 : i32
        %sign3A_2307 = arith.extui %sign3A_2306 : i1 to i32
        %sign3A_2308 = arith.subi %sign3A_2304, %sign3A_2307 : i32
        %ne3A_2309 = arith.cmpi ne, %sign3A_2301, %sign3A_2308 : i32
        %rem3A_2310 = arith.remsi %mul3A_2292, %jit3A_2293 : i32
        %ne3A_2311 = arith.constant 0 : i32
        %ne3A_2312 = arith.cmpi ne, %rem3A_2310, %ne3A_2311 : i32
        %and3A_2313 = arith.andi %ne3A_2309, %ne3A_2312 : i1
        %sub3A_2314 = arith.constant 1 : i32
        %sub3A_2315 = arith.subi %div3A_2294, %sub3A_2314 : i32
        %select_n3A_2316 = arith.select %and3A_2313, %sub3A_2315, %div3A_2294 : i32
        %mul3A_2317 = arith.constant 8 : i32
        %mul3A_2318 = arith.muli %while3A_2290, %mul3A_2317 : i32
        %jit3A_2319 = arith.constant 128 : i32
        %eq3A_2320 = arith.constant 0 : i32
        %eq3A_2321 = arith.cmpi eq, %jit3A_2319, %eq3A_2320 : i32
        %jit3A_2322 = arith.constant 1 : i32
        %select_n3A_2323 = arith.select %eq3A_2321, %jit3A_2322, %jit3A_2319 : i32
        %rem3A_2324 = arith.remsi %mul3A_2318, %select_n3A_2323 : i32
        %ne3A_2325 = arith.constant 0 : i32
        %ne3A_2326 = arith.cmpi ne, %rem3A_2324, %ne3A_2325 : i32
        %lt3A_2327 = arith.constant 0 : i32
        %lt3A_2328 = arith.cmpi slt, %rem3A_2324, %lt3A_2327 : i32
        %lt3A_2329 = arith.constant 0 : i32
        %lt3A_2330 = arith.cmpi slt, %select_n3A_2323, %lt3A_2329 : i32
        %ne3A_2331 = arith.xori %lt3A_2328, %lt3A_2330 : i1
        %and3A_2332 = arith.andi %ne3A_2331, %ne3A_2326 : i1
        %add3A_2333 = arith.addi %rem3A_2324, %select_n3A_2323 : i32
        %select_n3A_2334 = arith.select %and3A_2332, %add3A_2333, %rem3A_2324 : i32
        %mul3A_2335 = arith.constant 8 : i32
        %mul3A_2336 = arith.muli %while3A_2290, %mul3A_2335 : i32
        %add3A_2337 = arith.addi %mul3A_2226, %mul3A_2336 : i32
        %dma_wait3A_2338 = arith.constant 0 : i32
        %dma_wait3A_2339 = tpu.memref_slice %arg10[%add3A_2337, %dma_wait3A_2338] : memref<400x64xf32, #tpu.memory_space<vmem>> -> memref<8x64xf32, #tpu.memory_space<vmem>>
        %dma_wait3A_2340 = tpu.memref_slice %arg6[%select_n3A_2250, %select_n3A_2316, %select_n3A_2266, %select_n3A_2334] : memref<16x2x8x128xi32, #tpu.memory_space<vmem>> -> memref<1x1x1x8xi32, #tpu.memory_space<vmem>>
        %dma_wait3A_2341 = tpu.memref_squeeze %dma_wait3A_2340 : memref<1x1x1x8xi32, #tpu.memory_space<vmem>> -> memref<8xi32, #tpu.memory_space<vmem>>
        %dma_wait3A_2342 = arith.constant 0 : i32
        %dma_wait3A_2343 = arith.constant 0 : i32
        %dma_wait3A_2344 = tpu.memref_slice %arg4[%dma_wait3A_2342, %dma_wait3A_2343] : memref<1000002x64xf32, #tpu.memory_space<hbm>> -> memref<1000002x64xf32, #tpu.memory_space<hbm>>
        tpu.wait_indirect_dma semaphore(%arg11 : memref<!tpu.dma_semaphore, #tpu.memory_space<semaphore_mem>>) src(%dma_wait3A_2344 : memref<1000002x64xf32, #tpu.memory_space<hbm>>) dst(%dma_wait3A_2339 : memref<8x64xf32, #tpu.memory_space<vmem>>)
        %mul3A_2345 = arith.constant 8 : i32
        %mul3A_2346 = arith.muli %while3A_2290, %mul3A_2345 : i32
        %add3A_2347 = arith.addi %mul3A_2226, %mul3A_2346 : i32
        %dma_start3A_2348 = arith.constant 0 : i32
        %dma_start3A_2349 = tpu.memref_slice %arg10[%add3A_2347, %dma_start3A_2348] : memref<400x64xf32, #tpu.memory_space<vmem>> -> memref<8x64xf32, #tpu.memory_space<vmem>>
        %dma_start3A_2350 = arith.constant 0 : i32
        %dma_start3A_2351 = arith.constant 0 : i32
        %dma_start3A_2352 = tpu.memref_slice %arg5[%add3A_2269, %while3A_2290, %dma_start3A_2350, %dma_start3A_2351] : memref<4096x25x8x128xf32, #tpu.memory_space<hbm>> -> memref<1x1x8x64xf32, #tpu.memory_space<hbm>>
        %dma_start3A_2353 = tpu.memref_squeeze %dma_start3A_2352 : memref<1x1x8x64xf32, #tpu.memory_space<hbm>> -> memref<8x64xf32, #tpu.memory_space<hbm>>
        %dma_start3A_2354 = arith.constant 0 : i32
        %dma_start3A_2355 = arith.constant 0 : i32
        %dma_start3A_2356 = tpu.memref_slice %arg5[%add3A_2269, %while3A_2290, %dma_start3A_2354, %dma_start3A_2355] : memref<4096x25x8x128xf32, #tpu.memory_space<hbm>> -> memref<1x1x8x64xf32, #tpu.memory_space<hbm>>
        %dma_start3A_2357 = tpu.memref_squeeze %dma_start3A_2356 : memref<1x1x8x64xf32, #tpu.memory_space<hbm>> -> memref<8x64xf32, #tpu.memory_space<hbm>>
        %dma_start3A_2358 = arith.constant 0 : i32
        %dma_start3A_2359 = tpu.memref_slice %arg10[%add3A_2347, %dma_start3A_2358] : memref<400x64xf32, #tpu.memory_space<vmem>> -> memref<8x64xf32, #tpu.memory_space<vmem>>
        tpu.enqueue_dma source(%dma_start3A_2359 : memref<8x64xf32, #tpu.memory_space<vmem>>) target(%dma_start3A_2357 : memref<8x64xf32, #tpu.memory_space<hbm>>) target_semaphore(%arg12 : memref<!tpu.dma_semaphore, #tpu.memory_space<semaphore_mem>>)
      }
      %while3A_2280 = arith.constant 0 : i32
      %while3A_2281 = arith.constant 25 : i32
      %while3A_2282 = arith.subi %while3A_2281, %reduce_max3A_2208 : i32
      %while3A_2283 = arith.addi %reduce_max3A_2208, %while3A_2282 : i32
      %while3A_2284 = arith.constant 1 : i32
      %while3A_2285 = arith.divsi %while3A_2282, %while3A_2284 : i32
      %while3A_2286 = arith.muli %while3A_2285, %while3A_2284 : i32
      %while3A_2287 = arith.addi %reduce_max3A_2208, %while3A_2286 : i32
      %while3A_2288 = arith.constant 1 : i32
      scf.for %while3A_2290 = %reduce_max3A_2208 to %while3A_2287 step %while3A_2288  : i32 {
        %dma_start3A_2291 = arith.constant 0 : i32
        %dma_start3A_2292 = arith.constant 0 : i32
        %dma_start3A_2293 = tpu.memref_slice %arg5[%add3A_2269, %while3A_2290, %dma_start3A_2291, %dma_start3A_2292] : memref<4096x25x8x128xf32, #tpu.memory_space<hbm>> -> memref<1x1x8x64xf32, #tpu.memory_space<hbm>>
        %dma_start3A_2294 = tpu.memref_squeeze %dma_start3A_2293 : memref<1x1x8x64xf32, #tpu.memory_space<hbm>> -> memref<8x64xf32, #tpu.memory_space<hbm>>
        %dma_start3A_2295 = arith.constant 0 : i32
        %dma_start3A_2296 = arith.constant 0 : i32
        %dma_start3A_2297 = tpu.memref_slice %arg5[%add3A_2269, %while3A_2290, %dma_start3A_2295, %dma_start3A_2296] : memref<4096x25x8x128xf32, #tpu.memory_space<hbm>> -> memref<1x1x8x64xf32, #tpu.memory_space<hbm>>
        %dma_start3A_2298 = tpu.memref_squeeze %dma_start3A_2297 : memref<1x1x8x64xf32, #tpu.memory_space<hbm>> -> memref<8x64xf32, #tpu.memory_space<hbm>>
        tpu.enqueue_dma source(%arg9 : memref<8x64xf32, #tpu.memory_space<vmem>>) target(%dma_start3A_2298 : memref<8x64xf32, #tpu.memory_space<hbm>>) target_semaphore(%arg12 : memref<!tpu.dma_semaphore, #tpu.memory_space<semaphore_mem>>)
      }
      %while3A_2289 = arith.constant 1 : i32
      scf.for %while3A_2290 = %while3A_2287 to %while3A_2283 step %while3A_2289  : i32 {
        %dma_start3A_2291 = arith.constant 0 : i32
        %dma_start3A_2292 = arith.constant 0 : i32
        %dma_start3A_2293 = tpu.memref_slice %arg5[%add3A_2269, %while3A_2290, %dma_start3A_2291, %dma_start3A_2292] : memref<4096x25x8x128xf32, #tpu.memory_space<hbm>> -> memref<1x1x8x64xf32, #tpu.memory_space<hbm>>
        %dma_start3A_2294 = tpu.memref_squeeze %dma_start3A_2293 : memref<1x1x8x64xf32, #tpu.memory_space<hbm>> -> memref<8x64xf32, #tpu.memory_space<hbm>>
        %dma_start3A_2295 = arith.constant 0 : i32
        %dma_start3A_2296 = arith.constant 0 : i32
        %dma_start3A_2297 = tpu.memref_slice %arg5[%add3A_2269, %while3A_2290, %dma_start3A_2295, %dma_start3A_2296] : memref<4096x25x8x128xf32, #tpu.memory_space<hbm>> -> memref<1x1x8x64xf32, #tpu.memory_space<hbm>>
        %dma_start3A_2298 = tpu.memref_squeeze %dma_start3A_2297 : memref<1x1x8x64xf32, #tpu.memory_space<hbm>> -> memref<8x64xf32, #tpu.memory_space<hbm>>
        tpu.enqueue_dma source(%arg9 : memref<8x64xf32, #tpu.memory_space<vmem>>) target(%dma_start3A_2298 : memref<8x64xf32, #tpu.memory_space<hbm>>) target_semaphore(%arg12 : memref<!tpu.dma_semaphore, #tpu.memory_space<semaphore_mem>>)
      }
    }
    %scan3A_207 = arith.constant 126 : i32
    %get3A_208 = arith.constant 112 : index
    %get3A_209 = tpu.vector_load %arg7[%get3A_208] {strides = array<i32>} : memref<128xi32, #tpu.memory_space<vmem>>, vector<16xi32>,
    %sub3A_210 = arith.constant 207 : i32
    %sub3A_211 = vector.broadcast %sub3A_210 : i32 to vector<16xi32>
    %sub3A_212 = arith.subi %sub3A_211, %get3A_209 : vector<16xi32>
    %jit3A_213 = arith.constant 8 : i32
    %div3A_214 = vector.broadcast %jit3A_213 : i32 to vector<16xi32>
    %div3A_215 = arith.divsi %sub3A_212, %div3A_214 : vector<16xi32>
    %sign3A_216 = arith.constant 0 : i32
    %sign3A_217 = vector.broadcast %sign3A_216 : i32 to vector<16xi32>
    %sign3A_218 = arith.cmpi sgt, %sub3A_212, %sign3A_217 : vector<16xi32>
    %sign3A_219 = arith.extui %sign3A_218 : vector<16xi1> to vector<16xi32>
    %sign3A_220 = arith.constant 0 : i32
    %sign3A_221 = vector.broadcast %sign3A_220 : i32 to vector<16xi32>
    %sign3A_222 = arith.cmpi slt, %sub3A_212, %sign3A_221 : vector<16xi32>
    %sign3A_223 = arith.extui %sign3A_222 : vector<16xi1> to vector<16xi32>
    %sign3A_224 = arith.subi %sign3A_219, %sign3A_223 : vector<16xi32>
    %sign3A_225 = arith.constant 0 : i32
    %sign3A_226 = arith.cmpi sgt, %jit3A_213, %sign3A_225 : i32
    %sign3A_227 = arith.extui %sign3A_226 : i1 to i32
    %sign3A_228 = arith.constant 0 : i32
    %sign3A_229 = arith.cmpi slt, %jit3A_213, %sign3A_228 : i32
    %sign3A_230 = arith.extui %sign3A_229 : i1 to i32
    %sign3A_231 = arith.subi %sign3A_227, %sign3A_230 : i32
    %ne3A_232 = vector.broadcast %sign3A_231 : i32 to vector<16xi32>
    %ne3A_233 = arith.cmpi ne, %sign3A_224, %ne3A_232 : vector<16xi32>
    %rem3A_234 = vector.broadcast %jit3A_213 : i32 to vector<16xi32>
    %rem3A_235 = arith.remsi %sub3A_212, %rem3A_234 : vector<16xi32>
    %ne3A_236 = arith.constant 0 : i32
    %ne3A_237 = vector.broadcast %ne3A_236 : i32 to vector<16xi32>
    %ne3A_238 = arith.cmpi ne, %rem3A_235, %ne3A_237 : vector<16xi32>
    %and3A_239 = arith.andi %ne3A_233, %ne3A_238 : vector<16xi1>
    %sub3A_240 = arith.constant 1 : i32
    %sub3A_241 = vector.broadcast %sub3A_240 : i32 to vector<16xi32>
    %sub3A_242 = arith.subi %div3A_215, %sub3A_241 : vector<16xi32>
    %select_n3A_243 = arith.select %and3A_239, %sub3A_242, %div3A_215 : vector<16xi1>, vector<16xi32>
    %eq3A_244 = arith.constant 15 : i32
    %eq3A_245 = vector.broadcast %eq3A_244 : i32 to vector<16xi32>
    %eq3A_246 = arith.cmpi eq, %iota3A, %eq3A_245 : vector<16xi32>
    %jit3A_247 = arith.constant 0 : i32
    %broadcast_in_dim3A_248 = vector.broadcast %jit3A_247 : i32 to vector<16xi32>
    %select_n3A_249 = arith.select %eq3A_246, %select_n3A_243, %broadcast_in_dim3A_248 : vector<16xi1>, vector<16xi32>
    %reduce_max3A_250 = arith.constant true
    %reduce_max3A_251 = vector.broadcast %reduce_max3A_250 : i1 to vector<16xi1>
    %reduce_max3A_252 = arith.constant -2147483648 : i32
    %reduce_max3A_253 = vector.broadcast %reduce_max3A_252 : i32 to vector<16xi32>
    %reduce_max3A_254 = arith.xori %select_n3A_249, %reduce_max3A_253 : vector<16xi32>
    %reduce_max3A_255 = tpu.scan <max>, %reduce_max3A_254 masked %reduce_max3A_251 : vector<16xi32>, vector<16xi1> -> vector<16xi32>
    %reduce_max3A_256 = arith.xori %reduce_max3A_255, %reduce_max3A_253 : vector<16xi32>
    %reduce_max3A_257 = vector.extract %reduce_max3A_256[15] : i32 from vector<16xi32>
    %mul3A_258 = arith.constant 128 : i32
    %mul3A_259 = arith.muli %add3A, %mul3A_258 : i32
    %add3A_260 = arith.constant 127 : i32
    %add3A_261 = arith.addi %mul3A_259, %add3A_260 : i32
    %while3A_262 = arith.constant 0 : i32
    %while3A_263 = arith.constant 0 : i32
    %while3A_264 = arith.subi %reduce_max3A_257, %while3A_263 : i32
    %while3A_265 = arith.addi %while3A_263, %while3A_264 : i32
    %while3A_266 = arith.constant 1 : i32
    %while3A_267 = arith.divsi %while3A_264, %while3A_266 : i32
    %while3A_268 = arith.muli %while3A_267, %while3A_266 : i32
    %while3A_269 = arith.addi %while3A_263, %while3A_268 : i32
    %while3A_270 = arith.constant 1 : i32
    scf.for %while3A_1132 = %while3A_263 to %while3A_269 step %while3A_270  : i32 {
      %mul3A_1133 = arith.constant 8 : i32
      %mul3A_1134 = arith.muli %while3A_1132, %mul3A_1133 : i32
      %jit3A_1135 = arith.constant 128 : i32
      %div3A_1136 = arith.divsi %mul3A_1134, %jit3A_1135 : i32
      %sign3A_1137 = arith.constant 0 : i32
      %sign3A_1138 = arith.cmpi sgt, %mul3A_1134, %sign3A_1137 : i32
      %sign3A_1139 = arith.extui %sign3A_1138 : i1 to i32
      %sign3A_1140 = arith.constant 0 : i32
      %sign3A_1141 = arith.cmpi slt, %mul3A_1134, %sign3A_1140 : i32
      %sign3A_1142 = arith.extui %sign3A_1141 : i1 to i32
      %sign3A_1143 = arith.subi %sign3A_1139, %sign3A_1142 : i32
      %sign3A_1144 = arith.constant 0 : i32
      %sign3A_1145 = arith.cmpi sgt, %jit3A_1135, %sign3A_1144 : i32
      %sign3A_1146 = arith.extui %sign3A_1145 : i1 to i32
      %sign3A_1147 = arith.constant 0 : i32
      %sign3A_1148 = arith.cmpi slt, %jit3A_1135, %sign3A_1147 : i32
      %sign3A_1149 = arith.extui %sign3A_1148 : i1 to i32
      %sign3A_1150 = arith.subi %sign3A_1146, %sign3A_1149 : i32
      %ne3A_1151 = arith.cmpi ne, %sign3A_1143, %sign3A_1150 : i32
      %rem3A_1152 = arith.remsi %mul3A_1134, %jit3A_1135 : i32
      %ne3A_1153 = arith.constant 0 : i32
      %ne3A_1154 = arith.cmpi ne, %rem3A_1152, %ne3A_1153 : i32
      %and3A_1155 = arith.andi %ne3A_1151, %ne3A_1154 : i1
      %sub3A_1156 = arith.constant 1 : i32
      %sub3A_1157 = arith.subi %div3A_1136, %sub3A_1156 : i32
      %select_n3A_1158 = arith.select %and3A_1155, %sub3A_1157, %div3A_1136 : i32
      %mul3A_1159 = arith.constant 8 : i32
      %mul3A_1160 = arith.muli %while3A_1132, %mul3A_1159 : i32
      %jit3A_1161 = arith.constant 128 : i32
      %eq3A_1162 = arith.constant 0 : i32
      %eq3A_1163 = arith.cmpi eq, %jit3A_1161, %eq3A_1162 : i32
      %jit3A_1164 = arith.constant 1 : i32
      %select_n3A_1165 = arith.select %eq3A_1163, %jit3A_1164, %jit3A_1161 : i32
      %rem3A_1166 = arith.remsi %mul3A_1160, %select_n3A_1165 : i32
      %ne3A_1167 = arith.constant 0 : i32
      %ne3A_1168 = arith.cmpi ne, %rem3A_1166, %ne3A_1167 : i32
      %lt3A = arith.constant 0 : i32
      %lt3A_1169 = arith.cmpi slt, %rem3A_1166, %lt3A : i32
      %lt3A_1170 = arith.constant 0 : i32
      %lt3A_1171 = arith.cmpi slt, %select_n3A_1165, %lt3A_1170 : i32
      %ne3A_1172 = arith.xori %lt3A_1169, %lt3A_1171 : i1
      %and3A_1173 = arith.andi %ne3A_1172, %ne3A_1168 : i1
      %add3A_1174 = arith.addi %rem3A_1166, %select_n3A_1165 : i32
      %select_n3A_1175 = arith.select %and3A_1173, %add3A_1174, %rem3A_1166 : i32
      %mul3A_1176 = arith.constant 8 : i32
      %mul3A_1177 = arith.muli %while3A_1132, %mul3A_1176 : i32
      %add3A_1178 = arith.constant 200 : i32
      %add3A_1179 = arith.addi %add3A_1178, %mul3A_1177 : i32
      %dma_wait3A_1180 = arith.constant 15 : i32
      %dma_wait3A_1181 = arith.constant 7 : i32
      %dma_wait3A_1182 = arith.constant 0 : i32
      %dma_wait3A_1183 = tpu.memref_slice %arg10[%add3A_1179, %dma_wait3A_1182] : memref<400x64xf32, #tpu.memory_space<vmem>> -> memref<8x64xf32, #tpu.memory_space<vmem>>
      %dma_wait3A_1184 = tpu.memref_slice %arg6[%dma_wait3A_1180, %select_n3A_1158, %dma_wait3A_1181, %select_n3A_1175] : memref<16x2x8x128xi32, #tpu.memory_space<vmem>> -> memref<1x1x1x8xi32, #tpu.memory_space<vmem>>
      %dma_wait3A_1185 = tpu.memref_squeeze %dma_wait3A_1184 : memref<1x1x1x8xi32, #tpu.memory_space<vmem>> -> memref<8xi32, #tpu.memory_space<vmem>>
      %dma_wait3A_1186 = arith.constant 0 : i32
      %dma_wait3A_1187 = arith.constant 0 : i32
      %dma_wait3A_1188 = tpu.memref_slice %arg4[%dma_wait3A_1186, %dma_wait3A_1187] : memref<1000002x64xf32, #tpu.memory_space<hbm>> -> memref<1000002x64xf32, #tpu.memory_space<hbm>>
      tpu.wait_indirect_dma semaphore(%arg11 : memref<!tpu.dma_semaphore, #tpu.memory_space<semaphore_mem>>) src(%dma_wait3A_1188 : memref<1000002x64xf32, #tpu.memory_space<hbm>>) dst(%dma_wait3A_1183 : memref<8x64xf32, #tpu.memory_space<vmem>>)
      %mul3A_1189 = arith.constant 8 : i32
      %mul3A_1190 = arith.muli %while3A_1132, %mul3A_1189 : i32
      %add3A_1191 = arith.constant 200 : i32
      %add3A_1192 = arith.addi %add3A_1191, %mul3A_1190 : i32
      %dma_start3A_1193 = arith.constant 0 : i32
      %dma_start3A_1194 = tpu.memref_slice %arg10[%add3A_1192, %dma_start3A_1193] : memref<400x64xf32, #tpu.memory_space<vmem>> -> memref<8x64xf32, #tpu.memory_space<vmem>>
      %dma_start3A_1195 = arith.constant 0 : i32
      %dma_start3A_1196 = arith.constant 0 : i32
      %dma_start3A_1197 = tpu.memref_slice %arg5[%add3A_261, %while3A_1132, %dma_start3A_1195, %dma_start3A_1196] : memref<4096x25x8x128xf32, #tpu.memory_space<hbm>> -> memref<1x1x8x64xf32, #tpu.memory_space<hbm>>
      %dma_start3A_1198 = tpu.memref_squeeze %dma_start3A_1197 : memref<1x1x8x64xf32, #tpu.memory_space<hbm>> -> memref<8x64xf32, #tpu.memory_space<hbm>>
      %dma_start3A_1199 = arith.constant 0 : i32
      %dma_start3A_1200 = arith.constant 0 : i32
      %dma_start3A_1201 = tpu.memref_slice %arg5[%add3A_261, %while3A_1132, %dma_start3A_1199, %dma_start3A_1200] : memref<4096x25x8x128xf32, #tpu.memory_space<hbm>> -> memref<1x1x8x64xf32, #tpu.memory_space<hbm>>
      %dma_start3A_1202 = tpu.memref_squeeze %dma_start3A_1201 : memref<1x1x8x64xf32, #tpu.memory_space<hbm>> -> memref<8x64xf32, #tpu.memory_space<hbm>>
      %dma_start3A_1203 = arith.constant 0 : i32
      %dma_start3A_1204 = tpu.memref_slice %arg10[%add3A_1192, %dma_start3A_1203] : memref<400x64xf32, #tpu.memory_space<vmem>> -> memref<8x64xf32, #tpu.memory_space<vmem>>
      tpu.enqueue_dma source(%dma_start3A_1204 : memref<8x64xf32, #tpu.memory_space<vmem>>) target(%dma_start3A_1202 : memref<8x64xf32, #tpu.memory_space<hbm>>) target_semaphore(%arg12 : memref<!tpu.dma_semaphore, #tpu.memory_space<semaphore_mem>>)
    }
    %while3A_271 = arith.constant 1 : i32
    scf.for %while3A_1132 = %while3A_269 to %while3A_265 step %while3A_271  : i32 {
      %mul3A_1133 = arith.constant 8 : i32
      %mul3A_1134 = arith.muli %while3A_1132, %mul3A_1133 : i32
      %jit3A_1135 = arith.constant 128 : i32
      %div3A_1136 = arith.divsi %mul3A_1134, %jit3A_1135 : i32
      %sign3A_1137 = arith.constant 0 : i32
      %sign3A_1138 = arith.cmpi sgt, %mul3A_1134, %sign3A_1137 : i32
      %sign3A_1139 = arith.extui %sign3A_1138 : i1 to i32
      %sign3A_1140 = arith.constant 0 : i32
      %sign3A_1141 = arith.cmpi slt, %mul3A_1134, %sign3A_1140 : i32
      %sign3A_1142 = arith.extui %sign3A_1141 : i1 to i32
      %sign3A_1143 = arith.subi %sign3A_1139, %sign3A_1142 : i32
      %sign3A_1144 = arith.constant 0 : i32
      %sign3A_1145 = arith.cmpi sgt, %jit3A_1135, %sign3A_1144 : i32
      %sign3A_1146 = arith.extui %sign3A_1145 : i1 to i32
      %sign3A_1147 = arith.constant 0 : i32
      %sign3A_1148 = arith.cmpi slt, %jit3A_1135, %sign3A_1147 : i32
      %sign3A_1149 = arith.extui %sign3A_1148 : i1 to i32
      %sign3A_1150 = arith.subi %sign3A_1146, %sign3A_1149 : i32
      %ne3A_1151 = arith.cmpi ne, %sign3A_1143, %sign3A_1150 : i32
      %rem3A_1152 = arith.remsi %mul3A_1134, %jit3A_1135 : i32
      %ne3A_1153 = arith.constant 0 : i32
      %ne3A_1154 = arith.cmpi ne, %rem3A_1152, %ne3A_1153 : i32
      %and3A_1155 = arith.andi %ne3A_1151, %ne3A_1154 : i1
      %sub3A_1156 = arith.constant 1 : i32
      %sub3A_1157 = arith.subi %div3A_1136, %sub3A_1156 : i32
      %select_n3A_1158 = arith.select %and3A_1155, %sub3A_1157, %div3A_1136 : i32
      %mul3A_1159 = arith.constant 8 : i32
      %mul3A_1160 = arith.muli %while3A_1132, %mul3A_1159 : i32
      %jit3A_1161 = arith.constant 128 : i32
      %eq3A_1162 = arith.constant 0 : i32
      %eq3A_1163 = arith.cmpi eq, %jit3A_1161, %eq3A_1162 : i32
      %jit3A_1164 = arith.constant 1 : i32
      %select_n3A_1165 = arith.select %eq3A_1163, %jit3A_1164, %jit3A_1161 : i32
      %rem3A_1166 = arith.remsi %mul3A_1160, %select_n3A_1165 : i32
      %ne3A_1167 = arith.constant 0 : i32
      %ne3A_1168 = arith.cmpi ne, %rem3A_1166, %ne3A_1167 : i32
      %lt3A = arith.constant 0 : i32
      %lt3A_1169 = arith.cmpi slt, %rem3A_1166, %lt3A : i32
      %lt3A_1170 = arith.constant 0 : i32
      %lt3A_1171 = arith.cmpi slt, %select_n3A_1165, %lt3A_1170 : i32
      %ne3A_1172 = arith.xori %lt3A_1169, %lt3A_1171 : i1
      %and3A_1173 = arith.andi %ne3A_1172, %ne3A_1168 : i1
      %add3A_1174 = arith.addi %rem3A_1166, %select_n3A_1165 : i32
      %select_n3A_1175 = arith.select %and3A_1173, %add3A_1174, %rem3A_1166 : i32
      %mul3A_1176 = arith.constant 8 : i32
      %mul3A_1177 = arith.muli %while3A_1132, %mul3A_1176 : i32
      %add3A_1178 = arith.constant 200 : i32
      %add3A_1179 = arith.addi %add3A_1178, %mul3A_1177 : i32
      %dma_wait3A_1180 = arith.constant 15 : i32
      %dma_wait3A_1181 = arith.constant 7 : i32
      %dma_wait3A_1182 = arith.constant 0 : i32
      %dma_wait3A_1183 = tpu.memref_slice %arg10[%add3A_1179, %dma_wait3A_1182] : memref<400x64xf32, #tpu.memory_space<vmem>> -> memref<8x64xf32, #tpu.memory_space<vmem>>
      %dma_wait3A_1184 = tpu.memref_slice %arg6[%dma_wait3A_1180, %select_n3A_1158, %dma_wait3A_1181, %select_n3A_1175] : memref<16x2x8x128xi32, #tpu.memory_space<vmem>> -> memref<1x1x1x8xi32, #tpu.memory_space<vmem>>
      %dma_wait3A_1185 = tpu.memref_squeeze %dma_wait3A_1184 : memref<1x1x1x8xi32, #tpu.memory_space<vmem>> -> memref<8xi32, #tpu.memory_space<vmem>>
      %dma_wait3A_1186 = arith.constant 0 : i32
      %dma_wait3A_1187 = arith.constant 0 : i32
      %dma_wait3A_1188 = tpu.memref_slice %arg4[%dma_wait3A_1186, %dma_wait3A_1187] : memref<1000002x64xf32, #tpu.memory_space<hbm>> -> memref<1000002x64xf32, #tpu.memory_space<hbm>>
      tpu.wait_indirect_dma semaphore(%arg11 : memref<!tpu.dma_semaphore, #tpu.memory_space<semaphore_mem>>) src(%dma_wait3A_1188 : memref<1000002x64xf32, #tpu.memory_space<hbm>>) dst(%dma_wait3A_1183 : memref<8x64xf32, #tpu.memory_space<vmem>>)
      %mul3A_1189 = arith.constant 8 : i32
      %mul3A_1190 = arith.muli %while3A_1132, %mul3A_1189 : i32
      %add3A_1191 = arith.constant 200 : i32
      %add3A_1192 = arith.addi %add3A_1191, %mul3A_1190 : i32
      %dma_start3A_1193 = arith.constant 0 : i32
      %dma_start3A_1194 = tpu.memref_slice %arg10[%add3A_1192, %dma_start3A_1193] : memref<400x64xf32, #tpu.memory_space<vmem>> -> memref<8x64xf32, #tpu.memory_space<vmem>>
      %dma_start3A_1195 = arith.constant 0 : i32
      %dma_start3A_1196 = arith.constant 0 : i32
      %dma_start3A_1197 = tpu.memref_slice %arg5[%add3A_261, %while3A_1132, %dma_start3A_1195, %dma_start3A_1196] : memref<4096x25x8x128xf32, #tpu.memory_space<hbm>> -> memref<1x1x8x64xf32, #tpu.memory_space<hbm>>
      %dma_start3A_1198 = tpu.memref_squeeze %dma_start3A_1197 : memref<1x1x8x64xf32, #tpu.memory_space<hbm>> -> memref<8x64xf32, #tpu.memory_space<hbm>>
      %dma_start3A_1199 = arith.constant 0 : i32
      %dma_start3A_1200 = arith.constant 0 : i32
      %dma_start3A_1201 = tpu.memref_slice %arg5[%add3A_261, %while3A_1132, %dma_start3A_1199, %dma_start3A_1200] : memref<4096x25x8x128xf32, #tpu.memory_space<hbm>> -> memref<1x1x8x64xf32, #tpu.memory_space<hbm>>
      %dma_start3A_1202 = tpu.memref_squeeze %dma_start3A_1201 : memref<1x1x8x64xf32, #tpu.memory_space<hbm>> -> memref<8x64xf32, #tpu.memory_space<hbm>>
      %dma_start3A_1203 = arith.constant 0 : i32
      %dma_start3A_1204 = tpu.memref_slice %arg10[%add3A_1192, %dma_start3A_1203] : memref<400x64xf32, #tpu.memory_space<vmem>> -> memref<8x64xf32, #tpu.memory_space<vmem>>
      tpu.enqueue_dma source(%dma_start3A_1204 : memref<8x64xf32, #tpu.memory_space<vmem>>) target(%dma_start3A_1202 : memref<8x64xf32, #tpu.memory_space<hbm>>) target_semaphore(%arg12 : memref<!tpu.dma_semaphore, #tpu.memory_space<semaphore_mem>>)
    }
    %while3A_272 = arith.constant 0 : i32
    %while3A_273 = arith.constant 25 : i32
    %while3A_274 = arith.subi %while3A_273, %reduce_max3A_257 : i32
    %while3A_275 = arith.addi %reduce_max3A_257, %while3A_274 : i32
    %while3A_276 = arith.constant 1 : i32
    %while3A_277 = arith.divsi %while3A_274, %while3A_276 : i32
    %while3A_278 = arith.muli %while3A_277, %while3A_276 : i32
    %while3A_279 = arith.addi %reduce_max3A_257, %while3A_278 : i32
    %while3A_280 = arith.constant 1 : i32
    scf.for %while3A_1132 = %reduce_max3A_257 to %while3A_279 step %while3A_280  : i32 {
      %dma_start3A_1133 = arith.constant 0 : i32
      %dma_start3A_1134 = arith.constant 0 : i32
      %dma_start3A_1135 = tpu.memref_slice %arg5[%add3A_261, %while3A_1132, %dma_start3A_1133, %dma_start3A_1134] : memref<4096x25x8x128xf32, #tpu.memory_space<hbm>> -> memref<1x1x8x64xf32, #tpu.memory_space<hbm>>
      %dma_start3A_1136 = tpu.memref_squeeze %dma_start3A_1135 : memref<1x1x8x64xf32, #tpu.memory_space<hbm>> -> memref<8x64xf32, #tpu.memory_space<hbm>>
      %dma_start3A_1137 = arith.constant 0 : i32
      %dma_start3A_1138 = arith.constant 0 : i32
      %dma_start3A_1139 = tpu.memref_slice %arg5[%add3A_261, %while3A_1132, %dma_start3A_1137, %dma_start3A_1138] : memref<4096x25x8x128xf32, #tpu.memory_space<hbm>> -> memref<1x1x8x64xf32, #tpu.memory_space<hbm>>
      %dma_start3A_1140 = tpu.memref_squeeze %dma_start3A_1139 : memref<1x1x8x64xf32, #tpu.memory_space<hbm>> -> memref<8x64xf32, #tpu.memory_space<hbm>>
      tpu.enqueue_dma source(%arg9 : memref<8x64xf32, #tpu.memory_space<vmem>>) target(%dma_start3A_1140 : memref<8x64xf32, #tpu.memory_space<hbm>>) target_semaphore(%arg12 : memref<!tpu.dma_semaphore, #tpu.memory_space<semaphore_mem>>)
    }
    %while3A_281 = arith.constant 1 : i32
    scf.for %while3A_1132 = %while3A_279 to %while3A_275 step %while3A_281  : i32 {
      %dma_start3A_1133 = arith.constant 0 : i32
      %dma_start3A_1134 = arith.constant 0 : i32
      %dma_start3A_1135 = tpu.memref_slice %arg5[%add3A_261, %while3A_1132, %dma_start3A_1133, %dma_start3A_1134] : memref<4096x25x8x128xf32, #tpu.memory_space<hbm>> -> memref<1x1x8x64xf32, #tpu.memory_space<hbm>>
      %dma_start3A_1136 = tpu.memref_squeeze %dma_start3A_1135 : memref<1x1x8x64xf32, #tpu.memory_space<hbm>> -> memref<8x64xf32, #tpu.memory_space<hbm>>
      %dma_start3A_1137 = arith.constant 0 : i32
      %dma_start3A_1138 = arith.constant 0 : i32
      %dma_start3A_1139 = tpu.memref_slice %arg5[%add3A_261, %while3A_1132, %dma_start3A_1137, %dma_start3A_1138] : memref<4096x25x8x128xf32, #tpu.memory_space<hbm>> -> memref<1x1x8x64xf32, #tpu.memory_space<hbm>>
      %dma_start3A_1140 = tpu.memref_squeeze %dma_start3A_1139 : memref<1x1x8x64xf32, #tpu.memory_space<hbm>> -> memref<8x64xf32, #tpu.memory_space<hbm>>
      tpu.enqueue_dma source(%arg9 : memref<8x64xf32, #tpu.memory_space<vmem>>) target(%dma_start3A_1140 : memref<8x64xf32, #tpu.memory_space<hbm>>) target_semaphore(%arg12 : memref<!tpu.dma_semaphore, #tpu.memory_space<semaphore_mem>>)
    }
    %mul3A_282 = arith.constant 128 : i32
    %mul3A_283 = arith.muli %add3A, %mul3A_282 : i32
    %dma_wait3A_284 = arith.constant 0 : i32
    %dma_wait3A_285 = arith.constant 0 : i32
    %dma_wait3A_286 = arith.constant 0 : i32
    %dma_wait3A_287 = tpu.memref_slice %arg10[%dma_wait3A_285, %dma_wait3A_286] : memref<400x64xf32, #tpu.memory_space<vmem>> -> memref<8x64xf32, #tpu.memory_space<vmem>>
    %dma_wait3A_288 = arith.constant 0 : i32
    %dma_wait3A_289 = arith.constant 0 : i32
    %dma_wait3A_290 = tpu.memref_slice %arg5[%mul3A_283, %dma_wait3A_284, %dma_wait3A_288, %dma_wait3A_289] : memref<4096x25x8x128xf32, #tpu.memory_space<hbm>> -> memref<1x1x8x64xf32, #tpu.memory_space<hbm>>
    %dma_wait3A_291 = tpu.memref_squeeze %dma_wait3A_290 : memref<1x1x8x64xf32, #tpu.memory_space<hbm>> -> memref<8x64xf32, #tpu.memory_space<hbm>>
    %dma_wait3A_292 = arith.constant 0 : i32
    %dma_wait3A_293 = arith.constant 0 : i32
    %dma_wait3A_294 = tpu.memref_slice %arg5[%mul3A_283, %dma_wait3A_284, %dma_wait3A_292, %dma_wait3A_293] : memref<4096x25x8x128xf32, #tpu.memory_space<hbm>> -> memref<1x1x8x64xf32, #tpu.memory_space<hbm>>
    %dma_wait3A_295 = tpu.memref_squeeze %dma_wait3A_294 : memref<1x1x8x64xf32, #tpu.memory_space<hbm>> -> memref<8x64xf32, #tpu.memory_space<hbm>>
    %dma_wait3A_296 = arith.constant 0 : i32
    %dma_wait3A_297 = arith.constant 0 : i32
    %dma_wait3A_298 = tpu.memref_slice %arg10[%dma_wait3A_296, %dma_wait3A_297] : memref<400x64xf32, #tpu.memory_space<vmem>> -> memref<8x64xf32, #tpu.memory_space<vmem>>
    tpu.wait_dma2 semaphore(%arg12 : memref<!tpu.dma_semaphore, #tpu.memory_space<semaphore_mem>>) src(%dma_wait3A_298 : memref<8x64xf32, #tpu.memory_space<vmem>>) dst(%dma_wait3A_295 : memref<8x64xf32, #tpu.memory_space<hbm>>)
    %mul3A_299 = arith.constant 128 : i32
    %mul3A_300 = arith.muli %add3A, %mul3A_299 : i32
    %dma_wait3A_301 = arith.constant 0 : i32
    %dma_wait3A_302 = arith.constant 0 : i32
    %dma_wait3A_303 = arith.constant 0 : i32
    %dma_wait3A_304 = tpu.memref_slice %arg10[%dma_wait3A_302, %dma_wait3A_303] : memref<400x64xf32, #tpu.memory_space<vmem>> -> memref<8x64xf32, #tpu.memory_space<vmem>>
    %dma_wait3A_305 = arith.constant 0 : i32
    %dma_wait3A_306 = arith.constant 0 : i32
    %dma_wait3A_307 = tpu.memref_slice %arg5[%mul3A_300, %dma_wait3A_301, %dma_wait3A_305, %dma_wait3A_306] : memref<4096x25x8x128xf32, #tpu.memory_space<hbm>> -> memref<1x1x8x64xf32, #tpu.memory_space<hbm>>
    %dma_wait3A_308 = tpu.memref_squeeze %dma_wait3A_307 : memref<1x1x8x64xf32, #tpu.memory_space<hbm>> -> memref<8x64xf32, #tpu.memory_space<hbm>>
    %dma_wait3A_309 = arith.constant 0 : i32
    %dma_wait3A_310 = arith.constant 0 : i32
    %dma_wait3A_311 = tpu.memref_slice %arg5[%mul3A_300, %dma_wait3A_301, %dma_wait3A_309, %dma_wait3A_310] : memref<4096x25x8x128xf32, #tpu.memory_space<hbm>> -> memref<1x1x8x64xf32, #tpu.memory_space<hbm>>
    %dma_wait3A_312 = tpu.memref_squeeze %dma_wait3A_311 : memref<1x1x8x64xf32, #tpu.memory_space<hbm>> -> memref<8x64xf32, #tpu.memory_space<hbm>>
    %dma_wait3A_313 = arith.constant 0 : i32
    %dma_wait3A_314 = arith.constant 0 : i32
    %dma_wait3A_315 = tpu.memref_slice %arg10[%dma_wait3A_313, %dma_wait3A_314] : memref<400x64xf32, #tpu.memory_space<vmem>> -> memref<8x64xf32, #tpu.memory_space<vmem>>
    tpu.wait_dma2 semaphore(%arg12 : memref<!tpu.dma_semaphore, #tpu.memory_space<semaphore_mem>>) src(%dma_wait3A_315 : memref<8x64xf32, #tpu.memory_space<vmem>>) dst(%dma_wait3A_312 : memref<8x64xf32, #tpu.memory_space<hbm>>)
    %mul3A_316 = arith.constant 128 : i32
    %mul3A_317 = arith.muli %add3A, %mul3A_316 : i32
    %dma_wait3A_318 = arith.constant 0 : i32
    %dma_wait3A_319 = arith.constant 0 : i32
    %dma_wait3A_320 = arith.constant 0 : i32
    %dma_wait3A_321 = tpu.memref_slice %arg10[%dma_wait3A_319, %dma_wait3A_320] : memref<400x64xf32, #tpu.memory_space<vmem>> -> memref<8x64xf32, #tpu.memory_space<vmem>>
    %dma_wait3A_322 = arith.constant 0 : i32
    %dma_wait3A_323 = arith.constant 0 : i32
    %dma_wait3A_324 = tpu.memref_slice %arg5[%mul3A_317, %dma_wait3A_318, %dma_wait3A_322, %dma_wait3A_323] : memref<4096x25x8x128xf32, #tpu.memory_space<hbm>> -> memref<1x1x8x64xf32, #tpu.memory_space<hbm>>
    %dma_wait3A_325 = tpu.memref_squeeze %dma_wait3A_324 : memref<1x1x8x64xf32, #tpu.memory_space<hbm>> -> memref<8x64xf32, #tpu.memory_space<hbm>>
    %dma_wait3A_326 = arith.constant 0 : i32
    %dma_wait3A_327 = arith.constant 0 : i32
    %dma_wait3A_328 = tpu.memref_slice %arg5[%mul3A_317, %dma_wait3A_318, %dma_wait3A_326, %dma_wait3A_327] : memref<4096x25x8x128xf32, #tpu.memory_space<hbm>> -> memref<1x1x8x64xf32, #tpu.memory_space<hbm>>
    %dma_wait3A_329 = tpu.memref_squeeze %dma_wait3A_328 : memref<1x1x8x64xf32, #tpu.memory_space<hbm>> -> memref<8x64xf32, #tpu.memory_space<hbm>>
    %dma_wait3A_330 = arith.constant 0 : i32
    %dma_wait3A_331 = arith.constant 0 : i32
    %dma_wait3A_332 = tpu.memref_slice %arg10[%dma_wait3A_330, %dma_wait3A_331] : memref<400x64xf32, #tpu.memory_space<vmem>> -> memref<8x64xf32, #tpu.memory_space<vmem>>
    tpu.wait_dma2 semaphore(%arg12 : memref<!tpu.dma_semaphore, #tpu.memory_space<semaphore_mem>>) src(%dma_wait3A_332 : memref<8x64xf32, #tpu.memory_space<vmem>>) dst(%dma_wait3A_329 : memref<8x64xf32, #tpu.memory_space<hbm>>)
    %mul3A_333 = arith.constant 128 : i32
    %mul3A_334 = arith.muli %add3A, %mul3A_333 : i32
    %dma_wait3A_335 = arith.constant 0 : i32
    %dma_wait3A_336 = arith.constant 0 : i32
    %dma_wait3A_337 = arith.constant 0 : i32
    %dma_wait3A_338 = tpu.memref_slice %arg10[%dma_wait3A_336, %dma_wait3A_337] : memref<400x64xf32, #tpu.memory_space<vmem>> -> memref<8x64xf32, #tpu.memory_space<vmem>>
    %dma_wait3A_339 = arith.constant 0 : i32
    %dma_wait3A_340 = arith.constant 0 : i32
    %dma_wait3A_341 = tpu.memref_slice %arg5[%mul3A_334, %dma_wait3A_335, %dma_wait3A_339, %dma_wait3A_340] : memref<4096x25x8x128xf32, #tpu.memory_space<hbm>> -> memref<1x1x8x64xf32, #tpu.memory_space<hbm>>
    %dma_wait3A_342 = tpu.memref_squeeze %dma_wait3A_341 : memref<1x1x8x64xf32, #tpu.memory_space<hbm>> -> memref<8x64xf32, #tpu.memory_space<hbm>>
    %dma_wait3A_343 = arith.constant 0 : i32
    %dma_wait3A_344 = arith.constant 0 : i32
    %dma_wait3A_345 = tpu.memref_slice %arg5[%mul3A_334, %dma_wait3A_335, %dma_wait3A_343, %dma_wait3A_344] : memref<4096x25x8x128xf32, #tpu.memory_space<hbm>> -> memref<1x1x8x64xf32, #tpu.memory_space<hbm>>
    %dma_wait3A_346 = tpu.memref_squeeze %dma_wait3A_345 : memref<1x1x8x64xf32, #tpu.memory_space<hbm>> -> memref<8x64xf32, #tpu.memory_space<hbm>>
    %dma_wait3A_347 = arith.constant 0 : i32
    %dma_wait3A_348 = arith.constant 0 : i32
    %dma_wait3A_349 = tpu.memref_slice %arg10[%dma_wait3A_347, %dma_wait3A_348] : memref<400x64xf32, #tpu.memory_space<vmem>> -> memref<8x64xf32, #tpu.memory_space<vmem>>
    tpu.wait_dma2 semaphore(%arg12 : memref<!tpu.dma_semaphore, #tpu.memory_space<semaphore_mem>>) src(%dma_wait3A_349 : memref<8x64xf32, #tpu.memory_space<vmem>>) dst(%dma_wait3A_346 : memref<8x64xf32, #tpu.memory_space<hbm>>)
    %mul3A_350 = arith.constant 128 : i32
    %mul3A_351 = arith.muli %add3A, %mul3A_350 : i32
    %dma_wait3A_352 = arith.constant 0 : i32
    %dma_wait3A_353 = arith.constant 0 : i32
    %dma_wait3A_354 = arith.constant 0 : i32
    %dma_wait3A_355 = tpu.memref_slice %arg10[%dma_wait3A_353, %dma_wait3A_354] : memref<400x64xf32, #tpu.memory_space<vmem>> -> memref<8x64xf32, #tpu.memory_space<vmem>>
    %dma_wait3A_356 = arith.constant 0 : i32
    %dma_wait3A_357 = arith.constant 0 : i32
    %dma_wait3A_358 = tpu.memref_slice %arg5[%mul3A_351, %dma_wait3A_352, %dma_wait3A_356, %dma_wait3A_357] : memref<4096x25x8x128xf32, #tpu.memory_space<hbm>> -> memref<1x1x8x64xf32, #tpu.memory_space<hbm>>
    %dma_wait3A_359 = tpu.memref_squeeze %dma_wait3A_358 : memref<1x1x8x64xf32, #tpu.memory_space<hbm>> -> memref<8x64xf32, #tpu.memory_space<hbm>>
    %dma_wait3A_360 = arith.constant 0 : i32
    %dma_wait3A_361 = arith.constant 0 : i32
    %dma_wait3A_362 = tpu.memref_slice %arg5[%mul3A_351, %dma_wait3A_352, %dma_wait3A_360, %dma_wait3A_361] : memref<4096x25x8x128xf32, #tpu.memory_space<hbm>> -> memref<1x1x8x64xf32, #tpu.memory_space<hbm>>
    %dma_wait3A_363 = tpu.memref_squeeze %dma_wait3A_362 : memref<1x1x8x64xf32, #tpu.memory_space<hbm>> -> memref<8x64xf32, #tpu.memory_space<hbm>>
    %dma_wait3A_364 = arith.constant 0 : i32
    %dma_wait3A_365 = arith.constant 0 : i32
    %dma_wait3A_366 = tpu.memref_slice %arg10[%dma_wait3A_364, %dma_wait3A_365] : memref<400x64xf32, #tpu.memory_space<vmem>> -> memref<8x64xf32, #tpu.memory_space<vmem>>
    tpu.wait_dma2 semaphore(%arg12 : memref<!tpu.dma_semaphore, #tpu.memory_space<semaphore_mem>>) src(%dma_wait3A_366 : memref<8x64xf32, #tpu.memory_space<vmem>>) dst(%dma_wait3A_363 : memref<8x64xf32, #tpu.memory_space<hbm>>)
    %mul3A_367 = arith.constant 128 : i32
    %mul3A_368 = arith.muli %add3A, %mul3A_367 : i32
    %dma_wait3A_369 = arith.constant 0 : i32
    %dma_wait3A_370 = arith.constant 0 : i32
    %dma_wait3A_371 = arith.constant 0 : i32
    %dma_wait3A_372 = tpu.memref_slice %arg10[%dma_wait3A_370, %dma_wait3A_371] : memref<400x64xf32, #tpu.memory_space<vmem>> -> memref<8x64xf32, #tpu.memory_space<vmem>>
    %dma_wait3A_373 = arith.constant 0 : i32
    %dma_wait3A_374 = arith.constant 0 : i32
    %dma_wait3A_375 = tpu.memref_slice %arg5[%mul3A_368, %dma_wait3A_369, %dma_wait3A_373, %dma_wait3A_374] : memref<4096x25x8x128xf32, #tpu.memory_space<hbm>> -> memref<1x1x8x64xf32, #tpu.memory_space<hbm>>
    %dma_wait3A_376 = tpu.memref_squeeze %dma_wait3A_375 : memref<1x1x8x64xf32, #tpu.memory_space<hbm>> -> memref<8x64xf32, #tpu.memory_space<hbm>>
    %dma_wait3A_377 = arith.constant 0 : i32
    %dma_wait3A_378 = arith.constant 0 : i32
    %dma_wait3A_379 = tpu.memref_slice %arg5[%mul3A_368, %dma_wait3A_369, %dma_wait3A_377, %dma_wait3A_378] : memref<4096x25x8x128xf32, #tpu.memory_space<hbm>> -> memref<1x1x8x64xf32, #tpu.memory_space<hbm>>
    %dma_wait3A_380 = tpu.memref_squeeze %dma_wait3A_379 : memref<1x1x8x64xf32, #tpu.memory_space<hbm>> -> memref<8x64xf32, #tpu.memory_space<hbm>>
    %dma_wait3A_381 = arith.constant 0 : i32
    %dma_wait3A_382 = arith.constant 0 : i32
    %dma_wait3A_383 = tpu.memref_slice %arg10[%dma_wait3A_381, %dma_wait3A_382] : memref<400x64xf32, #tpu.memory_space<vmem>> -> memref<8x64xf32, #tpu.memory_space<vmem>>
    tpu.wait_dma2 semaphore(%arg12 : memref<!tpu.dma_semaphore, #tpu.memory_space<semaphore_mem>>) src(%dma_wait3A_383 : memref<8x64xf32, #tpu.memory_space<vmem>>) dst(%dma_wait3A_380 : memref<8x64xf32, #tpu.memory_space<hbm>>)
    %mul3A_384 = arith.constant 128 : i32
    %mul3A_385 = arith.muli %add3A, %mul3A_384 : i32
    %dma_wait3A_386 = arith.constant 0 : i32
    %dma_wait3A_387 = arith.constant 0 : i32
    %dma_wait3A_388 = arith.constant 0 : i32
    %dma_wait3A_389 = tpu.memref_slice %arg10[%dma_wait3A_387, %dma_wait3A_388] : memref<400x64xf32, #tpu.memory_space<vmem>> -> memref<8x64xf32, #tpu.memory_space<vmem>>
    %dma_wait3A_390 = arith.constant 0 : i32
    %dma_wait3A_391 = arith.constant 0 : i32
    %dma_wait3A_392 = tpu.memref_slice %arg5[%mul3A_385, %dma_wait3A_386, %dma_wait3A_390, %dma_wait3A_391] : memref<4096x25x8x128xf32, #tpu.memory_space<hbm>> -> memref<1x1x8x64xf32, #tpu.memory_space<hbm>>
    %dma_wait3A_393 = tpu.memref_squeeze %dma_wait3A_392 : memref<1x1x8x64xf32, #tpu.memory_space<hbm>> -> memref<8x64xf32, #tpu.memory_space<hbm>>
    %dma_wait3A_394 = arith.constant 0 : i32
    %dma_wait3A_395 = arith.constant 0 : i32
    %dma_wait3A_396 = tpu.memref_slice %arg5[%mul3A_385, %dma_wait3A_386, %dma_wait3A_394, %dma_wait3A_395] : memref<4096x25x8x128xf32, #tpu.memory_space<hbm>> -> memref<1x1x8x64xf32, #tpu.memory_space<hbm>>
    %dma_wait3A_397 = tpu.memref_squeeze %dma_wait3A_396 : memref<1x1x8x64xf32, #tpu.memory_space<hbm>> -> memref<8x64xf32, #tpu.memory_space<hbm>>
    %dma_wait3A_398 = arith.constant 0 : i32
    %dma_wait3A_399 = arith.constant 0 : i32
    %dma_wait3A_400 = tpu.memref_slice %arg10[%dma_wait3A_398, %dma_wait3A_399] : memref<400x64xf32, #tpu.memory_space<vmem>> -> memref<8x64xf32, #tpu.memory_space<vmem>>
    tpu.wait_dma2 semaphore(%arg12 : memref<!tpu.dma_semaphore, #tpu.memory_space<semaphore_mem>>) src(%dma_wait3A_400 : memref<8x64xf32, #tpu.memory_space<vmem>>) dst(%dma_wait3A_397 : memref<8x64xf32, #tpu.memory_space<hbm>>)
    %mul3A_401 = arith.constant 128 : i32
    %mul3A_402 = arith.muli %add3A, %mul3A_401 : i32
    %dma_wait3A_403 = arith.constant 0 : i32
    %dma_wait3A_404 = arith.constant 0 : i32
    %dma_wait3A_405 = arith.constant 0 : i32
    %dma_wait3A_406 = tpu.memref_slice %arg10[%dma_wait3A_404, %dma_wait3A_405] : memref<400x64xf32, #tpu.memory_space<vmem>> -> memref<8x64xf32, #tpu.memory_space<vmem>>
    %dma_wait3A_407 = arith.constant 0 : i32
    %dma_wait3A_408 = arith.constant 0 : i32
    %dma_wait3A_409 = tpu.memref_slice %arg5[%mul3A_402, %dma_wait3A_403, %dma_wait3A_407, %dma_wait3A_408] : memref<4096x25x8x128xf32, #tpu.memory_space<hbm>> -> memref<1x1x8x64xf32, #tpu.memory_space<hbm>>
    %dma_wait3A_410 = tpu.memref_squeeze %dma_wait3A_409 : memref<1x1x8x64xf32, #tpu.memory_space<hbm>> -> memref<8x64xf32, #tpu.memory_space<hbm>>
    %dma_wait3A_411 = arith.constant 0 : i32
    %dma_wait3A_412 = arith.constant 0 : i32
    %dma_wait3A_413 = tpu.memref_slice %arg5[%mul3A_402, %dma_wait3A_403, %dma_wait3A_411, %dma_wait3A_412] : memref<4096x25x8x128xf32, #tpu.memory_space<hbm>> -> memref<1x1x8x64xf32, #tpu.memory_space<hbm>>
    %dma_wait3A_414 = tpu.memref_squeeze %dma_wait3A_413 : memref<1x1x8x64xf32, #tpu.memory_space<hbm>> -> memref<8x64xf32, #tpu.memory_space<hbm>>
    %dma_wait3A_415 = arith.constant 0 : i32
    %dma_wait3A_416 = arith.constant 0 : i32
    %dma_wait3A_417 = tpu.memref_slice %arg10[%dma_wait3A_415, %dma_wait3A_416] : memref<400x64xf32, #tpu.memory_space<vmem>> -> memref<8x64xf32, #tpu.memory_space<vmem>>
    tpu.wait_dma2 semaphore(%arg12 : memref<!tpu.dma_semaphore, #tpu.memory_space<semaphore_mem>>) src(%dma_wait3A_417 : memref<8x64xf32, #tpu.memory_space<vmem>>) dst(%dma_wait3A_414 : memref<8x64xf32, #tpu.memory_space<hbm>>)
    %mul3A_418 = arith.constant 128 : i32
    %mul3A_419 = arith.muli %add3A, %mul3A_418 : i32
    %dma_wait3A_420 = arith.constant 0 : i32
    %dma_wait3A_421 = arith.constant 0 : i32
    %dma_wait3A_422 = arith.constant 0 : i32
    %dma_wait3A_423 = tpu.memref_slice %arg10[%dma_wait3A_421, %dma_wait3A_422] : memref<400x64xf32, #tpu.memory_space<vmem>> -> memref<8x64xf32, #tpu.memory_space<vmem>>
    %dma_wait3A_424 = arith.constant 0 : i32
    %dma_wait3A_425 = arith.constant 0 : i32
    %dma_wait3A_426 = tpu.memref_slice %arg5[%mul3A_419, %dma_wait3A_420, %dma_wait3A_424, %dma_wait3A_425] : memref<4096x25x8x128xf32, #tpu.memory_space<hbm>> -> memref<1x1x8x64xf32, #tpu.memory_space<hbm>>
    %dma_wait3A_427 = tpu.memref_squeeze %dma_wait3A_426 : memref<1x1x8x64xf32, #tpu.memory_space<hbm>> -> memref<8x64xf32, #tpu.memory_space<hbm>>
    %dma_wait3A_428 = arith.constant 0 : i32
    %dma_wait3A_429 = arith.constant 0 : i32
    %dma_wait3A_430 = tpu.memref_slice %arg5[%mul3A_419, %dma_wait3A_420, %dma_wait3A_428, %dma_wait3A_429] : memref<4096x25x8x128xf32, #tpu.memory_space<hbm>> -> memref<1x1x8x64xf32, #tpu.memory_space<hbm>>
    %dma_wait3A_431 = tpu.memref_squeeze %dma_wait3A_430 : memref<1x1x8x64xf32, #tpu.memory_space<hbm>> -> memref<8x64xf32, #tpu.memory_space<hbm>>
    %dma_wait3A_432 = arith.constant 0 : i32
    %dma_wait3A_433 = arith.constant 0 : i32
    %dma_wait3A_434 = tpu.memref_slice %arg10[%dma_wait3A_432, %dma_wait3A_433] : memref<400x64xf32, #tpu.memory_space<vmem>> -> memref<8x64xf32, #tpu.memory_space<vmem>>
    tpu.wait_dma2 semaphore(%arg12 : memref<!tpu.dma_semaphore, #tpu.memory_space<semaphore_mem>>) src(%dma_wait3A_434 : memref<8x64xf32, #tpu.memory_space<vmem>>) dst(%dma_wait3A_431 : memref<8x64xf32, #tpu.memory_space<hbm>>)
    %mul3A_435 = arith.constant 128 : i32
    %mul3A_436 = arith.muli %add3A, %mul3A_435 : i32
    %dma_wait3A_437 = arith.constant 0 : i32
    %dma_wait3A_438 = arith.constant 0 : i32
    %dma_wait3A_439 = arith.constant 0 : i32
    %dma_wait3A_440 = tpu.memref_slice %arg10[%dma_wait3A_438, %dma_wait3A_439] : memref<400x64xf32, #tpu.memory_space<vmem>> -> memref<8x64xf32, #tpu.memory_space<vmem>>
    %dma_wait3A_441 = arith.constant 0 : i32
    %dma_wait3A_442 = arith.constant 0 : i32
    %dma_wait3A_443 = tpu.memref_slice %arg5[%mul3A_436, %dma_wait3A_437, %dma_wait3A_441, %dma_wait3A_442] : memref<4096x25x8x128xf32, #tpu.memory_space<hbm>> -> memref<1x1x8x64xf32, #tpu.memory_space<hbm>>
    %dma_wait3A_444 = tpu.memref_squeeze %dma_wait3A_443 : memref<1x1x8x64xf32, #tpu.memory_space<hbm>> -> memref<8x64xf32, #tpu.memory_space<hbm>>
    %dma_wait3A_445 = arith.constant 0 : i32
    %dma_wait3A_446 = arith.constant 0 : i32
    %dma_wait3A_447 = tpu.memref_slice %arg5[%mul3A_436, %dma_wait3A_437, %dma_wait3A_445, %dma_wait3A_446] : memref<4096x25x8x128xf32, #tpu.memory_space<hbm>> -> memref<1x1x8x64xf32, #tpu.memory_space<hbm>>
    %dma_wait3A_448 = tpu.memref_squeeze %dma_wait3A_447 : memref<1x1x8x64xf32, #tpu.memory_space<hbm>> -> memref<8x64xf32, #tpu.memory_space<hbm>>
    %dma_wait3A_449 = arith.constant 0 : i32
    %dma_wait3A_450 = arith.constant 0 : i32
    %dma_wait3A_451 = tpu.memref_slice %arg10[%dma_wait3A_449, %dma_wait3A_450] : memref<400x64xf32, #tpu.memory_space<vmem>> -> memref<8x64xf32, #tpu.memory_space<vmem>>
    tpu.wait_dma2 semaphore(%arg12 : memref<!tpu.dma_semaphore, #tpu.memory_space<semaphore_mem>>) src(%dma_wait3A_451 : memref<8x64xf32, #tpu.memory_space<vmem>>) dst(%dma_wait3A_448 : memref<8x64xf32, #tpu.memory_space<hbm>>)
    %mul3A_452 = arith.constant 128 : i32
    %mul3A_453 = arith.muli %add3A, %mul3A_452 : i32
    %dma_wait3A_454 = arith.constant 0 : i32
    %dma_wait3A_455 = arith.constant 0 : i32
    %dma_wait3A_456 = arith.constant 0 : i32
    %dma_wait3A_457 = tpu.memref_slice %arg10[%dma_wait3A_455, %dma_wait3A_456] : memref<400x64xf32, #tpu.memory_space<vmem>> -> memref<8x64xf32, #tpu.memory_space<vmem>>
    %dma_wait3A_458 = arith.constant 0 : i32
    %dma_wait3A_459 = arith.constant 0 : i32
    %dma_wait3A_460 = tpu.memref_slice %arg5[%mul3A_453, %dma_wait3A_454, %dma_wait3A_458, %dma_wait3A_459] : memref<4096x25x8x128xf32, #tpu.memory_space<hbm>> -> memref<1x1x8x64xf32, #tpu.memory_space<hbm>>
    %dma_wait3A_461 = tpu.memref_squeeze %dma_wait3A_460 : memref<1x1x8x64xf32, #tpu.memory_space<hbm>> -> memref<8x64xf32, #tpu.memory_space<hbm>>
    %dma_wait3A_462 = arith.constant 0 : i32
    %dma_wait3A_463 = arith.constant 0 : i32
    %dma_wait3A_464 = tpu.memref_slice %arg5[%mul3A_453, %dma_wait3A_454, %dma_wait3A_462, %dma_wait3A_463] : memref<4096x25x8x128xf32, #tpu.memory_space<hbm>> -> memref<1x1x8x64xf32, #tpu.memory_space<hbm>>
    %dma_wait3A_465 = tpu.memref_squeeze %dma_wait3A_464 : memref<1x1x8x64xf32, #tpu.memory_space<hbm>> -> memref<8x64xf32, #tpu.memory_space<hbm>>
    %dma_wait3A_466 = arith.constant 0 : i32
    %dma_wait3A_467 = arith.constant 0 : i32
    %dma_wait3A_468 = tpu.memref_slice %arg10[%dma_wait3A_466, %dma_wait3A_467] : memref<400x64xf32, #tpu.memory_space<vmem>> -> memref<8x64xf32, #tpu.memory_space<vmem>>
    tpu.wait_dma2 semaphore(%arg12 : memref<!tpu.dma_semaphore, #tpu.memory_space<semaphore_mem>>) src(%dma_wait3A_468 : memref<8x64xf32, #tpu.memory_space<vmem>>) dst(%dma_wait3A_465 : memref<8x64xf32, #tpu.memory_space<hbm>>)
    %mul3A_469 = arith.constant 128 : i32
    %mul3A_470 = arith.muli %add3A, %mul3A_469 : i32
    %dma_wait3A_471 = arith.constant 0 : i32
    %dma_wait3A_472 = arith.constant 0 : i32
    %dma_wait3A_473 = arith.constant 0 : i32
    %dma_wait3A_474 = tpu.memref_slice %arg10[%dma_wait3A_472, %dma_wait3A_473] : memref<400x64xf32, #tpu.memory_space<vmem>> -> memref<8x64xf32, #tpu.memory_space<vmem>>
    %dma_wait3A_475 = arith.constant 0 : i32
    %dma_wait3A_476 = arith.constant 0 : i32
    %dma_wait3A_477 = tpu.memref_slice %arg5[%mul3A_470, %dma_wait3A_471, %dma_wait3A_475, %dma_wait3A_476] : memref<4096x25x8x128xf32, #tpu.memory_space<hbm>> -> memref<1x1x8x64xf32, #tpu.memory_space<hbm>>
    %dma_wait3A_478 = tpu.memref_squeeze %dma_wait3A_477 : memref<1x1x8x64xf32, #tpu.memory_space<hbm>> -> memref<8x64xf32, #tpu.memory_space<hbm>>
    %dma_wait3A_479 = arith.constant 0 : i32
    %dma_wait3A_480 = arith.constant 0 : i32
    %dma_wait3A_481 = tpu.memref_slice %arg5[%mul3A_470, %dma_wait3A_471, %dma_wait3A_479, %dma_wait3A_480] : memref<4096x25x8x128xf32, #tpu.memory_space<hbm>> -> memref<1x1x8x64xf32, #tpu.memory_space<hbm>>
    %dma_wait3A_482 = tpu.memref_squeeze %dma_wait3A_481 : memref<1x1x8x64xf32, #tpu.memory_space<hbm>> -> memref<8x64xf32, #tpu.memory_space<hbm>>
    %dma_wait3A_483 = arith.constant 0 : i32
    %dma_wait3A_484 = arith.constant 0 : i32
    %dma_wait3A_485 = tpu.memref_slice %arg10[%dma_wait3A_483, %dma_wait3A_484] : memref<400x64xf32, #tpu.memory_space<vmem>> -> memref<8x64xf32, #tpu.memory_space<vmem>>
    tpu.wait_dma2 semaphore(%arg12 : memref<!tpu.dma_semaphore, #tpu.memory_space<semaphore_mem>>) src(%dma_wait3A_485 : memref<8x64xf32, #tpu.memory_space<vmem>>) dst(%dma_wait3A_482 : memref<8x64xf32, #tpu.memory_space<hbm>>)
    %mul3A_486 = arith.constant 128 : i32
    %mul3A_487 = arith.muli %add3A, %mul3A_486 : i32
    %dma_wait3A_488 = arith.constant 0 : i32
    %dma_wait3A_489 = arith.constant 0 : i32
    %dma_wait3A_490 = arith.constant 0 : i32
    %dma_wait3A_491 = tpu.memref_slice %arg10[%dma_wait3A_489, %dma_wait3A_490] : memref<400x64xf32, #tpu.memory_space<vmem>> -> memref<8x64xf32, #tpu.memory_space<vmem>>
    %dma_wait3A_492 = arith.constant 0 : i32
    %dma_wait3A_493 = arith.constant 0 : i32
    %dma_wait3A_494 = tpu.memref_slice %arg5[%mul3A_487, %dma_wait3A_488, %dma_wait3A_492, %dma_wait3A_493] : memref<4096x25x8x128xf32, #tpu.memory_space<hbm>> -> memref<1x1x8x64xf32, #tpu.memory_space<hbm>>
    %dma_wait3A_495 = tpu.memref_squeeze %dma_wait3A_494 : memref<1x1x8x64xf32, #tpu.memory_space<hbm>> -> memref<8x64xf32, #tpu.memory_space<hbm>>
    %dma_wait3A_496 = arith.constant 0 : i32
    %dma_wait3A_497 = arith.constant 0 : i32
    %dma_wait3A_498 = tpu.memref_slice %arg5[%mul3A_487, %dma_wait3A_488, %dma_wait3A_496, %dma_wait3A_497] : memref<4096x25x8x128xf32, #tpu.memory_space<hbm>> -> memref<1x1x8x64xf32, #tpu.memory_space<hbm>>
    %dma_wait3A_499 = tpu.memref_squeeze %dma_wait3A_498 : memref<1x1x8x64xf32, #tpu.memory_space<hbm>> -> memref<8x64xf32, #tpu.memory_space<hbm>>
    %dma_wait3A_500 = arith.constant 0 : i32
    %dma_wait3A_501 = arith.constant 0 : i32
    %dma_wait3A_502 = tpu.memref_slice %arg10[%dma_wait3A_500, %dma_wait3A_501] : memref<400x64xf32, #tpu.memory_space<vmem>> -> memref<8x64xf32, #tpu.memory_space<vmem>>
    tpu.wait_dma2 semaphore(%arg12 : memref<!tpu.dma_semaphore, #tpu.memory_space<semaphore_mem>>) src(%dma_wait3A_502 : memref<8x64xf32, #tpu.memory_space<vmem>>) dst(%dma_wait3A_499 : memref<8x64xf32, #tpu.memory_space<hbm>>)
    %mul3A_503 = arith.constant 128 : i32
    %mul3A_504 = arith.muli %add3A, %mul3A_503 : i32
    %dma_wait3A_505 = arith.constant 0 : i32
    %dma_wait3A_506 = arith.constant 0 : i32
    %dma_wait3A_507 = arith.constant 0 : i32
    %dma_wait3A_508 = tpu.memref_slice %arg10[%dma_wait3A_506, %dma_wait3A_507] : memref<400x64xf32, #tpu.memory_space<vmem>> -> memref<8x64xf32, #tpu.memory_space<vmem>>
    %dma_wait3A_509 = arith.constant 0 : i32
    %dma_wait3A_510 = arith.constant 0 : i32
    %dma_wait3A_511 = tpu.memref_slice %arg5[%mul3A_504, %dma_wait3A_505, %dma_wait3A_509, %dma_wait3A_510] : memref<4096x25x8x128xf32, #tpu.memory_space<hbm>> -> memref<1x1x8x64xf32, #tpu.memory_space<hbm>>
    %dma_wait3A_512 = tpu.memref_squeeze %dma_wait3A_511 : memref<1x1x8x64xf32, #tpu.memory_space<hbm>> -> memref<8x64xf32, #tpu.memory_space<hbm>>
    %dma_wait3A_513 = arith.constant 0 : i32
    %dma_wait3A_514 = arith.constant 0 : i32
    %dma_wait3A_515 = tpu.memref_slice %arg5[%mul3A_504, %dma_wait3A_505, %dma_wait3A_513, %dma_wait3A_514] : memref<4096x25x8x128xf32, #tpu.memory_space<hbm>> -> memref<1x1x8x64xf32, #tpu.memory_space<hbm>>
    %dma_wait3A_516 = tpu.memref_squeeze %dma_wait3A_515 : memref<1x1x8x64xf32, #tpu.memory_space<hbm>> -> memref<8x64xf32, #tpu.memory_space<hbm>>
    %dma_wait3A_517 = arith.constant 0 : i32
    %dma_wait3A_518 = arith.constant 0 : i32
    %dma_wait3A_519 = tpu.memref_slice %arg10[%dma_wait3A_517, %dma_wait3A_518] : memref<400x64xf32, #tpu.memory_space<vmem>> -> memref<8x64xf32, #tpu.memory_space<vmem>>
    tpu.wait_dma2 semaphore(%arg12 : memref<!tpu.dma_semaphore, #tpu.memory_space<semaphore_mem>>) src(%dma_wait3A_519 : memref<8x64xf32, #tpu.memory_space<vmem>>) dst(%dma_wait3A_516 : memref<8x64xf32, #tpu.memory_space<hbm>>)
    %mul3A_520 = arith.constant 128 : i32
    %mul3A_521 = arith.muli %add3A, %mul3A_520 : i32
    %dma_wait3A_522 = arith.constant 0 : i32
    %dma_wait3A_523 = arith.constant 0 : i32
    %dma_wait3A_524 = arith.constant 0 : i32
    %dma_wait3A_525 = tpu.memref_slice %arg10[%dma_wait3A_523, %dma_wait3A_524] : memref<400x64xf32, #tpu.memory_space<vmem>> -> memref<8x64xf32, #tpu.memory_space<vmem>>
    %dma_wait3A_526 = arith.constant 0 : i32
    %dma_wait3A_527 = arith.constant 0 : i32
    %dma_wait3A_528 = tpu.memref_slice %arg5[%mul3A_521, %dma_wait3A_522, %dma_wait3A_526, %dma_wait3A_527] : memref<4096x25x8x128xf32, #tpu.memory_space<hbm>> -> memref<1x1x8x64xf32, #tpu.memory_space<hbm>>
    %dma_wait3A_529 = tpu.memref_squeeze %dma_wait3A_528 : memref<1x1x8x64xf32, #tpu.memory_space<hbm>> -> memref<8x64xf32, #tpu.memory_space<hbm>>
    %dma_wait3A_530 = arith.constant 0 : i32
    %dma_wait3A_531 = arith.constant 0 : i32
    %dma_wait3A_532 = tpu.memref_slice %arg5[%mul3A_521, %dma_wait3A_522, %dma_wait3A_530, %dma_wait3A_531] : memref<4096x25x8x128xf32, #tpu.memory_space<hbm>> -> memref<1x1x8x64xf32, #tpu.memory_space<hbm>>
    %dma_wait3A_533 = tpu.memref_squeeze %dma_wait3A_532 : memref<1x1x8x64xf32, #tpu.memory_space<hbm>> -> memref<8x64xf32, #tpu.memory_space<hbm>>
    %dma_wait3A_534 = arith.constant 0 : i32
    %dma_wait3A_535 = arith.constant 0 : i32
    %dma_wait3A_536 = tpu.memref_slice %arg10[%dma_wait3A_534, %dma_wait3A_535] : memref<400x64xf32, #tpu.memory_space<vmem>> -> memref<8x64xf32, #tpu.memory_space<vmem>>
    tpu.wait_dma2 semaphore(%arg12 : memref<!tpu.dma_semaphore, #tpu.memory_space<semaphore_mem>>) src(%dma_wait3A_536 : memref<8x64xf32, #tpu.memory_space<vmem>>) dst(%dma_wait3A_533 : memref<8x64xf32, #tpu.memory_space<hbm>>)
    %mul3A_537 = arith.constant 128 : i32
    %mul3A_538 = arith.muli %add3A, %mul3A_537 : i32
    %dma_wait3A_539 = arith.constant 0 : i32
    %dma_wait3A_540 = arith.constant 0 : i32
    %dma_wait3A_541 = arith.constant 0 : i32
    %dma_wait3A_542 = tpu.memref_slice %arg10[%dma_wait3A_540, %dma_wait3A_541] : memref<400x64xf32, #tpu.memory_space<vmem>> -> memref<8x64xf32, #tpu.memory_space<vmem>>
    %dma_wait3A_543 = arith.constant 0 : i32
    %dma_wait3A_544 = arith.constant 0 : i32
    %dma_wait3A_545 = tpu.memref_slice %arg5[%mul3A_538, %dma_wait3A_539, %dma_wait3A_543, %dma_wait3A_544] : memref<4096x25x8x128xf32, #tpu.memory_space<hbm>> -> memref<1x1x8x64xf32, #tpu.memory_space<hbm>>
    %dma_wait3A_546 = tpu.memref_squeeze %dma_wait3A_545 : memref<1x1x8x64xf32, #tpu.memory_space<hbm>> -> memref<8x64xf32, #tpu.memory_space<hbm>>
    %dma_wait3A_547 = arith.constant 0 : i32
    %dma_wait3A_548 = arith.constant 0 : i32
    %dma_wait3A_549 = tpu.memref_slice %arg5[%mul3A_538, %dma_wait3A_539, %dma_wait3A_547, %dma_wait3A_548] : memref<4096x25x8x128xf32, #tpu.memory_space<hbm>> -> memref<1x1x8x64xf32, #tpu.memory_space<hbm>>
    %dma_wait3A_550 = tpu.memref_squeeze %dma_wait3A_549 : memref<1x1x8x64xf32, #tpu.memory_space<hbm>> -> memref<8x64xf32, #tpu.memory_space<hbm>>
    %dma_wait3A_551 = arith.constant 0 : i32
    %dma_wait3A_552 = arith.constant 0 : i32
    %dma_wait3A_553 = tpu.memref_slice %arg10[%dma_wait3A_551, %dma_wait3A_552] : memref<400x64xf32, #tpu.memory_space<vmem>> -> memref<8x64xf32, #tpu.memory_space<vmem>>
    tpu.wait_dma2 semaphore(%arg12 : memref<!tpu.dma_semaphore, #tpu.memory_space<semaphore_mem>>) src(%dma_wait3A_553 : memref<8x64xf32, #tpu.memory_space<vmem>>) dst(%dma_wait3A_550 : memref<8x64xf32, #tpu.memory_space<hbm>>)
    %mul3A_554 = arith.constant 128 : i32
    %mul3A_555 = arith.muli %add3A, %mul3A_554 : i32
    %dma_wait3A_556 = arith.constant 0 : i32
    %dma_wait3A_557 = arith.constant 0 : i32
    %dma_wait3A_558 = arith.constant 0 : i32
    %dma_wait3A_559 = tpu.memref_slice %arg10[%dma_wait3A_557, %dma_wait3A_558] : memref<400x64xf32, #tpu.memory_space<vmem>> -> memref<8x64xf32, #tpu.memory_space<vmem>>
    %dma_wait3A_560 = arith.constant 0 : i32
    %dma_wait3A_561 = arith.constant 0 : i32
    %dma_wait3A_562 = tpu.memref_slice %arg5[%mul3A_555, %dma_wait3A_556, %dma_wait3A_560, %dma_wait3A_561] : memref<4096x25x8x128xf32, #tpu.memory_space<hbm>> -> memref<1x1x8x64xf32, #tpu.memory_space<hbm>>
    %dma_wait3A_563 = tpu.memref_squeeze %dma_wait3A_562 : memref<1x1x8x64xf32, #tpu.memory_space<hbm>> -> memref<8x64xf32, #tpu.memory_space<hbm>>
    %dma_wait3A_564 = arith.constant 0 : i32
    %dma_wait3A_565 = arith.constant 0 : i32
    %dma_wait3A_566 = tpu.memref_slice %arg5[%mul3A_555, %dma_wait3A_556, %dma_wait3A_564, %dma_wait3A_565] : memref<4096x25x8x128xf32, #tpu.memory_space<hbm>> -> memref<1x1x8x64xf32, #tpu.memory_space<hbm>>
    %dma_wait3A_567 = tpu.memref_squeeze %dma_wait3A_566 : memref<1x1x8x64xf32, #tpu.memory_space<hbm>> -> memref<8x64xf32, #tpu.memory_space<hbm>>
    %dma_wait3A_568 = arith.constant 0 : i32
    %dma_wait3A_569 = arith.constant 0 : i32
    %dma_wait3A_570 = tpu.memref_slice %arg10[%dma_wait3A_568, %dma_wait3A_569] : memref<400x64xf32, #tpu.memory_space<vmem>> -> memref<8x64xf32, #tpu.memory_space<vmem>>
    tpu.wait_dma2 semaphore(%arg12 : memref<!tpu.dma_semaphore, #tpu.memory_space<semaphore_mem>>) src(%dma_wait3A_570 : memref<8x64xf32, #tpu.memory_space<vmem>>) dst(%dma_wait3A_567 : memref<8x64xf32, #tpu.memory_space<hbm>>)
    %mul3A_571 = arith.constant 128 : i32
    %mul3A_572 = arith.muli %add3A, %mul3A_571 : i32
    %dma_wait3A_573 = arith.constant 0 : i32
    %dma_wait3A_574 = arith.constant 0 : i32
    %dma_wait3A_575 = arith.constant 0 : i32
    %dma_wait3A_576 = tpu.memref_slice %arg10[%dma_wait3A_574, %dma_wait3A_575] : memref<400x64xf32, #tpu.memory_space<vmem>> -> memref<8x64xf32, #tpu.memory_space<vmem>>
    %dma_wait3A_577 = arith.constant 0 : i32
    %dma_wait3A_578 = arith.constant 0 : i32
    %dma_wait3A_579 = tpu.memref_slice %arg5[%mul3A_572, %dma_wait3A_573, %dma_wait3A_577, %dma_wait3A_578] : memref<4096x25x8x128xf32, #tpu.memory_space<hbm>> -> memref<1x1x8x64xf32, #tpu.memory_space<hbm>>
    %dma_wait3A_580 = tpu.memref_squeeze %dma_wait3A_579 : memref<1x1x8x64xf32, #tpu.memory_space<hbm>> -> memref<8x64xf32, #tpu.memory_space<hbm>>
    %dma_wait3A_581 = arith.constant 0 : i32
    %dma_wait3A_582 = arith.constant 0 : i32
    %dma_wait3A_583 = tpu.memref_slice %arg5[%mul3A_572, %dma_wait3A_573, %dma_wait3A_581, %dma_wait3A_582] : memref<4096x25x8x128xf32, #tpu.memory_space<hbm>> -> memref<1x1x8x64xf32, #tpu.memory_space<hbm>>
    %dma_wait3A_584 = tpu.memref_squeeze %dma_wait3A_583 : memref<1x1x8x64xf32, #tpu.memory_space<hbm>> -> memref<8x64xf32, #tpu.memory_space<hbm>>
    %dma_wait3A_585 = arith.constant 0 : i32
    %dma_wait3A_586 = arith.constant 0 : i32
    %dma_wait3A_587 = tpu.memref_slice %arg10[%dma_wait3A_585, %dma_wait3A_586] : memref<400x64xf32, #tpu.memory_space<vmem>> -> memref<8x64xf32, #tpu.memory_space<vmem>>
    tpu.wait_dma2 semaphore(%arg12 : memref<!tpu.dma_semaphore, #tpu.memory_space<semaphore_mem>>) src(%dma_wait3A_587 : memref<8x64xf32, #tpu.memory_space<vmem>>) dst(%dma_wait3A_584 : memref<8x64xf32, #tpu.memory_space<hbm>>)
    %mul3A_588 = arith.constant 128 : i32
    %mul3A_589 = arith.muli %add3A, %mul3A_588 : i32
    %dma_wait3A_590 = arith.constant 0 : i32
    %dma_wait3A_591 = arith.constant 0 : i32
    %dma_wait3A_592 = arith.constant 0 : i32
    %dma_wait3A_593 = tpu.memref_slice %arg10[%dma_wait3A_591, %dma_wait3A_592] : memref<400x64xf32, #tpu.memory_space<vmem>> -> memref<8x64xf32, #tpu.memory_space<vmem>>
    %dma_wait3A_594 = arith.constant 0 : i32
    %dma_wait3A_595 = arith.constant 0 : i32
    %dma_wait3A_596 = tpu.memref_slice %arg5[%mul3A_589, %dma_wait3A_590, %dma_wait3A_594, %dma_wait3A_595] : memref<4096x25x8x128xf32, #tpu.memory_space<hbm>> -> memref<1x1x8x64xf32, #tpu.memory_space<hbm>>
    %dma_wait3A_597 = tpu.memref_squeeze %dma_wait3A_596 : memref<1x1x8x64xf32, #tpu.memory_space<hbm>> -> memref<8x64xf32, #tpu.memory_space<hbm>>
    %dma_wait3A_598 = arith.constant 0 : i32
    %dma_wait3A_599 = arith.constant 0 : i32
    %dma_wait3A_600 = tpu.memref_slice %arg5[%mul3A_589, %dma_wait3A_590, %dma_wait3A_598, %dma_wait3A_599] : memref<4096x25x8x128xf32, #tpu.memory_space<hbm>> -> memref<1x1x8x64xf32, #tpu.memory_space<hbm>>
    %dma_wait3A_601 = tpu.memref_squeeze %dma_wait3A_600 : memref<1x1x8x64xf32, #tpu.memory_space<hbm>> -> memref<8x64xf32, #tpu.memory_space<hbm>>
    %dma_wait3A_602 = arith.constant 0 : i32
    %dma_wait3A_603 = arith.constant 0 : i32
    %dma_wait3A_604 = tpu.memref_slice %arg10[%dma_wait3A_602, %dma_wait3A_603] : memref<400x64xf32, #tpu.memory_space<vmem>> -> memref<8x64xf32, #tpu.memory_space<vmem>>
    tpu.wait_dma2 semaphore(%arg12 : memref<!tpu.dma_semaphore, #tpu.memory_space<semaphore_mem>>) src(%dma_wait3A_604 : memref<8x64xf32, #tpu.memory_space<vmem>>) dst(%dma_wait3A_601 : memref<8x64xf32, #tpu.memory_space<hbm>>)
    %mul3A_605 = arith.constant 128 : i32
    %mul3A_606 = arith.muli %add3A, %mul3A_605 : i32
    %dma_wait3A_607 = arith.constant 0 : i32
    %dma_wait3A_608 = arith.constant 0 : i32
    %dma_wait3A_609 = arith.constant 0 : i32
    %dma_wait3A_610 = tpu.memref_slice %arg10[%dma_wait3A_608, %dma_wait3A_609] : memref<400x64xf32, #tpu.memory_space<vmem>> -> memref<8x64xf32, #tpu.memory_space<vmem>>
    %dma_wait3A_611 = arith.constant 0 : i32
    %dma_wait3A_612 = arith.constant 0 : i32
    %dma_wait3A_613 = tpu.memref_slice %arg5[%mul3A_606, %dma_wait3A_607, %dma_wait3A_611, %dma_wait3A_612] : memref<4096x25x8x128xf32, #tpu.memory_space<hbm>> -> memref<1x1x8x64xf32, #tpu.memory_space<hbm>>
    %dma_wait3A_614 = tpu.memref_squeeze %dma_wait3A_613 : memref<1x1x8x64xf32, #tpu.memory_space<hbm>> -> memref<8x64xf32, #tpu.memory_space<hbm>>
    %dma_wait3A_615 = arith.constant 0 : i32
    %dma_wait3A_616 = arith.constant 0 : i32
    %dma_wait3A_617 = tpu.memref_slice %arg5[%mul3A_606, %dma_wait3A_607, %dma_wait3A_615, %dma_wait3A_616] : memref<4096x25x8x128xf32, #tpu.memory_space<hbm>> -> memref<1x1x8x64xf32, #tpu.memory_space<hbm>>
    %dma_wait3A_618 = tpu.memref_squeeze %dma_wait3A_617 : memref<1x1x8x64xf32, #tpu.memory_space<hbm>> -> memref<8x64xf32, #tpu.memory_space<hbm>>
    %dma_wait3A_619 = arith.constant 0 : i32
    %dma_wait3A_620 = arith.constant 0 : i32
    %dma_wait3A_621 = tpu.memref_slice %arg10[%dma_wait3A_619, %dma_wait3A_620] : memref<400x64xf32, #tpu.memory_space<vmem>> -> memref<8x64xf32, #tpu.memory_space<vmem>>
    tpu.wait_dma2 semaphore(%arg12 : memref<!tpu.dma_semaphore, #tpu.memory_space<semaphore_mem>>) src(%dma_wait3A_621 : memref<8x64xf32, #tpu.memory_space<vmem>>) dst(%dma_wait3A_618 : memref<8x64xf32, #tpu.memory_space<hbm>>)
    %mul3A_622 = arith.constant 128 : i32
    %mul3A_623 = arith.muli %add3A, %mul3A_622 : i32
    %dma_wait3A_624 = arith.constant 0 : i32
    %dma_wait3A_625 = arith.constant 0 : i32
    %dma_wait3A_626 = arith.constant 0 : i32
    %dma_wait3A_627 = tpu.memref_slice %arg10[%dma_wait3A_625, %dma_wait3A_626] : memref<400x64xf32, #tpu.memory_space<vmem>> -> memref<8x64xf32, #tpu.memory_space<vmem>>
    %dma_wait3A_628 = arith.constant 0 : i32
    %dma_wait3A_629 = arith.constant 0 : i32
    %dma_wait3A_630 = tpu.memref_slice %arg5[%mul3A_623, %dma_wait3A_624, %dma_wait3A_628, %dma_wait3A_629] : memref<4096x25x8x128xf32, #tpu.memory_space<hbm>> -> memref<1x1x8x64xf32, #tpu.memory_space<hbm>>
    %dma_wait3A_631 = tpu.memref_squeeze %dma_wait3A_630 : memref<1x1x8x64xf32, #tpu.memory_space<hbm>> -> memref<8x64xf32, #tpu.memory_space<hbm>>
    %dma_wait3A_632 = arith.constant 0 : i32
    %dma_wait3A_633 = arith.constant 0 : i32
    %dma_wait3A_634 = tpu.memref_slice %arg5[%mul3A_623, %dma_wait3A_624, %dma_wait3A_632, %dma_wait3A_633] : memref<4096x25x8x128xf32, #tpu.memory_space<hbm>> -> memref<1x1x8x64xf32, #tpu.memory_space<hbm>>
    %dma_wait3A_635 = tpu.memref_squeeze %dma_wait3A_634 : memref<1x1x8x64xf32, #tpu.memory_space<hbm>> -> memref<8x64xf32, #tpu.memory_space<hbm>>
    %dma_wait3A_636 = arith.constant 0 : i32
    %dma_wait3A_637 = arith.constant 0 : i32
    %dma_wait3A_638 = tpu.memref_slice %arg10[%dma_wait3A_636, %dma_wait3A_637] : memref<400x64xf32, #tpu.memory_space<vmem>> -> memref<8x64xf32, #tpu.memory_space<vmem>>
    tpu.wait_dma2 semaphore(%arg12 : memref<!tpu.dma_semaphore, #tpu.memory_space<semaphore_mem>>) src(%dma_wait3A_638 : memref<8x64xf32, #tpu.memory_space<vmem>>) dst(%dma_wait3A_635 : memref<8x64xf32, #tpu.memory_space<hbm>>)
    %mul3A_639 = arith.constant 128 : i32
    %mul3A_640 = arith.muli %add3A, %mul3A_639 : i32
    %dma_wait3A_641 = arith.constant 0 : i32
    %dma_wait3A_642 = arith.constant 0 : i32
    %dma_wait3A_643 = arith.constant 0 : i32
    %dma_wait3A_644 = tpu.memref_slice %arg10[%dma_wait3A_642, %dma_wait3A_643] : memref<400x64xf32, #tpu.memory_space<vmem>> -> memref<8x64xf32, #tpu.memory_space<vmem>>
    %dma_wait3A_645 = arith.constant 0 : i32
    %dma_wait3A_646 = arith.constant 0 : i32
    %dma_wait3A_647 = tpu.memref_slice %arg5[%mul3A_640, %dma_wait3A_641, %dma_wait3A_645, %dma_wait3A_646] : memref<4096x25x8x128xf32, #tpu.memory_space<hbm>> -> memref<1x1x8x64xf32, #tpu.memory_space<hbm>>
    %dma_wait3A_648 = tpu.memref_squeeze %dma_wait3A_647 : memref<1x1x8x64xf32, #tpu.memory_space<hbm>> -> memref<8x64xf32, #tpu.memory_space<hbm>>
    %dma_wait3A_649 = arith.constant 0 : i32
    %dma_wait3A_650 = arith.constant 0 : i32
    %dma_wait3A_651 = tpu.memref_slice %arg5[%mul3A_640, %dma_wait3A_641, %dma_wait3A_649, %dma_wait3A_650] : memref<4096x25x8x128xf32, #tpu.memory_space<hbm>> -> memref<1x1x8x64xf32, #tpu.memory_space<hbm>>
    %dma_wait3A_652 = tpu.memref_squeeze %dma_wait3A_651 : memref<1x1x8x64xf32, #tpu.memory_space<hbm>> -> memref<8x64xf32, #tpu.memory_space<hbm>>
    %dma_wait3A_653 = arith.constant 0 : i32
    %dma_wait3A_654 = arith.constant 0 : i32
    %dma_wait3A_655 = tpu.memref_slice %arg10[%dma_wait3A_653, %dma_wait3A_654] : memref<400x64xf32, #tpu.memory_space<vmem>> -> memref<8x64xf32, #tpu.memory_space<vmem>>
    tpu.wait_dma2 semaphore(%arg12 : memref<!tpu.dma_semaphore, #tpu.memory_space<semaphore_mem>>) src(%dma_wait3A_655 : memref<8x64xf32, #tpu.memory_space<vmem>>) dst(%dma_wait3A_652 : memref<8x64xf32, #tpu.memory_space<hbm>>)
    %mul3A_656 = arith.constant 128 : i32
    %mul3A_657 = arith.muli %add3A, %mul3A_656 : i32
    %dma_wait3A_658 = arith.constant 0 : i32
    %dma_wait3A_659 = arith.constant 0 : i32
    %dma_wait3A_660 = arith.constant 0 : i32
    %dma_wait3A_661 = tpu.memref_slice %arg10[%dma_wait3A_659, %dma_wait3A_660] : memref<400x64xf32, #tpu.memory_space<vmem>> -> memref<8x64xf32, #tpu.memory_space<vmem>>
    %dma_wait3A_662 = arith.constant 0 : i32
    %dma_wait3A_663 = arith.constant 0 : i32
    %dma_wait3A_664 = tpu.memref_slice %arg5[%mul3A_657, %dma_wait3A_658, %dma_wait3A_662, %dma_wait3A_663] : memref<4096x25x8x128xf32, #tpu.memory_space<hbm>> -> memref<1x1x8x64xf32, #tpu.memory_space<hbm>>
    %dma_wait3A_665 = tpu.memref_squeeze %dma_wait3A_664 : memref<1x1x8x64xf32, #tpu.memory_space<hbm>> -> memref<8x64xf32, #tpu.memory_space<hbm>>
    %dma_wait3A_666 = arith.constant 0 : i32
    %dma_wait3A_667 = arith.constant 0 : i32
    %dma_wait3A_668 = tpu.memref_slice %arg5[%mul3A_657, %dma_wait3A_658, %dma_wait3A_666, %dma_wait3A_667] : memref<4096x25x8x128xf32, #tpu.memory_space<hbm>> -> memref<1x1x8x64xf32, #tpu.memory_space<hbm>>
    %dma_wait3A_669 = tpu.memref_squeeze %dma_wait3A_668 : memref<1x1x8x64xf32, #tpu.memory_space<hbm>> -> memref<8x64xf32, #tpu.memory_space<hbm>>
    %dma_wait3A_670 = arith.constant 0 : i32
    %dma_wait3A_671 = arith.constant 0 : i32
    %dma_wait3A_672 = tpu.memref_slice %arg10[%dma_wait3A_670, %dma_wait3A_671] : memref<400x64xf32, #tpu.memory_space<vmem>> -> memref<8x64xf32, #tpu.memory_space<vmem>>
    tpu.wait_dma2 semaphore(%arg12 : memref<!tpu.dma_semaphore, #tpu.memory_space<semaphore_mem>>) src(%dma_wait3A_672 : memref<8x64xf32, #tpu.memory_space<vmem>>) dst(%dma_wait3A_669 : memref<8x64xf32, #tpu.memory_space<hbm>>)
    %mul3A_673 = arith.constant 128 : i32
    %mul3A_674 = arith.muli %add3A, %mul3A_673 : i32
    %dma_wait3A_675 = arith.constant 0 : i32
    %dma_wait3A_676 = arith.constant 0 : i32
    %dma_wait3A_677 = arith.constant 0 : i32
    %dma_wait3A_678 = tpu.memref_slice %arg10[%dma_wait3A_676, %dma_wait3A_677] : memref<400x64xf32, #tpu.memory_space<vmem>> -> memref<8x64xf32, #tpu.memory_space<vmem>>
    %dma_wait3A_679 = arith.constant 0 : i32
    %dma_wait3A_680 = arith.constant 0 : i32
    %dma_wait3A_681 = tpu.memref_slice %arg5[%mul3A_674, %dma_wait3A_675, %dma_wait3A_679, %dma_wait3A_680] : memref<4096x25x8x128xf32, #tpu.memory_space<hbm>> -> memref<1x1x8x64xf32, #tpu.memory_space<hbm>>
    %dma_wait3A_682 = tpu.memref_squeeze %dma_wait3A_681 : memref<1x1x8x64xf32, #tpu.memory_space<hbm>> -> memref<8x64xf32, #tpu.memory_space<hbm>>
    %dma_wait3A_683 = arith.constant 0 : i32
    %dma_wait3A_684 = arith.constant 0 : i32
    %dma_wait3A_685 = tpu.memref_slice %arg5[%mul3A_674, %dma_wait3A_675, %dma_wait3A_683, %dma_wait3A_684] : memref<4096x25x8x128xf32, #tpu.memory_space<hbm>> -> memref<1x1x8x64xf32, #tpu.memory_space<hbm>>
    %dma_wait3A_686 = tpu.memref_squeeze %dma_wait3A_685 : memref<1x1x8x64xf32, #tpu.memory_space<hbm>> -> memref<8x64xf32, #tpu.memory_space<hbm>>
    %dma_wait3A_687 = arith.constant 0 : i32
    %dma_wait3A_688 = arith.constant 0 : i32
    %dma_wait3A_689 = tpu.memref_slice %arg10[%dma_wait3A_687, %dma_wait3A_688] : memref<400x64xf32, #tpu.memory_space<vmem>> -> memref<8x64xf32, #tpu.memory_space<vmem>>
    tpu.wait_dma2 semaphore(%arg12 : memref<!tpu.dma_semaphore, #tpu.memory_space<semaphore_mem>>) src(%dma_wait3A_689 : memref<8x64xf32, #tpu.memory_space<vmem>>) dst(%dma_wait3A_686 : memref<8x64xf32, #tpu.memory_space<hbm>>)
    %mul3A_690 = arith.constant 128 : i32
    %mul3A_691 = arith.muli %add3A, %mul3A_690 : i32
    %dma_wait3A_692 = arith.constant 0 : i32
    %dma_wait3A_693 = arith.constant 0 : i32
    %dma_wait3A_694 = arith.constant 0 : i32
    %dma_wait3A_695 = tpu.memref_slice %arg10[%dma_wait3A_693, %dma_wait3A_694] : memref<400x64xf32, #tpu.memory_space<vmem>> -> memref<8x64xf32, #tpu.memory_space<vmem>>
    %dma_wait3A_696 = arith.constant 0 : i32
    %dma_wait3A_697 = arith.constant 0 : i32
    %dma_wait3A_698 = tpu.memref_slice %arg5[%mul3A_691, %dma_wait3A_692, %dma_wait3A_696, %dma_wait3A_697] : memref<4096x25x8x128xf32, #tpu.memory_space<hbm>> -> memref<1x1x8x64xf32, #tpu.memory_space<hbm>>
    %dma_wait3A_699 = tpu.memref_squeeze %dma_wait3A_698 : memref<1x1x8x64xf32, #tpu.memory_space<hbm>> -> memref<8x64xf32, #tpu.memory_space<hbm>>
    %dma_wait3A_700 = arith.constant 0 : i32
    %dma_wait3A_701 = arith.constant 0 : i32
    %dma_wait3A_702 = tpu.memref_slice %arg5[%mul3A_691, %dma_wait3A_692, %dma_wait3A_700, %dma_wait3A_701] : memref<4096x25x8x128xf32, #tpu.memory_space<hbm>> -> memref<1x1x8x64xf32, #tpu.memory_space<hbm>>
    %dma_wait3A_703 = tpu.memref_squeeze %dma_wait3A_702 : memref<1x1x8x64xf32, #tpu.memory_space<hbm>> -> memref<8x64xf32, #tpu.memory_space<hbm>>
    %dma_wait3A_704 = arith.constant 0 : i32
    %dma_wait3A_705 = arith.constant 0 : i32
    %dma_wait3A_706 = tpu.memref_slice %arg10[%dma_wait3A_704, %dma_wait3A_705] : memref<400x64xf32, #tpu.memory_space<vmem>> -> memref<8x64xf32, #tpu.memory_space<vmem>>
    tpu.wait_dma2 semaphore(%arg12 : memref<!tpu.dma_semaphore, #tpu.memory_space<semaphore_mem>>) src(%dma_wait3A_706 : memref<8x64xf32, #tpu.memory_space<vmem>>) dst(%dma_wait3A_703 : memref<8x64xf32, #tpu.memory_space<hbm>>)
    %mul3A_707 = arith.constant 128 : i32
    %mul3A_708 = arith.muli %add3A, %mul3A_707 : i32
    %dma_wait3A_709 = arith.constant 0 : i32
    %dma_wait3A_710 = arith.constant 200 : i32
    %dma_wait3A_711 = arith.constant 0 : i32
    %dma_wait3A_712 = tpu.memref_slice %arg10[%dma_wait3A_710, %dma_wait3A_711] : memref<400x64xf32, #tpu.memory_space<vmem>> -> memref<8x64xf32, #tpu.memory_space<vmem>>
    %dma_wait3A_713 = arith.constant 0 : i32
    %dma_wait3A_714 = arith.constant 0 : i32
    %dma_wait3A_715 = tpu.memref_slice %arg5[%mul3A_708, %dma_wait3A_709, %dma_wait3A_713, %dma_wait3A_714] : memref<4096x25x8x128xf32, #tpu.memory_space<hbm>> -> memref<1x1x8x64xf32, #tpu.memory_space<hbm>>
    %dma_wait3A_716 = tpu.memref_squeeze %dma_wait3A_715 : memref<1x1x8x64xf32, #tpu.memory_space<hbm>> -> memref<8x64xf32, #tpu.memory_space<hbm>>
    %dma_wait3A_717 = arith.constant 0 : i32
    %dma_wait3A_718 = arith.constant 0 : i32
    %dma_wait3A_719 = tpu.memref_slice %arg5[%mul3A_708, %dma_wait3A_709, %dma_wait3A_717, %dma_wait3A_718] : memref<4096x25x8x128xf32, #tpu.memory_space<hbm>> -> memref<1x1x8x64xf32, #tpu.memory_space<hbm>>
    %dma_wait3A_720 = tpu.memref_squeeze %dma_wait3A_719 : memref<1x1x8x64xf32, #tpu.memory_space<hbm>> -> memref<8x64xf32, #tpu.memory_space<hbm>>
    %dma_wait3A_721 = arith.constant 200 : i32
    %dma_wait3A_722 = arith.constant 0 : i32
    %dma_wait3A_723 = tpu.memref_slice %arg10[%dma_wait3A_721, %dma_wait3A_722] : memref<400x64xf32, #tpu.memory_space<vmem>> -> memref<8x64xf32, #tpu.memory_space<vmem>>
    tpu.wait_dma2 semaphore(%arg12 : memref<!tpu.dma_semaphore, #tpu.memory_space<semaphore_mem>>) src(%dma_wait3A_723 : memref<8x64xf32, #tpu.memory_space<vmem>>) dst(%dma_wait3A_720 : memref<8x64xf32, #tpu.memory_space<hbm>>)
    %mul3A_724 = arith.constant 128 : i32
    %mul3A_725 = arith.muli %add3A, %mul3A_724 : i32
    %dma_wait3A_726 = arith.constant 0 : i32
    %dma_wait3A_727 = arith.constant 200 : i32
    %dma_wait3A_728 = arith.constant 0 : i32
    %dma_wait3A_729 = tpu.memref_slice %arg10[%dma_wait3A_727, %dma_wait3A_728] : memref<400x64xf32, #tpu.memory_space<vmem>> -> memref<8x64xf32, #tpu.memory_space<vmem>>
    %dma_wait3A_730 = arith.constant 0 : i32
    %dma_wait3A_731 = arith.constant 0 : i32
    %dma_wait3A_732 = tpu.memref_slice %arg5[%mul3A_725, %dma_wait3A_726, %dma_wait3A_730, %dma_wait3A_731] : memref<4096x25x8x128xf32, #tpu.memory_space<hbm>> -> memref<1x1x8x64xf32, #tpu.memory_space<hbm>>
    %dma_wait3A_733 = tpu.memref_squeeze %dma_wait3A_732 : memref<1x1x8x64xf32, #tpu.memory_space<hbm>> -> memref<8x64xf32, #tpu.memory_space<hbm>>
    %dma_wait3A_734 = arith.constant 0 : i32
    %dma_wait3A_735 = arith.constant 0 : i32
    %dma_wait3A_736 = tpu.memref_slice %arg5[%mul3A_725, %dma_wait3A_726, %dma_wait3A_734, %dma_wait3A_735] : memref<4096x25x8x128xf32, #tpu.memory_space<hbm>> -> memref<1x1x8x64xf32, #tpu.memory_space<hbm>>
    %dma_wait3A_737 = tpu.memref_squeeze %dma_wait3A_736 : memref<1x1x8x64xf32, #tpu.memory_space<hbm>> -> memref<8x64xf32, #tpu.memory_space<hbm>>
    %dma_wait3A_738 = arith.constant 200 : i32
    %dma_wait3A_739 = arith.constant 0 : i32
    %dma_wait3A_740 = tpu.memref_slice %arg10[%dma_wait3A_738, %dma_wait3A_739] : memref<400x64xf32, #tpu.memory_space<vmem>> -> memref<8x64xf32, #tpu.memory_space<vmem>>
    tpu.wait_dma2 semaphore(%arg12 : memref<!tpu.dma_semaphore, #tpu.memory_space<semaphore_mem>>) src(%dma_wait3A_740 : memref<8x64xf32, #tpu.memory_space<vmem>>) dst(%dma_wait3A_737 : memref<8x64xf32, #tpu.memory_space<hbm>>)
    %mul3A_741 = arith.constant 128 : i32
    %mul3A_742 = arith.muli %add3A, %mul3A_741 : i32
    %dma_wait3A_743 = arith.constant 0 : i32
    %dma_wait3A_744 = arith.constant 200 : i32
    %dma_wait3A_745 = arith.constant 0 : i32
    %dma_wait3A_746 = tpu.memref_slice %arg10[%dma_wait3A_744, %dma_wait3A_745] : memref<400x64xf32, #tpu.memory_space<vmem>> -> memref<8x64xf32, #tpu.memory_space<vmem>>
    %dma_wait3A_747 = arith.constant 0 : i32
    %dma_wait3A_748 = arith.constant 0 : i32
    %dma_wait3A_749 = tpu.memref_slice %arg5[%mul3A_742, %dma_wait3A_743, %dma_wait3A_747, %dma_wait3A_748] : memref<4096x25x8x128xf32, #tpu.memory_space<hbm>> -> memref<1x1x8x64xf32, #tpu.memory_space<hbm>>
    %dma_wait3A_750 = tpu.memref_squeeze %dma_wait3A_749 : memref<1x1x8x64xf32, #tpu.memory_space<hbm>> -> memref<8x64xf32, #tpu.memory_space<hbm>>
    %dma_wait3A_751 = arith.constant 0 : i32
    %dma_wait3A_752 = arith.constant 0 : i32
    %dma_wait3A_753 = tpu.memref_slice %arg5[%mul3A_742, %dma_wait3A_743, %dma_wait3A_751, %dma_wait3A_752] : memref<4096x25x8x128xf32, #tpu.memory_space<hbm>> -> memref<1x1x8x64xf32, #tpu.memory_space<hbm>>
    %dma_wait3A_754 = tpu.memref_squeeze %dma_wait3A_753 : memref<1x1x8x64xf32, #tpu.memory_space<hbm>> -> memref<8x64xf32, #tpu.memory_space<hbm>>
    %dma_wait3A_755 = arith.constant 200 : i32
    %dma_wait3A_756 = arith.constant 0 : i32
    %dma_wait3A_757 = tpu.memref_slice %arg10[%dma_wait3A_755, %dma_wait3A_756] : memref<400x64xf32, #tpu.memory_space<vmem>> -> memref<8x64xf32, #tpu.memory_space<vmem>>
    tpu.wait_dma2 semaphore(%arg12 : memref<!tpu.dma_semaphore, #tpu.memory_space<semaphore_mem>>) src(%dma_wait3A_757 : memref<8x64xf32, #tpu.memory_space<vmem>>) dst(%dma_wait3A_754 : memref<8x64xf32, #tpu.memory_space<hbm>>)
    %mul3A_758 = arith.constant 128 : i32
    %mul3A_759 = arith.muli %add3A, %mul3A_758 : i32
    %dma_wait3A_760 = arith.constant 0 : i32
    %dma_wait3A_761 = arith.constant 200 : i32
    %dma_wait3A_762 = arith.constant 0 : i32
    %dma_wait3A_763 = tpu.memref_slice %arg10[%dma_wait3A_761, %dma_wait3A_762] : memref<400x64xf32, #tpu.memory_space<vmem>> -> memref<8x64xf32, #tpu.memory_space<vmem>>
    %dma_wait3A_764 = arith.constant 0 : i32
    %dma_wait3A_765 = arith.constant 0 : i32
    %dma_wait3A_766 = tpu.memref_slice %arg5[%mul3A_759, %dma_wait3A_760, %dma_wait3A_764, %dma_wait3A_765] : memref<4096x25x8x128xf32, #tpu.memory_space<hbm>> -> memref<1x1x8x64xf32, #tpu.memory_space<hbm>>
    %dma_wait3A_767 = tpu.memref_squeeze %dma_wait3A_766 : memref<1x1x8x64xf32, #tpu.memory_space<hbm>> -> memref<8x64xf32, #tpu.memory_space<hbm>>
    %dma_wait3A_768 = arith.constant 0 : i32
    %dma_wait3A_769 = arith.constant 0 : i32
    %dma_wait3A_770 = tpu.memref_slice %arg5[%mul3A_759, %dma_wait3A_760, %dma_wait3A_768, %dma_wait3A_769] : memref<4096x25x8x128xf32, #tpu.memory_space<hbm>> -> memref<1x1x8x64xf32, #tpu.memory_space<hbm>>
    %dma_wait3A_771 = tpu.memref_squeeze %dma_wait3A_770 : memref<1x1x8x64xf32, #tpu.memory_space<hbm>> -> memref<8x64xf32, #tpu.memory_space<hbm>>
    %dma_wait3A_772 = arith.constant 200 : i32
    %dma_wait3A_773 = arith.constant 0 : i32
    %dma_wait3A_774 = tpu.memref_slice %arg10[%dma_wait3A_772, %dma_wait3A_773] : memref<400x64xf32, #tpu.memory_space<vmem>> -> memref<8x64xf32, #tpu.memory_space<vmem>>
    tpu.wait_dma2 semaphore(%arg12 : memref<!tpu.dma_semaphore, #tpu.memory_space<semaphore_mem>>) src(%dma_wait3A_774 : memref<8x64xf32, #tpu.memory_space<vmem>>) dst(%dma_wait3A_771 : memref<8x64xf32, #tpu.memory_space<hbm>>)
    %mul3A_775 = arith.constant 128 : i32
    %mul3A_776 = arith.muli %add3A, %mul3A_775 : i32
    %dma_wait3A_777 = arith.constant 0 : i32
    %dma_wait3A_778 = arith.constant 200 : i32
    %dma_wait3A_779 = arith.constant 0 : i32
    %dma_wait3A_780 = tpu.memref_slice %arg10[%dma_wait3A_778, %dma_wait3A_779] : memref<400x64xf32, #tpu.memory_space<vmem>> -> memref<8x64xf32, #tpu.memory_space<vmem>>
    %dma_wait3A_781 = arith.constant 0 : i32
    %dma_wait3A_782 = arith.constant 0 : i32
    %dma_wait3A_783 = tpu.memref_slice %arg5[%mul3A_776, %dma_wait3A_777, %dma_wait3A_781, %dma_wait3A_782] : memref<4096x25x8x128xf32, #tpu.memory_space<hbm>> -> memref<1x1x8x64xf32, #tpu.memory_space<hbm>>
    %dma_wait3A_784 = tpu.memref_squeeze %dma_wait3A_783 : memref<1x1x8x64xf32, #tpu.memory_space<hbm>> -> memref<8x64xf32, #tpu.memory_space<hbm>>
    %dma_wait3A_785 = arith.constant 0 : i32
    %dma_wait3A_786 = arith.constant 0 : i32
    %dma_wait3A_787 = tpu.memref_slice %arg5[%mul3A_776, %dma_wait3A_777, %dma_wait3A_785, %dma_wait3A_786] : memref<4096x25x8x128xf32, #tpu.memory_space<hbm>> -> memref<1x1x8x64xf32, #tpu.memory_space<hbm>>
    %dma_wait3A_788 = tpu.memref_squeeze %dma_wait3A_787 : memref<1x1x8x64xf32, #tpu.memory_space<hbm>> -> memref<8x64xf32, #tpu.memory_space<hbm>>
    %dma_wait3A_789 = arith.constant 200 : i32
    %dma_wait3A_790 = arith.constant 0 : i32
    %dma_wait3A_791 = tpu.memref_slice %arg10[%dma_wait3A_789, %dma_wait3A_790] : memref<400x64xf32, #tpu.memory_space<vmem>> -> memref<8x64xf32, #tpu.memory_space<vmem>>
    tpu.wait_dma2 semaphore(%arg12 : memref<!tpu.dma_semaphore, #tpu.memory_space<semaphore_mem>>) src(%dma_wait3A_791 : memref<8x64xf32, #tpu.memory_space<vmem>>) dst(%dma_wait3A_788 : memref<8x64xf32, #tpu.memory_space<hbm>>)
    %mul3A_792 = arith.constant 128 : i32
    %mul3A_793 = arith.muli %add3A, %mul3A_792 : i32
    %dma_wait3A_794 = arith.constant 0 : i32
    %dma_wait3A_795 = arith.constant 200 : i32
    %dma_wait3A_796 = arith.constant 0 : i32
    %dma_wait3A_797 = tpu.memref_slice %arg10[%dma_wait3A_795, %dma_wait3A_796] : memref<400x64xf32, #tpu.memory_space<vmem>> -> memref<8x64xf32, #tpu.memory_space<vmem>>
    %dma_wait3A_798 = arith.constant 0 : i32
    %dma_wait3A_799 = arith.constant 0 : i32
    %dma_wait3A_800 = tpu.memref_slice %arg5[%mul3A_793, %dma_wait3A_794, %dma_wait3A_798, %dma_wait3A_799] : memref<4096x25x8x128xf32, #tpu.memory_space<hbm>> -> memref<1x1x8x64xf32, #tpu.memory_space<hbm>>
    %dma_wait3A_801 = tpu.memref_squeeze %dma_wait3A_800 : memref<1x1x8x64xf32, #tpu.memory_space<hbm>> -> memref<8x64xf32, #tpu.memory_space<hbm>>
    %dma_wait3A_802 = arith.constant 0 : i32
    %dma_wait3A_803 = arith.constant 0 : i32
    %dma_wait3A_804 = tpu.memref_slice %arg5[%mul3A_793, %dma_wait3A_794, %dma_wait3A_802, %dma_wait3A_803] : memref<4096x25x8x128xf32, #tpu.memory_space<hbm>> -> memref<1x1x8x64xf32, #tpu.memory_space<hbm>>
    %dma_wait3A_805 = tpu.memref_squeeze %dma_wait3A_804 : memref<1x1x8x64xf32, #tpu.memory_space<hbm>> -> memref<8x64xf32, #tpu.memory_space<hbm>>
    %dma_wait3A_806 = arith.constant 200 : i32
    %dma_wait3A_807 = arith.constant 0 : i32
    %dma_wait3A_808 = tpu.memref_slice %arg10[%dma_wait3A_806, %dma_wait3A_807] : memref<400x64xf32, #tpu.memory_space<vmem>> -> memref<8x64xf32, #tpu.memory_space<vmem>>
    tpu.wait_dma2 semaphore(%arg12 : memref<!tpu.dma_semaphore, #tpu.memory_space<semaphore_mem>>) src(%dma_wait3A_808 : memref<8x64xf32, #tpu.memory_space<vmem>>) dst(%dma_wait3A_805 : memref<8x64xf32, #tpu.memory_space<hbm>>)
    %mul3A_809 = arith.constant 128 : i32
    %mul3A_810 = arith.muli %add3A, %mul3A_809 : i32
    %dma_wait3A_811 = arith.constant 0 : i32
    %dma_wait3A_812 = arith.constant 200 : i32
    %dma_wait3A_813 = arith.constant 0 : i32
    %dma_wait3A_814 = tpu.memref_slice %arg10[%dma_wait3A_812, %dma_wait3A_813] : memref<400x64xf32, #tpu.memory_space<vmem>> -> memref<8x64xf32, #tpu.memory_space<vmem>>
    %dma_wait3A_815 = arith.constant 0 : i32
    %dma_wait3A_816 = arith.constant 0 : i32
    %dma_wait3A_817 = tpu.memref_slice %arg5[%mul3A_810, %dma_wait3A_811, %dma_wait3A_815, %dma_wait3A_816] : memref<4096x25x8x128xf32, #tpu.memory_space<hbm>> -> memref<1x1x8x64xf32, #tpu.memory_space<hbm>>
    %dma_wait3A_818 = tpu.memref_squeeze %dma_wait3A_817 : memref<1x1x8x64xf32, #tpu.memory_space<hbm>> -> memref<8x64xf32, #tpu.memory_space<hbm>>
    %dma_wait3A_819 = arith.constant 0 : i32
    %dma_wait3A_820 = arith.constant 0 : i32
    %dma_wait3A_821 = tpu.memref_slice %arg5[%mul3A_810, %dma_wait3A_811, %dma_wait3A_819, %dma_wait3A_820] : memref<4096x25x8x128xf32, #tpu.memory_space<hbm>> -> memref<1x1x8x64xf32, #tpu.memory_space<hbm>>
    %dma_wait3A_822 = tpu.memref_squeeze %dma_wait3A_821 : memref<1x1x8x64xf32, #tpu.memory_space<hbm>> -> memref<8x64xf32, #tpu.memory_space<hbm>>
    %dma_wait3A_823 = arith.constant 200 : i32
    %dma_wait3A_824 = arith.constant 0 : i32
    %dma_wait3A_825 = tpu.memref_slice %arg10[%dma_wait3A_823, %dma_wait3A_824] : memref<400x64xf32, #tpu.memory_space<vmem>> -> memref<8x64xf32, #tpu.memory_space<vmem>>
    tpu.wait_dma2 semaphore(%arg12 : memref<!tpu.dma_semaphore, #tpu.memory_space<semaphore_mem>>) src(%dma_wait3A_825 : memref<8x64xf32, #tpu.memory_space<vmem>>) dst(%dma_wait3A_822 : memref<8x64xf32, #tpu.memory_space<hbm>>)
    %mul3A_826 = arith.constant 128 : i32
    %mul3A_827 = arith.muli %add3A, %mul3A_826 : i32
    %dma_wait3A_828 = arith.constant 0 : i32
    %dma_wait3A_829 = arith.constant 200 : i32
    %dma_wait3A_830 = arith.constant 0 : i32
    %dma_wait3A_831 = tpu.memref_slice %arg10[%dma_wait3A_829, %dma_wait3A_830] : memref<400x64xf32, #tpu.memory_space<vmem>> -> memref<8x64xf32, #tpu.memory_space<vmem>>
    %dma_wait3A_832 = arith.constant 0 : i32
    %dma_wait3A_833 = arith.constant 0 : i32
    %dma_wait3A_834 = tpu.memref_slice %arg5[%mul3A_827, %dma_wait3A_828, %dma_wait3A_832, %dma_wait3A_833] : memref<4096x25x8x128xf32, #tpu.memory_space<hbm>> -> memref<1x1x8x64xf32, #tpu.memory_space<hbm>>
    %dma_wait3A_835 = tpu.memref_squeeze %dma_wait3A_834 : memref<1x1x8x64xf32, #tpu.memory_space<hbm>> -> memref<8x64xf32, #tpu.memory_space<hbm>>
    %dma_wait3A_836 = arith.constant 0 : i32
    %dma_wait3A_837 = arith.constant 0 : i32
    %dma_wait3A_838 = tpu.memref_slice %arg5[%mul3A_827, %dma_wait3A_828, %dma_wait3A_836, %dma_wait3A_837] : memref<4096x25x8x128xf32, #tpu.memory_space<hbm>> -> memref<1x1x8x64xf32, #tpu.memory_space<hbm>>
    %dma_wait3A_839 = tpu.memref_squeeze %dma_wait3A_838 : memref<1x1x8x64xf32, #tpu.memory_space<hbm>> -> memref<8x64xf32, #tpu.memory_space<hbm>>
    %dma_wait3A_840 = arith.constant 200 : i32
    %dma_wait3A_841 = arith.constant 0 : i32
    %dma_wait3A_842 = tpu.memref_slice %arg10[%dma_wait3A_840, %dma_wait3A_841] : memref<400x64xf32, #tpu.memory_space<vmem>> -> memref<8x64xf32, #tpu.memory_space<vmem>>
    tpu.wait_dma2 semaphore(%arg12 : memref<!tpu.dma_semaphore, #tpu.memory_space<semaphore_mem>>) src(%dma_wait3A_842 : memref<8x64xf32, #tpu.memory_space<vmem>>) dst(%dma_wait3A_839 : memref<8x64xf32, #tpu.memory_space<hbm>>)
    %mul3A_843 = arith.constant 128 : i32
    %mul3A_844 = arith.muli %add3A, %mul3A_843 : i32
    %dma_wait3A_845 = arith.constant 0 : i32
    %dma_wait3A_846 = arith.constant 200 : i32
    %dma_wait3A_847 = arith.constant 0 : i32
    %dma_wait3A_848 = tpu.memref_slice %arg10[%dma_wait3A_846, %dma_wait3A_847] : memref<400x64xf32, #tpu.memory_space<vmem>> -> memref<8x64xf32, #tpu.memory_space<vmem>>
    %dma_wait3A_849 = arith.constant 0 : i32
    %dma_wait3A_850 = arith.constant 0 : i32
    %dma_wait3A_851 = tpu.memref_slice %arg5[%mul3A_844, %dma_wait3A_845, %dma_wait3A_849, %dma_wait3A_850] : memref<4096x25x8x128xf32, #tpu.memory_space<hbm>> -> memref<1x1x8x64xf32, #tpu.memory_space<hbm>>
    %dma_wait3A_852 = tpu.memref_squeeze %dma_wait3A_851 : memref<1x1x8x64xf32, #tpu.memory_space<hbm>> -> memref<8x64xf32, #tpu.memory_space<hbm>>
    %dma_wait3A_853 = arith.constant 0 : i32
    %dma_wait3A_854 = arith.constant 0 : i32
    %dma_wait3A_855 = tpu.memref_slice %arg5[%mul3A_844, %dma_wait3A_845, %dma_wait3A_853, %dma_wait3A_854] : memref<4096x25x8x128xf32, #tpu.memory_space<hbm>> -> memref<1x1x8x64xf32, #tpu.memory_space<hbm>>
    %dma_wait3A_856 = tpu.memref_squeeze %dma_wait3A_855 : memref<1x1x8x64xf32, #tpu.memory_space<hbm>> -> memref<8x64xf32, #tpu.memory_space<hbm>>
    %dma_wait3A_857 = arith.constant 200 : i32
    %dma_wait3A_858 = arith.constant 0 : i32
    %dma_wait3A_859 = tpu.memref_slice %arg10[%dma_wait3A_857, %dma_wait3A_858] : memref<400x64xf32, #tpu.memory_space<vmem>> -> memref<8x64xf32, #tpu.memory_space<vmem>>
    tpu.wait_dma2 semaphore(%arg12 : memref<!tpu.dma_semaphore, #tpu.memory_space<semaphore_mem>>) src(%dma_wait3A_859 : memref<8x64xf32, #tpu.memory_space<vmem>>) dst(%dma_wait3A_856 : memref<8x64xf32, #tpu.memory_space<hbm>>)
    %mul3A_860 = arith.constant 128 : i32
    %mul3A_861 = arith.muli %add3A, %mul3A_860 : i32
    %dma_wait3A_862 = arith.constant 0 : i32
    %dma_wait3A_863 = arith.constant 200 : i32
    %dma_wait3A_864 = arith.constant 0 : i32
    %dma_wait3A_865 = tpu.memref_slice %arg10[%dma_wait3A_863, %dma_wait3A_864] : memref<400x64xf32, #tpu.memory_space<vmem>> -> memref<8x64xf32, #tpu.memory_space<vmem>>
    %dma_wait3A_866 = arith.constant 0 : i32
    %dma_wait3A_867 = arith.constant 0 : i32
    %dma_wait3A_868 = tpu.memref_slice %arg5[%mul3A_861, %dma_wait3A_862, %dma_wait3A_866, %dma_wait3A_867] : memref<4096x25x8x128xf32, #tpu.memory_space<hbm>> -> memref<1x1x8x64xf32, #tpu.memory_space<hbm>>
    %dma_wait3A_869 = tpu.memref_squeeze %dma_wait3A_868 : memref<1x1x8x64xf32, #tpu.memory_space<hbm>> -> memref<8x64xf32, #tpu.memory_space<hbm>>
    %dma_wait3A_870 = arith.constant 0 : i32
    %dma_wait3A_871 = arith.constant 0 : i32
    %dma_wait3A_872 = tpu.memref_slice %arg5[%mul3A_861, %dma_wait3A_862, %dma_wait3A_870, %dma_wait3A_871] : memref<4096x25x8x128xf32, #tpu.memory_space<hbm>> -> memref<1x1x8x64xf32, #tpu.memory_space<hbm>>
    %dma_wait3A_873 = tpu.memref_squeeze %dma_wait3A_872 : memref<1x1x8x64xf32, #tpu.memory_space<hbm>> -> memref<8x64xf32, #tpu.memory_space<hbm>>
    %dma_wait3A_874 = arith.constant 200 : i32
    %dma_wait3A_875 = arith.constant 0 : i32
    %dma_wait3A_876 = tpu.memref_slice %arg10[%dma_wait3A_874, %dma_wait3A_875] : memref<400x64xf32, #tpu.memory_space<vmem>> -> memref<8x64xf32, #tpu.memory_space<vmem>>
    tpu.wait_dma2 semaphore(%arg12 : memref<!tpu.dma_semaphore, #tpu.memory_space<semaphore_mem>>) src(%dma_wait3A_876 : memref<8x64xf32, #tpu.memory_space<vmem>>) dst(%dma_wait3A_873 : memref<8x64xf32, #tpu.memory_space<hbm>>)
    %mul3A_877 = arith.constant 128 : i32
    %mul3A_878 = arith.muli %add3A, %mul3A_877 : i32
    %dma_wait3A_879 = arith.constant 0 : i32
    %dma_wait3A_880 = arith.constant 200 : i32
    %dma_wait3A_881 = arith.constant 0 : i32
    %dma_wait3A_882 = tpu.memref_slice %arg10[%dma_wait3A_880, %dma_wait3A_881] : memref<400x64xf32, #tpu.memory_space<vmem>> -> memref<8x64xf32, #tpu.memory_space<vmem>>
    %dma_wait3A_883 = arith.constant 0 : i32
    %dma_wait3A_884 = arith.constant 0 : i32
    %dma_wait3A_885 = tpu.memref_slice %arg5[%mul3A_878, %dma_wait3A_879, %dma_wait3A_883, %dma_wait3A_884] : memref<4096x25x8x128xf32, #tpu.memory_space<hbm>> -> memref<1x1x8x64xf32, #tpu.memory_space<hbm>>
    %dma_wait3A_886 = tpu.memref_squeeze %dma_wait3A_885 : memref<1x1x8x64xf32, #tpu.memory_space<hbm>> -> memref<8x64xf32, #tpu.memory_space<hbm>>
    %dma_wait3A_887 = arith.constant 0 : i32
    %dma_wait3A_888 = arith.constant 0 : i32
    %dma_wait3A_889 = tpu.memref_slice %arg5[%mul3A_878, %dma_wait3A_879, %dma_wait3A_887, %dma_wait3A_888] : memref<4096x25x8x128xf32, #tpu.memory_space<hbm>> -> memref<1x1x8x64xf32, #tpu.memory_space<hbm>>
    %dma_wait3A_890 = tpu.memref_squeeze %dma_wait3A_889 : memref<1x1x8x64xf32, #tpu.memory_space<hbm>> -> memref<8x64xf32, #tpu.memory_space<hbm>>
    %dma_wait3A_891 = arith.constant 200 : i32
    %dma_wait3A_892 = arith.constant 0 : i32
    %dma_wait3A_893 = tpu.memref_slice %arg10[%dma_wait3A_891, %dma_wait3A_892] : memref<400x64xf32, #tpu.memory_space<vmem>> -> memref<8x64xf32, #tpu.memory_space<vmem>>
    tpu.wait_dma2 semaphore(%arg12 : memref<!tpu.dma_semaphore, #tpu.memory_space<semaphore_mem>>) src(%dma_wait3A_893 : memref<8x64xf32, #tpu.memory_space<vmem>>) dst(%dma_wait3A_890 : memref<8x64xf32, #tpu.memory_space<hbm>>)
    %mul3A_894 = arith.constant 128 : i32
    %mul3A_895 = arith.muli %add3A, %mul3A_894 : i32
    %dma_wait3A_896 = arith.constant 0 : i32
    %dma_wait3A_897 = arith.constant 200 : i32
    %dma_wait3A_898 = arith.constant 0 : i32
    %dma_wait3A_899 = tpu.memref_slice %arg10[%dma_wait3A_897, %dma_wait3A_898] : memref<400x64xf32, #tpu.memory_space<vmem>> -> memref<8x64xf32, #tpu.memory_space<vmem>>
    %dma_wait3A_900 = arith.constant 0 : i32
    %dma_wait3A_901 = arith.constant 0 : i32
    %dma_wait3A_902 = tpu.memref_slice %arg5[%mul3A_895, %dma_wait3A_896, %dma_wait3A_900, %dma_wait3A_901] : memref<4096x25x8x128xf32, #tpu.memory_space<hbm>> -> memref<1x1x8x64xf32, #tpu.memory_space<hbm>>
    %dma_wait3A_903 = tpu.memref_squeeze %dma_wait3A_902 : memref<1x1x8x64xf32, #tpu.memory_space<hbm>> -> memref<8x64xf32, #tpu.memory_space<hbm>>
    %dma_wait3A_904 = arith.constant 0 : i32
    %dma_wait3A_905 = arith.constant 0 : i32
    %dma_wait3A_906 = tpu.memref_slice %arg5[%mul3A_895, %dma_wait3A_896, %dma_wait3A_904, %dma_wait3A_905] : memref<4096x25x8x128xf32, #tpu.memory_space<hbm>> -> memref<1x1x8x64xf32, #tpu.memory_space<hbm>>
    %dma_wait3A_907 = tpu.memref_squeeze %dma_wait3A_906 : memref<1x1x8x64xf32, #tpu.memory_space<hbm>> -> memref<8x64xf32, #tpu.memory_space<hbm>>
    %dma_wait3A_908 = arith.constant 200 : i32
    %dma_wait3A_909 = arith.constant 0 : i32
    %dma_wait3A_910 = tpu.memref_slice %arg10[%dma_wait3A_908, %dma_wait3A_909] : memref<400x64xf32, #tpu.memory_space<vmem>> -> memref<8x64xf32, #tpu.memory_space<vmem>>
    tpu.wait_dma2 semaphore(%arg12 : memref<!tpu.dma_semaphore, #tpu.memory_space<semaphore_mem>>) src(%dma_wait3A_910 : memref<8x64xf32, #tpu.memory_space<vmem>>) dst(%dma_wait3A_907 : memref<8x64xf32, #tpu.memory_space<hbm>>)
    %mul3A_911 = arith.constant 128 : i32
    %mul3A_912 = arith.muli %add3A, %mul3A_911 : i32
    %dma_wait3A_913 = arith.constant 0 : i32
    %dma_wait3A_914 = arith.constant 200 : i32
    %dma_wait3A_915 = arith.constant 0 : i32
    %dma_wait3A_916 = tpu.memref_slice %arg10[%dma_wait3A_914, %dma_wait3A_915] : memref<400x64xf32, #tpu.memory_space<vmem>> -> memref<8x64xf32, #tpu.memory_space<vmem>>
    %dma_wait3A_917 = arith.constant 0 : i32
    %dma_wait3A_918 = arith.constant 0 : i32
    %dma_wait3A_919 = tpu.memref_slice %arg5[%mul3A_912, %dma_wait3A_913, %dma_wait3A_917, %dma_wait3A_918] : memref<4096x25x8x128xf32, #tpu.memory_space<hbm>> -> memref<1x1x8x64xf32, #tpu.memory_space<hbm>>
    %dma_wait3A_920 = tpu.memref_squeeze %dma_wait3A_919 : memref<1x1x8x64xf32, #tpu.memory_space<hbm>> -> memref<8x64xf32, #tpu.memory_space<hbm>>
    %dma_wait3A_921 = arith.constant 0 : i32
    %dma_wait3A_922 = arith.constant 0 : i32
    %dma_wait3A_923 = tpu.memref_slice %arg5[%mul3A_912, %dma_wait3A_913, %dma_wait3A_921, %dma_wait3A_922] : memref<4096x25x8x128xf32, #tpu.memory_space<hbm>> -> memref<1x1x8x64xf32, #tpu.memory_space<hbm>>
    %dma_wait3A_924 = tpu.memref_squeeze %dma_wait3A_923 : memref<1x1x8x64xf32, #tpu.memory_space<hbm>> -> memref<8x64xf32, #tpu.memory_space<hbm>>
    %dma_wait3A_925 = arith.constant 200 : i32
    %dma_wait3A_926 = arith.constant 0 : i32
    %dma_wait3A_927 = tpu.memref_slice %arg10[%dma_wait3A_925, %dma_wait3A_926] : memref<400x64xf32, #tpu.memory_space<vmem>> -> memref<8x64xf32, #tpu.memory_space<vmem>>
    tpu.wait_dma2 semaphore(%arg12 : memref<!tpu.dma_semaphore, #tpu.memory_space<semaphore_mem>>) src(%dma_wait3A_927 : memref<8x64xf32, #tpu.memory_space<vmem>>) dst(%dma_wait3A_924 : memref<8x64xf32, #tpu.memory_space<hbm>>)
    %mul3A_928 = arith.constant 128 : i32
    %mul3A_929 = arith.muli %add3A, %mul3A_928 : i32
    %dma_wait3A_930 = arith.constant 0 : i32
    %dma_wait3A_931 = arith.constant 200 : i32
    %dma_wait3A_932 = arith.constant 0 : i32
    %dma_wait3A_933 = tpu.memref_slice %arg10[%dma_wait3A_931, %dma_wait3A_932] : memref<400x64xf32, #tpu.memory_space<vmem>> -> memref<8x64xf32, #tpu.memory_space<vmem>>
    %dma_wait3A_934 = arith.constant 0 : i32
    %dma_wait3A_935 = arith.constant 0 : i32
    %dma_wait3A_936 = tpu.memref_slice %arg5[%mul3A_929, %dma_wait3A_930, %dma_wait3A_934, %dma_wait3A_935] : memref<4096x25x8x128xf32, #tpu.memory_space<hbm>> -> memref<1x1x8x64xf32, #tpu.memory_space<hbm>>
    %dma_wait3A_937 = tpu.memref_squeeze %dma_wait3A_936 : memref<1x1x8x64xf32, #tpu.memory_space<hbm>> -> memref<8x64xf32, #tpu.memory_space<hbm>>
    %dma_wait3A_938 = arith.constant 0 : i32
    %dma_wait3A_939 = arith.constant 0 : i32
    %dma_wait3A_940 = tpu.memref_slice %arg5[%mul3A_929, %dma_wait3A_930, %dma_wait3A_938, %dma_wait3A_939] : memref<4096x25x8x128xf32, #tpu.memory_space<hbm>> -> memref<1x1x8x64xf32, #tpu.memory_space<hbm>>
    %dma_wait3A_941 = tpu.memref_squeeze %dma_wait3A_940 : memref<1x1x8x64xf32, #tpu.memory_space<hbm>> -> memref<8x64xf32, #tpu.memory_space<hbm>>
    %dma_wait3A_942 = arith.constant 200 : i32
    %dma_wait3A_943 = arith.constant 0 : i32
    %dma_wait3A_944 = tpu.memref_slice %arg10[%dma_wait3A_942, %dma_wait3A_943] : memref<400x64xf32, #tpu.memory_space<vmem>> -> memref<8x64xf32, #tpu.memory_space<vmem>>
    tpu.wait_dma2 semaphore(%arg12 : memref<!tpu.dma_semaphore, #tpu.memory_space<semaphore_mem>>) src(%dma_wait3A_944 : memref<8x64xf32, #tpu.memory_space<vmem>>) dst(%dma_wait3A_941 : memref<8x64xf32, #tpu.memory_space<hbm>>)
    %mul3A_945 = arith.constant 128 : i32
    %mul3A_946 = arith.muli %add3A, %mul3A_945 : i32
    %dma_wait3A_947 = arith.constant 0 : i32
    %dma_wait3A_948 = arith.constant 200 : i32
    %dma_wait3A_949 = arith.constant 0 : i32
    %dma_wait3A_950 = tpu.memref_slice %arg10[%dma_wait3A_948, %dma_wait3A_949] : memref<400x64xf32, #tpu.memory_space<vmem>> -> memref<8x64xf32, #tpu.memory_space<vmem>>
    %dma_wait3A_951 = arith.constant 0 : i32
    %dma_wait3A_952 = arith.constant 0 : i32
    %dma_wait3A_953 = tpu.memref_slice %arg5[%mul3A_946, %dma_wait3A_947, %dma_wait3A_951, %dma_wait3A_952] : memref<4096x25x8x128xf32, #tpu.memory_space<hbm>> -> memref<1x1x8x64xf32, #tpu.memory_space<hbm>>
    %dma_wait3A_954 = tpu.memref_squeeze %dma_wait3A_953 : memref<1x1x8x64xf32, #tpu.memory_space<hbm>> -> memref<8x64xf32, #tpu.memory_space<hbm>>
    %dma_wait3A_955 = arith.constant 0 : i32
    %dma_wait3A_956 = arith.constant 0 : i32
    %dma_wait3A_957 = tpu.memref_slice %arg5[%mul3A_946, %dma_wait3A_947, %dma_wait3A_955, %dma_wait3A_956] : memref<4096x25x8x128xf32, #tpu.memory_space<hbm>> -> memref<1x1x8x64xf32, #tpu.memory_space<hbm>>
    %dma_wait3A_958 = tpu.memref_squeeze %dma_wait3A_957 : memref<1x1x8x64xf32, #tpu.memory_space<hbm>> -> memref<8x64xf32, #tpu.memory_space<hbm>>
    %dma_wait3A_959 = arith.constant 200 : i32
    %dma_wait3A_960 = arith.constant 0 : i32
    %dma_wait3A_961 = tpu.memref_slice %arg10[%dma_wait3A_959, %dma_wait3A_960] : memref<400x64xf32, #tpu.memory_space<vmem>> -> memref<8x64xf32, #tpu.memory_space<vmem>>
    tpu.wait_dma2 semaphore(%arg12 : memref<!tpu.dma_semaphore, #tpu.memory_space<semaphore_mem>>) src(%dma_wait3A_961 : memref<8x64xf32, #tpu.memory_space<vmem>>) dst(%dma_wait3A_958 : memref<8x64xf32, #tpu.memory_space<hbm>>)
    %mul3A_962 = arith.constant 128 : i32
    %mul3A_963 = arith.muli %add3A, %mul3A_962 : i32
    %dma_wait3A_964 = arith.constant 0 : i32
    %dma_wait3A_965 = arith.constant 200 : i32
    %dma_wait3A_966 = arith.constant 0 : i32
    %dma_wait3A_967 = tpu.memref_slice %arg10[%dma_wait3A_965, %dma_wait3A_966] : memref<400x64xf32, #tpu.memory_space<vmem>> -> memref<8x64xf32, #tpu.memory_space<vmem>>
    %dma_wait3A_968 = arith.constant 0 : i32
    %dma_wait3A_969 = arith.constant 0 : i32
    %dma_wait3A_970 = tpu.memref_slice %arg5[%mul3A_963, %dma_wait3A_964, %dma_wait3A_968, %dma_wait3A_969] : memref<4096x25x8x128xf32, #tpu.memory_space<hbm>> -> memref<1x1x8x64xf32, #tpu.memory_space<hbm>>
    %dma_wait3A_971 = tpu.memref_squeeze %dma_wait3A_970 : memref<1x1x8x64xf32, #tpu.memory_space<hbm>> -> memref<8x64xf32, #tpu.memory_space<hbm>>
    %dma_wait3A_972 = arith.constant 0 : i32
    %dma_wait3A_973 = arith.constant 0 : i32
    %dma_wait3A_974 = tpu.memref_slice %arg5[%mul3A_963, %dma_wait3A_964, %dma_wait3A_972, %dma_wait3A_973] : memref<4096x25x8x128xf32, #tpu.memory_space<hbm>> -> memref<1x1x8x64xf32, #tpu.memory_space<hbm>>
    %dma_wait3A_975 = tpu.memref_squeeze %dma_wait3A_974 : memref<1x1x8x64xf32, #tpu.memory_space<hbm>> -> memref<8x64xf32, #tpu.memory_space<hbm>>
    %dma_wait3A_976 = arith.constant 200 : i32
    %dma_wait3A_977 = arith.constant 0 : i32
    %dma_wait3A_978 = tpu.memref_slice %arg10[%dma_wait3A_976, %dma_wait3A_977] : memref<400x64xf32, #tpu.memory_space<vmem>> -> memref<8x64xf32, #tpu.memory_space<vmem>>
    tpu.wait_dma2 semaphore(%arg12 : memref<!tpu.dma_semaphore, #tpu.memory_space<semaphore_mem>>) src(%dma_wait3A_978 : memref<8x64xf32, #tpu.memory_space<vmem>>) dst(%dma_wait3A_975 : memref<8x64xf32, #tpu.memory_space<hbm>>)
    %mul3A_979 = arith.constant 128 : i32
    %mul3A_980 = arith.muli %add3A, %mul3A_979 : i32
    %dma_wait3A_981 = arith.constant 0 : i32
    %dma_wait3A_982 = arith.constant 200 : i32
    %dma_wait3A_983 = arith.constant 0 : i32
    %dma_wait3A_984 = tpu.memref_slice %arg10[%dma_wait3A_982, %dma_wait3A_983] : memref<400x64xf32, #tpu.memory_space<vmem>> -> memref<8x64xf32, #tpu.memory_space<vmem>>
    %dma_wait3A_985 = arith.constant 0 : i32
    %dma_wait3A_986 = arith.constant 0 : i32
    %dma_wait3A_987 = tpu.memref_slice %arg5[%mul3A_980, %dma_wait3A_981, %dma_wait3A_985, %dma_wait3A_986] : memref<4096x25x8x128xf32, #tpu.memory_space<hbm>> -> memref<1x1x8x64xf32, #tpu.memory_space<hbm>>
    %dma_wait3A_988 = tpu.memref_squeeze %dma_wait3A_987 : memref<1x1x8x64xf32, #tpu.memory_space<hbm>> -> memref<8x64xf32, #tpu.memory_space<hbm>>
    %dma_wait3A_989 = arith.constant 0 : i32
    %dma_wait3A_990 = arith.constant 0 : i32
    %dma_wait3A_991 = tpu.memref_slice %arg5[%mul3A_980, %dma_wait3A_981, %dma_wait3A_989, %dma_wait3A_990] : memref<4096x25x8x128xf32, #tpu.memory_space<hbm>> -> memref<1x1x8x64xf32, #tpu.memory_space<hbm>>
    %dma_wait3A_992 = tpu.memref_squeeze %dma_wait3A_991 : memref<1x1x8x64xf32, #tpu.memory_space<hbm>> -> memref<8x64xf32, #tpu.memory_space<hbm>>
    %dma_wait3A_993 = arith.constant 200 : i32
    %dma_wait3A_994 = arith.constant 0 : i32
    %dma_wait3A_995 = tpu.memref_slice %arg10[%dma_wait3A_993, %dma_wait3A_994] : memref<400x64xf32, #tpu.memory_space<vmem>> -> memref<8x64xf32, #tpu.memory_space<vmem>>
    tpu.wait_dma2 semaphore(%arg12 : memref<!tpu.dma_semaphore, #tpu.memory_space<semaphore_mem>>) src(%dma_wait3A_995 : memref<8x64xf32, #tpu.memory_space<vmem>>) dst(%dma_wait3A_992 : memref<8x64xf32, #tpu.memory_space<hbm>>)
    %mul3A_996 = arith.constant 128 : i32
    %mul3A_997 = arith.muli %add3A, %mul3A_996 : i32
    %dma_wait3A_998 = arith.constant 0 : i32
    %dma_wait3A_999 = arith.constant 200 : i32
    %dma_wait3A_1000 = arith.constant 0 : i32
    %dma_wait3A_1001 = tpu.memref_slice %arg10[%dma_wait3A_999, %dma_wait3A_1000] : memref<400x64xf32, #tpu.memory_space<vmem>> -> memref<8x64xf32, #tpu.memory_space<vmem>>
    %dma_wait3A_1002 = arith.constant 0 : i32
    %dma_wait3A_1003 = arith.constant 0 : i32
    %dma_wait3A_1004 = tpu.memref_slice %arg5[%mul3A_997, %dma_wait3A_998, %dma_wait3A_1002, %dma_wait3A_1003] : memref<4096x25x8x128xf32, #tpu.memory_space<hbm>> -> memref<1x1x8x64xf32, #tpu.memory_space<hbm>>
    %dma_wait3A_1005 = tpu.memref_squeeze %dma_wait3A_1004 : memref<1x1x8x64xf32, #tpu.memory_space<hbm>> -> memref<8x64xf32, #tpu.memory_space<hbm>>
    %dma_wait3A_1006 = arith.constant 0 : i32
    %dma_wait3A_1007 = arith.constant 0 : i32
    %dma_wait3A_1008 = tpu.memref_slice %arg5[%mul3A_997, %dma_wait3A_998, %dma_wait3A_1006, %dma_wait3A_1007] : memref<4096x25x8x128xf32, #tpu.memory_space<hbm>> -> memref<1x1x8x64xf32, #tpu.memory_space<hbm>>
    %dma_wait3A_1009 = tpu.memref_squeeze %dma_wait3A_1008 : memref<1x1x8x64xf32, #tpu.memory_space<hbm>> -> memref<8x64xf32, #tpu.memory_space<hbm>>
    %dma_wait3A_1010 = arith.constant 200 : i32
    %dma_wait3A_1011 = arith.constant 0 : i32
    %dma_wait3A_1012 = tpu.memref_slice %arg10[%dma_wait3A_1010, %dma_wait3A_1011] : memref<400x64xf32, #tpu.memory_space<vmem>> -> memref<8x64xf32, #tpu.memory_space<vmem>>
    tpu.wait_dma2 semaphore(%arg12 : memref<!tpu.dma_semaphore, #tpu.memory_space<semaphore_mem>>) src(%dma_wait3A_1012 : memref<8x64xf32, #tpu.memory_space<vmem>>) dst(%dma_wait3A_1009 : memref<8x64xf32, #tpu.memory_space<hbm>>)
    %mul3A_1013 = arith.constant 128 : i32
    %mul3A_1014 = arith.muli %add3A, %mul3A_1013 : i32
    %dma_wait3A_1015 = arith.constant 0 : i32
    %dma_wait3A_1016 = arith.constant 200 : i32
    %dma_wait3A_1017 = arith.constant 0 : i32
    %dma_wait3A_1018 = tpu.memref_slice %arg10[%dma_wait3A_1016, %dma_wait3A_1017] : memref<400x64xf32, #tpu.memory_space<vmem>> -> memref<8x64xf32, #tpu.memory_space<vmem>>
    %dma_wait3A_1019 = arith.constant 0 : i32
    %dma_wait3A_1020 = arith.constant 0 : i32
    %dma_wait3A_1021 = tpu.memref_slice %arg5[%mul3A_1014, %dma_wait3A_1015, %dma_wait3A_1019, %dma_wait3A_1020] : memref<4096x25x8x128xf32, #tpu.memory_space<hbm>> -> memref<1x1x8x64xf32, #tpu.memory_space<hbm>>
    %dma_wait3A_1022 = tpu.memref_squeeze %dma_wait3A_1021 : memref<1x1x8x64xf32, #tpu.memory_space<hbm>> -> memref<8x64xf32, #tpu.memory_space<hbm>>
    %dma_wait3A_1023 = arith.constant 0 : i32
    %dma_wait3A_1024 = arith.constant 0 : i32
    %dma_wait3A_1025 = tpu.memref_slice %arg5[%mul3A_1014, %dma_wait3A_1015, %dma_wait3A_1023, %dma_wait3A_1024] : memref<4096x25x8x128xf32, #tpu.memory_space<hbm>> -> memref<1x1x8x64xf32, #tpu.memory_space<hbm>>
    %dma_wait3A_1026 = tpu.memref_squeeze %dma_wait3A_1025 : memref<1x1x8x64xf32, #tpu.memory_space<hbm>> -> memref<8x64xf32, #tpu.memory_space<hbm>>
    %dma_wait3A_1027 = arith.constant 200 : i32
    %dma_wait3A_1028 = arith.constant 0 : i32
    %dma_wait3A_1029 = tpu.memref_slice %arg10[%dma_wait3A_1027, %dma_wait3A_1028] : memref<400x64xf32, #tpu.memory_space<vmem>> -> memref<8x64xf32, #tpu.memory_space<vmem>>
    tpu.wait_dma2 semaphore(%arg12 : memref<!tpu.dma_semaphore, #tpu.memory_space<semaphore_mem>>) src(%dma_wait3A_1029 : memref<8x64xf32, #tpu.memory_space<vmem>>) dst(%dma_wait3A_1026 : memref<8x64xf32, #tpu.memory_space<hbm>>)
    %mul3A_1030 = arith.constant 128 : i32
    %mul3A_1031 = arith.muli %add3A, %mul3A_1030 : i32
    %dma_wait3A_1032 = arith.constant 0 : i32
    %dma_wait3A_1033 = arith.constant 200 : i32
    %dma_wait3A_1034 = arith.constant 0 : i32
    %dma_wait3A_1035 = tpu.memref_slice %arg10[%dma_wait3A_1033, %dma_wait3A_1034] : memref<400x64xf32, #tpu.memory_space<vmem>> -> memref<8x64xf32, #tpu.memory_space<vmem>>
    %dma_wait3A_1036 = arith.constant 0 : i32
    %dma_wait3A_1037 = arith.constant 0 : i32
    %dma_wait3A_1038 = tpu.memref_slice %arg5[%mul3A_1031, %dma_wait3A_1032, %dma_wait3A_1036, %dma_wait3A_1037] : memref<4096x25x8x128xf32, #tpu.memory_space<hbm>> -> memref<1x1x8x64xf32, #tpu.memory_space<hbm>>
    %dma_wait3A_1039 = tpu.memref_squeeze %dma_wait3A_1038 : memref<1x1x8x64xf32, #tpu.memory_space<hbm>> -> memref<8x64xf32, #tpu.memory_space<hbm>>
    %dma_wait3A_1040 = arith.constant 0 : i32
    %dma_wait3A_1041 = arith.constant 0 : i32
    %dma_wait3A_1042 = tpu.memref_slice %arg5[%mul3A_1031, %dma_wait3A_1032, %dma_wait3A_1040, %dma_wait3A_1041] : memref<4096x25x8x128xf32, #tpu.memory_space<hbm>> -> memref<1x1x8x64xf32, #tpu.memory_space<hbm>>
    %dma_wait3A_1043 = tpu.memref_squeeze %dma_wait3A_1042 : memref<1x1x8x64xf32, #tpu.memory_space<hbm>> -> memref<8x64xf32, #tpu.memory_space<hbm>>
    %dma_wait3A_1044 = arith.constant 200 : i32
    %dma_wait3A_1045 = arith.constant 0 : i32
    %dma_wait3A_1046 = tpu.memref_slice %arg10[%dma_wait3A_1044, %dma_wait3A_1045] : memref<400x64xf32, #tpu.memory_space<vmem>> -> memref<8x64xf32, #tpu.memory_space<vmem>>
    tpu.wait_dma2 semaphore(%arg12 : memref<!tpu.dma_semaphore, #tpu.memory_space<semaphore_mem>>) src(%dma_wait3A_1046 : memref<8x64xf32, #tpu.memory_space<vmem>>) dst(%dma_wait3A_1043 : memref<8x64xf32, #tpu.memory_space<hbm>>)
    %mul3A_1047 = arith.constant 128 : i32
    %mul3A_1048 = arith.muli %add3A, %mul3A_1047 : i32
    %dma_wait3A_1049 = arith.constant 0 : i32
    %dma_wait3A_1050 = arith.constant 200 : i32
    %dma_wait3A_1051 = arith.constant 0 : i32
    %dma_wait3A_1052 = tpu.memref_slice %arg10[%dma_wait3A_1050, %dma_wait3A_1051] : memref<400x64xf32, #tpu.memory_space<vmem>> -> memref<8x64xf32, #tpu.memory_space<vmem>>
    %dma_wait3A_1053 = arith.constant 0 : i32
    %dma_wait3A_1054 = arith.constant 0 : i32
    %dma_wait3A_1055 = tpu.memref_slice %arg5[%mul3A_1048, %dma_wait3A_1049, %dma_wait3A_1053, %dma_wait3A_1054] : memref<4096x25x8x128xf32, #tpu.memory_space<hbm>> -> memref<1x1x8x64xf32, #tpu.memory_space<hbm>>
    %dma_wait3A_1056 = tpu.memref_squeeze %dma_wait3A_1055 : memref<1x1x8x64xf32, #tpu.memory_space<hbm>> -> memref<8x64xf32, #tpu.memory_space<hbm>>
    %dma_wait3A_1057 = arith.constant 0 : i32
    %dma_wait3A_1058 = arith.constant 0 : i32
    %dma_wait3A_1059 = tpu.memref_slice %arg5[%mul3A_1048, %dma_wait3A_1049, %dma_wait3A_1057, %dma_wait3A_1058] : memref<4096x25x8x128xf32, #tpu.memory_space<hbm>> -> memref<1x1x8x64xf32, #tpu.memory_space<hbm>>
    %dma_wait3A_1060 = tpu.memref_squeeze %dma_wait3A_1059 : memref<1x1x8x64xf32, #tpu.memory_space<hbm>> -> memref<8x64xf32, #tpu.memory_space<hbm>>
    %dma_wait3A_1061 = arith.constant 200 : i32
    %dma_wait3A_1062 = arith.constant 0 : i32
    %dma_wait3A_1063 = tpu.memref_slice %arg10[%dma_wait3A_1061, %dma_wait3A_1062] : memref<400x64xf32, #tpu.memory_space<vmem>> -> memref<8x64xf32, #tpu.memory_space<vmem>>
    tpu.wait_dma2 semaphore(%arg12 : memref<!tpu.dma_semaphore, #tpu.memory_space<semaphore_mem>>) src(%dma_wait3A_1063 : memref<8x64xf32, #tpu.memory_space<vmem>>) dst(%dma_wait3A_1060 : memref<8x64xf32, #tpu.memory_space<hbm>>)
    %mul3A_1064 = arith.constant 128 : i32
    %mul3A_1065 = arith.muli %add3A, %mul3A_1064 : i32
    %dma_wait3A_1066 = arith.constant 0 : i32
    %dma_wait3A_1067 = arith.constant 200 : i32
    %dma_wait3A_1068 = arith.constant 0 : i32
    %dma_wait3A_1069 = tpu.memref_slice %arg10[%dma_wait3A_1067, %dma_wait3A_1068] : memref<400x64xf32, #tpu.memory_space<vmem>> -> memref<8x64xf32, #tpu.memory_space<vmem>>
    %dma_wait3A_1070 = arith.constant 0 : i32
    %dma_wait3A_1071 = arith.constant 0 : i32
    %dma_wait3A_1072 = tpu.memref_slice %arg5[%mul3A_1065, %dma_wait3A_1066, %dma_wait3A_1070, %dma_wait3A_1071] : memref<4096x25x8x128xf32, #tpu.memory_space<hbm>> -> memref<1x1x8x64xf32, #tpu.memory_space<hbm>>
    %dma_wait3A_1073 = tpu.memref_squeeze %dma_wait3A_1072 : memref<1x1x8x64xf32, #tpu.memory_space<hbm>> -> memref<8x64xf32, #tpu.memory_space<hbm>>
    %dma_wait3A_1074 = arith.constant 0 : i32
    %dma_wait3A_1075 = arith.constant 0 : i32
    %dma_wait3A_1076 = tpu.memref_slice %arg5[%mul3A_1065, %dma_wait3A_1066, %dma_wait3A_1074, %dma_wait3A_1075] : memref<4096x25x8x128xf32, #tpu.memory_space<hbm>> -> memref<1x1x8x64xf32, #tpu.memory_space<hbm>>
    %dma_wait3A_1077 = tpu.memref_squeeze %dma_wait3A_1076 : memref<1x1x8x64xf32, #tpu.memory_space<hbm>> -> memref<8x64xf32, #tpu.memory_space<hbm>>
    %dma_wait3A_1078 = arith.constant 200 : i32
    %dma_wait3A_1079 = arith.constant 0 : i32
    %dma_wait3A_1080 = tpu.memref_slice %arg10[%dma_wait3A_1078, %dma_wait3A_1079] : memref<400x64xf32, #tpu.memory_space<vmem>> -> memref<8x64xf32, #tpu.memory_space<vmem>>
    tpu.wait_dma2 semaphore(%arg12 : memref<!tpu.dma_semaphore, #tpu.memory_space<semaphore_mem>>) src(%dma_wait3A_1080 : memref<8x64xf32, #tpu.memory_space<vmem>>) dst(%dma_wait3A_1077 : memref<8x64xf32, #tpu.memory_space<hbm>>)
    %mul3A_1081 = arith.constant 128 : i32
    %mul3A_1082 = arith.muli %add3A, %mul3A_1081 : i32
    %dma_wait3A_1083 = arith.constant 0 : i32
    %dma_wait3A_1084 = arith.constant 200 : i32
    %dma_wait3A_1085 = arith.constant 0 : i32
    %dma_wait3A_1086 = tpu.memref_slice %arg10[%dma_wait3A_1084, %dma_wait3A_1085] : memref<400x64xf32, #tpu.memory_space<vmem>> -> memref<8x64xf32, #tpu.memory_space<vmem>>
    %dma_wait3A_1087 = arith.constant 0 : i32
    %dma_wait3A_1088 = arith.constant 0 : i32
    %dma_wait3A_1089 = tpu.memref_slice %arg5[%mul3A_1082, %dma_wait3A_1083, %dma_wait3A_1087, %dma_wait3A_1088] : memref<4096x25x8x128xf32, #tpu.memory_space<hbm>> -> memref<1x1x8x64xf32, #tpu.memory_space<hbm>>
    %dma_wait3A_1090 = tpu.memref_squeeze %dma_wait3A_1089 : memref<1x1x8x64xf32, #tpu.memory_space<hbm>> -> memref<8x64xf32, #tpu.memory_space<hbm>>
    %dma_wait3A_1091 = arith.constant 0 : i32
    %dma_wait3A_1092 = arith.constant 0 : i32
    %dma_wait3A_1093 = tpu.memref_slice %arg5[%mul3A_1082, %dma_wait3A_1083, %dma_wait3A_1091, %dma_wait3A_1092] : memref<4096x25x8x128xf32, #tpu.memory_space<hbm>> -> memref<1x1x8x64xf32, #tpu.memory_space<hbm>>
    %dma_wait3A_1094 = tpu.memref_squeeze %dma_wait3A_1093 : memref<1x1x8x64xf32, #tpu.memory_space<hbm>> -> memref<8x64xf32, #tpu.memory_space<hbm>>
    %dma_wait3A_1095 = arith.constant 200 : i32
    %dma_wait3A_1096 = arith.constant 0 : i32
    %dma_wait3A_1097 = tpu.memref_slice %arg10[%dma_wait3A_1095, %dma_wait3A_1096] : memref<400x64xf32, #tpu.memory_space<vmem>> -> memref<8x64xf32, #tpu.memory_space<vmem>>
    tpu.wait_dma2 semaphore(%arg12 : memref<!tpu.dma_semaphore, #tpu.memory_space<semaphore_mem>>) src(%dma_wait3A_1097 : memref<8x64xf32, #tpu.memory_space<vmem>>) dst(%dma_wait3A_1094 : memref<8x64xf32, #tpu.memory_space<hbm>>)
    %mul3A_1098 = arith.constant 128 : i32
    %mul3A_1099 = arith.muli %add3A, %mul3A_1098 : i32
    %dma_wait3A_1100 = arith.constant 0 : i32
    %dma_wait3A_1101 = arith.constant 200 : i32
    %dma_wait3A_1102 = arith.constant 0 : i32
    %dma_wait3A_1103 = tpu.memref_slice %arg10[%dma_wait3A_1101, %dma_wait3A_1102] : memref<400x64xf32, #tpu.memory_space<vmem>> -> memref<8x64xf32, #tpu.memory_space<vmem>>
    %dma_wait3A_1104 = arith.constant 0 : i32
    %dma_wait3A_1105 = arith.constant 0 : i32
    %dma_wait3A_1106 = tpu.memref_slice %arg5[%mul3A_1099, %dma_wait3A_1100, %dma_wait3A_1104, %dma_wait3A_1105] : memref<4096x25x8x128xf32, #tpu.memory_space<hbm>> -> memref<1x1x8x64xf32, #tpu.memory_space<hbm>>
    %dma_wait3A_1107 = tpu.memref_squeeze %dma_wait3A_1106 : memref<1x1x8x64xf32, #tpu.memory_space<hbm>> -> memref<8x64xf32, #tpu.memory_space<hbm>>
    %dma_wait3A_1108 = arith.constant 0 : i32
    %dma_wait3A_1109 = arith.constant 0 : i32
    %dma_wait3A_1110 = tpu.memref_slice %arg5[%mul3A_1099, %dma_wait3A_1100, %dma_wait3A_1108, %dma_wait3A_1109] : memref<4096x25x8x128xf32, #tpu.memory_space<hbm>> -> memref<1x1x8x64xf32, #tpu.memory_space<hbm>>
    %dma_wait3A_1111 = tpu.memref_squeeze %dma_wait3A_1110 : memref<1x1x8x64xf32, #tpu.memory_space<hbm>> -> memref<8x64xf32, #tpu.memory_space<hbm>>
    %dma_wait3A_1112 = arith.constant 200 : i32
    %dma_wait3A_1113 = arith.constant 0 : i32
    %dma_wait3A_1114 = tpu.memref_slice %arg10[%dma_wait3A_1112, %dma_wait3A_1113] : memref<400x64xf32, #tpu.memory_space<vmem>> -> memref<8x64xf32, #tpu.memory_space<vmem>>
    tpu.wait_dma2 semaphore(%arg12 : memref<!tpu.dma_semaphore, #tpu.memory_space<semaphore_mem>>) src(%dma_wait3A_1114 : memref<8x64xf32, #tpu.memory_space<vmem>>) dst(%dma_wait3A_1111 : memref<8x64xf32, #tpu.memory_space<hbm>>)
    %mul3A_1115 = arith.constant 128 : i32
    %mul3A_1116 = arith.muli %add3A, %mul3A_1115 : i32
    %dma_wait3A_1117 = arith.constant 0 : i32
    %dma_wait3A_1118 = arith.constant 200 : i32
    %dma_wait3A_1119 = arith.constant 0 : i32
    %dma_wait3A_1120 = tpu.memref_slice %arg10[%dma_wait3A_1118, %dma_wait3A_1119] : memref<400x64xf32, #tpu.memory_space<vmem>> -> memref<8x64xf32, #tpu.memory_space<vmem>>
    %dma_wait3A_1121 = arith.constant 0 : i32
    %dma_wait3A_1122 = arith.constant 0 : i32
    %dma_wait3A_1123 = tpu.memref_slice %arg5[%mul3A_1116, %dma_wait3A_1117, %dma_wait3A_1121, %dma_wait3A_1122] : memref<4096x25x8x128xf32, #tpu.memory_space<hbm>> -> memref<1x1x8x64xf32, #tpu.memory_space<hbm>>
    %dma_wait3A_1124 = tpu.memref_squeeze %dma_wait3A_1123 : memref<1x1x8x64xf32, #tpu.memory_space<hbm>> -> memref<8x64xf32, #tpu.memory_space<hbm>>
    %dma_wait3A_1125 = arith.constant 0 : i32
    %dma_wait3A_1126 = arith.constant 0 : i32
    %dma_wait3A_1127 = tpu.memref_slice %arg5[%mul3A_1116, %dma_wait3A_1117, %dma_wait3A_1125, %dma_wait3A_1126] : memref<4096x25x8x128xf32, #tpu.memory_space<hbm>> -> memref<1x1x8x64xf32, #tpu.memory_space<hbm>>
    %dma_wait3A_1128 = tpu.memref_squeeze %dma_wait3A_1127 : memref<1x1x8x64xf32, #tpu.memory_space<hbm>> -> memref<8x64xf32, #tpu.memory_space<hbm>>
    %dma_wait3A_1129 = arith.constant 200 : i32
    %dma_wait3A_1130 = arith.constant 0 : i32
    %dma_wait3A_1131 = tpu.memref_slice %arg10[%dma_wait3A_1129, %dma_wait3A_1130] : memref<400x64xf32, #tpu.memory_space<vmem>> -> memref<8x64xf32, #tpu.memory_space<vmem>>
    tpu.wait_dma2 semaphore(%arg12 : memref<!tpu.dma_semaphore, #tpu.memory_space<semaphore_mem>>) src(%dma_wait3A_1131 : memref<8x64xf32, #tpu.memory_space<vmem>>) dst(%dma_wait3A_1128 : memref<8x64xf32, #tpu.memory_space<hbm>>)
    return
  }
}

</mosaic_0001>

<sc_bundles>
// kernel: _gather.3.cloned.1.call-start
scs
__scs_entry_jumppad:
0x0: {  	(pc) =	sbr.rel $0x88, $3  }
0x1: {  	(tag) =	ssettag $0x0;
	lr =	simm.s32 $0x1  }
0x2: {  	[smem:$0x3F9E] =	sst lr;
	_ =	strace $0xD0000000  }
0x3: {  	_ = 	snop  }
0x4: {  	_ = 	snop  }
0x5: {  	_ = 	snop  }
0x6: {  	_ = 	snop  }
0x7: {  	_ = 	snop  }
__scs_overlays_trampoline_lowered:
0x8: {  	[smem:$0x3FAD] =	sst s0  }
0x9: {  	[smem:$0x3FAE] =	sst s1  }
0xa: {  	[smem:$0x3FAF] =	sst s2  }
0xb: {  	[smem:$0x3FB0] =	sst s3  }
0xc: {  	[smem:$0x3FB1] =	sst s4  }
0xd: {  	[smem:$0x3FB2] =	sst s5  }
0xe: {  	[smem:$0x3FB3] =	sst s6  }
0xf: {  	[smem:$0x3FB4] =	sst s7  }
0x10: {  	[smem:$0x3FB5] =	sst s8  }
0x11: {  	[smem:$0x3FB6] =	sst s9;
	s0 =	simm.s32 @!p0 $0x0  }
0x12: {  	s1 =	sld [smem:$0x3F9C];
	s0 =	simm.s32 @p0 $0x1  }
0x13: {  	[smem:$0x3FB7] =	sst s0;
	s0 =	simm.s32 @!p1 $0x0  }
0x14: {  	s2 =	sld [smem:$0x3F9B];
	s0 =	simm.s32 @p1 $0x1  }
0x15: {  	[smem:$0x3FB8] =	sst s0;
	s0 =	simm.s32 @!p2 $0x0  }
0x16: {  	s3 =	sld [smem:$0x3FDB];
	s0 =	simm.s32 @p2 $0x1  }
0x17: {  	s4 =	simm.s32 $0x1BF5;
	[smem:$0x3FBA] =	sst s0  }
0x18: {  	s0 =	sld [smem:$0x3F9D];
	_ =	swait.ge [sflag:s4], $0x0  }
0x19: {  	s7 =	sld [smem:$0x3F9E]  }
0x1a: {  	s8 =	sadd.s32 $0xFFFFE003, lr  }
0x1b: {  	s9 =	sadd.s32 $0xFFFFFEF7, lr;
	s5 =	simm.s32 $0xFFFFFFFF;
	p2 =	slt.u32 s8, $0xFFFFF086  }
0x1c: {  	p1 =	slt.u32 s9, $0xF7A;
	s5 =	simm.s32 @!p2 $0x0  }
0x1d: {  	s5 =	simm.s32 @p1 $0x1;
	p0 =	seq.s32 s7, s2  }
0x1e: {  	s7 =	smul.u32 @!p0 $0xF7A, s2;
	p2 =	seq.s32 @!p0 s5, $0x0  }
0x1f: {  	s9 =	smul.u32 $0xF7A, s1;
	s8 =	simm.s32 @!p0 $0x1BF5;
	p2 =	por !p2, p0  }
0x20: {  	[sflag:s8] =	ssyncset.s32 @!p0 $0xFFFFF086;
	s6 =	sadd.s32 @!p0 s3, s7;
	s7 =	simm.s32 @!p0 $0x108  }
0x21: {  	s3 =	sadd.s32 s3, s9;
	s6 =	sadd.s32 @!p0 $0x88, s6;
	s7 =	simm.s32 @p2 $0x1082  }
0x22: {  	[simem:s7], [sflag:s8] =	dma.local @!p0 [hbm:s6], $0xF7A  }
0x23: {  	s9 =	sor.u32 $0xD0000000, s2;
	s6 =	simm.s32 $0x108;
	_ =	swait.ge @!p0 [sflag:s8], $0x0  }
0x24: {  	s3 =	sadd.s32 $0x88, s3;
	s6 =	simm.s32 @!p1 $0x1082;
	[sflag:s4] =	ssyncset.s32 $0xFFFFF086  }
0x25: {  	[simem:s6], [sflag:s4] =	dma.local [hbm:s3], $0xF7A  }
0x26: {  	[smem:$0x3F9E] =	sst s1;
	(tag) =	ssettag s2;
	_ =	strace s9  }
0x27: {  	s1 =	sld [smem:$0x3FAE]  }
0x28: {  	s2 =	sld [smem:$0x3FAF]  }
0x29: {  	s4 =	sld [smem:$0x3FB1]  }
0x2a: {  	p0 =	seq.s32 s5, $0x0;
	s5 =	sld [smem:$0x3FB2]  }
0x2b: {  	s6 =	sld [smem:$0x3FB3]  }
0x2c: {  	s7 =	sld [smem:$0x3FB4]  }
0x2d: {  	s3 =	simm.s32 $0x108;
	s8 =	sld [smem:$0x3FB5]  }
0x2e: {  	s3 =	simm.s32 @!p0 $0x1082;
	s9 =	sld [smem:$0x3FB6]  }
0x2f: {  	lr =	sadd.s32 s0, s3;
	s0 =	sld [smem:$0x3FAD]  }
0x30: {  	s3 =	sld [smem:$0x3FB0]  }
0x31: {  	[smem:$0x3FB9] =	sst s10  }
0x32: {  	s10 =	sld [smem:$0x3FB7];
	_ =	sdelay $0x3  }
0x33: {  	p0 =	seq.s32 s10, $0x1;
	s10 =	sld [smem:$0x3FB9];
	_ =	sdelay $0x3  }
0x34: {  	[smem:$0x3FB9] =	sst s10  }
0x35: {  	s10 =	sld [smem:$0x3FB8];
	_ =	sdelay $0x3  }
0x36: {  	p1 =	seq.s32 s10, $0x1;
	s10 =	sld [smem:$0x3FB9];
	_ =	sdelay $0x3  }
0x37: {  	[smem:$0x3FB9] =	sst s10  }
0x38: {  	s10 =	sld [smem:$0x3FBA]  }
0x39: {  	_ = 	snop;
	(pc) =	sbr.ind lr, $3  }
0x3a: {  	_ = 	snop  }
0x3b: {  	_ = 	snop  }
0x3c: {  	p2 =	seq.s32 s10, $0x1;
	s10 =	sld [smem:$0x3FB9]  }
0x3d: {  	_ =	shalt  }
0x3e: {  	_ =	shalt  }
0x3f: {  	_ =	shalt  }
0x40: {  	_ =	shalt  }
0x41: {  	_ =	shalt  }
0x42: {  	_ =	shalt  }
0x43: {  	_ =	shalt  }
0x44: {  	_ =	shalt  }
0x45: {  	_ =	shalt  }
0x46: {  	_ =	shalt  }
0x47: {  	_ =	shalt  }
0x48: {  	_ =	shalt  }
0x49: {  	_ =	shalt  }
0x4a: {  	_ =	shalt  }
0x4b: {  	_ =	shalt  }
0x4c: {  	_ =	shalt  }
0x4d: {  	_ =	shalt  }
0x4e: {  	_ =	shalt  }
0x4f: {  	_ =	shalt  }
0x50: {  	_ =	shalt  }
0x51: {  	_ =	shalt  }
0x52: {  	_ =	shalt  }
0x53: {  	_ =	shalt  }
0x54: {  	_ =	shalt  }
0x55: {  	_ =	shalt  }
0x56: {  	_ =	shalt  }
0x57: {  	_ =	shalt  }
0x58: {  	_ =	shalt  }
0x59: {  	_ =	shalt  }
0x5a: {  	_ =	shalt  }
0x5b: {  	_ =	shalt  }
0x5c: {  	_ =	shalt  }
0x5d: {  	_ =	shalt  }
0x5e: {  	_ =	shalt  }
0x5f: {  	_ =	shalt  }
0x60: {  	_ =	shalt  }
0x61: {  	_ =	shalt  }
0x62: {  	_ =	shalt  }
0x63: {  	_ =	shalt  }
0x64: {  	_ =	shalt  }
0x65: {  	_ =	shalt  }
0x66: {  	_ =	shalt  }
0x67: {  	_ =	shalt  }
0x68: {  	_ =	shalt  }
0x69: {  	_ =	shalt  }
0x6a: {  	_ =	shalt  }
0x6b: {  	_ =	shalt  }
0x6c: {  	_ =	shalt  }
0x6d: {  	_ =	shalt  }
0x6e: {  	_ =	shalt  }
0x6f: {  	_ =	shalt  }
0x70: {  	_ =	shalt  }
0x71: {  	_ =	shalt  }
0x72: {  	_ =	shalt  }
0x73: {  	_ =	shalt  }
0x74: {  	_ =	shalt  }
0x75: {  	_ =	shalt  }
0x76: {  	_ =	shalt  }
0x77: {  	_ =	shalt  }
0x78: {  	_ =	shalt  }
0x79: {  	_ =	shalt  }
0x7a: {  	_ =	shalt  }
0x7b: {  	_ =	shalt  }
0x7c: {  	_ =	shalt  }
0x7d: {  	_ =	shalt  }
0x7e: {  	_ =	shalt  }
0x7f: {  	_ =	shalt  }
0x80: {  	_ =	shalt  }
0x81: {  	_ =	shalt  }
0x82: {  	_ =	shalt  }
0x83: {  	_ =	shalt  }
0x84: {  	_ =	shalt  }
0x85: {  	_ =	shalt  }
0x86: {  	_ =	shalt  }
0x87: {  	_ =	shalt  }
.Lfunc_end0:
.L_simem_size_0:
called_computation_lowered:
.L_overlay_start_0:
0x88: {  	s2 =	sld [smem:$0x3FD9]  }
0x89: {  	s3 =	sld [smem:$0x3FFE];
	_ =	sdelay $0x1  }
0x8a: {  	s1 =	srdreg.scid  }
0x8b: {  	s0 =	sand.u32 $0x1, s1  }
0x8c: {  	s17 =	sshll.u32 s0, $0xA;
	s2 =	sadd.s32 s3, s2  }
0x8d: {  	s2 =	sadd.s32 s2, s17  }
0x8e: {  	[smem:$0x3FC5] =	sst s2  }
0x8f: {  	_ = 	snop  }
0x90: {  	s2 =	sld [smem:$0x3FC9]  }
0x91: {  	s18 =	sld [smem:$0x3FC8]  }
0x92: {  	s4 =	sld [smem:$0x3FD0];
	(tm) =	ssettm $0x1  }
0x93: {  	s5 =	sld [smem:$0x3FFB];
	_ =	sdelay $0x3  }
0x94: {  	_ =	strace s5  }
0x95: {  	s5 =	sld [smem:$0x3FFC];
	_ =	sdelay $0x3  }
0x96: {  	_ =	strace s5  }
0x97: {  	s5 =	sld [smem:$0x3FFD];
	_ =	sdelay $0x3  }
0x98: {  	_ =	strace s5  }
0x99: {  	_ =	strace $0x8FFFFFFF  }
0x9a: {  	s19 =	sld [smem:$0x3FDB];
	_ =	sdelay $0x1  }
0x9b: {  	s6 =	simm.s32 $_scs_section_size  }
0x9c: {  	s7 =	simm.s32 $_size__tile_overlayer_lowered;
	s8 =	simm.s32 $_tile_overlayer_lowered  }
0x9d: {  	s22 =	simm.s32 $0x1BFF;
	s21 =	sshll.u32 s8, $0x1;
	s5 =	sadd.s32 s6, s19  }
0x9e: {  	s9 =	simm.s32 $0x0;
	s20 =	sshll.u32 s7, $0x1;
	s7 =	sadd.s32 s21, s5  }
0x9f: {  	[timem:s9], [sflag:s22] =	dma.local [hbm:s7], s20  }
0xa0: {  	_ =	swait.ge [sflag:s22], s20  }
0xa1: {  	s6 =	ssub.s32 $0x0, s20;
	[sflag:s22] =	ssyncset.done $0x0  }
0xa2: {  	[sflag:s22] =	ssyncadd.s32 s6;
	_ =	sdelay $0x1  }
0xa3: {  	s23 =	simm.s32 $0x1B8B  }
0xa4: {  	_ =	swait.ge [sflag:s23], $0x1  }
0xa5: {  	[sflag:s23] =	ssyncset.done $0x0  }
0xa6: {  	s25 =	simm.s32 $0x1B8E;
	s24 =	sld [smem:$0x3FFE];
	[sflag:s23] =	ssyncadd.s32 $0xFFFFFFFF  }
0xa7: {  	s26 =	simm.s32 $execute0_lowered;
	[smem:$0x3FD2] =	sst s25  }
0xa8: {  	s7 =	sshll.u32 s26, $0x1;
	_ =	strace $0x80000046;
	[dreg:$0x1] =	wrdreg $0xFFFFFFFF  }
0xa9: {  	s28 =	simm.s32 $_size_execute0_lowered;
	s5 =	sadd.s32 s5, s7;
	[dreg:$0x0] =	wrdreg $0x0  }
0xaa: {  	s7 =	sshll.u32 s28, $0x1;
	[dreg:$0x2] =	wrdreg s5  }
0xab: {  	[dreg:$0x3] =	wrdreg s7  }
0xac: {  	[dreg:$0x4] =	wrdreg $0xC0  }
0xad: {  	_ =	task [dreg:s9], $0x5FFFF  }
0xae: {  	[dreg:$0x1] =	wrdreg $0xFFFFFFFF  }
0xaf: {  	[dreg:$0x0] =	wrdreg $0x60  }
0xb0: {  	[dreg:$0x2] =	wrdreg s2  }
0xb1: {  	[dreg:$0x3] =	wrdreg s18  }
0xb2: {  	[dreg:$0x4] =	wrdreg s24  }
0xb3: {  	[dreg:$0x5] =	wrdreg s4  }
0xb4: {  	[dreg:$0x6] =	wrdreg $0x9  }
0xb5: {  	_ =	task.clear_ibuf [dreg:s9], $0x7FFFF;
	_ =	strace $0x90000046  }
0xb6: {  	s29 =	simm.s32 $0x9;
	_ =	strace $0x80000048  }
0xb7: {  	_ =	swait.ge [sflag:s29], $0x1  }
0xb8: {  	[sflag:s29] =	ssyncadd.s32 $0xFFFFFFFF  }
0xb9: {  	_ =	strace $0x90000048  }
0xba: {  	_ =	sfence  }
0xbb: {  	s30 =	sld [smem:$0x0];
	_ =	sdelay $0x2  }
0xbc: {  	s31 =	sshll.u32 s1, $0xD;
	s1 =	sshrl.u32 s1, $0x2  }
0xbd: {  	s3 =	sand.u32 $0x4000, s31;
	s1 =	sadd.s32 s1, s30  }
0xbe: {  	s0 =	sor.u32 s3, s0;
	s1 =	sshll.u32 s1, $0x11  }
0xbf: {  	s0 =	sor.u32 s1, s0  }
0xc0: {  	s0 =	sadd.s32 $0x8F2B, s0  }
0xc1: {  	[sflag:s0] =	ssyncadd.remote.s32 $0x1  }
0xc2: {  	_ =	sfence.sel $0xFFFF  }
0xc3: {  	[dreg:$0x0] =	wrdreg $0xFFFFFFFF;
	(pc) =	sbr.abs _section_cstart, $3  }
0xc4: {  	[dreg:$0x1] =	wrdreg $0xFFFFFFFF  }
0xc5: {  	_ =	task.clear_ibuf [dreg:s9], $0x2FFFF;
	_ =	strace $0x9FFFFFFF  }
0xc6: {  	(tm) =	ssettm $0x7FFFFFFF  }
0xc7: {  	_ =	shalt  }
tec
execute0_lowered:
.L_overlay_start_1:
0x0: {  	(tag) =	ssettag $0x1  }
0x1: {  	s0 =	rddreg [dreg:$0x0]  }
0x2: {  	s6 =	rddreg [dreg:$0x1]  }
0x3: {  	s4 =	rddreg [dreg:$0x2]  }
0x4: {  	s1 =	rddreg [dreg:$0x3];
	s2 =	simm.s32 $0x0  }
0x5: {  	s3 =	srdreg.scid;
	s29 =	stileid.u32;
	s14 =	simm.s32 $0x8080  }
0x6: {  	s15 =	simm.s32 $0x80B0;
	s16 =	simm.s32 $0x3;
	s17 =	simm.s32 $0x1  }
0x7: {  	s18 =	simm.s32 $0x40;
	s19 =	simm.s32 $0x80;
	s20 =	simm.s32 $0x2  }
0x8: {  	s21 =	simm.s32 $0x0;
	[smem:$0x7FF] =	sst s2;
	s5 =	sand.u32 $0x1, s3  }
0x9: {  	s4 =	sadd.s32 $0xF42A00, s4;
	s9 =	sshll.u32 s29, $0x1;
	s10 =	smul.u32 $0x640000, s29  }
0xa: {  	s11 =	sshll.u32 s29, $0x8;
	_ =	strace $0x80000047;
	s7 =	ssub.s32 $0x2, s5  }
0xb: {  	s12 =	sshll.u32 s5, $0x7;
	s9 =	sor.u32 s5, s9;
	s13 =	smul.u32 $0x320000, s5  }
.Ltmp0:
0xc: {  	s8 =	sshrl.u32 s7, $0x1;
	s30 =	sor.u32 s12, s11;
	(pc) =	sbr.rel .LBB2_1-.Ltmp0, $4  }
0xd: {  	s31 =	sshll.u32 s9, $0xC;
	s9 =	sshll.u32 s9, $0x4;
	s11 =	simm.s32 $0x4  }
0xe: {  	v0 =	vimm.s32 $0xF4241;
	s12 =	smul.u32 $0x6400, s30;
	s7 =	ssub.s32 s7, s8;
	s5 =	sadd.s32 s0, s31  }
0xf: {  	v1 =	vimm.s32 $0xCF;
	v2 =	vimm.s32 $0x0;
	vm0 =	vmmov $0x1;
	s6 =	sadd.s32 s6, s9;
	s8 =	sadd.s32 s13, s10;
	s13 =	simm.s32 $0x8  }
0x10: {  	vm1 =	vcmask $0x308;
	v3 =	vlaneseq.u32;
	vm2 =	vmmov $0x7fff;
	s7 =	smax.u32 s7, $0x1;
	s10 =	sadd.s32 $0x319C00, s8;
	s9 =	sor.u32 $0x6400, s12  }
.LBB2_49:
0x11: {  	[hbm4b:s23+s18] =	stream.strided.scatter [tilespmem:s15], [sflag:$0x2], $0x200, s19, s18, $0x38;
	[tilespmem:$0xE6B0] =	vst v63  }
.LBB2_50:
0x12: {  	_ =	swait.ge [sflag:s20], $0x200  }
0x13: {  	[sflag:s20] =	ssyncset.done $0x0  }
0x14: {  	[sflag:s20] =	ssyncadd.s32 $0xFFFFFE00  }
0x15: {  	_ =	swait.ge [sflag:s20], $0x200  }
0x16: {  	[sflag:s20] =	ssyncset.done $0x0  }
0x17: {  	[sflag:s20] =	ssyncadd.s32 $0xFFFFFE00  }
0x18: {  	_ =	swait.ge [sflag:s20], $0x200  }
0x19: {  	[sflag:s20] =	ssyncset.done $0x0  }
0x1a: {  	[sflag:s20] =	ssyncadd.s32 $0xFFFFFE00  }
0x1b: {  	_ =	swait.ge [sflag:s20], $0x200  }
0x1c: {  	[sflag:s20] =	ssyncset.done $0x0  }
0x1d: {  	[sflag:s20] =	ssyncadd.s32 $0xFFFFFE00  }
0x1e: {  	_ =	swait.ge [sflag:s20], $0x200  }
0x1f: {  	[sflag:s20] =	ssyncset.done $0x0  }
0x20: {  	[sflag:s20] =	ssyncadd.s32 $0xFFFFFE00  }
0x21: {  	_ =	swait.ge [sflag:s20], $0x200  }
0x22: {  	[sflag:s20] =	ssyncset.done $0x0  }
0x23: {  	[sflag:s20] =	ssyncadd.s32 $0xFFFFFE00  }
0x24: {  	_ =	swait.ge [sflag:s20], $0x200  }
0x25: {  	[sflag:s20] =	ssyncset.done $0x0  }
0x26: {  	[sflag:s20] =	ssyncadd.s32 $0xFFFFFE00  }
0x27: {  	_ =	swait.ge [sflag:s20], $0x200  }
0x28: {  	[sflag:s20] =	ssyncset.done $0x0  }
0x29: {  	[sflag:s20] =	ssyncadd.s32 $0xFFFFFE00  }
0x2a: {  	_ =	swait.ge [sflag:s20], $0x200  }
0x2b: {  	[sflag:s20] =	ssyncset.done $0x0  }
0x2c: {  	[sflag:s20] =	ssyncadd.s32 $0xFFFFFE00  }
0x2d: {  	_ =	swait.ge [sflag:s20], $0x200  }
0x2e: {  	[sflag:s20] =	ssyncset.done $0x0  }
0x2f: {  	[sflag:s20] =	ssyncadd.s32 $0xFFFFFE00  }
0x30: {  	_ =	swait.ge [sflag:s20], $0x200  }
0x31: {  	[sflag:s20] =	ssyncset.done $0x0  }
0x32: {  	[sflag:s20] =	ssyncadd.s32 $0xFFFFFE00  }
0x33: {  	_ =	swait.ge [sflag:s20], $0x200  }
0x34: {  	[sflag:s20] =	ssyncset.done $0x0  }
0x35: {  	[sflag:s20] =	ssyncadd.s32 $0xFFFFFE00  }
0x36: {  	_ =	swait.ge [sflag:s20], $0x200  }
0x37: {  	[sflag:s20] =	ssyncset.done $0x0  }
0x38: {  	[sflag:s20] =	ssyncadd.s32 $0xFFFFFE00  }
0x39: {  	_ =	swait.ge [sflag:s20], $0x200  }
0x3a: {  	[sflag:s20] =	ssyncset.done $0x0  }
0x3b: {  	[sflag:s20] =	ssyncadd.s32 $0xFFFFFE00  }
0x3c: {  	_ =	swait.ge [sflag:s20], $0x200  }
0x3d: {  	[sflag:s20] =	ssyncset.done $0x0  }
0x3e: {  	[sflag:s20] =	ssyncadd.s32 $0xFFFFFE00  }
0x3f: {  	_ =	swait.ge [sflag:s20], $0x200  }
0x40: {  	[sflag:s20] =	ssyncset.done $0x0  }
0x41: {  	[sflag:s20] =	ssyncadd.s32 $0xFFFFFE00  }
0x42: {  	_ =	swait.ge [sflag:s20], $0x200  }
0x43: {  	[sflag:s20] =	ssyncset.done $0x0  }
0x44: {  	[sflag:s20] =	ssyncadd.s32 $0xFFFFFE00  }
0x45: {  	_ =	swait.ge [sflag:s20], $0x200  }
0x46: {  	[sflag:s20] =	ssyncset.done $0x0  }
0x47: {  	[sflag:s20] =	ssyncadd.s32 $0xFFFFFE00  }
0x48: {  	_ =	swait.ge [sflag:s20], $0x200  }
0x49: {  	[sflag:s20] =	ssyncset.done $0x0  }
0x4a: {  	[sflag:s20] =	ssyncadd.s32 $0xFFFFFE00  }
0x4b: {  	_ =	swait.ge [sflag:s20], $0x200  }
0x4c: {  	[sflag:s20] =	ssyncset.done $0x0  }
0x4d: {  	[sflag:s20] =	ssyncadd.s32 $0xFFFFFE00  }
0x4e: {  	_ =	swait.ge [sflag:s20], $0x200  }
0x4f: {  	[sflag:s20] =	ssyncset.done $0x0  }
0x50: {  	[sflag:s20] =	ssyncadd.s32 $0xFFFFFE00  }
0x51: {  	_ =	swait.ge [sflag:s20], $0x200  }
0x52: {  	[sflag:s20] =	ssyncset.done $0x0  }
0x53: {  	[sflag:s20] =	ssyncadd.s32 $0xFFFFFE00  }
0x54: {  	_ =	swait.ge [sflag:s20], $0x200  }
0x55: {  	[sflag:s20] =	ssyncset.done $0x0  }
0x56: {  	[sflag:s20] =	ssyncadd.s32 $0xFFFFFE00  }
0x57: {  	_ =	swait.ge [sflag:s20], $0x200  }
0x58: {  	[sflag:s20] =	ssyncset.done $0x0  }
0x59: {  	[sflag:s20] =	ssyncadd.s32 $0xFFFFFE00  }
0x5a: {  	_ =	swait.ge [sflag:s20], $0x200  }
0x5b: {  	[sflag:s20] =	ssyncset.done $0x0  }
0x5c: {  	[sflag:s20] =	ssyncadd.s32 $0xFFFFFE00  }
0x5d: {  	_ =	swait.ge [sflag:s20], $0x200  }
0x5e: {  	[sflag:s20] =	ssyncset.done $0x0  }
0x5f: {  	[sflag:s20] =	ssyncadd.s32 $0xFFFFFE00  }
0x60: {  	_ =	swait.ge [sflag:s20], $0x200  }
0x61: {  	[sflag:s20] =	ssyncset.done $0x0  }
0x62: {  	[sflag:s20] =	ssyncadd.s32 $0xFFFFFE00  }
0x63: {  	_ =	swait.ge [sflag:s20], $0x200  }
0x64: {  	[sflag:s20] =	ssyncset.done $0x0  }
0x65: {  	[sflag:s20] =	ssyncadd.s32 $0xFFFFFE00  }
0x66: {  	_ =	swait.ge [sflag:s20], $0x200  }
0x67: {  	[sflag:s20] =	ssyncset.done $0x0  }
0x68: {  	[sflag:s20] =	ssyncadd.s32 $0xFFFFFE00  }
0x69: {  	_ =	swait.ge [sflag:s20], $0x200  }
0x6a: {  	[sflag:s20] =	ssyncset.done $0x0  }
0x6b: {  	[sflag:s20] =	ssyncadd.s32 $0xFFFFFE00  }
0x6c: {  	_ =	swait.ge [sflag:s20], $0x200  }
0x6d: {  	[sflag:s20] =	ssyncset.done $0x0  }
0x6e: {  	[sflag:s20] =	ssyncadd.s32 $0xFFFFFE00  }
0x6f: {  	_ =	swait.ge [sflag:s20], $0x200  }
0x70: {  	[sflag:s20] =	ssyncset.done $0x0  }
0x71: {  	[sflag:s20] =	ssyncadd.s32 $0xFFFFFE00  }
0x72: {  	_ =	swait.ge [sflag:s20], $0x200  }
0x73: {  	[sflag:s20] =	ssyncset.done $0x0  }
0x74: {  	[sflag:s20] =	ssyncadd.s32 $0xFFFFFE00  }
0x75: {  	_ =	swait.ge [sflag:s20], $0x200  }
0x76: {  	[sflag:s20] =	ssyncset.done $0x0  }
0x77: {  	[sflag:s20] =	ssyncadd.s32 $0xFFFFFE00  }
0x78: {  	_ =	swait.ge [sflag:s20], $0x200  }
0x79: {  	[sflag:s20] =	ssyncset.done $0x0  }
0x7a: {  	[sflag:s20] =	ssyncadd.s32 $0xFFFFFE00  }
0x7b: {  	_ =	swait.ge [sflag:s20], $0x200  }
0x7c: {  	[sflag:s20] =	ssyncset.done $0x0  }
0x7d: {  	[sflag:s20] =	ssyncadd.s32 $0xFFFFFE00  }
0x7e: {  	_ =	swait.ge [sflag:s20], $0x200  }
0x7f: {  	[sflag:s20] =	ssyncset.done $0x0  }
0x80: {  	[sflag:s20] =	ssyncadd.s32 $0xFFFFFE00  }
0x81: {  	_ =	swait.ge [sflag:s20], $0x200  }
0x82: {  	[sflag:s20] =	ssyncset.done $0x0  }
0x83: {  	[sflag:s20] =	ssyncadd.s32 $0xFFFFFE00  }
0x84: {  	_ =	swait.ge [sflag:s20], $0x200  }
0x85: {  	[sflag:s20] =	ssyncset.done $0x0  }
0x86: {  	[sflag:s20] =	ssyncadd.s32 $0xFFFFFE00  }
0x87: {  	_ =	swait.ge [sflag:s20], $0x200  }
0x88: {  	[sflag:s20] =	ssyncset.done $0x0  }
0x89: {  	[sflag:s20] =	ssyncadd.s32 $0xFFFFFE00  }
0x8a: {  	_ =	swait.ge [sflag:s20], $0x200  }
0x8b: {  	[sflag:s20] =	ssyncset.done $0x0  }
0x8c: {  	[sflag:s20] =	ssyncadd.s32 $0xFFFFFE00  }
0x8d: {  	_ =	swait.ge [sflag:s20], $0x200  }
0x8e: {  	[sflag:s20] =	ssyncset.done $0x0  }
0x8f: {  	[sflag:s20] =	ssyncadd.s32 $0xFFFFFE00  }
0x90: {  	_ =	swait.ge [sflag:s20], $0x200  }
0x91: {  	[sflag:s20] =	ssyncset.done $0x0  }
0x92: {  	[sflag:s20] =	ssyncadd.s32 $0xFFFFFE00  }
0x93: {  	_ =	swait.ge [sflag:s20], $0x200  }
0x94: {  	[sflag:s20] =	ssyncset.done $0x0  }
0x95: {  	[sflag:s20] =	ssyncadd.s32 $0xFFFFFE00  }
0x96: {  	_ =	swait.ge [sflag:s20], $0x200  }
0x97: {  	[sflag:s20] =	ssyncset.done $0x0  }
0x98: {  	[sflag:s20] =	ssyncadd.s32 $0xFFFFFE00  }
0x99: {  	_ =	swait.ge [sflag:s20], $0x200  }
0x9a: {  	[sflag:s20] =	ssyncset.done $0x0  }
0x9b: {  	[sflag:s20] =	ssyncadd.s32 $0xFFFFFE00  }
0x9c: {  	_ =	swait.ge [sflag:s20], $0x200  }
0x9d: {  	[sflag:s20] =	ssyncset.done $0x0  }
0x9e: {  	[sflag:s20] =	ssyncadd.s32 $0xFFFFFE00  }
0x9f: {  	_ =	swait.ge [sflag:s20], $0x200  }
0xa0: {  	[sflag:s20] =	ssyncset.done $0x0  }
0xa1: {  	s21 =	sadd.s32 $0x1, s21;
	[sflag:s20] =	ssyncadd.s32 $0xFFFFFE00  }
0xa2: {  	p0 =	sne.s32 s21, s7;
	_ =	swait.ge [sflag:s20], $0x200  }
.Ltmp1:
0xa3: {  	[sflag:s20] =	ssyncset.done $0x0;
	(pc) =	sbr.rel @!p0 .LBB2_51-.Ltmp1, $4  }
0xa4: {  	[sflag:s20] =	ssyncadd.s32 $0xFFFFFE00  }
0xa5: {  	_ =	swait.ge [sflag:s20], $0x200  }
0xa6: {  	[sflag:s20] =	ssyncset.done $0x0  }
0xa7: {  	[sflag:s20] =	ssyncadd.s32 $0xFFFFFE00  }
.LBB2_1:
0xa8: {  	[tilespmem:s2], [sflag:$0x4] =	stream.linear.gather [hbm4b:s5+s2], $0x8000, $0x38;
	[tilespmem:$0xE6B0] =	vst v63  }
0xa9: {  	_ =	swait.ge [sflag:s11], $0x8000  }
0xaa: {  	[sflag:s11] =	ssyncset.done $0x0  }
0xab: {  	s0 =	simm.s32 $0x8000;
	[sflag:s11] =	ssyncadd.s32 $0xFFFF8000  }
0xac: {  	[tilespmem:s0], [sflag:$0x4] =	stream.linear.gather [hbm4b:s6+s2], $0x80, $0x38;
	[tilespmem:$0xE6B0] =	vst v63  }
0xad: {  	_ =	swait.ge [sflag:s11], $0x80  }
0xae: {  	[sflag:s11] =	ssyncset.done $0x0  }
0xaf: {  	[sflag:s11] =	ssyncadd.s32 $0xFFFFFF80  }
0xb0: {  	[tilespmem:$0x8080] =	vst v0  }
0xb1: {  	[tilespmem:$0x8090] =	vst v0  }
0xb2: {  	[tilespmem:$0x80A0] =	vst v0  }
0xb3: {  	[tilespmem:s15], [sflag:$0x3] =	stream.indirect.gather [hbm4b:s4+s13], $0x40, s14, s13, $0xb8;
	[tilespmem:$0xE6B0] =	vst v63  }
0xb4: {  	_ =	swait.ge [sflag:s16], $0x200  }
0xb5: {  	[sflag:s16] =	ssyncset.done $0x0  }
0xb6: {  	[sflag:s16] =	ssyncadd.s32 $0xFFFFFE00  }
0xb7: {  	v4 =	vld [tilespmem:$0x8000];
	_ =	sdelay $0x4  }
0xb8: {  	v5 =	vsub.s32 $0xCF, v4;
	vm3 =	vne.s32 v1, v4  }
0xb9: {  	v4 =	vshra.s32 v5, $0x1F;
	v6 =	vsel vm3, $0x1, v2  }
0xba: {  	v7 =	vand.u32 $0x7, v5;
	v6 =	vor.u32 v6, v4  }
0xbb: {  	v4 =	vshrl.u32 v4, $0x1D;
	vm4 =	vne.s32 v7, $0x0;
	vm3 =	vne.s32 v6, $0x1  }
0xbc: {  	v4 =	vadd.s32 v4, v5;
	vm3 =	vmand vm4, vm3  }
0xbd: {  	v4 =	vshra.s32 v4, $0x3;
	v5 =	vsel vm3, $0xFFFFFFFF, v2  }
0xbe: {  	v4 =	vadd.s32 v5, v4  }
0xbf: {  	v4 =	vnsel vm0, $0x0, v4  }
0xc0: {  	v4 =	vxor.u32 $0x80000000, v4  }
0xc1: {  	(xrf0) =	vmax.scan.msk.u32 $0xffff, v4;
	_ =	sdelay $0x5  }
0xc2: {  	v4, _, _ =	vpop (xrf0)  }
0xc3: {  	(v2sf) =	vpush v4, $0xF;
	_ =	sdelay $0xe  }
0xc4: {  	s31 =	spop (v2sf)  }
0xc5: {  	s23 =	sxor.u32 $0x80000000, s31  }
0xc6: {  	p0 =	slt.s32 s23, $0x1  }
.Ltmp2:
0xc7: {  	_ = 	snop;
	(pc) =	sbr.rel @p0 .LBB2_7-.Ltmp2, $2  }
0xc8: {  	_ =	sdelay $0x2  }
0xc9: {  	s22 =	simm.s32 $0x82B0  }
0xca: {  	p1 =	sne.s32 s23, $0x1  }
.Ltmp3:
0xcb: {  	_ = 	snop;
	(pc) =	sbr.rel @!p1 .LBB2_6-.Ltmp3, $3  }
0xcc: {  	_ =	sdelay $0x1  }
0xcd: {  	s0 =	simm.s32 $0x0;
	s25 =	sadd.s32 $0xFFFFFFFF, s23  }
0xce: {  	p0 =	por $0x0, $0x0;
	s23 =	simm.s32 $0x0;
	s24 =	simm.s32 $0x82B0  }
0xcf: {  	s0 =	simm.s32 $0x0  }
0xd0: {  	s0 =	sand.u32 $0xFFFFFF80, s0  }
0xd1: {  	p0 =	por $0x1, $0x1;
	p1 =	sne.s32 s0, $0x0  }
0xd2: {  	p0 =	por !p0, !p1;
	p1 =	sne.s32 s25, $0x1  }
.Ltmp4:
0xd3: {  	_ = 	snop;
	(pc) =	sbr.rel @!p1 .LBB2_4-.Ltmp4, $4  }
0xd4: {  	s24 =	simm.s32 $0x1  }
0xd5: {  	s23 =	simm.s32 $0x8;
	s26 =	simm.s32 $0x0;
	p0 =	por !p0, !p0  }
0xd6: {  	s0 =	simm.s32 $0x0;
	s25 =	sadd.s32 $0xFFFFFFFF, s25;
	s24 =	simm.s32 @!p0 $0x0  }
0xd7: {  	p0 =	por $0x1, $0x1;
	s28 =	ssub.s32 $0x0, s24;
	s24 =	simm.s32 $0x82B0  }
.LBB2_5:
0xd8: {  	p1 =	sne.s32 s25, $0x1;
	s0 =	sadd.s32 s0, s23;
	s28 =	sshll.u32 s28, $0xC  }
0xd9: {  	s26 =	sand.u32 $0x78, s26;
	s29 =	sand.u32 $0xFFFFFF80, s0;
	s28 =	sshra.s32 s28, $0x2  }
0xda: {  	p2 =	slt.s32 s23, $0x1;
	p3 =	sne.s32 s23, s29;
	s26 =	sor.u32 s26, s28  }
0xdb: {  	[tilespmem:s24], [sflag:$0x1] =	stream.indirect.gather [hbm4b:s4+s13], $0x40, s26, s13, $0xb8;
	[tilespmem:$0xE6B0] =	vst v63  }
.Ltmp5:
0xdc: {  	_ = 	snop;
	(pc) =	sbr.rel @p1 .LBB2_5-.Ltmp5, $4  }
0xdd: {  	s30 =	simm.s32 $0x1;
	p2 =	por !p2, !p3;
	s26 =	smov.u32 s23  }
0xde: {  	s23 =	sadd.s32 $0x8, s23;
	s24 =	sadd.s32 $0x200, s24;
	p2 =	por !p2, !p2  }
0xdf: {  	s29 =	sshrl.u32 s0, $0x7;
	s28 =	sshra.s32 s23, $0x1F;
	s30 =	simm.s32 @!p2 $0x0  }
0xe0: {  	s25 =	sadd.s32 $0xFFFFFFFF, s25;
	s0 =	sshrl.u32 s28, $0x19;
	s28 =	ssub.s32 s29, s30  }
.LBB2_6:
0xe1: {  	s0 =	sadd.s32 s0, s23;
	s25 =	sshll.u32 @p0 s28, $0xC  }
0xe2: {  	s26 =	sand.u32 @p0 $0x78, s26;
	s30 =	sand.u32 $0xFFFFFF80, s0;
	s25 =	sshra.s32 @p0 s25, $0x2  }
0xe3: {  	p1 =	slt.s32 s23, $0x1;
	p2 =	sne.s32 s23, s30;
	s25 =	sor.u32 @p0 s26, s25  }
0xe4: {  	[tilespmem:s24], [sflag:$0x1] =	stream.indirect.gather @p0 [hbm4b:s4+s13], $0x40, s25, s13, $0xb8;
	[tilespmem:$0xE6B0] =	vst v63  }
0xe5: {  	p1 =	por !p1, !p2  }
0xe6: {  	s25 =	simm.s32 $0x1;
	p1 =	por !p1, !p1  }
0xe7: {  	s0 =	sshrl.u32 s0, $0x7;
	s25 =	simm.s32 @!p1 $0x0  }
0xe8: {  	s0 =	ssub.s32 s0, s25  }
0xe9: {  	s0 =	sshll.u32 s0, $0xC  }
0xea: {  	s31 =	sand.u32 $0x78, s23;
	s24 =	sadd.s32 @p0 $0x200, s24;
	s0 =	sshra.s32 s0, $0x2  }
0xeb: {  	s22 =	smov.u32 @p0 s24;
	s0 =	sor.u32 s31, s0  }
0xec: {  	[tilespmem:s22], [sflag:$0x1] =	stream.indirect.gather [hbm4b:s4+s13], $0x40, s0, s13, $0xb8;
	[tilespmem:$0xE6B0] =	vst v63  }
.LBB2_7:
0xed: {  	v4 =	vld [tilespmem:$0x8000];
	_ =	sdelay $0x4  }
0xee: {  	v5 =	vsub.s32 $0xCF, v4;
	vm3 =	vne.s32 v1, v4  }
0xef: {  	v4 =	vshra.s32 v5, $0x1F;
	v6 =	vsel vm3, $0x1, v2  }
0xf0: {  	v7 =	vand.u32 $0x7, v5;
	v6 =	vor.u32 v6, v4  }
0xf1: {  	v4 =	vshrl.u32 v4, $0x1D;
	vm4 =	vne.s32 v7, $0x0;
	vm3 =	vne.s32 v6, $0x1  }
0xf2: {  	v4 =	vadd.s32 v4, v5;
	vm3 =	vmand vm4, vm3  }
0xf3: {  	v4 =	vshra.s32 v4, $0x3;
	v5 =	vsel vm3, $0xFFFFFFFF, v2  }
0xf4: {  	v4 =	vadd.s32 v5, v4  }
0xf5: {  	v4 =	vsel vm1, $0x0, v4  }
0xf6: {  	v4 =	vxor.u32 $0x80000000, v4  }
0xf7: {  	(xrf0) =	vmax.scan.msk.u32 $0xffff, v4;
	_ =	sdelay $0x5  }
0xf8: {  	v4, _, _ =	vpop (xrf0)  }
0xf9: {  	(v2sf) =	vpush v4, $0xF;
	_ =	sdelay $0xe  }
0xfa: {  	s0 =	spop (v2sf)  }
0xfb: {  	s0 =	sxor.u32 $0x80000000, s0  }
0xfc: {  	p0 =	slt.s32 s0, $0x1  }
.Ltmp6:
0xfd: {  	_ = 	snop;
	(pc) =	sbr.rel @p0 .LBB2_17-.Ltmp6, $1  }
0xfe: {  	_ =	sdelay $0x3  }
0xff: {  	p2 =	sne.s32 s0, $0x1  }
.Ltmp7:
0x100: {  	_ = 	snop;
	(pc) =	sbr.rel @!p2 .LBB2_9-.Ltmp7, $4  }
0x101: {  	_ = 	snop  }
0x102: {  	s26 =	simm.s32 $0x0  }
0x103: {  	s22 =	simm.s32 $0xB4B0;
	s28 =	simm.s32 $0x0;
	s0 =	sadd.s32 $0xFFFFFFFF, s0  }
0x104: {  	p0 =	por $0x0, $0x0;
	p1 =	por $0x0, $0x0;
	s23 =	simm.s32 $0x0  }
0x105: {  	s23 =	sand.u32 $0xFFFFFF80, s23  }
0x106: {  	p0 =	por $0x1, $0x1;
	p2 =	sne.s32 s23, $0x0  }
0x107: {  	p0 =	por !p0, !p2;
	p2 =	sne.s32 s0, $0x1  }
.Ltmp8:
0x108: {  	_ = 	snop;
	(pc) =	sbr.rel @!p2 .LBB2_11-.Ltmp8, $4  }
0x109: {  	_ = 	snop  }
0x10a: {  	s25 =	simm.s32 $0x8;
	s23 =	simm.s32 $0x1;
	p0 =	por !p0, !p0  }
0x10b: {  	s28 =	simm.s32 $0x0;
	s0 =	sadd.s32 $0xFFFFFFFF, s0;
	s23 =	simm.s32 @!p0 $0x0  }
0x10c: {  	p0 =	por $0x1, $0x1;
	s29 =	ssub.s32 $0x0, s23;
	s23 =	simm.s32 $0x8  }
0x10d: {  	s24 =	sshll.u32 s29, $0xC;
	s23 =	sand.u32 $0xFFFFFF80, s23  }
0x10e: {  	s26 =	sand.u32 $0x78, s26;
	p1 =	por $0x0, $0x0;
	p3 =	sne.s32 s0, $0x1  }
0x10f: {  	s28 =	simm.s32 $0x0;
	s24 =	sshra.s32 s24, $0x2;
	p2 =	sne.s32 s23, $0x8  }
.Ltmp9:
0x110: {  	s31 =	sor.u32 s26, s24;
	p1 =	por !p1, !p2;
	(pc) =	sbr.rel @!p3 .LBB2_13-.Ltmp9, $4  }
0x111: {  	s24 =	simm.s32 $0x1;
	s23 =	sor.u32 $0x80, s31;
	p1 =	por !p1, !p1  }
0x112: {  	[tilespmem:s22], [sflag:$0x1] =	stream.indirect.gather [hbm4b:s4+s13], $0x40, s23, s13, $0xb8;
	[tilespmem:$0xE6B0] =	vst v63  }
0x113: {  	s26 =	sadd.s32 $0xFFFFFFFF, s0;
	s23 =	simm.s32 $0x10;
	s24 =	simm.s32 @!p1 $0x0  }
0x114: {  	p1 =	por $0x1, $0x1;
	s29 =	ssub.s32 $0x0, s24;
	s24 =	simm.s32 $0xB4B0  }
.LBB2_14:
0x115: {  	p2 =	sne.s32 s26, $0x1;
	s0 =	sadd.s32 s28, s23  }
0x116: {  	s28 =	sshll.u32 s29, $0xC;
	s25 =	sand.u32 $0x78, s25;
	p3 =	slt.s32 s23, $0x1  }
0x117: {  	s24 =	sadd.s32 $0x200, s24;
	s29 =	sand.u32 $0xFFFFFF80, s0;
	s28 =	sshra.s32 s28, $0x2  }
0x118: {  	p4 =	sne.s32 s23, s29;
	s25 =	sor.u32 s25, s28;
	s29 =	simm.s32 $0x1  }
.Ltmp10:
0x119: {  	p3 =	por !p3, !p4;
	s25 =	sor.u32 $0x80, s25;
	(pc) =	sbr.rel @p2 .LBB2_14-.Ltmp10, $4  }
0x11a: {  	[tilespmem:s24], [sflag:$0x1] =	stream.indirect.gather [hbm4b:s4+s13], $0x40, s25, s13, $0xb8;
	[tilespmem:$0xE6B0] =	vst v63  }
0x11b: {  	p3 =	por !p3, !p3;
	s25 =	smov.u32 s23;
	s23 =	sadd.s32 $0x8, s23  }
0x11c: {  	s0 =	sshrl.u32 s0, $0x7;
	s28 =	sshra.s32 s23, $0x1F;
	s29 =	simm.s32 @!p3 $0x0  }
0x11d: {  	s26 =	sadd.s32 $0xFFFFFFFF, s26;
	s28 =	sshrl.u32 s28, $0x19;
	s29 =	ssub.s32 s0, s29  }
0x11e: {  	s26 =	smov.u32 s25  }
.LBB2_16:
0x11f: {  	s0 =	sadd.s32 s28, s23  }
0x120: {  	s25 =	sshll.u32 @p0 s29, $0xC;
	s26 =	sand.u32 @p0 $0x78, s26;
	p2 =	slt.s32 s23, $0x1  }
0x121: {  	s24 =	sadd.s32 @p1 $0x200, s24;
	s28 =	sand.u32 $0xFFFFFF80, s0;
	s25 =	sshra.s32 @p0 s25, $0x2  }
0x122: {  	p3 =	sne.s32 s23, s28;
	s25 =	sor.u32 @p0 s26, s25;
	s26 =	simm.s32 $0xB4B0  }
0x123: {  	p2 =	por !p2, !p3;
	s25 =	sor.u32 @p0 $0x80, s25;
	s26 =	smov.u32 @p1 s24  }
0x124: {  	[tilespmem:s26], [sflag:$0x1] =	stream.indirect.gather @p0 [hbm4b:s4+s13], $0x40, s25, s13, $0xb8;
	[tilespmem:$0xE6B0] =	vst v63  }
0x125: {  	s24 =	simm.s32 $0x1;
	p1 =	por !p2, !p2  }
0x126: {  	s0 =	sshrl.u32 s0, $0x7;
	s24 =	simm.s32 @!p1 $0x0  }
0x127: {  	s0 =	ssub.s32 s0, s24  }
0x128: {  	s0 =	sshll.u32 s0, $0xC  }
0x129: {  	s31 =	sand.u32 $0x78, s23;
	s0 =	sshra.s32 s0, $0x2  }
0x12a: {  	s23 =	sadd.s32 @p0 $0x200, s26;
	s0 =	sor.u32 s31, s0  }
0x12b: {  	s22 =	smov.u32 @p0 s23;
	s0 =	sor.u32 $0x80, s0  }
0x12c: {  	[tilespmem:s22], [sflag:$0x1] =	stream.indirect.gather [hbm4b:s4+s13], $0x40, s0, s13, $0xb8;
	[tilespmem:$0xE6B0] =	vst v63  }
.LBB2_17:
0x12d: {  	v4 =	vld [tilespmem:$0x8000];
	_ =	sdelay $0x4  }
0x12e: {  	v5 =	vsub.s32 $0xCF, v4;
	vm3 =	vne.s32 v1, v4  }
0x12f: {  	v4 =	vshra.s32 v5, $0x1F;
	v6 =	vsel vm3, $0x1, v2  }
0x130: {  	v7 =	vand.u32 $0x7, v5;
	v6 =	vor.u32 v6, v4  }
0x131: {  	v4 =	vshrl.u32 v4, $0x1D;
	vm4 =	vne.s32 v7, $0x0;
	vm3 =	vne.s32 v6, $0x1  }
0x132: {  	v4 =	vadd.s32 v4, v5;
	vm3 =	vmand vm4, vm3  }
0x133: {  	v4 =	vshra.s32 v4, $0x3;
	v5 =	vsel vm3, $0xFFFFFFFF, v2  }
0x134: {  	v4 =	vadd.s32 v5, v4  }
0x135: {  	v4 =	vnsel vm0, $0x0, v4  }
0x136: {  	v4 =	vxor.u32 $0x80000000, v4  }
0x137: {  	(xrf0) =	vmax.scan.msk.u32 $0xffff, v4;
	_ =	sdelay $0x5  }
0x138: {  	v4, _, _ =	vpop (xrf0)  }
0x139: {  	(v2sf) =	vpush v4, $0xF;
	_ =	sdelay $0xe  }
0x13a: {  	s22 =	spop (v2sf)  }
0x13b: {  	s23 =	sxor.u32 $0x80000000, s22  }
0x13c: {  	p0 =	sgt.s32 s23, $0x0  }
.Ltmp11:
0x13d: {  	_ = 	snop;
	(pc) =	sbr.rel @!p0 .LBB2_21-.Ltmp11, $2  }
0x13e: {  	_ =	sdelay $0x2  }
0x13f: {  	s24 =	simm.s32 $0x82B0  }
0x140: {  	p0 =	seq.s32 s23, $0x1  }
.Ltmp12:
0x141: {  	_ =	swait.ge [sflag:s17], $0x200;
	(pc) =	sbr.rel @p0 .LBB2_20-.Ltmp12, $4  }
0x142: {  	s0 =	sshrl.u32 s8, $0x3;
	[sflag:s17] =	ssyncset.done $0x0  }
0x143: {  	s0 =	sadd.s32 s1, s0;
	[sflag:s17] =	ssyncadd.s32 $0xFFFFFE00  }
0x144: {  	[hbm4b:s0+s18] =	stream.strided.scatter [tilespmem:s24], [sflag:$0x2], $0x200, s19, s18, $0x38;
	[tilespmem:$0xE6B0] =	vst v63  }
0x145: {  	s25 =	smov.u32 s8;
	s0 =	sadd.s32 $0xFFFFFFFF, s23  }
.LBB2_19:
0x146: {  	_ =	swait.ge [sflag:s17], $0x200;
	p0 =	seq.s32 s0, $0x1  }
.Ltmp13:
0x147: {  	s25 =	sadd.s32 $0x400, s25;
	(pc) =	sbr.rel @!p0 .LBB2_19-.Ltmp13, $4  }
0x148: {  	s26 =	sshrl.u32 s25, $0x3  }
0x149: {  	s0 =	sadd.s32 $0xFFFFFFFF, s0;
	[sflag:s17] =	ssyncset.done $0x0  }
0x14a: {  	s24 =	sadd.s32 $0x200, s24;
	s26 =	sadd.s32 s1, s26;
	[sflag:s17] =	ssyncadd.s32 $0xFFFFFE00  }
0x14b: {  	[hbm4b:s26+s18] =	stream.strided.scatter [tilespmem:s24], [sflag:$0x2], $0x200, s19, s18, $0x38;
	[tilespmem:$0xE6B0] =	vst v63  }
.LBB2_20:
0x14c: {  	p0 =	sgt.u32 s23, $0x18  }
.Ltmp14:
0x14d: {  	_ = 	snop;
	(pc) =	sbr.rel @p0 .LBB2_24-.Ltmp14, $1  }
0x14e: {  	_ =	sdelay $0x3  }
.LBB2_21:
0x14f: {  	s30 =	ssub.s32 $0x80000019, s22  }
0x150: {  	p0 =	sne.s32 s30, $0x1  }
.Ltmp15:
0x151: {  	_ = 	snop;
	(pc) =	sbr.rel @!p0 .LBB2_23-.Ltmp15, $4  }
0x152: {  	s0 =	sshll.u32 s22, $0xA  }
0x153: {  	s24 =	sadd.s32 s0, s8  }
0x154: {  	s31 =	sshrl.u32 s24, $0x3  }
0x155: {  	s0 =	sadd.s32 $0xFFFFFFFF, s30;
	s22 =	sadd.s32 $0x400, s24;
	s23 =	sadd.s32 s1, s31  }
.LBB2_22:
0x156: {  	[hbm4b:s23+s18] =	stream.strided.scatter [tilespmem:s15], [sflag:$0x2], $0x200, s19, s18, $0x38;
	[tilespmem:$0xE6B0] =	vst v63  }
0x157: {  	p0 =	sne.s32 s0, $0x1  }
.Ltmp16:
0x158: {  	s0 =	sadd.s32 $0xFFFFFFFF, s0;
	(pc) =	sbr.rel @p0 .LBB2_22-.Ltmp16, $3  }
0x159: {  	_ =	sdelay $0x1  }
0x15a: {  	s23 =	sshrl.u32 s22, $0x3  }
0x15b: {  	s22 =	sadd.s32 $0x400, s22;
	s23 =	sadd.s32 s1, s23  }
.LBB2_23:
0x15c: {  	[hbm4b:s23+s18] =	stream.strided.scatter [tilespmem:s15], [sflag:$0x2], $0x200, s19, s18, $0x38;
	[tilespmem:$0xE6B0] =	vst v63  }
.LBB2_24:
.Ltmp17:
0x15d: {  	(pc) =	sbr.rel .LBB2_25-.Ltmp17, $2  }
0x15e: {  	_ =	sdelay $0x2  }
0x15f: {  	s22 =	simm.s32 $0x2;
	s23 =	smov.u32 s9  }
.LBB2_41:
0x160: {  	[hbm4b:s25+s18] =	stream.strided.scatter [tilespmem:s15], [sflag:$0x2], $0x200, s19, s18, $0x38;
	[tilespmem:$0xE6B0] =	vst v63  }
.LBB2_42:
0x161: {  	s22 =	sadd.s32 $0x1, s22  }
0x162: {  	p0 =	sne.s32 s22, $0x80  }
.Ltmp18:
0x163: {  	_ = 	snop;
	(pc) =	sbr.rel @!p0 .LBB2_43-.Ltmp18, $2  }
0x164: {  	_ =	sdelay $0x2  }
0x165: {  	s23 =	sadd.s32 $0x6400, s23  }
.LBB2_25:
0x166: {  	_ =	swait.ge [sflag:s20], $0x200  }
0x167: {  	[sflag:s20] =	ssyncset.done $0x0  }
0x168: {  	[sflag:s20] =	ssyncadd.s32 $0xFFFFFE00  }
0x169: {  	_ =	swait.ge [sflag:s20], $0x200  }
0x16a: {  	[sflag:s20] =	ssyncset.done $0x0  }
0x16b: {  	[sflag:s20] =	ssyncadd.s32 $0xFFFFFE00  }
0x16c: {  	_ =	swait.ge [sflag:s20], $0x200  }
0x16d: {  	[sflag:s20] =	ssyncset.done $0x0  }
0x16e: {  	[sflag:s20] =	ssyncadd.s32 $0xFFFFFE00  }
0x16f: {  	_ =	swait.ge [sflag:s20], $0x200  }
0x170: {  	[sflag:s20] =	ssyncset.done $0x0  }
0x171: {  	[sflag:s20] =	ssyncadd.s32 $0xFFFFFE00  }
0x172: {  	_ =	swait.ge [sflag:s20], $0x200  }
0x173: {  	[sflag:s20] =	ssyncset.done $0x0  }
0x174: {  	[sflag:s20] =	ssyncadd.s32 $0xFFFFFE00  }
0x175: {  	_ =	swait.ge [sflag:s20], $0x200  }
0x176: {  	[sflag:s20] =	ssyncset.done $0x0  }
0x177: {  	[sflag:s20] =	ssyncadd.s32 $0xFFFFFE00  }
0x178: {  	_ =	swait.ge [sflag:s20], $0x200  }
0x179: {  	[sflag:s20] =	ssyncset.done $0x0  }
0x17a: {  	[sflag:s20] =	ssyncadd.s32 $0xFFFFFE00  }
0x17b: {  	_ =	swait.ge [sflag:s20], $0x200  }
0x17c: {  	[sflag:s20] =	ssyncset.done $0x0  }
0x17d: {  	[sflag:s20] =	ssyncadd.s32 $0xFFFFFE00  }
0x17e: {  	_ =	swait.ge [sflag:s20], $0x200  }
0x17f: {  	[sflag:s20] =	ssyncset.done $0x0  }
0x180: {  	[sflag:s20] =	ssyncadd.s32 $0xFFFFFE00  }
0x181: {  	_ =	swait.ge [sflag:s20], $0x200  }
0x182: {  	[sflag:s20] =	ssyncset.done $0x0  }
0x183: {  	[sflag:s20] =	ssyncadd.s32 $0xFFFFFE00  }
0x184: {  	_ =	swait.ge [sflag:s20], $0x200  }
0x185: {  	[sflag:s20] =	ssyncset.done $0x0  }
0x186: {  	[sflag:s20] =	ssyncadd.s32 $0xFFFFFE00  }
0x187: {  	_ =	swait.ge [sflag:s20], $0x200  }
0x188: {  	[sflag:s20] =	ssyncset.done $0x0  }
0x189: {  	[sflag:s20] =	ssyncadd.s32 $0xFFFFFE00  }
0x18a: {  	_ =	swait.ge [sflag:s20], $0x200  }
0x18b: {  	[sflag:s20] =	ssyncset.done $0x0  }
0x18c: {  	[sflag:s20] =	ssyncadd.s32 $0xFFFFFE00  }
0x18d: {  	_ =	swait.ge [sflag:s20], $0x200  }
0x18e: {  	[sflag:s20] =	ssyncset.done $0x0  }
0x18f: {  	[sflag:s20] =	ssyncadd.s32 $0xFFFFFE00  }
0x190: {  	_ =	swait.ge [sflag:s20], $0x200  }
0x191: {  	[sflag:s20] =	ssyncset.done $0x0  }
0x192: {  	[sflag:s20] =	ssyncadd.s32 $0xFFFFFE00  }
0x193: {  	_ =	swait.ge [sflag:s20], $0x200  }
0x194: {  	[sflag:s20] =	ssyncset.done $0x0  }
0x195: {  	[sflag:s20] =	ssyncadd.s32 $0xFFFFFE00  }
0x196: {  	_ =	swait.ge [sflag:s20], $0x200  }
0x197: {  	[sflag:s20] =	ssyncset.done $0x0  }
0x198: {  	[sflag:s20] =	ssyncadd.s32 $0xFFFFFE00  }
0x199: {  	_ =	swait.ge [sflag:s20], $0x200  }
0x19a: {  	[sflag:s20] =	ssyncset.done $0x0  }
0x19b: {  	[sflag:s20] =	ssyncadd.s32 $0xFFFFFE00  }
0x19c: {  	_ =	swait.ge [sflag:s20], $0x200  }
0x19d: {  	[sflag:s20] =	ssyncset.done $0x0  }
0x19e: {  	[sflag:s20] =	ssyncadd.s32 $0xFFFFFE00  }
0x19f: {  	_ =	swait.ge [sflag:s20], $0x200  }
0x1a0: {  	[sflag:s20] =	ssyncset.done $0x0  }
0x1a1: {  	[sflag:s20] =	ssyncadd.s32 $0xFFFFFE00  }
0x1a2: {  	_ =	swait.ge [sflag:s20], $0x200  }
0x1a3: {  	[sflag:s20] =	ssyncset.done $0x0  }
0x1a4: {  	[sflag:s20] =	ssyncadd.s32 $0xFFFFFE00  }
0x1a5: {  	_ =	swait.ge [sflag:s20], $0x200  }
0x1a6: {  	[sflag:s20] =	ssyncset.done $0x0  }
0x1a7: {  	[sflag:s20] =	ssyncadd.s32 $0xFFFFFE00  }
0x1a8: {  	_ =	swait.ge [sflag:s20], $0x200  }
0x1a9: {  	[sflag:s20] =	ssyncset.done $0x0  }
0x1aa: {  	[sflag:s20] =	ssyncadd.s32 $0xFFFFFE00  }
0x1ab: {  	_ =	swait.ge [sflag:s20], $0x200  }
0x1ac: {  	[sflag:s20] =	ssyncset.done $0x0  }
0x1ad: {  	[sflag:s20] =	ssyncadd.s32 $0xFFFFFE00  }
0x1ae: {  	_ =	swait.ge [sflag:s20], $0x200  }
0x1af: {  	[sflag:s20] =	ssyncset.done $0x0  }
0x1b0: {  	s0 =	sand.u32 $0x70, s22;
	[sflag:s20] =	ssyncadd.s32 $0xFFFFFE00  }
0x1b1: {  	v4 =	vld [tilespmem:s0+$0x8000];
	_ =	sdelay $0x4  }
0x1b2: {  	v5 =	vsub.s32 $0xCF, v4;
	vm3 =	vne.s32 v1, v4  }
0x1b3: {  	v4 =	vshra.s32 v5, $0x1F;
	v6 =	vsel vm3, $0x1, v2  }
0x1b4: {  	v7 =	vand.u32 $0x7, v5;
	v6 =	vor.u32 v6, v4  }
0x1b5: {  	v4 =	vshrl.u32 v4, $0x1D;
	vm4 =	vne.s32 v7, $0x0;
	vm3 =	vne.s32 v6, $0x1  }
0x1b6: {  	v4 =	vadd.s32 v4, v5;
	vm3 =	vmand vm4, vm3  }
0x1b7: {  	s30 =	sand.u32 $0xF, s22;
	v4 =	vshra.s32 v4, $0x3;
	v5 =	vsel vm3, $0xFFFFFFFF, v2  }
0x1b8: {  	v4 =	vadd.s32 v5, v4;
	v5 =	vmov s30  }
0x1b9: {  	vm3 =	veq.s32 v5, v3;
	v4 =	vxor.u32 $0x80000000, v4  }
0x1ba: {  	v4 =	vnsel vm3, $0x80000000, v4  }
0x1bb: {  	(xrf0) =	vmax.scan.msk.u32 $0xffff, v4;
	_ =	sdelay $0x5  }
0x1bc: {  	v4, _, _ =	vpop (xrf0)  }
0x1bd: {  	(v2sf) =	vpush v4, $0xF;
	_ =	sdelay $0xe  }
0x1be: {  	s31 =	spop (v2sf)  }
0x1bf: {  	s0 =	sxor.u32 $0x80000000, s31  }
0x1c0: {  	p0 =	slt.s32 s0, $0x1  }
.Ltmp19:
0x1c1: {  	_ = 	snop;
	(pc) =	sbr.rel @p0 .LBB2_35-.Ltmp19, $1  }
0x1c2: {  	_ =	sdelay $0x3  }
0x1c3: {  	s24 =	sand.u32 $0x1, s22  }
0x1c4: {  	s25 =	sshll.u32 s22, $0x7;
	s26 =	sshll.u32 s22, $0x8;
	p2 =	sne.s32 s0, $0x1  }
.Ltmp20:
0x1c5: {  	s30 =	simm.s32 $0x0;
	s31 =	simm.s32 $0x0;
	(pc) =	sbr.rel @!p2 .LBB2_27-.Ltmp20, $4  }
0x1c6: {  	s0 =	sadd.s32 $0xFFFFFFFF, s0;
	p0 =	seq.s32 s24, $0x1;
	s24 =	simm.s32 $0xC8  }
0x1c7: {  	s25 =	sand.u32 $0x380, s25;
	s26 =	sand.u32 $0x7800, s26;
	s24 =	simm.s32 @!p0 $0x0  }
0x1c8: {  	p1 =	por $0x0, $0x0;
	s25 =	sor.u32 s25, s26;
	s24 =	sshll.u32 s24, $0x6  }
0x1c9: {  	p0 =	por $0x0, $0x0;
	s26 =	simm.s32 $0x0;
	s24 =	sadd.s32 $0x82B0, s24  }
0x1ca: {  	s26 =	sand.u32 $0xFFFFFF80, s26  }
0x1cb: {  	p0 =	por $0x1, $0x1;
	p2 =	sne.s32 s26, $0x0  }
0x1cc: {  	p0 =	por !p0, !p2;
	p2 =	sne.s32 s0, $0x1  }
.Ltmp21:
0x1cd: {  	_ = 	snop;
	(pc) =	sbr.rel @!p2 .LBB2_29-.Ltmp21, $4  }
0x1ce: {  	_ = 	snop  }
0x1cf: {  	s29 =	simm.s32 $0x8;
	s26 =	simm.s32 $0x1;
	p0 =	por !p0, !p0  }
0x1d0: {  	s31 =	simm.s32 $0x0;
	s28 =	sadd.s32 $0xFFFFFFFF, s0;
	s26 =	simm.s32 @!p0 $0x0  }
0x1d1: {  	p0 =	por $0x1, $0x1;
	s0 =	ssub.s32 $0x0, s26;
	s26 =	simm.s32 $0x8  }
0x1d2: {  	s0 =	sshll.u32 s0, $0xC;
	s26 =	sand.u32 $0xFFFFFF80, s26;
	s30 =	sand.u32 $0x78, s30  }
0x1d3: {  	p1 =	por $0x0, $0x0;
	s0 =	sshra.s32 s0, $0x2;
	p2 =	sne.s32 s26, $0x8  }
0x1d4: {  	s0 =	sadd.s32 s0, s25;
	p1 =	por !p1, !p2;
	p2 =	sne.s32 s28, $0x1  }
.Ltmp22:
0x1d5: {  	s0 =	sadd.s32 s30, s0;
	(pc) =	sbr.rel @!p2 .LBB2_31-.Ltmp22, $4  }
0x1d6: {  	[tilespmem:s24], [sflag:$0x1] =	stream.indirect.gather [hbm4b:s4+s13], $0x40, s0, s13, $0xb8;
	[tilespmem:$0xE6B0] =	vst v63  }
0x1d7: {  	s31 =	simm.s32 $0x0;
	p1 =	por !p1, !p1;
	s0 =	simm.s32 $0x1  }
0x1d8: {  	s26 =	simm.s32 $0x10;
	s30 =	sadd.s32 $0xFFFFFFFF, s28;
	s0 =	simm.s32 @!p1 $0x0  }
0x1d9: {  	s28 =	smov.u32 s24;
	p1 =	por $0x1, $0x1;
	s0 =	ssub.s32 $0x0, s0  }
.LBB2_32:
0x1da: {  	p2 =	sne.s32 s30, $0x1;
	s31 =	sadd.s32 s31, s26  }
0x1db: {  	s0 =	sshll.u32 s0, $0xC;
	s29 =	sand.u32 $0x78, s29;
	p3 =	slt.s32 s26, $0x1  }
0x1dc: {  	s28 =	sadd.s32 $0x200, s28;
	s3 =	sand.u32 $0xFFFFFF80, s31;
	s0 =	sshra.s32 s0, $0x2  }
0x1dd: {  	s12 =	simm.s32 $0x1;
	p4 =	sne.s32 s26, s3;
	s0 =	sadd.s32 s0, s25  }
.Ltmp23:
0x1de: {  	p3 =	por !p3, !p4;
	s0 =	sadd.s32 s29, s0;
	(pc) =	sbr.rel @p2 .LBB2_32-.Ltmp23, $4  }
0x1df: {  	[tilespmem:s28], [sflag:$0x1] =	stream.indirect.gather [hbm4b:s4+s13], $0x40, s0, s13, $0xb8;
	[tilespmem:$0xE6B0] =	vst v63  }
0x1e0: {  	s29 =	smov.u32 s26;
	s26 =	sadd.s32 $0x8, s26;
	p3 =	por !p3, !p3  }
0x1e1: {  	s3 =	sshrl.u32 s31, $0x7;
	s0 =	sshra.s32 s26, $0x1F;
	s12 =	simm.s32 @!p3 $0x0  }
0x1e2: {  	s30 =	sadd.s32 $0xFFFFFFFF, s30;
	s31 =	sshrl.u32 s0, $0x19;
	s0 =	ssub.s32 s3, s12  }
0x1e3: {  	s30 =	smov.u32 s29  }
.LBB2_34:
0x1e4: {  	s3 =	sadd.s32 s31, s26  }
0x1e5: {  	s0 =	sshll.u32 @p0 s0, $0xC;
	s29 =	sand.u32 @p0 $0x78, s30;
	s12 =	sand.u32 $0xFFFFFF80, s3  }
0x1e6: {  	p2 =	slt.s32 s26, $0x1;
	s0 =	sshra.s32 @p0 s0, $0x2;
	p3 =	sne.s32 s26, s12  }
0x1e7: {  	s0 =	sadd.s32 @p0 s0, s25;
	s12 =	sadd.s32 @p1 $0x200, s28;
	s28 =	smov.u32 s24  }
0x1e8: {  	p2 =	por !p2, !p3;
	s0 =	sadd.s32 @p0 s29, s0;
	s28 =	smov.u32 @p1 s12  }
0x1e9: {  	[tilespmem:s28], [sflag:$0x1] =	stream.indirect.gather @p0 [hbm4b:s4+s13], $0x40, s0, s13, $0xb8;
	[tilespmem:$0xE6B0] =	vst v63  }
0x1ea: {  	p1 =	por !p2, !p2;
	s0 =	simm.s32 $0x1  }
0x1eb: {  	s3 =	sshrl.u32 s3, $0x7;
	s0 =	simm.s32 @!p1 $0x0  }
0x1ec: {  	s0 =	ssub.s32 s3, s0  }
0x1ed: {  	s0 =	sshll.u32 s0, $0xC  }
0x1ee: {  	s0 =	sshra.s32 s0, $0x2  }
0x1ef: {  	s31 =	sand.u32 $0x78, s26;
	s12 =	sadd.s32 @p0 $0x200, s28;
	s0 =	sadd.s32 s0, s25  }
0x1f0: {  	s24 =	smov.u32 @p0 s12;
	s0 =	sadd.s32 s31, s0  }
0x1f1: {  	[tilespmem:s24], [sflag:$0x1] =	stream.indirect.gather [hbm4b:s4+s13], $0x40, s0, s13, $0xb8;
	[tilespmem:$0xE6B0] =	vst v63  }
.LBB2_35:
0x1f2: {  	s26 =	sadd.s32 $0xFFFFFFFF, s22  }
0x1f3: {  	s0 =	sshll.u32 s26, $0x2  }
0x1f4: {  	s0 =	sshra.s32 s0, $0x2  }
0x1f5: {  	s0 =	sand.u32 $0xFFFFFFF0, s0  }
0x1f6: {  	v4 =	vld [tilespmem:s0+$0x8000];
	_ =	sdelay $0x4  }
0x1f7: {  	v5 =	vsub.s32 $0xCF, v4;
	vm3 =	vne.s32 v1, v4  }
0x1f8: {  	v4 =	vshra.s32 v5, $0x1F;
	v6 =	vsel vm3, $0x1, v2  }
0x1f9: {  	v7 =	vand.u32 $0x7, v5;
	v6 =	vor.u32 v6, v4  }
0x1fa: {  	v4 =	vshrl.u32 v4, $0x1D;
	vm4 =	vne.s32 v7, $0x0;
	vm3 =	vne.s32 v6, $0x1  }
0x1fb: {  	v4 =	vadd.s32 v4, v5;
	vm3 =	vmand vm4, vm3  }
0x1fc: {  	s31 =	sand.u32 $0xF, s26;
	v4 =	vshra.s32 v4, $0x3;
	v5 =	vsel vm3, $0xFFFFFFFF, v2  }
0x1fd: {  	v4 =	vadd.s32 v5, v4;
	v5 =	vmov s31  }
0x1fe: {  	vm3 =	veq.s32 v5, v3;
	v4 =	vxor.u32 $0x80000000, v4  }
0x1ff: {  	v4 =	vnsel vm3, $0x80000000, v4  }
0x200: {  	(xrf0) =	vmax.scan.msk.u32 $0xffff, v4;
	_ =	sdelay $0x5  }
0x201: {  	v4, _, _ =	vpop (xrf0)  }
0x202: {  	(v2sf) =	vpush v4, $0xF;
	_ =	sdelay $0xe  }
0x203: {  	s24 =	spop (v2sf)  }
0x204: {  	s25 =	sxor.u32 $0x80000000, s24  }
0x205: {  	p0 =	slt.s32 s25, $0x1  }
.Ltmp24:
0x206: {  	_ = 	snop;
	(pc) =	sbr.rel @p0 .LBB2_39-.Ltmp24, $1  }
0x207: {  	_ =	sdelay $0x3  }
0x208: {  	s0 =	sand.u32 $0x1, s26  }
0x209: {  	s26 =	simm.s32 $0xB4B0;
	p0 =	seq.s32 s0, $0x1  }
0x20a: {  	s26 =	simm.s32 @!p0 $0x82B0;
	p0 =	seq.s32 s25, $0x1  }
.Ltmp25:
0x20b: {  	_ =	swait.ge [sflag:s17], $0x200;
	(pc) =	sbr.rel @p0 .LBB2_38-.Ltmp25, $4  }
0x20c: {  	s31 =	sshrl.u32 s23, $0x3;
	[sflag:s17] =	ssyncset.done $0x0  }
0x20d: {  	s0 =	sadd.s32 s1, s31;
	[sflag:s17] =	ssyncadd.s32 $0xFFFFFE00  }
0x20e: {  	[hbm4b:s0+s18] =	stream.strided.scatter [tilespmem:s26], [sflag:$0x2], $0x200, s19, s18, $0x38;
	[tilespmem:$0xE6B0] =	vst v63  }
0x20f: {  	s28 =	smov.u32 s23;
	s0 =	sadd.s32 $0xFFFFFFFF, s25  }
.LBB2_37:
0x210: {  	_ =	swait.ge [sflag:s17], $0x200;
	p0 =	seq.s32 s0, $0x1  }
.Ltmp26:
0x211: {  	s28 =	sadd.s32 $0x400, s28;
	(pc) =	sbr.rel @!p0 .LBB2_37-.Ltmp26, $4  }
0x212: {  	s3 =	sshrl.u32 s28, $0x3  }
0x213: {  	s0 =	sadd.s32 $0xFFFFFFFF, s0;
	[sflag:s17] =	ssyncset.done $0x0  }
0x214: {  	s26 =	sadd.s32 $0x200, s26;
	s3 =	sadd.s32 s1, s3;
	[sflag:s17] =	ssyncadd.s32 $0xFFFFFE00  }
0x215: {  	[hbm4b:s3+s18] =	stream.strided.scatter [tilespmem:s26], [sflag:$0x2], $0x200, s19, s18, $0x38;
	[tilespmem:$0xE6B0] =	vst v63  }
.LBB2_38:
0x216: {  	p0 =	sgt.u32 s25, $0x18  }
.Ltmp27:
0x217: {  	_ = 	snop;
	(pc) =	sbr.rel @p0 .LBB2_42-.Ltmp27, $1  }
0x218: {  	_ =	sdelay $0x3  }
.LBB2_39:
0x219: {  	s31 =	ssub.s32 $0x80000019, s24  }
0x21a: {  	p0 =	sne.s32 s31, $0x1  }
.Ltmp28:
0x21b: {  	_ = 	snop;
	(pc) =	sbr.rel @!p0 .LBB2_41-.Ltmp28, $4  }
0x21c: {  	s0 =	sshll.u32 s24, $0xA  }
0x21d: {  	s26 =	sadd.s32 s0, s23  }
0x21e: {  	s3 =	sshrl.u32 s26, $0x3  }
0x21f: {  	s0 =	sadd.s32 $0xFFFFFFFF, s31;
	s24 =	sadd.s32 $0x400, s26;
	s25 =	sadd.s32 s1, s3  }
.LBB2_40:
0x220: {  	[hbm4b:s25+s18] =	stream.strided.scatter [tilespmem:s15], [sflag:$0x2], $0x200, s19, s18, $0x38;
	[tilespmem:$0xE6B0] =	vst v63  }
0x221: {  	p0 =	sne.s32 s0, $0x1  }
.Ltmp29:
0x222: {  	s0 =	sadd.s32 $0xFFFFFFFF, s0;
	(pc) =	sbr.rel @p0 .LBB2_40-.Ltmp29, $3  }
0x223: {  	_ =	sdelay $0x1  }
0x224: {  	s3 =	sshrl.u32 s24, $0x3  }
0x225: {  	s24 =	sadd.s32 $0x400, s24;
	s25 =	sadd.s32 s1, s3  }
.Ltmp30:
0x226: {  	_ = 	snop;
	(pc) =	sbr.rel .LBB2_41-.Ltmp30, $1  }
0x227: {  	_ =	sdelay $0x3  }
.LBB2_27:
.Ltmp31:
0x228: {  	(pc) =	sbr.rel .LBB2_34-.Ltmp31, $2  }
0x229: {  	_ =	sdelay $0x2  }
0x22a: {  	s28 =	smov.u32 s24  }
.LBB2_29:
.Ltmp32:
0x22b: {  	(pc) =	sbr.rel .LBB2_34-.Ltmp32, $2  }
0x22c: {  	_ =	sdelay $0x2  }
0x22d: {  	s28 =	smov.u32 s24  }
.LBB2_31:
.Ltmp33:
0x22e: {  	(pc) =	sbr.rel .LBB2_34-.Ltmp33, $2  }
0x22f: {  	_ =	sdelay $0x2  }
0x230: {  	s30 =	simm.s32 $0x8;
	s28 =	smov.u32 s24  }
.LBB2_43:
0x231: {  	v4 =	vld [tilespmem:$0x8070];
	_ =	sdelay $0x4  }
0x232: {  	v5 =	vsub.s32 $0xCF, v4;
	vm3 =	vne.s32 v1, v4  }
0x233: {  	v4 =	vshra.s32 v5, $0x1F;
	v6 =	vsel vm3, $0x1, v2  }
0x234: {  	v7 =	vand.u32 $0x7, v5;
	v6 =	vor.u32 v6, v4  }
0x235: {  	v4 =	vshrl.u32 v4, $0x1D;
	vm4 =	vne.s32 v7, $0x0;
	vm3 =	vne.s32 v6, $0x1  }
0x236: {  	v4 =	vadd.s32 v4, v5;
	vm3 =	vmand vm4, vm3  }
0x237: {  	v4 =	vshra.s32 v4, $0x3;
	v5 =	vsel vm3, $0xFFFFFFFF, v2  }
0x238: {  	v4 =	vadd.s32 v5, v4  }
0x239: {  	v4 =	vsel vm2, $0x0, v4  }
0x23a: {  	v4 =	vxor.u32 $0x80000000, v4  }
0x23b: {  	(xrf0) =	vmax.scan.msk.u32 $0xffff, v4;
	_ =	sdelay $0x5  }
0x23c: {  	v4, _, _ =	vpop (xrf0)  }
0x23d: {  	(v2sf) =	vpush v4, $0xF;
	_ =	sdelay $0xe  }
0x23e: {  	s22 =	spop (v2sf)  }
0x23f: {  	s23 =	sxor.u32 $0x80000000, s22  }
0x240: {  	p0 =	sgt.s32 s23, $0x0  }
.Ltmp34:
0x241: {  	_ = 	snop;
	(pc) =	sbr.rel @!p0 .LBB2_47-.Ltmp34, $2  }
0x242: {  	_ =	sdelay $0x2  }
0x243: {  	s24 =	simm.s32 $0xB4B0  }
0x244: {  	p0 =	seq.s32 s23, $0x1  }
.Ltmp35:
0x245: {  	_ =	swait.ge [sflag:s17], $0x200;
	(pc) =	sbr.rel @p0 .LBB2_46-.Ltmp35, $4  }
0x246: {  	s0 =	sshrl.u32 s10, $0x3;
	[sflag:s17] =	ssyncset.done $0x0  }
0x247: {  	s0 =	sadd.s32 s1, s0;
	[sflag:s17] =	ssyncadd.s32 $0xFFFFFE00  }
0x248: {  	[hbm4b:s0+s18] =	stream.strided.scatter [tilespmem:s24], [sflag:$0x2], $0x200, s19, s18, $0x38;
	[tilespmem:$0xE6B0] =	vst v63  }
0x249: {  	s25 =	smov.u32 s10;
	s0 =	sadd.s32 $0xFFFFFFFF, s23  }
.LBB2_45:
0x24a: {  	_ =	swait.ge [sflag:s17], $0x200;
	p0 =	seq.s32 s0, $0x1  }
.Ltmp36:
0x24b: {  	s25 =	sadd.s32 $0x400, s25;
	(pc) =	sbr.rel @!p0 .LBB2_45-.Ltmp36, $4  }
0x24c: {  	s3 =	sshrl.u32 s25, $0x3  }
0x24d: {  	s0 =	sadd.s32 $0xFFFFFFFF, s0;
	[sflag:s17] =	ssyncset.done $0x0  }
0x24e: {  	s24 =	sadd.s32 $0x200, s24;
	s3 =	sadd.s32 s1, s3;
	[sflag:s17] =	ssyncadd.s32 $0xFFFFFE00  }
0x24f: {  	[hbm4b:s3+s18] =	stream.strided.scatter [tilespmem:s24], [sflag:$0x2], $0x200, s19, s18, $0x38;
	[tilespmem:$0xE6B0] =	vst v63  }
.LBB2_46:
0x250: {  	p0 =	sgt.u32 s23, $0x18  }
.Ltmp37:
0x251: {  	_ = 	snop;
	(pc) =	sbr.rel @p0 .LBB2_50-.Ltmp37, $1  }
0x252: {  	_ =	sdelay $0x3  }
.LBB2_47:
0x253: {  	s31 =	ssub.s32 $0x80000019, s22  }
0x254: {  	p0 =	sne.s32 s31, $0x1  }
.Ltmp38:
0x255: {  	_ = 	snop;
	(pc) =	sbr.rel @!p0 .LBB2_49-.Ltmp38, $4  }
0x256: {  	s0 =	sshll.u32 s22, $0xA  }
0x257: {  	s24 =	sadd.s32 s0, s10  }
0x258: {  	s3 =	sshrl.u32 s24, $0x3  }
0x259: {  	s0 =	sadd.s32 $0xFFFFFFFF, s31;
	s22 =	sadd.s32 $0x400, s24;
	s23 =	sadd.s32 s1, s3  }
.LBB2_48:
0x25a: {  	[hbm4b:s23+s18] =	stream.strided.scatter [tilespmem:s15], [sflag:$0x2], $0x200, s19, s18, $0x38;
	[tilespmem:$0xE6B0] =	vst v63  }
0x25b: {  	p0 =	sne.s32 s0, $0x1  }
.Ltmp39:
0x25c: {  	s0 =	sadd.s32 $0xFFFFFFFF, s0;
	(pc) =	sbr.rel @p0 .LBB2_48-.Ltmp39, $3  }
0x25d: {  	_ =	sdelay $0x1  }
0x25e: {  	s3 =	sshrl.u32 s22, $0x3  }
0x25f: {  	s22 =	sadd.s32 $0x400, s22;
	s23 =	sadd.s32 s1, s3  }
.Ltmp40:
0x260: {  	_ = 	snop;
	(pc) =	sbr.rel .LBB2_49-.Ltmp40, $1  }
0x261: {  	_ =	sdelay $0x3  }
.LBB2_9:
.Ltmp41:
0x262: {  	(pc) =	sbr.rel .LBB2_16-.Ltmp41, $2  }
0x263: {  	_ =	sdelay $0x2  }
0x264: {  	s24 =	simm.s32 $0xB4B0  }
.LBB2_4:
.Ltmp42:
0x265: {  	(pc) =	sbr.rel .LBB2_6-.Ltmp42, $2  }
0x266: {  	_ =	sdelay $0x2  }
0x267: {  	s26 =	simm.s32 $0x0;
	s24 =	simm.s32 $0x82B0  }
.LBB2_11:
.Ltmp43:
0x268: {  	(pc) =	sbr.rel .LBB2_16-.Ltmp43, $2  }
0x269: {  	_ =	sdelay $0x2  }
0x26a: {  	s24 =	simm.s32 $0xB4B0  }
.LBB2_13:
.Ltmp44:
0x26b: {  	(pc) =	sbr.rel .LBB2_16-.Ltmp44, $2  }
0x26c: {  	_ =	sdelay $0x2  }
0x26d: {  	s26 =	simm.s32 $0x8;
	s24 =	simm.s32 $0xB4B0  }
.LBB2_51:
0x26e: {  	_ =	sfence.sel $0x180000  }
0x26f: {  	[bflag:$0x0] =	sbarrier.arrive $0xFFFF  }
0x270: {  	_ =	strace $0x90000047  }
0x271: {  	s0 =	stileid.u32;
	[bflag:$0x2] =	sbarrier.arrive $0xFFFF  }
0x272: {  	p0 =	sne.s32 s0, $0x0;
	s0 =	rddreg [dreg:$0x4]  }
0x273: {  	s0 =	sadd.s32 @!p0 $0x100000, s0  }
0x274: {  	[sflag:s0] =	ssyncadd.tile.s32 @!p0 $0x1;
	_ =	shalt  }
.Lfunc_end2:
_tile_overlayer_lowered:
.L_overlay_start_2:
0x275: {  	(tag) =	ssettag $0x2  }
0x276: {  	s0 =	rddreg [dreg:$0x0];
	s2 =	stileid.u32  }
0x277: {  	s1 =	rddreg [dreg:$0x1];
	p0 =	sne.s32 s2, $0x0  }
0x278: {  	s3 =	rddreg [dreg:$0x2];
	[bflag:$0x3] =	sbarrier.arrive $0xFFFF;
	s2 =	simm.s32 @!p0 $0x1C04  }
0x279: {  	[timem:s3], [sflag:s2] =	dma.local @!p0 [hbm:s0], s1  }
0x27a: {  	s0 =	simm.s32 @!p0 $0x4  }
0x27b: {  	_ =	swait.ge @!p0 [sflag:s0], s1  }
0x27c: {  	s1 =	ssub.s32 @!p0 $0x0, s1;
	[sflag:s0] =	ssyncset.done @!p0 $0x0  }
0x27d: {  	[sflag:s0] =	ssyncadd.s32 @!p0 s1  }
0x27e: {  	[bflag:$0x3] =	sbarrier.arrive $0xFFFF  }
0x27f: {  	_ =	shalt  }

</sc_bundles>
